<compile_context>
chip_gen: v7x
topology: tpu7x:2x2x1
jax: 0.10.2.dev20260603
libtpu: 0.0.44.dev20260713+nightly
codegen_flags: <defaults>
</compile_context>

<pallas_src>
import functools
import jax
import jax.numpy as jnp
from jax import lax
from jax.experimental import pallas as pl
from jax.experimental.pallas import tpu as pltpu
from jax.experimental.pallas import tpu_sc as plsc

_TOPK = 16
_WS = 4
_WIN = 64
_NS = 1024
_C = 384
_G4 = 96
_NTOK = _TOPK * _WS * _WS
_NB = 8


def _sel_body(z_ref, x_ref, pool_ref, rows_ref):
    for b in range(_NB):
        zmax = jnp.max(z_ref[b], axis=0, keepdims=True)
        zr = zmax.astype(jnp.bfloat16).astype(jnp.float32)
        xb = x_ref[b].astype(jnp.bfloat16)
        A = jnp.dot(pool_ref[...], xb, preferred_element_type=jnp.float32)
        wsum = jnp.sum(A * zr, axis=1, keepdims=True)
        wrow = jnp.transpose(wsum)
        iv = lax.broadcasted_iota(jnp.int32, (_WIN, _WIN), 0)
        iw = lax.broadcasted_iota(jnp.int32, (_WIN, _WIN), 1)
        beats2 = (wrow > wsum) | ((wrow == wsum) & (iw < iv))
        rank_col = jnp.sum(beats2.astype(jnp.int32), axis=1,
                           keepdims=True)
        slane = lax.broadcasted_iota(jnp.int32, (1, _WIN), 1)
        oh = (rank_col == slane).astype(jnp.float32)
        wiota = lax.broadcasted_iota(jnp.int32, (_WIN, 1), 0).astype(jnp.float32)
        invperm = lax.dot_general(wiota, oh,
                                  dimension_numbers=(((0,), (0,)), ((), ())),
                                  preferred_element_type=jnp.float32)
        idx16 = invperm[:, 0:_TOPK]
        iexp = lax.broadcasted_iota(jnp.int32, (_TOPK, _NTOK), 1) // 16
        irow = lax.broadcasted_iota(jnp.int32, (_TOPK, _NTOK), 0)
        E = (iexp == irow).astype(jnp.float32)
        idx256 = jnp.dot(idx16, E,
                         preferred_element_type=jnp.float32).astype(jnp.int32)
        col = lax.broadcasted_iota(jnp.int32, (1, _NTOK), 1)
        offs = ((col % 16) // 4) * 32 + (col % 4)
        bglob = pl.program_id(0) * _NB + b
        rows = (idx256 // 8) * 128 + (idx256 % 8) * 4 + offs + bglob * _NS
        rows_ref[pl.ds(b, 1), :] = rows


def _proj_body(xg_ref, wdT_ref, bd_ref, wuT_ref, bu_ref, out_ref):
    for b in range(_NB):
        x_g = xg_ref[b]
        t = jnp.dot(x_g.astype(jnp.bfloat16), wdT_ref[...],
                    preferred_element_type=jnp.float32) + bd_ref[...]
        zero1 = jnp.zeros((1, _G4), jnp.float32)
        zero4 = jnp.zeros((4, _G4), jnp.float32)
        tp1 = jnp.concatenate([t[1:], zero1], axis=0)
        tm1 = jnp.concatenate([zero1, t[:-1]], axis=0)
        tp4 = jnp.concatenate([t[4:], zero4], axis=0)
        tm4 = jnp.concatenate([zero4, t[:-4]], axis=0)
        j = lax.broadcasted_iota(jnp.int32, (_NTOK, 1), 0)
        cpos = j % 4
        rpos = (j % 16) // 4
        s0 = jnp.where(cpos < 3, tp1, 0.0)
        s1 = jnp.where(cpos > 0, tm1, 0.0)
        s2 = jnp.where(rpos < 3, tp4, 0.0)
        s3 = jnp.where(rpos > 0, tm4, 0.0)
        ch = lax.broadcasted_iota(jnp.int32, (_NTOK, _G4), 1)
        s = jnp.where(ch < 24, s0,
                      jnp.where(ch < 48, s1, jnp.where(ch < 72, s2, s3)))
        su = jnp.dot(s.astype(jnp.bfloat16), wuT_ref[...],
                     preferred_element_type=jnp.float32)
        out_ref[b] = x_g + su + bu_ref[...]


def _make_sc_gather(total_rows, D, chunk):
    info = plsc.get_sparse_core_info()
    NC, NS_ = info.num_cores, info.num_subcores
    NW = NC * NS_
    per_w = total_rows // NW
    nch = per_w // chunk
    mesh = plsc.VectorSubcoreMesh(core_axis_name="c", subcore_axis_name="s")

    @functools.partial(
        pl.kernel, mesh=mesh,
        out_type=jax.ShapeDtypeStruct((total_rows, D), jnp.float32),
        scratch_types=[
            pltpu.VMEM((chunk,), jnp.int32),
            pltpu.VMEM((chunk, D), jnp.float32),
            pltpu.SemaphoreType.DMA,
        ],
    )
    def k(table_hbm, idx_hbm, out_hbm, idx_v, rows_v, sem):
        wid = lax.axis_index("s") * NC + lax.axis_index("c")
        for ci in range(nch):
            base = wid * per_w + ci * chunk
            pltpu.sync_copy(idx_hbm.at[pl.ds(base, chunk)], idx_v)
            pltpu.async_copy(table_hbm.at[idx_v], rows_v, sem).wait()
            pltpu.sync_copy(rows_v, out_hbm.at[pl.ds(base, chunk)])

    return k


def kernel(z, x, w_down, b_down, w_up, b_up):
    B, N_t, C = z.shape
    N_s = x.shape[1]

    n = lax.broadcasted_iota(jnp.int32, (_WIN, _NS), 1)
    w = lax.broadcasted_iota(jnp.int32, (_WIN, _NS), 0)
    pool = (((n // 128) == (w // 8)) & (((n % 32) // 4) == (w % 8))
            ).astype(jnp.bfloat16)

    rows = pl.pallas_call(
        _sel_body,
        grid=(B // _NB,),
        in_specs=[
            pl.BlockSpec((_NB, N_t, C), lambda b: (b, 0, 0)),
            pl.BlockSpec((_NB, N_s, C), lambda b: (b, 0, 0)),
            pl.BlockSpec((_WIN, _NS), lambda b: (0, 0)),
        ],
        out_specs=pl.BlockSpec((_NB, _NTOK), lambda b: (b, 0)),
        out_shape=jax.ShapeDtypeStruct((B, _NTOK), jnp.int32),
        compiler_params=pltpu.CompilerParams(
            dimension_semantics=("arbitrary",),
        ),
    )(z, x, pool)

    x2 = x.reshape(B * N_s, C)
    rows_flat = rows.reshape(B * _NTOK)
    xg2 = _make_sc_gather(B * _NTOK, C, 256)(x2, rows_flat)
    xg = xg2.reshape(B, _NTOK, C)

    out = pl.pallas_call(
        _proj_body,
        grid=(B // _NB,),
        in_specs=[
            pl.BlockSpec((_NB, _NTOK, C), lambda b: (b, 0, 0)),
            pl.BlockSpec((C, _G4), lambda b: (0, 0)),
            pl.BlockSpec((1, _G4), lambda b: (0, 0)),
            pl.BlockSpec((_G4, C), lambda b: (0, 0)),
            pl.BlockSpec((1, C), lambda b: (0, 0)),
        ],
        out_specs=pl.BlockSpec((_NB, _NTOK, C), lambda b: (b, 0, 0)),
        out_shape=jax.ShapeDtypeStruct((B, _NTOK, C), jnp.float32),
        compiler_params=pltpu.CompilerParams(
            dimension_semantics=("arbitrary",),
        ),
    )(xg, w_down.T.astype(jnp.bfloat16), b_down.reshape(1, -1),
      w_up.T.astype(jnp.bfloat16), b_up.reshape(1, -1))
    return out

# --- scband reference (transcript-rebuilt; emitter-appended) ---
"""Pipeline reference for scband-select-token-17471926960480 (READ-ONLY COPY).

The authoritative reference and input builder live on the scoring server;
editing this copy changes nothing except your own understanding.
"""

import jax, jax.numpy as jnp
import numpy as np
import math

TOPK = 16
WINSIZE = 4
G = 24

def setup_inputs(seed: int = 0) -> dict:
    key = jax.random.key(seed)
    k1, k2, k3, k4, k5, k6 = jax.random.split(key, 6)
    B, C, N_t, N_s, g = 64, 384, 64, 1024, G
    z = jax.random.normal(k1, (B, N_t, C), dtype=jnp.float32)
    x = jax.random.normal(k2, (B, N_s, C), dtype=jnp.float32)
    w_down = jax.random.normal(k3, (g * 4, C), dtype=jnp.float32) * 0.05
    b_down = jax.random.normal(k4, (g * 4,), dtype=jnp.float32) * 0.05
    w_up = jax.random.normal(k5, (C, g * 4), dtype=jnp.float32) * 0.05
    b_up = jax.random.normal(k6, (C,), dtype=jnp.float32) * 0.05
    return {"z": z, "x": x, "w_down": w_down, "b_down": b_down, "w_up": w_up, "b_up": b_up}

def reference(z, x, w_down, b_down, w_up, b_up):
    B, N_t, C = z.shape
    ws = WINSIZE
    g = G
    k = TOPK
    ws2 = ws * ws
    # AdaptiveMaxPool2d((1,1)) over z reshaped to [B,C,h_t,h_t] == max over token axis
    z_max = jnp.max(z, axis=1, keepdims=True)  # [B, 1, C]
    N_s = x.shape[1]
    h_s = int(math.isqrt(N_s))
    win_Num_H = h_s // ws
    sim_x = (z_max @ jnp.swapaxes(x, -2, -1) / C).reshape(B, -1)  # [B, N_s]
    sim_x = sim_x.reshape(B, win_Num_H, ws, win_Num_H, ws).transpose(0, 1, 3, 2, 4)
    sim_x = sim_x.reshape(B, -1, ws2).mean(axis=-1)  # [B, win_num]
    _, idx = jax.lax.top_k(sim_x, k)  # [B, k]
    x_ext = x.reshape(B, win_Num_H, ws, win_Num_H, ws, C)
    x_ext = x_ext.transpose(0, 1, 3, 2, 4, 5).reshape(B, -1, ws2, C)  # [B, win_num, ws2, C]
    idx_e = jnp.broadcast_to(idx[:, :, None, None], (B, k, ws2, C))
    x_ext = jnp.take_along_axis(x_ext, idx_e, axis=1)  # [B, k, ws2, C]
    x_ext = x_ext.transpose(0, 1, 3, 2).reshape(-1, C, ws, ws)  # [B*k, C, ws, ws]
    t = jnp.einsum('nchw,oc->nohw', x_ext, w_down) + b_down[None, :, None, None]
    s = jnp.zeros_like(t)
    s = s.at[:, 0 * g:1 * g, :, :-1].set(t[:, 0 * g:1 * g, :, 1:])
    s = s.at[:, 1 * g:2 * g, :, 1:].set(t[:, 1 * g:2 * g, :, :-1])
    s = s.at[:, 2 * g:3 * g, :-1, :].set(t[:, 2 * g:3 * g, 1:, :])
    s = s.at[:, 3 * g:4 * g, 1:, :].set(t[:, 3 * g:4 * g, :-1, :])
    x_tok = x_ext.transpose(0, 2, 3, 1).reshape(B, -1, C)
    s_up = jnp.einsum('nchw,oc->nohw', s, w_up) + b_up[None, :, None, None]
    s_tok = s_up.transpose(0, 2, 3, 1).reshape(B, -1, C)
    return x_tok + s_tok

if __name__ == "__main__":
    import jax
    _d = setup_inputs()
    print(jax.jit(kernel)(*tuple(_d.values())))

</pallas_src>

<mosaic_0001>
#map = affine_map<(d0, d1) -> (0, 0)>
#map1 = affine_map<(d0, d1) -> (0)>
module attributes {stable_mosaic.version = 14 : i64} {
  func.func @k(%arg0: i32, %arg1: i32, %arg2: memref<65536x384xf32, #tpu.memory_space<hbm>>, %arg3: memref<16384xi32, #tpu.memory_space<hbm>>, %arg4: memref<16384x384xf32, #tpu.memory_space<hbm>>, %arg5: memref<256xi32, #tpu.memory_space<vmem>>, %arg6: memref<256x384xf32, #tpu.memory_space<vmem>>, %arg7: memref<!tpu.dma_semaphore, #tpu.memory_space<semaphore_mem>>) attributes {dimension_semantics = [#tpu.dimension_semantics<core_parallel>, #tpu.dimension_semantics<subcore_parallel>], iteration_bounds = array<i64: 2, 16>, scalar_prefetch = 0 : i64, scratch_operands = 3 : i64, tpu.core_type = #tpu.core_type<sc_vector_subcore>, window_params = [{transform_indices = #map}, {transform_indices = #map1}, {transform_indices = #map}]} {
    %mul3A = arith.constant 2 : i32
    %mul3A_0 = arith.muli %arg1, %mul3A : i32
    %add3A = arith.addi %mul3A_0, %arg0 : i32
    %mul3A_1 = arith.constant 512 : i32
    %mul3A_2 = arith.muli %add3A, %mul3A_1 : i32
    %add3A_3 = arith.constant 0 : i32
    %add3A_4 = arith.addi %mul3A_2, %add3A_3 : i32
    "tpu.region"() ({
      %run_scoped3A = tpu.sem_alloc : memref<!tpu.dma_semaphore, #tpu.memory_space<semaphore_mem>>
      %dma_start3A_19 = tpu.memref_slice %arg3[%add3A_4] : memref<16384xi32, #tpu.memory_space<hbm>> -> memref<256xi32, #tpu.memory_space<hbm>>
      %dma_start3A_20 = tpu.memref_slice %arg3[%add3A_4] : memref<16384xi32, #tpu.memory_space<hbm>> -> memref<256xi32, #tpu.memory_space<hbm>>
      tpu.enqueue_dma source(%dma_start3A_20 : memref<256xi32, #tpu.memory_space<hbm>>) target(%arg5 : memref<256xi32, #tpu.memory_space<vmem>>) target_semaphore(%run_scoped3A : memref<!tpu.dma_semaphore, #tpu.memory_space<semaphore_mem>>)
      %dma_wait3A_21 = tpu.memref_slice %arg3[%add3A_4] : memref<16384xi32, #tpu.memory_space<hbm>> -> memref<256xi32, #tpu.memory_space<hbm>>
      %dma_wait3A_22 = tpu.memref_slice %arg3[%add3A_4] : memref<16384xi32, #tpu.memory_space<hbm>> -> memref<256xi32, #tpu.memory_space<hbm>>
      tpu.wait_dma2 semaphore(%run_scoped3A : memref<!tpu.dma_semaphore, #tpu.memory_space<semaphore_mem>>) src(%dma_wait3A_22 : memref<256xi32, #tpu.memory_space<hbm>>) dst(%arg5 : memref<256xi32, #tpu.memory_space<vmem>>)
      tpu.yield
    }) : () -> ()
    %dma_start3A = arith.constant 0 : i32
    %dma_start3A_5 = arith.constant 0 : i32
    %dma_start3A_6 = tpu.memref_slice %arg2[%dma_start3A, %dma_start3A_5] : memref<65536x384xf32, #tpu.memory_space<hbm>> -> memref<65536x384xf32, #tpu.memory_space<hbm>>
    tpu.enqueue_indirect_dma source(%dma_start3A_6 : memref<65536x384xf32, #tpu.memory_space<hbm>>) target(%arg6 : memref<256x384xf32, #tpu.memory_space<vmem>>) offsets(%arg5 : memref<256xi32, #tpu.memory_space<vmem>>) semaphore(%arg7 : memref<!tpu.dma_semaphore, #tpu.memory_space<semaphore_mem>>)
    %dma_wait3A = arith.constant 0 : i32
    %dma_wait3A_7 = arith.constant 0 : i32
    %dma_wait3A_8 = tpu.memref_slice %arg2[%dma_wait3A, %dma_wait3A_7] : memref<65536x384xf32, #tpu.memory_space<hbm>> -> memref<65536x384xf32, #tpu.memory_space<hbm>>
    tpu.wait_indirect_dma semaphore(%arg7 : memref<!tpu.dma_semaphore, #tpu.memory_space<semaphore_mem>>) src(%dma_wait3A_8 : memref<65536x384xf32, #tpu.memory_space<hbm>>) dst(%arg6 : memref<256x384xf32, #tpu.memory_space<vmem>>)
    "tpu.region"() ({
      %run_scoped3A = tpu.sem_alloc : memref<!tpu.dma_semaphore, #tpu.memory_space<semaphore_mem>>
      %dma_start3A_19 = arith.constant 0 : i32
      %dma_start3A_20 = tpu.memref_slice %arg4[%add3A_4, %dma_start3A_19] : memref<16384x384xf32, #tpu.memory_space<hbm>> -> memref<256x384xf32, #tpu.memory_space<hbm>>
      %dma_start3A_21 = arith.constant 0 : i32
      %dma_start3A_22 = tpu.memref_slice %arg4[%add3A_4, %dma_start3A_21] : memref<16384x384xf32, #tpu.memory_space<hbm>> -> memref<256x384xf32, #tpu.memory_space<hbm>>
      tpu.enqueue_dma source(%arg6 : memref<256x384xf32, #tpu.memory_space<vmem>>) target(%dma_start3A_22 : memref<256x384xf32, #tpu.memory_space<hbm>>) target_semaphore(%run_scoped3A : memref<!tpu.dma_semaphore, #tpu.memory_space<semaphore_mem>>)
      %dma_wait3A_23 = arith.constant 0 : i32
      %dma_wait3A_24 = tpu.memref_slice %arg4[%add3A_4, %dma_wait3A_23] : memref<16384x384xf32, #tpu.memory_space<hbm>> -> memref<256x384xf32, #tpu.memory_space<hbm>>
      %dma_wait3A_25 = arith.constant 0 : i32
      %dma_wait3A_26 = tpu.memref_slice %arg4[%add3A_4, %dma_wait3A_25] : memref<16384x384xf32, #tpu.memory_space<hbm>> -> memref<256x384xf32, #tpu.memory_space<hbm>>
      tpu.wait_dma2 semaphore(%run_scoped3A : memref<!tpu.dma_semaphore, #tpu.memory_space<semaphore_mem>>) src(%arg6 : memref<256x384xf32, #tpu.memory_space<vmem>>) dst(%dma_wait3A_26 : memref<256x384xf32, #tpu.memory_space<hbm>>)
      tpu.yield
    }) : () -> ()
    %mul3A_9 = arith.constant 512 : i32
    %mul3A_10 = arith.muli %add3A, %mul3A_9 : i32
    %add3A_11 = arith.constant 256 : i32
    %add3A_12 = arith.addi %mul3A_10, %add3A_11 : i32
    "tpu.region"() ({
      %run_scoped3A = tpu.sem_alloc : memref<!tpu.dma_semaphore, #tpu.memory_space<semaphore_mem>>
      %dma_start3A_19 = tpu.memref_slice %arg3[%add3A_12] : memref<16384xi32, #tpu.memory_space<hbm>> -> memref<256xi32, #tpu.memory_space<hbm>>
      %dma_start3A_20 = tpu.memref_slice %arg3[%add3A_12] : memref<16384xi32, #tpu.memory_space<hbm>> -> memref<256xi32, #tpu.memory_space<hbm>>
      tpu.enqueue_dma source(%dma_start3A_20 : memref<256xi32, #tpu.memory_space<hbm>>) target(%arg5 : memref<256xi32, #tpu.memory_space<vmem>>) target_semaphore(%run_scoped3A : memref<!tpu.dma_semaphore, #tpu.memory_space<semaphore_mem>>)
      %dma_wait3A_21 = tpu.memref_slice %arg3[%add3A_12] : memref<16384xi32, #tpu.memory_space<hbm>> -> memref<256xi32, #tpu.memory_space<hbm>>
      %dma_wait3A_22 = tpu.memref_slice %arg3[%add3A_12] : memref<16384xi32, #tpu.memory_space<hbm>> -> memref<256xi32, #tpu.memory_space<hbm>>
      tpu.wait_dma2 semaphore(%run_scoped3A : memref<!tpu.dma_semaphore, #tpu.memory_space<semaphore_mem>>) src(%dma_wait3A_22 : memref<256xi32, #tpu.memory_space<hbm>>) dst(%arg5 : memref<256xi32, #tpu.memory_space<vmem>>)
      tpu.yield
    }) : () -> ()
    %dma_start3A_13 = arith.constant 0 : i32
    %dma_start3A_14 = arith.constant 0 : i32
    %dma_start3A_15 = tpu.memref_slice %arg2[%dma_start3A_13, %dma_start3A_14] : memref<65536x384xf32, #tpu.memory_space<hbm>> -> memref<65536x384xf32, #tpu.memory_space<hbm>>
    tpu.enqueue_indirect_dma source(%dma_start3A_15 : memref<65536x384xf32, #tpu.memory_space<hbm>>) target(%arg6 : memref<256x384xf32, #tpu.memory_space<vmem>>) offsets(%arg5 : memref<256xi32, #tpu.memory_space<vmem>>) semaphore(%arg7 : memref<!tpu.dma_semaphore, #tpu.memory_space<semaphore_mem>>)
    %dma_wait3A_16 = arith.constant 0 : i32
    %dma_wait3A_17 = arith.constant 0 : i32
    %dma_wait3A_18 = tpu.memref_slice %arg2[%dma_wait3A_16, %dma_wait3A_17] : memref<65536x384xf32, #tpu.memory_space<hbm>> -> memref<65536x384xf32, #tpu.memory_space<hbm>>
    tpu.wait_indirect_dma semaphore(%arg7 : memref<!tpu.dma_semaphore, #tpu.memory_space<semaphore_mem>>) src(%dma_wait3A_18 : memref<65536x384xf32, #tpu.memory_space<hbm>>) dst(%arg6 : memref<256x384xf32, #tpu.memory_space<vmem>>)
    "tpu.region"() ({
      %run_scoped3A = tpu.sem_alloc : memref<!tpu.dma_semaphore, #tpu.memory_space<semaphore_mem>>
      %dma_start3A_19 = arith.constant 0 : i32
      %dma_start3A_20 = tpu.memref_slice %arg4[%add3A_12, %dma_start3A_19] : memref<16384x384xf32, #tpu.memory_space<hbm>> -> memref<256x384xf32, #tpu.memory_space<hbm>>
      %dma_start3A_21 = arith.constant 0 : i32
      %dma_start3A_22 = tpu.memref_slice %arg4[%add3A_12, %dma_start3A_21] : memref<16384x384xf32, #tpu.memory_space<hbm>> -> memref<256x384xf32, #tpu.memory_space<hbm>>
      tpu.enqueue_dma source(%arg6 : memref<256x384xf32, #tpu.memory_space<vmem>>) target(%dma_start3A_22 : memref<256x384xf32, #tpu.memory_space<hbm>>) target_semaphore(%run_scoped3A : memref<!tpu.dma_semaphore, #tpu.memory_space<semaphore_mem>>)
      %dma_wait3A_23 = arith.constant 0 : i32
      %dma_wait3A_24 = tpu.memref_slice %arg4[%add3A_12, %dma_wait3A_23] : memref<16384x384xf32, #tpu.memory_space<hbm>> -> memref<256x384xf32, #tpu.memory_space<hbm>>
      %dma_wait3A_25 = arith.constant 0 : i32
      %dma_wait3A_26 = tpu.memref_slice %arg4[%add3A_12, %dma_wait3A_25] : memref<16384x384xf32, #tpu.memory_space<hbm>> -> memref<256x384xf32, #tpu.memory_space<hbm>>
      tpu.wait_dma2 semaphore(%run_scoped3A : memref<!tpu.dma_semaphore, #tpu.memory_space<semaphore_mem>>) src(%arg6 : memref<256x384xf32, #tpu.memory_space<vmem>>) dst(%dma_wait3A_26 : memref<256x384xf32, #tpu.memory_space<hbm>>)
      tpu.yield
    }) : () -> ()
    return
  }
}

module attributes {stable_mosaic.version = 14 : i64} {
  func.func @_sel_body(%arg0: i32, %arg1: memref<8x64x384xf32, #tpu.memory_space<vmem>>, %arg2: memref<8x1024x384xf32, #tpu.memory_space<vmem>>, %arg3: memref<64x1024xbf16, #tpu.memory_space<vmem>>, %arg4: memref<8x256xi32, #tpu.memory_space<vmem>>) attributes {dimension_semantics = [#tpu.dimension_semantics<arbitrary>], iteration_bounds = array<i64: 8>, scalar_prefetch = 0 : i64, scratch_operands = 0 : i64, tpu.core_type = #tpu.core_type<tc>, window_params = [{transform_indices = @transform_0, window_bounds = array<i64: 8, 64, 384>}, {transform_indices = @transform_1, window_bounds = array<i64: 8, 1024, 384>}, {pipeline_mode = #tpu.pipeline_mode<synchronous>, transform_indices = @transform_2, window_bounds = array<i64: 64, 1024>}, {transform_indices = @transform_3, window_bounds = array<i64: 8, 256>}]} {
    %get3A = arith.constant 0 : index
    %get3A_0 = arith.constant 0 : index
    %get3A_1 = arith.constant 0 : index
    %get3A_2 = vector.load %arg1[%get3A, %get3A_0, %get3A_1] : memref<8x64x384xf32, #tpu.memory_space<vmem>>, vector<1x64x384xf32>
    %get3A_3 = vector.shape_cast %get3A_2 : vector<1x64x384xf32> to vector<64x384xf32>
    %reduce_max3A = arith.constant dense<0xFF800000> : vector<384xf32>
    %reduce_max3A_4 = vector.multi_reduction <maximumf>, %get3A_3, %reduce_max3A [0] : vector<64x384xf32> to vector<384xf32>
    %broadcast_in_dim3A = vector.shape_cast %reduce_max3A_4 : vector<384xf32> to vector<1x384xf32>
    %convert_element_type3A = arith.truncf %broadcast_in_dim3A : vector<1x384xf32> to vector<1x384xbf16>
    %convert_element_type3A_5 = arith.extf %convert_element_type3A : vector<1x384xbf16> to vector<1x384xf32>
    %get3A_6 = arith.constant 0 : index
    %get3A_7 = arith.constant 0 : index
    %get3A_8 = arith.constant 0 : index
    %get3A_9 = vector.load %arg2[%get3A_6, %get3A_7, %get3A_8] : memref<8x1024x384xf32, #tpu.memory_space<vmem>>, vector<1x1024x384xf32>
    %get3A_10 = vector.shape_cast %get3A_9 : vector<1x1024x384xf32> to vector<1024x384xf32>
    %convert_element_type3A_11 = arith.truncf %get3A_10 : vector<1024x384xf32> to vector<1024x384xbf16>
    %get3A_12 = arith.constant 0 : index
    %get3A_13 = arith.constant 0 : index
    %get3A_14 = vector.load %arg3[%get3A_12, %get3A_13] : memref<64x1024xbf16, #tpu.memory_space<vmem>>, vector<64x1024xbf16>
    %dot_general3A = arith.constant dense<0.000000e+00> : vector<64x384xf32>
    %dot_general3A_15 = tpu.matmul %get3A_14, %convert_element_type3A_11, %dot_general3A {dimension_numbers = #tpu.dot_dimension_numbers<[1], [0], [0], [1], [0, 0, 1, 1], [], []>, transpose_lhs_hint = false} : vector<64x1024xbf16>, vector<1024x384xbf16>, vector<64x384xf32> -> vector<64x384xf32>
    %mul3A = vector.broadcast %convert_element_type3A_5 : vector<1x384xf32> to vector<64x384xf32>
    %mul3A_16 = arith.mulf %dot_general3A_15, %mul3A : vector<64x384xf32>
    %reduce_sum3A = arith.constant dense<0.000000e+00> : vector<64xf32>
    %reduce_sum3A_17 = vector.multi_reduction <add>, %mul3A_16, %reduce_sum3A [1] : vector<64x384xf32> to vector<64xf32>
    %broadcast_in_dim3A_18 = vector.shape_cast %reduce_sum3A_17 : vector<64xf32> to vector<64x1xf32>
    %transpose3A = tpu.transpose %broadcast_in_dim3A_18, [1, 0] : vector<64x1xf32> -> vector<1x64xf32>
    %iota3A = tpu.iota {dimensions = array<i32: 0>} : vector<64x64xi32>
    %iota3A_19 = tpu.iota {dimensions = array<i32: 1>} : vector<64x64xi32>
    %gt3A = vector.broadcast %transpose3A : vector<1x64xf32> to vector<64x64xf32>
    %gt3A_20 = vector.broadcast %broadcast_in_dim3A_18 : vector<64x1xf32> to vector<64x64xf32>
    %gt3A_21 = arith.cmpf ogt, %gt3A, %gt3A_20 : vector<64x64xf32>
    %eq3A = vector.broadcast %transpose3A : vector<1x64xf32> to vector<64x64xf32>
    %eq3A_22 = vector.broadcast %broadcast_in_dim3A_18 : vector<64x1xf32> to vector<64x64xf32>
    %eq3A_23 = arith.cmpf oeq, %eq3A, %eq3A_22 : vector<64x64xf32>
    %lt3A = arith.cmpi slt, %iota3A_19, %iota3A : vector<64x64xi32>
    %and3A = arith.andi %eq3A_23, %lt3A : vector<64x64xi1>
    %or3A = arith.ori %gt3A_21, %and3A : vector<64x64xi1>
    %convert_element_type3A_24 = arith.extui %or3A : vector<64x64xi1> to vector<64x64xi32>
    %reduce_sum3A_25 = arith.constant dense<0> : vector<64xi32>
    %reduce_sum3A_26 = vector.multi_reduction <add>, %convert_element_type3A_24, %reduce_sum3A_25 [1] : vector<64x64xi32> to vector<64xi32>
    %broadcast_in_dim3A_27 = vector.shape_cast %reduce_sum3A_26 : vector<64xi32> to vector<64x1xi32>
    %iota3A_28 = tpu.iota {dimensions = array<i32: 1>} : vector<1x64xi32>
    %eq3A_29 = vector.broadcast %broadcast_in_dim3A_27 : vector<64x1xi32> to vector<64x64xi32>
    %eq3A_30 = vector.broadcast %iota3A_28 : vector<1x64xi32> to vector<64x64xi32>
    %eq3A_31 = arith.cmpi eq, %eq3A_29, %eq3A_30 : vector<64x64xi32>
    %convert_element_type3A_32 = arith.extui %eq3A_31 : vector<64x64xi1> to vector<64x64xi32>
    %convert_element_type3A_33 = arith.sitofp %convert_element_type3A_32 : vector<64x64xi32> to vector<64x64xf32>
    %iota3A_34 = tpu.iota {dimensions = array<i32: 0>} : vector<64x1xi32>
    %convert_element_type3A_35 = arith.sitofp %iota3A_34 : vector<64x1xi32> to vector<64x1xf32>
    %dot_general3A_36 = arith.constant dense<0.000000e+00> : vector<1x64xf32>
    %dot_general3A_37 = tpu.matmul %convert_element_type3A_35, %convert_element_type3A_33, %dot_general3A_36 {dimension_numbers = #tpu.dot_dimension_numbers<[0], [0], [1], [1], [0, 1, 1, 1], [], []>, transpose_lhs_hint = false} : vector<64x1xf32>, vector<64x64xf32>, vector<1x64xf32> -> vector<1x64xf32>
    %slice3A = vector.extract_strided_slice %dot_general3A_37 {offsets = [0, 0], sizes = [1, 16], strides = [1, 1]} : vector<1x64xf32> to vector<1x16xf32>
    %iota3A_38 = tpu.iota {dimensions = array<i32: 1>} : vector<16x256xi32>
    %jit3A = arith.constant 16 : i32
    %div3A = vector.broadcast %jit3A : i32 to vector<16x256xi32>
    %div3A_39 = arith.divsi %iota3A_38, %div3A : vector<16x256xi32>
    %sign3A = arith.constant 0 : i32
    %sign3A_40 = vector.broadcast %sign3A : i32 to vector<16x256xi32>
    %sign3A_41 = arith.cmpi sgt, %iota3A_38, %sign3A_40 : vector<16x256xi32>
    %sign3A_42 = arith.extui %sign3A_41 : vector<16x256xi1> to vector<16x256xi32>
    %sign3A_43 = arith.constant 0 : i32
    %sign3A_44 = vector.broadcast %sign3A_43 : i32 to vector<16x256xi32>
    %sign3A_45 = arith.cmpi slt, %iota3A_38, %sign3A_44 : vector<16x256xi32>
    %sign3A_46 = arith.extui %sign3A_45 : vector<16x256xi1> to vector<16x256xi32>
    %sign3A_47 = arith.subi %sign3A_42, %sign3A_46 : vector<16x256xi32>
    %sign3A_48 = arith.constant 0 : i32
    %sign3A_49 = arith.cmpi sgt, %jit3A, %sign3A_48 : i32
    %sign3A_50 = arith.extui %sign3A_49 : i1 to i32
    %sign3A_51 = arith.constant 0 : i32
    %sign3A_52 = arith.cmpi slt, %jit3A, %sign3A_51 : i32
    %sign3A_53 = arith.extui %sign3A_52 : i1 to i32
    %sign3A_54 = arith.subi %sign3A_50, %sign3A_53 : i32
    %ne3A = vector.broadcast %sign3A_54 : i32 to vector<16x256xi32>
    %ne3A_55 = arith.cmpi ne, %sign3A_47, %ne3A : vector<16x256xi32>
    %rem3A = vector.broadcast %jit3A : i32 to vector<16x256xi32>
    %rem3A_56 = arith.remsi %iota3A_38, %rem3A : vector<16x256xi32>
    %ne3A_57 = arith.constant 0 : i32
    %ne3A_58 = vector.broadcast %ne3A_57 : i32 to vector<16x256xi32>
    %ne3A_59 = arith.cmpi ne, %rem3A_56, %ne3A_58 : vector<16x256xi32>
    %and3A_60 = arith.andi %ne3A_55, %ne3A_59 : vector<16x256xi1>
    %sub3A = arith.constant 1 : i32
    %sub3A_61 = vector.broadcast %sub3A : i32 to vector<16x256xi32>
    %sub3A_62 = arith.subi %div3A_39, %sub3A_61 : vector<16x256xi32>
    %select_n3A = arith.select %and3A_60, %sub3A_62, %div3A_39 : vector<16x256xi1>, vector<16x256xi32>
    %iota3A_63 = tpu.iota {dimensions = array<i32: 0>} : vector<16x256xi32>
    %eq3A_64 = arith.cmpi eq, %select_n3A, %iota3A_63 : vector<16x256xi32>
    %convert_element_type3A_65 = arith.extui %eq3A_64 : vector<16x256xi1> to vector<16x256xi32>
    %convert_element_type3A_66 = arith.sitofp %convert_element_type3A_65 : vector<16x256xi32> to vector<16x256xf32>
    %dot_general3A_67 = arith.constant dense<0.000000e+00> : vector<1x256xf32>
    %dot_general3A_68 = tpu.matmul %slice3A, %convert_element_type3A_66, %dot_general3A_67 {dimension_numbers = #tpu.dot_dimension_numbers<[1], [0], [0], [1], [0, 0, 1, 1], [], []>, transpose_lhs_hint = false} : vector<1x16xf32>, vector<16x256xf32>, vector<1x256xf32> -> vector<1x256xf32>
    %convert_element_type3A_69 = arith.fptosi %dot_general3A_68 : vector<1x256xf32> to vector<1x256xi32>
    %iota3A_70 = tpu.iota {dimensions = array<i32: 1>} : vector<1x256xi32>
    %jit3A_71 = arith.constant 16 : i32
    %eq3A_72 = arith.constant 0 : i32
    %eq3A_73 = arith.cmpi eq, %jit3A_71, %eq3A_72 : i32
    %jit3A_74 = arith.constant 1 : i32
    %select_n3A_75 = arith.select %eq3A_73, %jit3A_74, %jit3A_71 : i32
    %rem3A_76 = vector.broadcast %select_n3A_75 : i32 to vector<1x256xi32>
    %rem3A_77 = arith.remsi %iota3A_70, %rem3A_76 : vector<1x256xi32>
    %ne3A_78 = arith.constant 0 : i32
    %ne3A_79 = vector.broadcast %ne3A_78 : i32 to vector<1x256xi32>
    %ne3A_80 = arith.cmpi ne, %rem3A_77, %ne3A_79 : vector<1x256xi32>
    %lt3A_81 = arith.constant 0 : i32
    %lt3A_82 = vector.broadcast %lt3A_81 : i32 to vector<1x256xi32>
    %lt3A_83 = arith.cmpi slt, %rem3A_77, %lt3A_82 : vector<1x256xi32>
    %lt3A_84 = arith.constant 0 : i32
    %lt3A_85 = arith.cmpi slt, %select_n3A_75, %lt3A_84 : i32
    %ne3A_86 = vector.broadcast %lt3A_85 : i1 to vector<1x256xi1>
    %ne3A_87 = vector.broadcast %ne3A_86 : vector<1x256xi1> to vector<1x256xi1>
    %ne3A_88 = arith.xori %lt3A_83, %ne3A_87 : vector<1x256xi1>
    %and3A_89 = arith.andi %ne3A_88, %ne3A_80 : vector<1x256xi1>
    %add3A = vector.broadcast %select_n3A_75 : i32 to vector<1x256xi32>
    %add3A_90 = arith.addi %rem3A_77, %add3A : vector<1x256xi32>
    %select_n3A_91 = arith.select %and3A_89, %add3A_90, %rem3A_77 : vector<1x256xi1>, vector<1x256xi32>
    %jit3A_92 = arith.constant 4 : i32
    %div3A_93 = vector.broadcast %jit3A_92 : i32 to vector<1x256xi32>
    %div3A_94 = arith.divsi %select_n3A_91, %div3A_93 : vector<1x256xi32>
    %sign3A_95 = arith.constant 0 : i32
    %sign3A_96 = vector.broadcast %sign3A_95 : i32 to vector<1x256xi32>
    %sign3A_97 = arith.cmpi sgt, %select_n3A_91, %sign3A_96 : vector<1x256xi32>
    %sign3A_98 = arith.extui %sign3A_97 : vector<1x256xi1> to vector<1x256xi32>
    %sign3A_99 = arith.constant 0 : i32
    %sign3A_100 = vector.broadcast %sign3A_99 : i32 to vector<1x256xi32>
    %sign3A_101 = arith.cmpi slt, %select_n3A_91, %sign3A_100 : vector<1x256xi32>
    %sign3A_102 = arith.extui %sign3A_101 : vector<1x256xi1> to vector<1x256xi32>
    %sign3A_103 = arith.subi %sign3A_98, %sign3A_102 : vector<1x256xi32>
    %sign3A_104 = arith.constant 0 : i32
    %sign3A_105 = arith.cmpi sgt, %jit3A_92, %sign3A_104 : i32
    %sign3A_106 = arith.extui %sign3A_105 : i1 to i32
    %sign3A_107 = arith.constant 0 : i32
    %sign3A_108 = arith.cmpi slt, %jit3A_92, %sign3A_107 : i32
    %sign3A_109 = arith.extui %sign3A_108 : i1 to i32
    %sign3A_110 = arith.subi %sign3A_106, %sign3A_109 : i32
    %ne3A_111 = vector.broadcast %sign3A_110 : i32 to vector<1x256xi32>
    %ne3A_112 = arith.cmpi ne, %sign3A_103, %ne3A_111 : vector<1x256xi32>
    %rem3A_113 = vector.broadcast %jit3A_92 : i32 to vector<1x256xi32>
    %rem3A_114 = arith.remsi %select_n3A_91, %rem3A_113 : vector<1x256xi32>
    %ne3A_115 = arith.constant 0 : i32
    %ne3A_116 = vector.broadcast %ne3A_115 : i32 to vector<1x256xi32>
    %ne3A_117 = arith.cmpi ne, %rem3A_114, %ne3A_116 : vector<1x256xi32>
    %and3A_118 = arith.andi %ne3A_112, %ne3A_117 : vector<1x256xi1>
    %sub3A_119 = arith.constant 1 : i32
    %sub3A_120 = vector.broadcast %sub3A_119 : i32 to vector<1x256xi32>
    %sub3A_121 = arith.subi %div3A_94, %sub3A_120 : vector<1x256xi32>
    %select_n3A_122 = arith.select %and3A_118, %sub3A_121, %div3A_94 : vector<1x256xi1>, vector<1x256xi32>
    %mul3A_123 = arith.constant 32 : i32
    %mul3A_124 = vector.broadcast %mul3A_123 : i32 to vector<1x256xi32>
    %mul3A_125 = arith.muli %select_n3A_122, %mul3A_124 : vector<1x256xi32>
    %jit3A_126 = arith.constant 4 : i32
    %eq3A_127 = arith.constant 0 : i32
    %eq3A_128 = arith.cmpi eq, %jit3A_126, %eq3A_127 : i32
    %jit3A_129 = arith.constant 1 : i32
    %select_n3A_130 = arith.select %eq3A_128, %jit3A_129, %jit3A_126 : i32
    %rem3A_131 = vector.broadcast %select_n3A_130 : i32 to vector<1x256xi32>
    %rem3A_132 = arith.remsi %iota3A_70, %rem3A_131 : vector<1x256xi32>
    %ne3A_133 = arith.constant 0 : i32
    %ne3A_134 = vector.broadcast %ne3A_133 : i32 to vector<1x256xi32>
    %ne3A_135 = arith.cmpi ne, %rem3A_132, %ne3A_134 : vector<1x256xi32>
    %lt3A_136 = arith.constant 0 : i32
    %lt3A_137 = vector.broadcast %lt3A_136 : i32 to vector<1x256xi32>
    %lt3A_138 = arith.cmpi slt, %rem3A_132, %lt3A_137 : vector<1x256xi32>
    %lt3A_139 = arith.constant 0 : i32
    %lt3A_140 = arith.cmpi slt, %select_n3A_130, %lt3A_139 : i32
    %ne3A_141 = vector.broadcast %lt3A_140 : i1 to vector<1x256xi1>
    %ne3A_142 = vector.broadcast %ne3A_141 : vector<1x256xi1> to vector<1x256xi1>
    %ne3A_143 = arith.xori %lt3A_138, %ne3A_142 : vector<1x256xi1>
    %and3A_144 = arith.andi %ne3A_143, %ne3A_135 : vector<1x256xi1>
    %add3A_145 = vector.broadcast %select_n3A_130 : i32 to vector<1x256xi32>
    %add3A_146 = arith.addi %rem3A_132, %add3A_145 : vector<1x256xi32>
    %select_n3A_147 = arith.select %and3A_144, %add3A_146, %rem3A_132 : vector<1x256xi1>, vector<1x256xi32>
    %add3A_148 = arith.addi %mul3A_125, %select_n3A_147 : vector<1x256xi32>
    %mul3A_149 = arith.constant 8 : i32
    %mul3A_150 = arith.muli %arg0, %mul3A_149 : i32
    %add3A_151 = arith.constant 0 : i32
    %add3A_152 = arith.addi %mul3A_150, %add3A_151 : i32
    %jit3A_153 = arith.constant 8 : i32
    %div3A_154 = vector.broadcast %jit3A_153 : i32 to vector<1x256xi32>
    %div3A_155 = arith.divsi %convert_element_type3A_69, %div3A_154 : vector<1x256xi32>
    %sign3A_156 = arith.constant 0 : i32
    %sign3A_157 = vector.broadcast %sign3A_156 : i32 to vector<1x256xi32>
    %sign3A_158 = arith.cmpi sgt, %convert_element_type3A_69, %sign3A_157 : vector<1x256xi32>
    %sign3A_159 = arith.extui %sign3A_158 : vector<1x256xi1> to vector<1x256xi32>
    %sign3A_160 = arith.constant 0 : i32
    %sign3A_161 = vector.broadcast %sign3A_160 : i32 to vector<1x256xi32>
    %sign3A_162 = arith.cmpi slt, %convert_element_type3A_69, %sign3A_161 : vector<1x256xi32>
    %sign3A_163 = arith.extui %sign3A_162 : vector<1x256xi1> to vector<1x256xi32>
    %sign3A_164 = arith.subi %sign3A_159, %sign3A_163 : vector<1x256xi32>
    %sign3A_165 = arith.constant 0 : i32
    %sign3A_166 = arith.cmpi sgt, %jit3A_153, %sign3A_165 : i32
    %sign3A_167 = arith.extui %sign3A_166 : i1 to i32
    %sign3A_168 = arith.constant 0 : i32
    %sign3A_169 = arith.cmpi slt, %jit3A_153, %sign3A_168 : i32
    %sign3A_170 = arith.extui %sign3A_169 : i1 to i32
    %sign3A_171 = arith.subi %sign3A_167, %sign3A_170 : i32
    %ne3A_172 = vector.broadcast %sign3A_171 : i32 to vector<1x256xi32>
    %ne3A_173 = arith.cmpi ne, %sign3A_164, %ne3A_172 : vector<1x256xi32>
    %rem3A_174 = vector.broadcast %jit3A_153 : i32 to vector<1x256xi32>
    %rem3A_175 = arith.remsi %convert_element_type3A_69, %rem3A_174 : vector<1x256xi32>
    %ne3A_176 = arith.constant 0 : i32
    %ne3A_177 = vector.broadcast %ne3A_176 : i32 to vector<1x256xi32>
    %ne3A_178 = arith.cmpi ne, %rem3A_175, %ne3A_177 : vector<1x256xi32>
    %and3A_179 = arith.andi %ne3A_173, %ne3A_178 : vector<1x256xi1>
    %sub3A_180 = arith.constant 1 : i32
    %sub3A_181 = vector.broadcast %sub3A_180 : i32 to vector<1x256xi32>
    %sub3A_182 = arith.subi %div3A_155, %sub3A_181 : vector<1x256xi32>
    %select_n3A_183 = arith.select %and3A_179, %sub3A_182, %div3A_155 : vector<1x256xi1>, vector<1x256xi32>
    %mul3A_184 = arith.constant 128 : i32
    %mul3A_185 = vector.broadcast %mul3A_184 : i32 to vector<1x256xi32>
    %mul3A_186 = arith.muli %select_n3A_183, %mul3A_185 : vector<1x256xi32>
    %jit3A_187 = arith.constant 8 : i32
    %eq3A_188 = arith.constant 0 : i32
    %eq3A_189 = arith.cmpi eq, %jit3A_187, %eq3A_188 : i32
    %jit3A_190 = arith.constant 1 : i32
    %select_n3A_191 = arith.select %eq3A_189, %jit3A_190, %jit3A_187 : i32
    %rem3A_192 = vector.broadcast %select_n3A_191 : i32 to vector<1x256xi32>
    %rem3A_193 = arith.remsi %convert_element_type3A_69, %rem3A_192 : vector<1x256xi32>
    %ne3A_194 = arith.constant 0 : i32
    %ne3A_195 = vector.broadcast %ne3A_194 : i32 to vector<1x256xi32>
    %ne3A_196 = arith.cmpi ne, %rem3A_193, %ne3A_195 : vector<1x256xi32>
    %lt3A_197 = arith.constant 0 : i32
    %lt3A_198 = vector.broadcast %lt3A_197 : i32 to vector<1x256xi32>
    %lt3A_199 = arith.cmpi slt, %rem3A_193, %lt3A_198 : vector<1x256xi32>
    %lt3A_200 = arith.constant 0 : i32
    %lt3A_201 = arith.cmpi slt, %select_n3A_191, %lt3A_200 : i32
    %ne3A_202 = vector.broadcast %lt3A_201 : i1 to vector<1x256xi1>
    %ne3A_203 = vector.broadcast %ne3A_202 : vector<1x256xi1> to vector<1x256xi1>
    %ne3A_204 = arith.xori %lt3A_199, %ne3A_203 : vector<1x256xi1>
    %and3A_205 = arith.andi %ne3A_204, %ne3A_196 : vector<1x256xi1>
    %add3A_206 = vector.broadcast %select_n3A_191 : i32 to vector<1x256xi32>
    %add3A_207 = arith.addi %rem3A_193, %add3A_206 : vector<1x256xi32>
    %select_n3A_208 = arith.select %and3A_205, %add3A_207, %rem3A_193 : vector<1x256xi1>, vector<1x256xi32>
    %mul3A_209 = arith.constant 4 : i32
    %mul3A_210 = vector.broadcast %mul3A_209 : i32 to vector<1x256xi32>
    %mul3A_211 = arith.muli %select_n3A_208, %mul3A_210 : vector<1x256xi32>
    %add3A_212 = arith.addi %mul3A_186, %mul3A_211 : vector<1x256xi32>
    %add3A_213 = arith.addi %add3A_212, %add3A_148 : vector<1x256xi32>
    %mul3A_214 = arith.constant 1024 : i32
    %mul3A_215 = arith.muli %add3A_152, %mul3A_214 : i32
    %add3A_216 = vector.broadcast %mul3A_215 : i32 to vector<1x256xi32>
    %add3A_217 = arith.addi %add3A_213, %add3A_216 : vector<1x256xi32>
    %swap3A = arith.constant 0 : index
    %swap3A_218 = arith.constant 0 : index
    %swap3A_219 = vector.load %arg4[%swap3A, %swap3A_218] : memref<8x256xi32, #tpu.memory_space<vmem>>, vector<1x256xi32>
    tpu.vector_store %arg4[%swap3A, %swap3A_218], %add3A_217 {strides = array<i32>} : memref<8x256xi32, #tpu.memory_space<vmem>>, vector<1x256xi32>,
    %get3A_220 = arith.constant 1 : index
    %get3A_221 = arith.constant 0 : index
    %get3A_222 = arith.constant 0 : index
    %get3A_223 = vector.load %arg1[%get3A_220, %get3A_221, %get3A_222] : memref<8x64x384xf32, #tpu.memory_space<vmem>>, vector<1x64x384xf32>
    %get3A_224 = vector.shape_cast %get3A_223 : vector<1x64x384xf32> to vector<64x384xf32>
    %reduce_max3A_225 = arith.constant dense<0xFF800000> : vector<384xf32>
    %reduce_max3A_226 = vector.multi_reduction <maximumf>, %get3A_224, %reduce_max3A_225 [0] : vector<64x384xf32> to vector<384xf32>
    %broadcast_in_dim3A_227 = vector.shape_cast %reduce_max3A_226 : vector<384xf32> to vector<1x384xf32>
    %convert_element_type3A_228 = arith.truncf %broadcast_in_dim3A_227 : vector<1x384xf32> to vector<1x384xbf16>
    %convert_element_type3A_229 = arith.extf %convert_element_type3A_228 : vector<1x384xbf16> to vector<1x384xf32>
    %get3A_230 = arith.constant 1 : index
    %get3A_231 = arith.constant 0 : index
    %get3A_232 = arith.constant 0 : index
    %get3A_233 = vector.load %arg2[%get3A_230, %get3A_231, %get3A_232] : memref<8x1024x384xf32, #tpu.memory_space<vmem>>, vector<1x1024x384xf32>
    %get3A_234 = vector.shape_cast %get3A_233 : vector<1x1024x384xf32> to vector<1024x384xf32>
    %convert_element_type3A_235 = arith.truncf %get3A_234 : vector<1024x384xf32> to vector<1024x384xbf16>
    %get3A_236 = arith.constant 0 : index
    %get3A_237 = arith.constant 0 : index
    %get3A_238 = vector.load %arg3[%get3A_236, %get3A_237] : memref<64x1024xbf16, #tpu.memory_space<vmem>>, vector<64x1024xbf16>
    %dot_general3A_239 = arith.constant dense<0.000000e+00> : vector<64x384xf32>
    %dot_general3A_240 = tpu.matmul %get3A_238, %convert_element_type3A_235, %dot_general3A_239 {dimension_numbers = #tpu.dot_dimension_numbers<[1], [0], [0], [1], [0, 0, 1, 1], [], []>, transpose_lhs_hint = false} : vector<64x1024xbf16>, vector<1024x384xbf16>, vector<64x384xf32> -> vector<64x384xf32>
    %mul3A_241 = vector.broadcast %convert_element_type3A_229 : vector<1x384xf32> to vector<64x384xf32>
    %mul3A_242 = arith.mulf %dot_general3A_240, %mul3A_241 : vector<64x384xf32>
    %reduce_sum3A_243 = arith.constant dense<0.000000e+00> : vector<64xf32>
    %reduce_sum3A_244 = vector.multi_reduction <add>, %mul3A_242, %reduce_sum3A_243 [1] : vector<64x384xf32> to vector<64xf32>
    %broadcast_in_dim3A_245 = vector.shape_cast %reduce_sum3A_244 : vector<64xf32> to vector<64x1xf32>
    %transpose3A_246 = tpu.transpose %broadcast_in_dim3A_245, [1, 0] : vector<64x1xf32> -> vector<1x64xf32>
    %iota3A_247 = tpu.iota {dimensions = array<i32: 0>} : vector<64x64xi32>
    %iota3A_248 = tpu.iota {dimensions = array<i32: 1>} : vector<64x64xi32>
    %gt3A_249 = vector.broadcast %transpose3A_246 : vector<1x64xf32> to vector<64x64xf32>
    %gt3A_250 = vector.broadcast %broadcast_in_dim3A_245 : vector<64x1xf32> to vector<64x64xf32>
    %gt3A_251 = arith.cmpf ogt, %gt3A_249, %gt3A_250 : vector<64x64xf32>
    %eq3A_252 = vector.broadcast %transpose3A_246 : vector<1x64xf32> to vector<64x64xf32>
    %eq3A_253 = vector.broadcast %broadcast_in_dim3A_245 : vector<64x1xf32> to vector<64x64xf32>
    %eq3A_254 = arith.cmpf oeq, %eq3A_252, %eq3A_253 : vector<64x64xf32>
    %lt3A_255 = arith.cmpi slt, %iota3A_248, %iota3A_247 : vector<64x64xi32>
    %and3A_256 = arith.andi %eq3A_254, %lt3A_255 : vector<64x64xi1>
    %or3A_257 = arith.ori %gt3A_251, %and3A_256 : vector<64x64xi1>
    %convert_element_type3A_258 = arith.extui %or3A_257 : vector<64x64xi1> to vector<64x64xi32>
    %reduce_sum3A_259 = arith.constant dense<0> : vector<64xi32>
    %reduce_sum3A_260 = vector.multi_reduction <add>, %convert_element_type3A_258, %reduce_sum3A_259 [1] : vector<64x64xi32> to vector<64xi32>
    %broadcast_in_dim3A_261 = vector.shape_cast %reduce_sum3A_260 : vector<64xi32> to vector<64x1xi32>
    %iota3A_262 = tpu.iota {dimensions = array<i32: 1>} : vector<1x64xi32>
    %eq3A_263 = vector.broadcast %broadcast_in_dim3A_261 : vector<64x1xi32> to vector<64x64xi32>
    %eq3A_264 = vector.broadcast %iota3A_262 : vector<1x64xi32> to vector<64x64xi32>
    %eq3A_265 = arith.cmpi eq, %eq3A_263, %eq3A_264 : vector<64x64xi32>
    %convert_element_type3A_266 = arith.extui %eq3A_265 : vector<64x64xi1> to vector<64x64xi32>
    %convert_element_type3A_267 = arith.sitofp %convert_element_type3A_266 : vector<64x64xi32> to vector<64x64xf32>
    %iota3A_268 = tpu.iota {dimensions = array<i32: 0>} : vector<64x1xi32>
    %convert_element_type3A_269 = arith.sitofp %iota3A_268 : vector<64x1xi32> to vector<64x1xf32>
    %dot_general3A_270 = arith.constant dense<0.000000e+00> : vector<1x64xf32>
    %dot_general3A_271 = tpu.matmul %convert_element_type3A_269, %convert_element_type3A_267, %dot_general3A_270 {dimension_numbers = #tpu.dot_dimension_numbers<[0], [0], [1], [1], [0, 1, 1, 1], [], []>, transpose_lhs_hint = false} : vector<64x1xf32>, vector<64x64xf32>, vector<1x64xf32> -> vector<1x64xf32>
    %slice3A_272 = vector.extract_strided_slice %dot_general3A_271 {offsets = [0, 0], sizes = [1, 16], strides = [1, 1]} : vector<1x64xf32> to vector<1x16xf32>
    %iota3A_273 = tpu.iota {dimensions = array<i32: 1>} : vector<16x256xi32>
    %jit3A_274 = arith.constant 16 : i32
    %div3A_275 = vector.broadcast %jit3A_274 : i32 to vector<16x256xi32>
    %div3A_276 = arith.divsi %iota3A_273, %div3A_275 : vector<16x256xi32>
    %sign3A_277 = arith.constant 0 : i32
    %sign3A_278 = vector.broadcast %sign3A_277 : i32 to vector<16x256xi32>
    %sign3A_279 = arith.cmpi sgt, %iota3A_273, %sign3A_278 : vector<16x256xi32>
    %sign3A_280 = arith.extui %sign3A_279 : vector<16x256xi1> to vector<16x256xi32>
    %sign3A_281 = arith.constant 0 : i32
    %sign3A_282 = vector.broadcast %sign3A_281 : i32 to vector<16x256xi32>
    %sign3A_283 = arith.cmpi slt, %iota3A_273, %sign3A_282 : vector<16x256xi32>
    %sign3A_284 = arith.extui %sign3A_283 : vector<16x256xi1> to vector<16x256xi32>
    %sign3A_285 = arith.subi %sign3A_280, %sign3A_284 : vector<16x256xi32>
    %sign3A_286 = arith.constant 0 : i32
    %sign3A_287 = arith.cmpi sgt, %jit3A_274, %sign3A_286 : i32
    %sign3A_288 = arith.extui %sign3A_287 : i1 to i32
    %sign3A_289 = arith.constant 0 : i32
    %sign3A_290 = arith.cmpi slt, %jit3A_274, %sign3A_289 : i32
    %sign3A_291 = arith.extui %sign3A_290 : i1 to i32
    %sign3A_292 = arith.subi %sign3A_288, %sign3A_291 : i32
    %ne3A_293 = vector.broadcast %sign3A_292 : i32 to vector<16x256xi32>
    %ne3A_294 = arith.cmpi ne, %sign3A_285, %ne3A_293 : vector<16x256xi32>
    %rem3A_295 = vector.broadcast %jit3A_274 : i32 to vector<16x256xi32>
    %rem3A_296 = arith.remsi %iota3A_273, %rem3A_295 : vector<16x256xi32>
    %ne3A_297 = arith.constant 0 : i32
    %ne3A_298 = vector.broadcast %ne3A_297 : i32 to vector<16x256xi32>
    %ne3A_299 = arith.cmpi ne, %rem3A_296, %ne3A_298 : vector<16x256xi32>
    %and3A_300 = arith.andi %ne3A_294, %ne3A_299 : vector<16x256xi1>
    %sub3A_301 = arith.constant 1 : i32
    %sub3A_302 = vector.broadcast %sub3A_301 : i32 to vector<16x256xi32>
    %sub3A_303 = arith.subi %div3A_276, %sub3A_302 : vector<16x256xi32>
    %select_n3A_304 = arith.select %and3A_300, %sub3A_303, %div3A_276 : vector<16x256xi1>, vector<16x256xi32>
    %iota3A_305 = tpu.iota {dimensions = array<i32: 0>} : vector<16x256xi32>
    %eq3A_306 = arith.cmpi eq, %select_n3A_304, %iota3A_305 : vector<16x256xi32>
    %convert_element_type3A_307 = arith.extui %eq3A_306 : vector<16x256xi1> to vector<16x256xi32>
    %convert_element_type3A_308 = arith.sitofp %convert_element_type3A_307 : vector<16x256xi32> to vector<16x256xf32>
    %dot_general3A_309 = arith.constant dense<0.000000e+00> : vector<1x256xf32>
    %dot_general3A_310 = tpu.matmul %slice3A_272, %convert_element_type3A_308, %dot_general3A_309 {dimension_numbers = #tpu.dot_dimension_numbers<[1], [0], [0], [1], [0, 0, 1, 1], [], []>, transpose_lhs_hint = false} : vector<1x16xf32>, vector<16x256xf32>, vector<1x256xf32> -> vector<1x256xf32>
    %convert_element_type3A_311 = arith.fptosi %dot_general3A_310 : vector<1x256xf32> to vector<1x256xi32>
    %iota3A_312 = tpu.iota {dimensions = array<i32: 1>} : vector<1x256xi32>
    %jit3A_313 = arith.constant 16 : i32
    %eq3A_314 = arith.constant 0 : i32
    %eq3A_315 = arith.cmpi eq, %jit3A_313, %eq3A_314 : i32
    %jit3A_316 = arith.constant 1 : i32
    %select_n3A_317 = arith.select %eq3A_315, %jit3A_316, %jit3A_313 : i32
    %rem3A_318 = vector.broadcast %select_n3A_317 : i32 to vector<1x256xi32>
    %rem3A_319 = arith.remsi %iota3A_312, %rem3A_318 : vector<1x256xi32>
    %ne3A_320 = arith.constant 0 : i32
    %ne3A_321 = vector.broadcast %ne3A_320 : i32 to vector<1x256xi32>
    %ne3A_322 = arith.cmpi ne, %rem3A_319, %ne3A_321 : vector<1x256xi32>
    %lt3A_323 = arith.constant 0 : i32
    %lt3A_324 = vector.broadcast %lt3A_323 : i32 to vector<1x256xi32>
    %lt3A_325 = arith.cmpi slt, %rem3A_319, %lt3A_324 : vector<1x256xi32>
    %lt3A_326 = arith.constant 0 : i32
    %lt3A_327 = arith.cmpi slt, %select_n3A_317, %lt3A_326 : i32
    %ne3A_328 = vector.broadcast %lt3A_327 : i1 to vector<1x256xi1>
    %ne3A_329 = vector.broadcast %ne3A_328 : vector<1x256xi1> to vector<1x256xi1>
    %ne3A_330 = arith.xori %lt3A_325, %ne3A_329 : vector<1x256xi1>
    %and3A_331 = arith.andi %ne3A_330, %ne3A_322 : vector<1x256xi1>
    %add3A_332 = vector.broadcast %select_n3A_317 : i32 to vector<1x256xi32>
    %add3A_333 = arith.addi %rem3A_319, %add3A_332 : vector<1x256xi32>
    %select_n3A_334 = arith.select %and3A_331, %add3A_333, %rem3A_319 : vector<1x256xi1>, vector<1x256xi32>
    %jit3A_335 = arith.constant 4 : i32
    %div3A_336 = vector.broadcast %jit3A_335 : i32 to vector<1x256xi32>
    %div3A_337 = arith.divsi %select_n3A_334, %div3A_336 : vector<1x256xi32>
    %sign3A_338 = arith.constant 0 : i32
    %sign3A_339 = vector.broadcast %sign3A_338 : i32 to vector<1x256xi32>
    %sign3A_340 = arith.cmpi sgt, %select_n3A_334, %sign3A_339 : vector<1x256xi32>
    %sign3A_341 = arith.extui %sign3A_340 : vector<1x256xi1> to vector<1x256xi32>
    %sign3A_342 = arith.constant 0 : i32
    %sign3A_343 = vector.broadcast %sign3A_342 : i32 to vector<1x256xi32>
    %sign3A_344 = arith.cmpi slt, %select_n3A_334, %sign3A_343 : vector<1x256xi32>
    %sign3A_345 = arith.extui %sign3A_344 : vector<1x256xi1> to vector<1x256xi32>
    %sign3A_346 = arith.subi %sign3A_341, %sign3A_345 : vector<1x256xi32>
    %sign3A_347 = arith.constant 0 : i32
    %sign3A_348 = arith.cmpi sgt, %jit3A_335, %sign3A_347 : i32
    %sign3A_349 = arith.extui %sign3A_348 : i1 to i32
    %sign3A_350 = arith.constant 0 : i32
    %sign3A_351 = arith.cmpi slt, %jit3A_335, %sign3A_350 : i32
    %sign3A_352 = arith.extui %sign3A_351 : i1 to i32
    %sign3A_353 = arith.subi %sign3A_349, %sign3A_352 : i32
    %ne3A_354 = vector.broadcast %sign3A_353 : i32 to vector<1x256xi32>
    %ne3A_355 = arith.cmpi ne, %sign3A_346, %ne3A_354 : vector<1x256xi32>
    %rem3A_356 = vector.broadcast %jit3A_335 : i32 to vector<1x256xi32>
    %rem3A_357 = arith.remsi %select_n3A_334, %rem3A_356 : vector<1x256xi32>
    %ne3A_358 = arith.constant 0 : i32
    %ne3A_359 = vector.broadcast %ne3A_358 : i32 to vector<1x256xi32>
    %ne3A_360 = arith.cmpi ne, %rem3A_357, %ne3A_359 : vector<1x256xi32>
    %and3A_361 = arith.andi %ne3A_355, %ne3A_360 : vector<1x256xi1>
    %sub3A_362 = arith.constant 1 : i32
    %sub3A_363 = vector.broadcast %sub3A_362 : i32 to vector<1x256xi32>
    %sub3A_364 = arith.subi %div3A_337, %sub3A_363 : vector<1x256xi32>
    %select_n3A_365 = arith.select %and3A_361, %sub3A_364, %div3A_337 : vector<1x256xi1>, vector<1x256xi32>
    %mul3A_366 = arith.constant 32 : i32
    %mul3A_367 = vector.broadcast %mul3A_366 : i32 to vector<1x256xi32>
    %mul3A_368 = arith.muli %select_n3A_365, %mul3A_367 : vector<1x256xi32>
    %jit3A_369 = arith.constant 4 : i32
    %eq3A_370 = arith.constant 0 : i32
    %eq3A_371 = arith.cmpi eq, %jit3A_369, %eq3A_370 : i32
    %jit3A_372 = arith.constant 1 : i32
    %select_n3A_373 = arith.select %eq3A_371, %jit3A_372, %jit3A_369 : i32
    %rem3A_374 = vector.broadcast %select_n3A_373 : i32 to vector<1x256xi32>
    %rem3A_375 = arith.remsi %iota3A_312, %rem3A_374 : vector<1x256xi32>
    %ne3A_376 = arith.constant 0 : i32
    %ne3A_377 = vector.broadcast %ne3A_376 : i32 to vector<1x256xi32>
    %ne3A_378 = arith.cmpi ne, %rem3A_375, %ne3A_377 : vector<1x256xi32>
    %lt3A_379 = arith.constant 0 : i32
    %lt3A_380 = vector.broadcast %lt3A_379 : i32 to vector<1x256xi32>
    %lt3A_381 = arith.cmpi slt, %rem3A_375, %lt3A_380 : vector<1x256xi32>
    %lt3A_382 = arith.constant 0 : i32
    %lt3A_383 = arith.cmpi slt, %select_n3A_373, %lt3A_382 : i32
    %ne3A_384 = vector.broadcast %lt3A_383 : i1 to vector<1x256xi1>
    %ne3A_385 = vector.broadcast %ne3A_384 : vector<1x256xi1> to vector<1x256xi1>
    %ne3A_386 = arith.xori %lt3A_381, %ne3A_385 : vector<1x256xi1>
    %and3A_387 = arith.andi %ne3A_386, %ne3A_378 : vector<1x256xi1>
    %add3A_388 = vector.broadcast %select_n3A_373 : i32 to vector<1x256xi32>
    %add3A_389 = arith.addi %rem3A_375, %add3A_388 : vector<1x256xi32>
    %select_n3A_390 = arith.select %and3A_387, %add3A_389, %rem3A_375 : vector<1x256xi1>, vector<1x256xi32>
    %add3A_391 = arith.addi %mul3A_368, %select_n3A_390 : vector<1x256xi32>
    %mul3A_392 = arith.constant 8 : i32
    %mul3A_393 = arith.muli %arg0, %mul3A_392 : i32
    %add3A_394 = arith.constant 1 : i32
    %add3A_395 = arith.addi %mul3A_393, %add3A_394 : i32
    %jit3A_396 = arith.constant 8 : i32
    %div3A_397 = vector.broadcast %jit3A_396 : i32 to vector<1x256xi32>
    %div3A_398 = arith.divsi %convert_element_type3A_311, %div3A_397 : vector<1x256xi32>
    %sign3A_399 = arith.constant 0 : i32
    %sign3A_400 = vector.broadcast %sign3A_399 : i32 to vector<1x256xi32>
    %sign3A_401 = arith.cmpi sgt, %convert_element_type3A_311, %sign3A_400 : vector<1x256xi32>
    %sign3A_402 = arith.extui %sign3A_401 : vector<1x256xi1> to vector<1x256xi32>
    %sign3A_403 = arith.constant 0 : i32
    %sign3A_404 = vector.broadcast %sign3A_403 : i32 to vector<1x256xi32>
    %sign3A_405 = arith.cmpi slt, %convert_element_type3A_311, %sign3A_404 : vector<1x256xi32>
    %sign3A_406 = arith.extui %sign3A_405 : vector<1x256xi1> to vector<1x256xi32>
    %sign3A_407 = arith.subi %sign3A_402, %sign3A_406 : vector<1x256xi32>
    %sign3A_408 = arith.constant 0 : i32
    %sign3A_409 = arith.cmpi sgt, %jit3A_396, %sign3A_408 : i32
    %sign3A_410 = arith.extui %sign3A_409 : i1 to i32
    %sign3A_411 = arith.constant 0 : i32
    %sign3A_412 = arith.cmpi slt, %jit3A_396, %sign3A_411 : i32
    %sign3A_413 = arith.extui %sign3A_412 : i1 to i32
    %sign3A_414 = arith.subi %sign3A_410, %sign3A_413 : i32
    %ne3A_415 = vector.broadcast %sign3A_414 : i32 to vector<1x256xi32>
    %ne3A_416 = arith.cmpi ne, %sign3A_407, %ne3A_415 : vector<1x256xi32>
    %rem3A_417 = vector.broadcast %jit3A_396 : i32 to vector<1x256xi32>
    %rem3A_418 = arith.remsi %convert_element_type3A_311, %rem3A_417 : vector<1x256xi32>
    %ne3A_419 = arith.constant 0 : i32
    %ne3A_420 = vector.broadcast %ne3A_419 : i32 to vector<1x256xi32>
    %ne3A_421 = arith.cmpi ne, %rem3A_418, %ne3A_420 : vector<1x256xi32>
    %and3A_422 = arith.andi %ne3A_416, %ne3A_421 : vector<1x256xi1>
    %sub3A_423 = arith.constant 1 : i32
    %sub3A_424 = vector.broadcast %sub3A_423 : i32 to vector<1x256xi32>
    %sub3A_425 = arith.subi %div3A_398, %sub3A_424 : vector<1x256xi32>
    %select_n3A_426 = arith.select %and3A_422, %sub3A_425, %div3A_398 : vector<1x256xi1>, vector<1x256xi32>
    %mul3A_427 = arith.constant 128 : i32
    %mul3A_428 = vector.broadcast %mul3A_427 : i32 to vector<1x256xi32>
    %mul3A_429 = arith.muli %select_n3A_426, %mul3A_428 : vector<1x256xi32>
    %jit3A_430 = arith.constant 8 : i32
    %eq3A_431 = arith.constant 0 : i32
    %eq3A_432 = arith.cmpi eq, %jit3A_430, %eq3A_431 : i32
    %jit3A_433 = arith.constant 1 : i32
    %select_n3A_434 = arith.select %eq3A_432, %jit3A_433, %jit3A_430 : i32
    %rem3A_435 = vector.broadcast %select_n3A_434 : i32 to vector<1x256xi32>
    %rem3A_436 = arith.remsi %convert_element_type3A_311, %rem3A_435 : vector<1x256xi32>
    %ne3A_437 = arith.constant 0 : i32
    %ne3A_438 = vector.broadcast %ne3A_437 : i32 to vector<1x256xi32>
    %ne3A_439 = arith.cmpi ne, %rem3A_436, %ne3A_438 : vector<1x256xi32>
    %lt3A_440 = arith.constant 0 : i32
    %lt3A_441 = vector.broadcast %lt3A_440 : i32 to vector<1x256xi32>
    %lt3A_442 = arith.cmpi slt, %rem3A_436, %lt3A_441 : vector<1x256xi32>
    %lt3A_443 = arith.constant 0 : i32
    %lt3A_444 = arith.cmpi slt, %select_n3A_434, %lt3A_443 : i32
    %ne3A_445 = vector.broadcast %lt3A_444 : i1 to vector<1x256xi1>
    %ne3A_446 = vector.broadcast %ne3A_445 : vector<1x256xi1> to vector<1x256xi1>
    %ne3A_447 = arith.xori %lt3A_442, %ne3A_446 : vector<1x256xi1>
    %and3A_448 = arith.andi %ne3A_447, %ne3A_439 : vector<1x256xi1>
    %add3A_449 = vector.broadcast %select_n3A_434 : i32 to vector<1x256xi32>
    %add3A_450 = arith.addi %rem3A_436, %add3A_449 : vector<1x256xi32>
    %select_n3A_451 = arith.select %and3A_448, %add3A_450, %rem3A_436 : vector<1x256xi1>, vector<1x256xi32>
    %mul3A_452 = arith.constant 4 : i32
    %mul3A_453 = vector.broadcast %mul3A_452 : i32 to vector<1x256xi32>
    %mul3A_454 = arith.muli %select_n3A_451, %mul3A_453 : vector<1x256xi32>
    %add3A_455 = arith.addi %mul3A_429, %mul3A_454 : vector<1x256xi32>
    %add3A_456 = arith.addi %add3A_455, %add3A_391 : vector<1x256xi32>
    %mul3A_457 = arith.constant 1024 : i32
    %mul3A_458 = arith.muli %add3A_395, %mul3A_457 : i32
    %add3A_459 = vector.broadcast %mul3A_458 : i32 to vector<1x256xi32>
    %add3A_460 = arith.addi %add3A_456, %add3A_459 : vector<1x256xi32>
    %swap3A_461 = arith.constant 1 : index
    %swap3A_462 = arith.constant 0 : index
    %swap3A_463 = vector.load %arg4[%swap3A_461, %swap3A_462] : memref<8x256xi32, #tpu.memory_space<vmem>>, vector<1x256xi32>
    tpu.vector_store %arg4[%swap3A_461, %swap3A_462], %add3A_460 {strides = array<i32>} : memref<8x256xi32, #tpu.memory_space<vmem>>, vector<1x256xi32>,
    %get3A_464 = arith.constant 2 : index
    %get3A_465 = arith.constant 0 : index
    %get3A_466 = arith.constant 0 : index
    %get3A_467 = vector.load %arg1[%get3A_464, %get3A_465, %get3A_466] : memref<8x64x384xf32, #tpu.memory_space<vmem>>, vector<1x64x384xf32>
    %get3A_468 = vector.shape_cast %get3A_467 : vector<1x64x384xf32> to vector<64x384xf32>
    %reduce_max3A_469 = arith.constant dense<0xFF800000> : vector<384xf32>
    %reduce_max3A_470 = vector.multi_reduction <maximumf>, %get3A_468, %reduce_max3A_469 [0] : vector<64x384xf32> to vector<384xf32>
    %broadcast_in_dim3A_471 = vector.shape_cast %reduce_max3A_470 : vector<384xf32> to vector<1x384xf32>
    %convert_element_type3A_472 = arith.truncf %broadcast_in_dim3A_471 : vector<1x384xf32> to vector<1x384xbf16>
    %convert_element_type3A_473 = arith.extf %convert_element_type3A_472 : vector<1x384xbf16> to vector<1x384xf32>
    %get3A_474 = arith.constant 2 : index
    %get3A_475 = arith.constant 0 : index
    %get3A_476 = arith.constant 0 : index
    %get3A_477 = vector.load %arg2[%get3A_474, %get3A_475, %get3A_476] : memref<8x1024x384xf32, #tpu.memory_space<vmem>>, vector<1x1024x384xf32>
    %get3A_478 = vector.shape_cast %get3A_477 : vector<1x1024x384xf32> to vector<1024x384xf32>
    %convert_element_type3A_479 = arith.truncf %get3A_478 : vector<1024x384xf32> to vector<1024x384xbf16>
    %get3A_480 = arith.constant 0 : index
    %get3A_481 = arith.constant 0 : index
    %get3A_482 = vector.load %arg3[%get3A_480, %get3A_481] : memref<64x1024xbf16, #tpu.memory_space<vmem>>, vector<64x1024xbf16>
    %dot_general3A_483 = arith.constant dense<0.000000e+00> : vector<64x384xf32>
    %dot_general3A_484 = tpu.matmul %get3A_482, %convert_element_type3A_479, %dot_general3A_483 {dimension_numbers = #tpu.dot_dimension_numbers<[1], [0], [0], [1], [0, 0, 1, 1], [], []>, transpose_lhs_hint = false} : vector<64x1024xbf16>, vector<1024x384xbf16>, vector<64x384xf32> -> vector<64x384xf32>
    %mul3A_485 = vector.broadcast %convert_element_type3A_473 : vector<1x384xf32> to vector<64x384xf32>
    %mul3A_486 = arith.mulf %dot_general3A_484, %mul3A_485 : vector<64x384xf32>
    %reduce_sum3A_487 = arith.constant dense<0.000000e+00> : vector<64xf32>
    %reduce_sum3A_488 = vector.multi_reduction <add>, %mul3A_486, %reduce_sum3A_487 [1] : vector<64x384xf32> to vector<64xf32>
    %broadcast_in_dim3A_489 = vector.shape_cast %reduce_sum3A_488 : vector<64xf32> to vector<64x1xf32>
    %transpose3A_490 = tpu.transpose %broadcast_in_dim3A_489, [1, 0] : vector<64x1xf32> -> vector<1x64xf32>
    %iota3A_491 = tpu.iota {dimensions = array<i32: 0>} : vector<64x64xi32>
    %iota3A_492 = tpu.iota {dimensions = array<i32: 1>} : vector<64x64xi32>
    %gt3A_493 = vector.broadcast %transpose3A_490 : vector<1x64xf32> to vector<64x64xf32>
    %gt3A_494 = vector.broadcast %broadcast_in_dim3A_489 : vector<64x1xf32> to vector<64x64xf32>
    %gt3A_495 = arith.cmpf ogt, %gt3A_493, %gt3A_494 : vector<64x64xf32>
    %eq3A_496 = vector.broadcast %transpose3A_490 : vector<1x64xf32> to vector<64x64xf32>
    %eq3A_497 = vector.broadcast %broadcast_in_dim3A_489 : vector<64x1xf32> to vector<64x64xf32>
    %eq3A_498 = arith.cmpf oeq, %eq3A_496, %eq3A_497 : vector<64x64xf32>
    %lt3A_499 = arith.cmpi slt, %iota3A_492, %iota3A_491 : vector<64x64xi32>
    %and3A_500 = arith.andi %eq3A_498, %lt3A_499 : vector<64x64xi1>
    %or3A_501 = arith.ori %gt3A_495, %and3A_500 : vector<64x64xi1>
    %convert_element_type3A_502 = arith.extui %or3A_501 : vector<64x64xi1> to vector<64x64xi32>
    %reduce_sum3A_503 = arith.constant dense<0> : vector<64xi32>
    %reduce_sum3A_504 = vector.multi_reduction <add>, %convert_element_type3A_502, %reduce_sum3A_503 [1] : vector<64x64xi32> to vector<64xi32>
    %broadcast_in_dim3A_505 = vector.shape_cast %reduce_sum3A_504 : vector<64xi32> to vector<64x1xi32>
    %iota3A_506 = tpu.iota {dimensions = array<i32: 1>} : vector<1x64xi32>
    %eq3A_507 = vector.broadcast %broadcast_in_dim3A_505 : vector<64x1xi32> to vector<64x64xi32>
    %eq3A_508 = vector.broadcast %iota3A_506 : vector<1x64xi32> to vector<64x64xi32>
    %eq3A_509 = arith.cmpi eq, %eq3A_507, %eq3A_508 : vector<64x64xi32>
    %convert_element_type3A_510 = arith.extui %eq3A_509 : vector<64x64xi1> to vector<64x64xi32>
    %convert_element_type3A_511 = arith.sitofp %convert_element_type3A_510 : vector<64x64xi32> to vector<64x64xf32>
    %iota3A_512 = tpu.iota {dimensions = array<i32: 0>} : vector<64x1xi32>
    %convert_element_type3A_513 = arith.sitofp %iota3A_512 : vector<64x1xi32> to vector<64x1xf32>
    %dot_general3A_514 = arith.constant dense<0.000000e+00> : vector<1x64xf32>
    %dot_general3A_515 = tpu.matmul %convert_element_type3A_513, %convert_element_type3A_511, %dot_general3A_514 {dimension_numbers = #tpu.dot_dimension_numbers<[0], [0], [1], [1], [0, 1, 1, 1], [], []>, transpose_lhs_hint = false} : vector<64x1xf32>, vector<64x64xf32>, vector<1x64xf32> -> vector<1x64xf32>
    %slice3A_516 = vector.extract_strided_slice %dot_general3A_515 {offsets = [0, 0], sizes = [1, 16], strides = [1, 1]} : vector<1x64xf32> to vector<1x16xf32>
    %iota3A_517 = tpu.iota {dimensions = array<i32: 1>} : vector<16x256xi32>
    %jit3A_518 = arith.constant 16 : i32
    %div3A_519 = vector.broadcast %jit3A_518 : i32 to vector<16x256xi32>
    %div3A_520 = arith.divsi %iota3A_517, %div3A_519 : vector<16x256xi32>
    %sign3A_521 = arith.constant 0 : i32
    %sign3A_522 = vector.broadcast %sign3A_521 : i32 to vector<16x256xi32>
    %sign3A_523 = arith.cmpi sgt, %iota3A_517, %sign3A_522 : vector<16x256xi32>
    %sign3A_524 = arith.extui %sign3A_523 : vector<16x256xi1> to vector<16x256xi32>
    %sign3A_525 = arith.constant 0 : i32
    %sign3A_526 = vector.broadcast %sign3A_525 : i32 to vector<16x256xi32>
    %sign3A_527 = arith.cmpi slt, %iota3A_517, %sign3A_526 : vector<16x256xi32>
    %sign3A_528 = arith.extui %sign3A_527 : vector<16x256xi1> to vector<16x256xi32>
    %sign3A_529 = arith.subi %sign3A_524, %sign3A_528 : vector<16x256xi32>
    %sign3A_530 = arith.constant 0 : i32
    %sign3A_531 = arith.cmpi sgt, %jit3A_518, %sign3A_530 : i32
    %sign3A_532 = arith.extui %sign3A_531 : i1 to i32
    %sign3A_533 = arith.constant 0 : i32
    %sign3A_534 = arith.cmpi slt, %jit3A_518, %sign3A_533 : i32
    %sign3A_535 = arith.extui %sign3A_534 : i1 to i32
    %sign3A_536 = arith.subi %sign3A_532, %sign3A_535 : i32
    %ne3A_537 = vector.broadcast %sign3A_536 : i32 to vector<16x256xi32>
    %ne3A_538 = arith.cmpi ne, %sign3A_529, %ne3A_537 : vector<16x256xi32>
    %rem3A_539 = vector.broadcast %jit3A_518 : i32 to vector<16x256xi32>
    %rem3A_540 = arith.remsi %iota3A_517, %rem3A_539 : vector<16x256xi32>
    %ne3A_541 = arith.constant 0 : i32
    %ne3A_542 = vector.broadcast %ne3A_541 : i32 to vector<16x256xi32>
    %ne3A_543 = arith.cmpi ne, %rem3A_540, %ne3A_542 : vector<16x256xi32>
    %and3A_544 = arith.andi %ne3A_538, %ne3A_543 : vector<16x256xi1>
    %sub3A_545 = arith.constant 1 : i32
    %sub3A_546 = vector.broadcast %sub3A_545 : i32 to vector<16x256xi32>
    %sub3A_547 = arith.subi %div3A_520, %sub3A_546 : vector<16x256xi32>
    %select_n3A_548 = arith.select %and3A_544, %sub3A_547, %div3A_520 : vector<16x256xi1>, vector<16x256xi32>
    %iota3A_549 = tpu.iota {dimensions = array<i32: 0>} : vector<16x256xi32>
    %eq3A_550 = arith.cmpi eq, %select_n3A_548, %iota3A_549 : vector<16x256xi32>
    %convert_element_type3A_551 = arith.extui %eq3A_550 : vector<16x256xi1> to vector<16x256xi32>
    %convert_element_type3A_552 = arith.sitofp %convert_element_type3A_551 : vector<16x256xi32> to vector<16x256xf32>
    %dot_general3A_553 = arith.constant dense<0.000000e+00> : vector<1x256xf32>
    %dot_general3A_554 = tpu.matmul %slice3A_516, %convert_element_type3A_552, %dot_general3A_553 {dimension_numbers = #tpu.dot_dimension_numbers<[1], [0], [0], [1], [0, 0, 1, 1], [], []>, transpose_lhs_hint = false} : vector<1x16xf32>, vector<16x256xf32>, vector<1x256xf32> -> vector<1x256xf32>
    %convert_element_type3A_555 = arith.fptosi %dot_general3A_554 : vector<1x256xf32> to vector<1x256xi32>
    %iota3A_556 = tpu.iota {dimensions = array<i32: 1>} : vector<1x256xi32>
    %jit3A_557 = arith.constant 16 : i32
    %eq3A_558 = arith.constant 0 : i32
    %eq3A_559 = arith.cmpi eq, %jit3A_557, %eq3A_558 : i32
    %jit3A_560 = arith.constant 1 : i32
    %select_n3A_561 = arith.select %eq3A_559, %jit3A_560, %jit3A_557 : i32
    %rem3A_562 = vector.broadcast %select_n3A_561 : i32 to vector<1x256xi32>
    %rem3A_563 = arith.remsi %iota3A_556, %rem3A_562 : vector<1x256xi32>
    %ne3A_564 = arith.constant 0 : i32
    %ne3A_565 = vector.broadcast %ne3A_564 : i32 to vector<1x256xi32>
    %ne3A_566 = arith.cmpi ne, %rem3A_563, %ne3A_565 : vector<1x256xi32>
    %lt3A_567 = arith.constant 0 : i32
    %lt3A_568 = vector.broadcast %lt3A_567 : i32 to vector<1x256xi32>
    %lt3A_569 = arith.cmpi slt, %rem3A_563, %lt3A_568 : vector<1x256xi32>
    %lt3A_570 = arith.constant 0 : i32
    %lt3A_571 = arith.cmpi slt, %select_n3A_561, %lt3A_570 : i32
    %ne3A_572 = vector.broadcast %lt3A_571 : i1 to vector<1x256xi1>
    %ne3A_573 = vector.broadcast %ne3A_572 : vector<1x256xi1> to vector<1x256xi1>
    %ne3A_574 = arith.xori %lt3A_569, %ne3A_573 : vector<1x256xi1>
    %and3A_575 = arith.andi %ne3A_574, %ne3A_566 : vector<1x256xi1>
    %add3A_576 = vector.broadcast %select_n3A_561 : i32 to vector<1x256xi32>
    %add3A_577 = arith.addi %rem3A_563, %add3A_576 : vector<1x256xi32>
    %select_n3A_578 = arith.select %and3A_575, %add3A_577, %rem3A_563 : vector<1x256xi1>, vector<1x256xi32>
    %jit3A_579 = arith.constant 4 : i32
    %div3A_580 = vector.broadcast %jit3A_579 : i32 to vector<1x256xi32>
    %div3A_581 = arith.divsi %select_n3A_578, %div3A_580 : vector<1x256xi32>
    %sign3A_582 = arith.constant 0 : i32
    %sign3A_583 = vector.broadcast %sign3A_582 : i32 to vector<1x256xi32>
    %sign3A_584 = arith.cmpi sgt, %select_n3A_578, %sign3A_583 : vector<1x256xi32>
    %sign3A_585 = arith.extui %sign3A_584 : vector<1x256xi1> to vector<1x256xi32>
    %sign3A_586 = arith.constant 0 : i32
    %sign3A_587 = vector.broadcast %sign3A_586 : i32 to vector<1x256xi32>
    %sign3A_588 = arith.cmpi slt, %select_n3A_578, %sign3A_587 : vector<1x256xi32>
    %sign3A_589 = arith.extui %sign3A_588 : vector<1x256xi1> to vector<1x256xi32>
    %sign3A_590 = arith.subi %sign3A_585, %sign3A_589 : vector<1x256xi32>
    %sign3A_591 = arith.constant 0 : i32
    %sign3A_592 = arith.cmpi sgt, %jit3A_579, %sign3A_591 : i32
    %sign3A_593 = arith.extui %sign3A_592 : i1 to i32
    %sign3A_594 = arith.constant 0 : i32
    %sign3A_595 = arith.cmpi slt, %jit3A_579, %sign3A_594 : i32
    %sign3A_596 = arith.extui %sign3A_595 : i1 to i32
    %sign3A_597 = arith.subi %sign3A_593, %sign3A_596 : i32
    %ne3A_598 = vector.broadcast %sign3A_597 : i32 to vector<1x256xi32>
    %ne3A_599 = arith.cmpi ne, %sign3A_590, %ne3A_598 : vector<1x256xi32>
    %rem3A_600 = vector.broadcast %jit3A_579 : i32 to vector<1x256xi32>
    %rem3A_601 = arith.remsi %select_n3A_578, %rem3A_600 : vector<1x256xi32>
    %ne3A_602 = arith.constant 0 : i32
    %ne3A_603 = vector.broadcast %ne3A_602 : i32 to vector<1x256xi32>
    %ne3A_604 = arith.cmpi ne, %rem3A_601, %ne3A_603 : vector<1x256xi32>
    %and3A_605 = arith.andi %ne3A_599, %ne3A_604 : vector<1x256xi1>
    %sub3A_606 = arith.constant 1 : i32
    %sub3A_607 = vector.broadcast %sub3A_606 : i32 to vector<1x256xi32>
    %sub3A_608 = arith.subi %div3A_581, %sub3A_607 : vector<1x256xi32>
    %select_n3A_609 = arith.select %and3A_605, %sub3A_608, %div3A_581 : vector<1x256xi1>, vector<1x256xi32>
    %mul3A_610 = arith.constant 32 : i32
    %mul3A_611 = vector.broadcast %mul3A_610 : i32 to vector<1x256xi32>
    %mul3A_612 = arith.muli %select_n3A_609, %mul3A_611 : vector<1x256xi32>
    %jit3A_613 = arith.constant 4 : i32
    %eq3A_614 = arith.constant 0 : i32
    %eq3A_615 = arith.cmpi eq, %jit3A_613, %eq3A_614 : i32
    %jit3A_616 = arith.constant 1 : i32
    %select_n3A_617 = arith.select %eq3A_615, %jit3A_616, %jit3A_613 : i32
    %rem3A_618 = vector.broadcast %select_n3A_617 : i32 to vector<1x256xi32>
    %rem3A_619 = arith.remsi %iota3A_556, %rem3A_618 : vector<1x256xi32>
    %ne3A_620 = arith.constant 0 : i32
    %ne3A_621 = vector.broadcast %ne3A_620 : i32 to vector<1x256xi32>
    %ne3A_622 = arith.cmpi ne, %rem3A_619, %ne3A_621 : vector<1x256xi32>
    %lt3A_623 = arith.constant 0 : i32
    %lt3A_624 = vector.broadcast %lt3A_623 : i32 to vector<1x256xi32>
    %lt3A_625 = arith.cmpi slt, %rem3A_619, %lt3A_624 : vector<1x256xi32>
    %lt3A_626 = arith.constant 0 : i32
    %lt3A_627 = arith.cmpi slt, %select_n3A_617, %lt3A_626 : i32
    %ne3A_628 = vector.broadcast %lt3A_627 : i1 to vector<1x256xi1>
    %ne3A_629 = vector.broadcast %ne3A_628 : vector<1x256xi1> to vector<1x256xi1>
    %ne3A_630 = arith.xori %lt3A_625, %ne3A_629 : vector<1x256xi1>
    %and3A_631 = arith.andi %ne3A_630, %ne3A_622 : vector<1x256xi1>
    %add3A_632 = vector.broadcast %select_n3A_617 : i32 to vector<1x256xi32>
    %add3A_633 = arith.addi %rem3A_619, %add3A_632 : vector<1x256xi32>
    %select_n3A_634 = arith.select %and3A_631, %add3A_633, %rem3A_619 : vector<1x256xi1>, vector<1x256xi32>
    %add3A_635 = arith.addi %mul3A_612, %select_n3A_634 : vector<1x256xi32>
    %mul3A_636 = arith.constant 8 : i32
    %mul3A_637 = arith.muli %arg0, %mul3A_636 : i32
    %add3A_638 = arith.constant 2 : i32
    %add3A_639 = arith.addi %mul3A_637, %add3A_638 : i32
    %jit3A_640 = arith.constant 8 : i32
    %div3A_641 = vector.broadcast %jit3A_640 : i32 to vector<1x256xi32>
    %div3A_642 = arith.divsi %convert_element_type3A_555, %div3A_641 : vector<1x256xi32>
    %sign3A_643 = arith.constant 0 : i32
    %sign3A_644 = vector.broadcast %sign3A_643 : i32 to vector<1x256xi32>
    %sign3A_645 = arith.cmpi sgt, %convert_element_type3A_555, %sign3A_644 : vector<1x256xi32>
    %sign3A_646 = arith.extui %sign3A_645 : vector<1x256xi1> to vector<1x256xi32>
    %sign3A_647 = arith.constant 0 : i32
    %sign3A_648 = vector.broadcast %sign3A_647 : i32 to vector<1x256xi32>
    %sign3A_649 = arith.cmpi slt, %convert_element_type3A_555, %sign3A_648 : vector<1x256xi32>
    %sign3A_650 = arith.extui %sign3A_649 : vector<1x256xi1> to vector<1x256xi32>
    %sign3A_651 = arith.subi %sign3A_646, %sign3A_650 : vector<1x256xi32>
    %sign3A_652 = arith.constant 0 : i32
    %sign3A_653 = arith.cmpi sgt, %jit3A_640, %sign3A_652 : i32
    %sign3A_654 = arith.extui %sign3A_653 : i1 to i32
    %sign3A_655 = arith.constant 0 : i32
    %sign3A_656 = arith.cmpi slt, %jit3A_640, %sign3A_655 : i32
    %sign3A_657 = arith.extui %sign3A_656 : i1 to i32
    %sign3A_658 = arith.subi %sign3A_654, %sign3A_657 : i32
    %ne3A_659 = vector.broadcast %sign3A_658 : i32 to vector<1x256xi32>
    %ne3A_660 = arith.cmpi ne, %sign3A_651, %ne3A_659 : vector<1x256xi32>
    %rem3A_661 = vector.broadcast %jit3A_640 : i32 to vector<1x256xi32>
    %rem3A_662 = arith.remsi %convert_element_type3A_555, %rem3A_661 : vector<1x256xi32>
    %ne3A_663 = arith.constant 0 : i32
    %ne3A_664 = vector.broadcast %ne3A_663 : i32 to vector<1x256xi32>
    %ne3A_665 = arith.cmpi ne, %rem3A_662, %ne3A_664 : vector<1x256xi32>
    %and3A_666 = arith.andi %ne3A_660, %ne3A_665 : vector<1x256xi1>
    %sub3A_667 = arith.constant 1 : i32
    %sub3A_668 = vector.broadcast %sub3A_667 : i32 to vector<1x256xi32>
    %sub3A_669 = arith.subi %div3A_642, %sub3A_668 : vector<1x256xi32>
    %select_n3A_670 = arith.select %and3A_666, %sub3A_669, %div3A_642 : vector<1x256xi1>, vector<1x256xi32>
    %mul3A_671 = arith.constant 128 : i32
    %mul3A_672 = vector.broadcast %mul3A_671 : i32 to vector<1x256xi32>
    %mul3A_673 = arith.muli %select_n3A_670, %mul3A_672 : vector<1x256xi32>
    %jit3A_674 = arith.constant 8 : i32
    %eq3A_675 = arith.constant 0 : i32
    %eq3A_676 = arith.cmpi eq, %jit3A_674, %eq3A_675 : i32
    %jit3A_677 = arith.constant 1 : i32
    %select_n3A_678 = arith.select %eq3A_676, %jit3A_677, %jit3A_674 : i32
    %rem3A_679 = vector.broadcast %select_n3A_678 : i32 to vector<1x256xi32>
    %rem3A_680 = arith.remsi %convert_element_type3A_555, %rem3A_679 : vector<1x256xi32>
    %ne3A_681 = arith.constant 0 : i32
    %ne3A_682 = vector.broadcast %ne3A_681 : i32 to vector<1x256xi32>
    %ne3A_683 = arith.cmpi ne, %rem3A_680, %ne3A_682 : vector<1x256xi32>
    %lt3A_684 = arith.constant 0 : i32
    %lt3A_685 = vector.broadcast %lt3A_684 : i32 to vector<1x256xi32>
    %lt3A_686 = arith.cmpi slt, %rem3A_680, %lt3A_685 : vector<1x256xi32>
    %lt3A_687 = arith.constant 0 : i32
    %lt3A_688 = arith.cmpi slt, %select_n3A_678, %lt3A_687 : i32
    %ne3A_689 = vector.broadcast %lt3A_688 : i1 to vector<1x256xi1>
    %ne3A_690 = vector.broadcast %ne3A_689 : vector<1x256xi1> to vector<1x256xi1>
    %ne3A_691 = arith.xori %lt3A_686, %ne3A_690 : vector<1x256xi1>
    %and3A_692 = arith.andi %ne3A_691, %ne3A_683 : vector<1x256xi1>
    %add3A_693 = vector.broadcast %select_n3A_678 : i32 to vector<1x256xi32>
    %add3A_694 = arith.addi %rem3A_680, %add3A_693 : vector<1x256xi32>
    %select_n3A_695 = arith.select %and3A_692, %add3A_694, %rem3A_680 : vector<1x256xi1>, vector<1x256xi32>
    %mul3A_696 = arith.constant 4 : i32
    %mul3A_697 = vector.broadcast %mul3A_696 : i32 to vector<1x256xi32>
    %mul3A_698 = arith.muli %select_n3A_695, %mul3A_697 : vector<1x256xi32>
    %add3A_699 = arith.addi %mul3A_673, %mul3A_698 : vector<1x256xi32>
    %add3A_700 = arith.addi %add3A_699, %add3A_635 : vector<1x256xi32>
    %mul3A_701 = arith.constant 1024 : i32
    %mul3A_702 = arith.muli %add3A_639, %mul3A_701 : i32
    %add3A_703 = vector.broadcast %mul3A_702 : i32 to vector<1x256xi32>
    %add3A_704 = arith.addi %add3A_700, %add3A_703 : vector<1x256xi32>
    %swap3A_705 = arith.constant 2 : index
    %swap3A_706 = arith.constant 0 : index
    %swap3A_707 = vector.load %arg4[%swap3A_705, %swap3A_706] : memref<8x256xi32, #tpu.memory_space<vmem>>, vector<1x256xi32>
    tpu.vector_store %arg4[%swap3A_705, %swap3A_706], %add3A_704 {strides = array<i32>} : memref<8x256xi32, #tpu.memory_space<vmem>>, vector<1x256xi32>,
    %get3A_708 = arith.constant 3 : index
    %get3A_709 = arith.constant 0 : index
    %get3A_710 = arith.constant 0 : index
    %get3A_711 = vector.load %arg1[%get3A_708, %get3A_709, %get3A_710] : memref<8x64x384xf32, #tpu.memory_space<vmem>>, vector<1x64x384xf32>
    %get3A_712 = vector.shape_cast %get3A_711 : vector<1x64x384xf32> to vector<64x384xf32>
    %reduce_max3A_713 = arith.constant dense<0xFF800000> : vector<384xf32>
    %reduce_max3A_714 = vector.multi_reduction <maximumf>, %get3A_712, %reduce_max3A_713 [0] : vector<64x384xf32> to vector<384xf32>
    %broadcast_in_dim3A_715 = vector.shape_cast %reduce_max3A_714 : vector<384xf32> to vector<1x384xf32>
    %convert_element_type3A_716 = arith.truncf %broadcast_in_dim3A_715 : vector<1x384xf32> to vector<1x384xbf16>
    %convert_element_type3A_717 = arith.extf %convert_element_type3A_716 : vector<1x384xbf16> to vector<1x384xf32>
    %get3A_718 = arith.constant 3 : index
    %get3A_719 = arith.constant 0 : index
    %get3A_720 = arith.constant 0 : index
    %get3A_721 = vector.load %arg2[%get3A_718, %get3A_719, %get3A_720] : memref<8x1024x384xf32, #tpu.memory_space<vmem>>, vector<1x1024x384xf32>
    %get3A_722 = vector.shape_cast %get3A_721 : vector<1x1024x384xf32> to vector<1024x384xf32>
    %convert_element_type3A_723 = arith.truncf %get3A_722 : vector<1024x384xf32> to vector<1024x384xbf16>
    %get3A_724 = arith.constant 0 : index
    %get3A_725 = arith.constant 0 : index
    %get3A_726 = vector.load %arg3[%get3A_724, %get3A_725] : memref<64x1024xbf16, #tpu.memory_space<vmem>>, vector<64x1024xbf16>
    %dot_general3A_727 = arith.constant dense<0.000000e+00> : vector<64x384xf32>
    %dot_general3A_728 = tpu.matmul %get3A_726, %convert_element_type3A_723, %dot_general3A_727 {dimension_numbers = #tpu.dot_dimension_numbers<[1], [0], [0], [1], [0, 0, 1, 1], [], []>, transpose_lhs_hint = false} : vector<64x1024xbf16>, vector<1024x384xbf16>, vector<64x384xf32> -> vector<64x384xf32>
    %mul3A_729 = vector.broadcast %convert_element_type3A_717 : vector<1x384xf32> to vector<64x384xf32>
    %mul3A_730 = arith.mulf %dot_general3A_728, %mul3A_729 : vector<64x384xf32>
    %reduce_sum3A_731 = arith.constant dense<0.000000e+00> : vector<64xf32>
    %reduce_sum3A_732 = vector.multi_reduction <add>, %mul3A_730, %reduce_sum3A_731 [1] : vector<64x384xf32> to vector<64xf32>
    %broadcast_in_dim3A_733 = vector.shape_cast %reduce_sum3A_732 : vector<64xf32> to vector<64x1xf32>
    %transpose3A_734 = tpu.transpose %broadcast_in_dim3A_733, [1, 0] : vector<64x1xf32> -> vector<1x64xf32>
    %iota3A_735 = tpu.iota {dimensions = array<i32: 0>} : vector<64x64xi32>
    %iota3A_736 = tpu.iota {dimensions = array<i32: 1>} : vector<64x64xi32>
    %gt3A_737 = vector.broadcast %transpose3A_734 : vector<1x64xf32> to vector<64x64xf32>
    %gt3A_738 = vector.broadcast %broadcast_in_dim3A_733 : vector<64x1xf32> to vector<64x64xf32>
    %gt3A_739 = arith.cmpf ogt, %gt3A_737, %gt3A_738 : vector<64x64xf32>
    %eq3A_740 = vector.broadcast %transpose3A_734 : vector<1x64xf32> to vector<64x64xf32>
    %eq3A_741 = vector.broadcast %broadcast_in_dim3A_733 : vector<64x1xf32> to vector<64x64xf32>
    %eq3A_742 = arith.cmpf oeq, %eq3A_740, %eq3A_741 : vector<64x64xf32>
    %lt3A_743 = arith.cmpi slt, %iota3A_736, %iota3A_735 : vector<64x64xi32>
    %and3A_744 = arith.andi %eq3A_742, %lt3A_743 : vector<64x64xi1>
    %or3A_745 = arith.ori %gt3A_739, %and3A_744 : vector<64x64xi1>
    %convert_element_type3A_746 = arith.extui %or3A_745 : vector<64x64xi1> to vector<64x64xi32>
    %reduce_sum3A_747 = arith.constant dense<0> : vector<64xi32>
    %reduce_sum3A_748 = vector.multi_reduction <add>, %convert_element_type3A_746, %reduce_sum3A_747 [1] : vector<64x64xi32> to vector<64xi32>
    %broadcast_in_dim3A_749 = vector.shape_cast %reduce_sum3A_748 : vector<64xi32> to vector<64x1xi32>
    %iota3A_750 = tpu.iota {dimensions = array<i32: 1>} : vector<1x64xi32>
    %eq3A_751 = vector.broadcast %broadcast_in_dim3A_749 : vector<64x1xi32> to vector<64x64xi32>
    %eq3A_752 = vector.broadcast %iota3A_750 : vector<1x64xi32> to vector<64x64xi32>
    %eq3A_753 = arith.cmpi eq, %eq3A_751, %eq3A_752 : vector<64x64xi32>
    %convert_element_type3A_754 = arith.extui %eq3A_753 : vector<64x64xi1> to vector<64x64xi32>
    %convert_element_type3A_755 = arith.sitofp %convert_element_type3A_754 : vector<64x64xi32> to vector<64x64xf32>
    %iota3A_756 = tpu.iota {dimensions = array<i32: 0>} : vector<64x1xi32>
    %convert_element_type3A_757 = arith.sitofp %iota3A_756 : vector<64x1xi32> to vector<64x1xf32>
    %dot_general3A_758 = arith.constant dense<0.000000e+00> : vector<1x64xf32>
    %dot_general3A_759 = tpu.matmul %convert_element_type3A_757, %convert_element_type3A_755, %dot_general3A_758 {dimension_numbers = #tpu.dot_dimension_numbers<[0], [0], [1], [1], [0, 1, 1, 1], [], []>, transpose_lhs_hint = false} : vector<64x1xf32>, vector<64x64xf32>, vector<1x64xf32> -> vector<1x64xf32>
    %slice3A_760 = vector.extract_strided_slice %dot_general3A_759 {offsets = [0, 0], sizes = [1, 16], strides = [1, 1]} : vector<1x64xf32> to vector<1x16xf32>
    %iota3A_761 = tpu.iota {dimensions = array<i32: 1>} : vector<16x256xi32>
    %jit3A_762 = arith.constant 16 : i32
    %div3A_763 = vector.broadcast %jit3A_762 : i32 to vector<16x256xi32>
    %div3A_764 = arith.divsi %iota3A_761, %div3A_763 : vector<16x256xi32>
    %sign3A_765 = arith.constant 0 : i32
    %sign3A_766 = vector.broadcast %sign3A_765 : i32 to vector<16x256xi32>
    %sign3A_767 = arith.cmpi sgt, %iota3A_761, %sign3A_766 : vector<16x256xi32>
    %sign3A_768 = arith.extui %sign3A_767 : vector<16x256xi1> to vector<16x256xi32>
    %sign3A_769 = arith.constant 0 : i32
    %sign3A_770 = vector.broadcast %sign3A_769 : i32 to vector<16x256xi32>
    %sign3A_771 = arith.cmpi slt, %iota3A_761, %sign3A_770 : vector<16x256xi32>
    %sign3A_772 = arith.extui %sign3A_771 : vector<16x256xi1> to vector<16x256xi32>
    %sign3A_773 = arith.subi %sign3A_768, %sign3A_772 : vector<16x256xi32>
    %sign3A_774 = arith.constant 0 : i32
    %sign3A_775 = arith.cmpi sgt, %jit3A_762, %sign3A_774 : i32
    %sign3A_776 = arith.extui %sign3A_775 : i1 to i32
    %sign3A_777 = arith.constant 0 : i32
    %sign3A_778 = arith.cmpi slt, %jit3A_762, %sign3A_777 : i32
    %sign3A_779 = arith.extui %sign3A_778 : i1 to i32
    %sign3A_780 = arith.subi %sign3A_776, %sign3A_779 : i32
    %ne3A_781 = vector.broadcast %sign3A_780 : i32 to vector<16x256xi32>
    %ne3A_782 = arith.cmpi ne, %sign3A_773, %ne3A_781 : vector<16x256xi32>
    %rem3A_783 = vector.broadcast %jit3A_762 : i32 to vector<16x256xi32>
    %rem3A_784 = arith.remsi %iota3A_761, %rem3A_783 : vector<16x256xi32>
    %ne3A_785 = arith.constant 0 : i32
    %ne3A_786 = vector.broadcast %ne3A_785 : i32 to vector<16x256xi32>
    %ne3A_787 = arith.cmpi ne, %rem3A_784, %ne3A_786 : vector<16x256xi32>
    %and3A_788 = arith.andi %ne3A_782, %ne3A_787 : vector<16x256xi1>
    %sub3A_789 = arith.constant 1 : i32
    %sub3A_790 = vector.broadcast %sub3A_789 : i32 to vector<16x256xi32>
    %sub3A_791 = arith.subi %div3A_764, %sub3A_790 : vector<16x256xi32>
    %select_n3A_792 = arith.select %and3A_788, %sub3A_791, %div3A_764 : vector<16x256xi1>, vector<16x256xi32>
    %iota3A_793 = tpu.iota {dimensions = array<i32: 0>} : vector<16x256xi32>
    %eq3A_794 = arith.cmpi eq, %select_n3A_792, %iota3A_793 : vector<16x256xi32>
    %convert_element_type3A_795 = arith.extui %eq3A_794 : vector<16x256xi1> to vector<16x256xi32>
    %convert_element_type3A_796 = arith.sitofp %convert_element_type3A_795 : vector<16x256xi32> to vector<16x256xf32>
    %dot_general3A_797 = arith.constant dense<0.000000e+00> : vector<1x256xf32>
    %dot_general3A_798 = tpu.matmul %slice3A_760, %convert_element_type3A_796, %dot_general3A_797 {dimension_numbers = #tpu.dot_dimension_numbers<[1], [0], [0], [1], [0, 0, 1, 1], [], []>, transpose_lhs_hint = false} : vector<1x16xf32>, vector<16x256xf32>, vector<1x256xf32> -> vector<1x256xf32>
    %convert_element_type3A_799 = arith.fptosi %dot_general3A_798 : vector<1x256xf32> to vector<1x256xi32>
    %iota3A_800 = tpu.iota {dimensions = array<i32: 1>} : vector<1x256xi32>
    %jit3A_801 = arith.constant 16 : i32
    %eq3A_802 = arith.constant 0 : i32
    %eq3A_803 = arith.cmpi eq, %jit3A_801, %eq3A_802 : i32
    %jit3A_804 = arith.constant 1 : i32
    %select_n3A_805 = arith.select %eq3A_803, %jit3A_804, %jit3A_801 : i32
    %rem3A_806 = vector.broadcast %select_n3A_805 : i32 to vector<1x256xi32>
    %rem3A_807 = arith.remsi %iota3A_800, %rem3A_806 : vector<1x256xi32>
    %ne3A_808 = arith.constant 0 : i32
    %ne3A_809 = vector.broadcast %ne3A_808 : i32 to vector<1x256xi32>
    %ne3A_810 = arith.cmpi ne, %rem3A_807, %ne3A_809 : vector<1x256xi32>
    %lt3A_811 = arith.constant 0 : i32
    %lt3A_812 = vector.broadcast %lt3A_811 : i32 to vector<1x256xi32>
    %lt3A_813 = arith.cmpi slt, %rem3A_807, %lt3A_812 : vector<1x256xi32>
    %lt3A_814 = arith.constant 0 : i32
    %lt3A_815 = arith.cmpi slt, %select_n3A_805, %lt3A_814 : i32
    %ne3A_816 = vector.broadcast %lt3A_815 : i1 to vector<1x256xi1>
    %ne3A_817 = vector.broadcast %ne3A_816 : vector<1x256xi1> to vector<1x256xi1>
    %ne3A_818 = arith.xori %lt3A_813, %ne3A_817 : vector<1x256xi1>
    %and3A_819 = arith.andi %ne3A_818, %ne3A_810 : vector<1x256xi1>
    %add3A_820 = vector.broadcast %select_n3A_805 : i32 to vector<1x256xi32>
    %add3A_821 = arith.addi %rem3A_807, %add3A_820 : vector<1x256xi32>
    %select_n3A_822 = arith.select %and3A_819, %add3A_821, %rem3A_807 : vector<1x256xi1>, vector<1x256xi32>
    %jit3A_823 = arith.constant 4 : i32
    %div3A_824 = vector.broadcast %jit3A_823 : i32 to vector<1x256xi32>
    %div3A_825 = arith.divsi %select_n3A_822, %div3A_824 : vector<1x256xi32>
    %sign3A_826 = arith.constant 0 : i32
    %sign3A_827 = vector.broadcast %sign3A_826 : i32 to vector<1x256xi32>
    %sign3A_828 = arith.cmpi sgt, %select_n3A_822, %sign3A_827 : vector<1x256xi32>
    %sign3A_829 = arith.extui %sign3A_828 : vector<1x256xi1> to vector<1x256xi32>
    %sign3A_830 = arith.constant 0 : i32
    %sign3A_831 = vector.broadcast %sign3A_830 : i32 to vector<1x256xi32>
    %sign3A_832 = arith.cmpi slt, %select_n3A_822, %sign3A_831 : vector<1x256xi32>
    %sign3A_833 = arith.extui %sign3A_832 : vector<1x256xi1> to vector<1x256xi32>
    %sign3A_834 = arith.subi %sign3A_829, %sign3A_833 : vector<1x256xi32>
    %sign3A_835 = arith.constant 0 : i32
    %sign3A_836 = arith.cmpi sgt, %jit3A_823, %sign3A_835 : i32
    %sign3A_837 = arith.extui %sign3A_836 : i1 to i32
    %sign3A_838 = arith.constant 0 : i32
    %sign3A_839 = arith.cmpi slt, %jit3A_823, %sign3A_838 : i32
    %sign3A_840 = arith.extui %sign3A_839 : i1 to i32
    %sign3A_841 = arith.subi %sign3A_837, %sign3A_840 : i32
    %ne3A_842 = vector.broadcast %sign3A_841 : i32 to vector<1x256xi32>
    %ne3A_843 = arith.cmpi ne, %sign3A_834, %ne3A_842 : vector<1x256xi32>
    %rem3A_844 = vector.broadcast %jit3A_823 : i32 to vector<1x256xi32>
    %rem3A_845 = arith.remsi %select_n3A_822, %rem3A_844 : vector<1x256xi32>
    %ne3A_846 = arith.constant 0 : i32
    %ne3A_847 = vector.broadcast %ne3A_846 : i32 to vector<1x256xi32>
    %ne3A_848 = arith.cmpi ne, %rem3A_845, %ne3A_847 : vector<1x256xi32>
    %and3A_849 = arith.andi %ne3A_843, %ne3A_848 : vector<1x256xi1>
    %sub3A_850 = arith.constant 1 : i32
    %sub3A_851 = vector.broadcast %sub3A_850 : i32 to vector<1x256xi32>
    %sub3A_852 = arith.subi %div3A_825, %sub3A_851 : vector<1x256xi32>
    %select_n3A_853 = arith.select %and3A_849, %sub3A_852, %div3A_825 : vector<1x256xi1>, vector<1x256xi32>
    %mul3A_854 = arith.constant 32 : i32
    %mul3A_855 = vector.broadcast %mul3A_854 : i32 to vector<1x256xi32>
    %mul3A_856 = arith.muli %select_n3A_853, %mul3A_855 : vector<1x256xi32>
    %jit3A_857 = arith.constant 4 : i32
    %eq3A_858 = arith.constant 0 : i32
    %eq3A_859 = arith.cmpi eq, %jit3A_857, %eq3A_858 : i32
    %jit3A_860 = arith.constant 1 : i32
    %select_n3A_861 = arith.select %eq3A_859, %jit3A_860, %jit3A_857 : i32
    %rem3A_862 = vector.broadcast %select_n3A_861 : i32 to vector<1x256xi32>
    %rem3A_863 = arith.remsi %iota3A_800, %rem3A_862 : vector<1x256xi32>
    %ne3A_864 = arith.constant 0 : i32
    %ne3A_865 = vector.broadcast %ne3A_864 : i32 to vector<1x256xi32>
    %ne3A_866 = arith.cmpi ne, %rem3A_863, %ne3A_865 : vector<1x256xi32>
    %lt3A_867 = arith.constant 0 : i32
    %lt3A_868 = vector.broadcast %lt3A_867 : i32 to vector<1x256xi32>
    %lt3A_869 = arith.cmpi slt, %rem3A_863, %lt3A_868 : vector<1x256xi32>
    %lt3A_870 = arith.constant 0 : i32
    %lt3A_871 = arith.cmpi slt, %select_n3A_861, %lt3A_870 : i32
    %ne3A_872 = vector.broadcast %lt3A_871 : i1 to vector<1x256xi1>
    %ne3A_873 = vector.broadcast %ne3A_872 : vector<1x256xi1> to vector<1x256xi1>
    %ne3A_874 = arith.xori %lt3A_869, %ne3A_873 : vector<1x256xi1>
    %and3A_875 = arith.andi %ne3A_874, %ne3A_866 : vector<1x256xi1>
    %add3A_876 = vector.broadcast %select_n3A_861 : i32 to vector<1x256xi32>
    %add3A_877 = arith.addi %rem3A_863, %add3A_876 : vector<1x256xi32>
    %select_n3A_878 = arith.select %and3A_875, %add3A_877, %rem3A_863 : vector<1x256xi1>, vector<1x256xi32>
    %add3A_879 = arith.addi %mul3A_856, %select_n3A_878 : vector<1x256xi32>
    %mul3A_880 = arith.constant 8 : i32
    %mul3A_881 = arith.muli %arg0, %mul3A_880 : i32
    %add3A_882 = arith.constant 3 : i32
    %add3A_883 = arith.addi %mul3A_881, %add3A_882 : i32
    %jit3A_884 = arith.constant 8 : i32
    %div3A_885 = vector.broadcast %jit3A_884 : i32 to vector<1x256xi32>
    %div3A_886 = arith.divsi %convert_element_type3A_799, %div3A_885 : vector<1x256xi32>
    %sign3A_887 = arith.constant 0 : i32
    %sign3A_888 = vector.broadcast %sign3A_887 : i32 to vector<1x256xi32>
    %sign3A_889 = arith.cmpi sgt, %convert_element_type3A_799, %sign3A_888 : vector<1x256xi32>
    %sign3A_890 = arith.extui %sign3A_889 : vector<1x256xi1> to vector<1x256xi32>
    %sign3A_891 = arith.constant 0 : i32
    %sign3A_892 = vector.broadcast %sign3A_891 : i32 to vector<1x256xi32>
    %sign3A_893 = arith.cmpi slt, %convert_element_type3A_799, %sign3A_892 : vector<1x256xi32>
    %sign3A_894 = arith.extui %sign3A_893 : vector<1x256xi1> to vector<1x256xi32>
    %sign3A_895 = arith.subi %sign3A_890, %sign3A_894 : vector<1x256xi32>
    %sign3A_896 = arith.constant 0 : i32
    %sign3A_897 = arith.cmpi sgt, %jit3A_884, %sign3A_896 : i32
    %sign3A_898 = arith.extui %sign3A_897 : i1 to i32
    %sign3A_899 = arith.constant 0 : i32
    %sign3A_900 = arith.cmpi slt, %jit3A_884, %sign3A_899 : i32
    %sign3A_901 = arith.extui %sign3A_900 : i1 to i32
    %sign3A_902 = arith.subi %sign3A_898, %sign3A_901 : i32
    %ne3A_903 = vector.broadcast %sign3A_902 : i32 to vector<1x256xi32>
    %ne3A_904 = arith.cmpi ne, %sign3A_895, %ne3A_903 : vector<1x256xi32>
    %rem3A_905 = vector.broadcast %jit3A_884 : i32 to vector<1x256xi32>
    %rem3A_906 = arith.remsi %convert_element_type3A_799, %rem3A_905 : vector<1x256xi32>
    %ne3A_907 = arith.constant 0 : i32
    %ne3A_908 = vector.broadcast %ne3A_907 : i32 to vector<1x256xi32>
    %ne3A_909 = arith.cmpi ne, %rem3A_906, %ne3A_908 : vector<1x256xi32>
    %and3A_910 = arith.andi %ne3A_904, %ne3A_909 : vector<1x256xi1>
    %sub3A_911 = arith.constant 1 : i32
    %sub3A_912 = vector.broadcast %sub3A_911 : i32 to vector<1x256xi32>
    %sub3A_913 = arith.subi %div3A_886, %sub3A_912 : vector<1x256xi32>
    %select_n3A_914 = arith.select %and3A_910, %sub3A_913, %div3A_886 : vector<1x256xi1>, vector<1x256xi32>
    %mul3A_915 = arith.constant 128 : i32
    %mul3A_916 = vector.broadcast %mul3A_915 : i32 to vector<1x256xi32>
    %mul3A_917 = arith.muli %select_n3A_914, %mul3A_916 : vector<1x256xi32>
    %jit3A_918 = arith.constant 8 : i32
    %eq3A_919 = arith.constant 0 : i32
    %eq3A_920 = arith.cmpi eq, %jit3A_918, %eq3A_919 : i32
    %jit3A_921 = arith.constant 1 : i32
    %select_n3A_922 = arith.select %eq3A_920, %jit3A_921, %jit3A_918 : i32
    %rem3A_923 = vector.broadcast %select_n3A_922 : i32 to vector<1x256xi32>
    %rem3A_924 = arith.remsi %convert_element_type3A_799, %rem3A_923 : vector<1x256xi32>
    %ne3A_925 = arith.constant 0 : i32
    %ne3A_926 = vector.broadcast %ne3A_925 : i32 to vector<1x256xi32>
    %ne3A_927 = arith.cmpi ne, %rem3A_924, %ne3A_926 : vector<1x256xi32>
    %lt3A_928 = arith.constant 0 : i32
    %lt3A_929 = vector.broadcast %lt3A_928 : i32 to vector<1x256xi32>
    %lt3A_930 = arith.cmpi slt, %rem3A_924, %lt3A_929 : vector<1x256xi32>
    %lt3A_931 = arith.constant 0 : i32
    %lt3A_932 = arith.cmpi slt, %select_n3A_922, %lt3A_931 : i32
    %ne3A_933 = vector.broadcast %lt3A_932 : i1 to vector<1x256xi1>
    %ne3A_934 = vector.broadcast %ne3A_933 : vector<1x256xi1> to vector<1x256xi1>
    %ne3A_935 = arith.xori %lt3A_930, %ne3A_934 : vector<1x256xi1>
    %and3A_936 = arith.andi %ne3A_935, %ne3A_927 : vector<1x256xi1>
    %add3A_937 = vector.broadcast %select_n3A_922 : i32 to vector<1x256xi32>
    %add3A_938 = arith.addi %rem3A_924, %add3A_937 : vector<1x256xi32>
    %select_n3A_939 = arith.select %and3A_936, %add3A_938, %rem3A_924 : vector<1x256xi1>, vector<1x256xi32>
    %mul3A_940 = arith.constant 4 : i32
    %mul3A_941 = vector.broadcast %mul3A_940 : i32 to vector<1x256xi32>
    %mul3A_942 = arith.muli %select_n3A_939, %mul3A_941 : vector<1x256xi32>
    %add3A_943 = arith.addi %mul3A_917, %mul3A_942 : vector<1x256xi32>
    %add3A_944 = arith.addi %add3A_943, %add3A_879 : vector<1x256xi32>
    %mul3A_945 = arith.constant 1024 : i32
    %mul3A_946 = arith.muli %add3A_883, %mul3A_945 : i32
    %add3A_947 = vector.broadcast %mul3A_946 : i32 to vector<1x256xi32>
    %add3A_948 = arith.addi %add3A_944, %add3A_947 : vector<1x256xi32>
    %swap3A_949 = arith.constant 3 : index
    %swap3A_950 = arith.constant 0 : index
    %swap3A_951 = vector.load %arg4[%swap3A_949, %swap3A_950] : memref<8x256xi32, #tpu.memory_space<vmem>>, vector<1x256xi32>
    tpu.vector_store %arg4[%swap3A_949, %swap3A_950], %add3A_948 {strides = array<i32>} : memref<8x256xi32, #tpu.memory_space<vmem>>, vector<1x256xi32>,
    %get3A_952 = arith.constant 4 : index
    %get3A_953 = arith.constant 0 : index
    %get3A_954 = arith.constant 0 : index
    %get3A_955 = vector.load %arg1[%get3A_952, %get3A_953, %get3A_954] : memref<8x64x384xf32, #tpu.memory_space<vmem>>, vector<1x64x384xf32>
    %get3A_956 = vector.shape_cast %get3A_955 : vector<1x64x384xf32> to vector<64x384xf32>
    %reduce_max3A_957 = arith.constant dense<0xFF800000> : vector<384xf32>
    %reduce_max3A_958 = vector.multi_reduction <maximumf>, %get3A_956, %reduce_max3A_957 [0] : vector<64x384xf32> to vector<384xf32>
    %broadcast_in_dim3A_959 = vector.shape_cast %reduce_max3A_958 : vector<384xf32> to vector<1x384xf32>
    %convert_element_type3A_960 = arith.truncf %broadcast_in_dim3A_959 : vector<1x384xf32> to vector<1x384xbf16>
    %convert_element_type3A_961 = arith.extf %convert_element_type3A_960 : vector<1x384xbf16> to vector<1x384xf32>
    %get3A_962 = arith.constant 4 : index
    %get3A_963 = arith.constant 0 : index
    %get3A_964 = arith.constant 0 : index
    %get3A_965 = vector.load %arg2[%get3A_962, %get3A_963, %get3A_964] : memref<8x1024x384xf32, #tpu.memory_space<vmem>>, vector<1x1024x384xf32>
    %get3A_966 = vector.shape_cast %get3A_965 : vector<1x1024x384xf32> to vector<1024x384xf32>
    %convert_element_type3A_967 = arith.truncf %get3A_966 : vector<1024x384xf32> to vector<1024x384xbf16>
    %get3A_968 = arith.constant 0 : index
    %get3A_969 = arith.constant 0 : index
    %get3A_970 = vector.load %arg3[%get3A_968, %get3A_969] : memref<64x1024xbf16, #tpu.memory_space<vmem>>, vector<64x1024xbf16>
    %dot_general3A_971 = arith.constant dense<0.000000e+00> : vector<64x384xf32>
    %dot_general3A_972 = tpu.matmul %get3A_970, %convert_element_type3A_967, %dot_general3A_971 {dimension_numbers = #tpu.dot_dimension_numbers<[1], [0], [0], [1], [0, 0, 1, 1], [], []>, transpose_lhs_hint = false} : vector<64x1024xbf16>, vector<1024x384xbf16>, vector<64x384xf32> -> vector<64x384xf32>
    %mul3A_973 = vector.broadcast %convert_element_type3A_961 : vector<1x384xf32> to vector<64x384xf32>
    %mul3A_974 = arith.mulf %dot_general3A_972, %mul3A_973 : vector<64x384xf32>
    %reduce_sum3A_975 = arith.constant dense<0.000000e+00> : vector<64xf32>
    %reduce_sum3A_976 = vector.multi_reduction <add>, %mul3A_974, %reduce_sum3A_975 [1] : vector<64x384xf32> to vector<64xf32>
    %broadcast_in_dim3A_977 = vector.shape_cast %reduce_sum3A_976 : vector<64xf32> to vector<64x1xf32>
    %transpose3A_978 = tpu.transpose %broadcast_in_dim3A_977, [1, 0] : vector<64x1xf32> -> vector<1x64xf32>
    %iota3A_979 = tpu.iota {dimensions = array<i32: 0>} : vector<64x64xi32>
    %iota3A_980 = tpu.iota {dimensions = array<i32: 1>} : vector<64x64xi32>
    %gt3A_981 = vector.broadcast %transpose3A_978 : vector<1x64xf32> to vector<64x64xf32>
    %gt3A_982 = vector.broadcast %broadcast_in_dim3A_977 : vector<64x1xf32> to vector<64x64xf32>
    %gt3A_983 = arith.cmpf ogt, %gt3A_981, %gt3A_982 : vector<64x64xf32>
    %eq3A_984 = vector.broadcast %transpose3A_978 : vector<1x64xf32> to vector<64x64xf32>
    %eq3A_985 = vector.broadcast %broadcast_in_dim3A_977 : vector<64x1xf32> to vector<64x64xf32>
    %eq3A_986 = arith.cmpf oeq, %eq3A_984, %eq3A_985 : vector<64x64xf32>
    %lt3A_987 = arith.cmpi slt, %iota3A_980, %iota3A_979 : vector<64x64xi32>
    %and3A_988 = arith.andi %eq3A_986, %lt3A_987 : vector<64x64xi1>
    %or3A_989 = arith.ori %gt3A_983, %and3A_988 : vector<64x64xi1>
    %convert_element_type3A_990 = arith.extui %or3A_989 : vector<64x64xi1> to vector<64x64xi32>
    %reduce_sum3A_991 = arith.constant dense<0> : vector<64xi32>
    %reduce_sum3A_992 = vector.multi_reduction <add>, %convert_element_type3A_990, %reduce_sum3A_991 [1] : vector<64x64xi32> to vector<64xi32>
    %broadcast_in_dim3A_993 = vector.shape_cast %reduce_sum3A_992 : vector<64xi32> to vector<64x1xi32>
    %iota3A_994 = tpu.iota {dimensions = array<i32: 1>} : vector<1x64xi32>
    %eq3A_995 = vector.broadcast %broadcast_in_dim3A_993 : vector<64x1xi32> to vector<64x64xi32>
    %eq3A_996 = vector.broadcast %iota3A_994 : vector<1x64xi32> to vector<64x64xi32>
    %eq3A_997 = arith.cmpi eq, %eq3A_995, %eq3A_996 : vector<64x64xi32>
    %convert_element_type3A_998 = arith.extui %eq3A_997 : vector<64x64xi1> to vector<64x64xi32>
    %convert_element_type3A_999 = arith.sitofp %convert_element_type3A_998 : vector<64x64xi32> to vector<64x64xf32>
    %iota3A_1000 = tpu.iota {dimensions = array<i32: 0>} : vector<64x1xi32>
    %convert_element_type3A_1001 = arith.sitofp %iota3A_1000 : vector<64x1xi32> to vector<64x1xf32>
    %dot_general3A_1002 = arith.constant dense<0.000000e+00> : vector<1x64xf32>
    %dot_general3A_1003 = tpu.matmul %convert_element_type3A_1001, %convert_element_type3A_999, %dot_general3A_1002 {dimension_numbers = #tpu.dot_dimension_numbers<[0], [0], [1], [1], [0, 1, 1, 1], [], []>, transpose_lhs_hint = false} : vector<64x1xf32>, vector<64x64xf32>, vector<1x64xf32> -> vector<1x64xf32>
    %slice3A_1004 = vector.extract_strided_slice %dot_general3A_1003 {offsets = [0, 0], sizes = [1, 16], strides = [1, 1]} : vector<1x64xf32> to vector<1x16xf32>
    %iota3A_1005 = tpu.iota {dimensions = array<i32: 1>} : vector<16x256xi32>
    %jit3A_1006 = arith.constant 16 : i32
    %div3A_1007 = vector.broadcast %jit3A_1006 : i32 to vector<16x256xi32>
    %div3A_1008 = arith.divsi %iota3A_1005, %div3A_1007 : vector<16x256xi32>
    %sign3A_1009 = arith.constant 0 : i32
    %sign3A_1010 = vector.broadcast %sign3A_1009 : i32 to vector<16x256xi32>
    %sign3A_1011 = arith.cmpi sgt, %iota3A_1005, %sign3A_1010 : vector<16x256xi32>
    %sign3A_1012 = arith.extui %sign3A_1011 : vector<16x256xi1> to vector<16x256xi32>
    %sign3A_1013 = arith.constant 0 : i32
    %sign3A_1014 = vector.broadcast %sign3A_1013 : i32 to vector<16x256xi32>
    %sign3A_1015 = arith.cmpi slt, %iota3A_1005, %sign3A_1014 : vector<16x256xi32>
    %sign3A_1016 = arith.extui %sign3A_1015 : vector<16x256xi1> to vector<16x256xi32>
    %sign3A_1017 = arith.subi %sign3A_1012, %sign3A_1016 : vector<16x256xi32>
    %sign3A_1018 = arith.constant 0 : i32
    %sign3A_1019 = arith.cmpi sgt, %jit3A_1006, %sign3A_1018 : i32
    %sign3A_1020 = arith.extui %sign3A_1019 : i1 to i32
    %sign3A_1021 = arith.constant 0 : i32
    %sign3A_1022 = arith.cmpi slt, %jit3A_1006, %sign3A_1021 : i32
    %sign3A_1023 = arith.extui %sign3A_1022 : i1 to i32
    %sign3A_1024 = arith.subi %sign3A_1020, %sign3A_1023 : i32
    %ne3A_1025 = vector.broadcast %sign3A_1024 : i32 to vector<16x256xi32>
    %ne3A_1026 = arith.cmpi ne, %sign3A_1017, %ne3A_1025 : vector<16x256xi32>
    %rem3A_1027 = vector.broadcast %jit3A_1006 : i32 to vector<16x256xi32>
    %rem3A_1028 = arith.remsi %iota3A_1005, %rem3A_1027 : vector<16x256xi32>
    %ne3A_1029 = arith.constant 0 : i32
    %ne3A_1030 = vector.broadcast %ne3A_1029 : i32 to vector<16x256xi32>
    %ne3A_1031 = arith.cmpi ne, %rem3A_1028, %ne3A_1030 : vector<16x256xi32>
    %and3A_1032 = arith.andi %ne3A_1026, %ne3A_1031 : vector<16x256xi1>
    %sub3A_1033 = arith.constant 1 : i32
    %sub3A_1034 = vector.broadcast %sub3A_1033 : i32 to vector<16x256xi32>
    %sub3A_1035 = arith.subi %div3A_1008, %sub3A_1034 : vector<16x256xi32>
    %select_n3A_1036 = arith.select %and3A_1032, %sub3A_1035, %div3A_1008 : vector<16x256xi1>, vector<16x256xi32>
    %iota3A_1037 = tpu.iota {dimensions = array<i32: 0>} : vector<16x256xi32>
    %eq3A_1038 = arith.cmpi eq, %select_n3A_1036, %iota3A_1037 : vector<16x256xi32>
    %convert_element_type3A_1039 = arith.extui %eq3A_1038 : vector<16x256xi1> to vector<16x256xi32>
    %convert_element_type3A_1040 = arith.sitofp %convert_element_type3A_1039 : vector<16x256xi32> to vector<16x256xf32>
    %dot_general3A_1041 = arith.constant dense<0.000000e+00> : vector<1x256xf32>
    %dot_general3A_1042 = tpu.matmul %slice3A_1004, %convert_element_type3A_1040, %dot_general3A_1041 {dimension_numbers = #tpu.dot_dimension_numbers<[1], [0], [0], [1], [0, 0, 1, 1], [], []>, transpose_lhs_hint = false} : vector<1x16xf32>, vector<16x256xf32>, vector<1x256xf32> -> vector<1x256xf32>
    %convert_element_type3A_1043 = arith.fptosi %dot_general3A_1042 : vector<1x256xf32> to vector<1x256xi32>
    %iota3A_1044 = tpu.iota {dimensions = array<i32: 1>} : vector<1x256xi32>
    %jit3A_1045 = arith.constant 16 : i32
    %eq3A_1046 = arith.constant 0 : i32
    %eq3A_1047 = arith.cmpi eq, %jit3A_1045, %eq3A_1046 : i32
    %jit3A_1048 = arith.constant 1 : i32
    %select_n3A_1049 = arith.select %eq3A_1047, %jit3A_1048, %jit3A_1045 : i32
    %rem3A_1050 = vector.broadcast %select_n3A_1049 : i32 to vector<1x256xi32>
    %rem3A_1051 = arith.remsi %iota3A_1044, %rem3A_1050 : vector<1x256xi32>
    %ne3A_1052 = arith.constant 0 : i32
    %ne3A_1053 = vector.broadcast %ne3A_1052 : i32 to vector<1x256xi32>
    %ne3A_1054 = arith.cmpi ne, %rem3A_1051, %ne3A_1053 : vector<1x256xi32>
    %lt3A_1055 = arith.constant 0 : i32
    %lt3A_1056 = vector.broadcast %lt3A_1055 : i32 to vector<1x256xi32>
    %lt3A_1057 = arith.cmpi slt, %rem3A_1051, %lt3A_1056 : vector<1x256xi32>
    %lt3A_1058 = arith.constant 0 : i32
    %lt3A_1059 = arith.cmpi slt, %select_n3A_1049, %lt3A_1058 : i32
    %ne3A_1060 = vector.broadcast %lt3A_1059 : i1 to vector<1x256xi1>
    %ne3A_1061 = vector.broadcast %ne3A_1060 : vector<1x256xi1> to vector<1x256xi1>
    %ne3A_1062 = arith.xori %lt3A_1057, %ne3A_1061 : vector<1x256xi1>
    %and3A_1063 = arith.andi %ne3A_1062, %ne3A_1054 : vector<1x256xi1>
    %add3A_1064 = vector.broadcast %select_n3A_1049 : i32 to vector<1x256xi32>
    %add3A_1065 = arith.addi %rem3A_1051, %add3A_1064 : vector<1x256xi32>
    %select_n3A_1066 = arith.select %and3A_1063, %add3A_1065, %rem3A_1051 : vector<1x256xi1>, vector<1x256xi32>
    %jit3A_1067 = arith.constant 4 : i32
    %div3A_1068 = vector.broadcast %jit3A_1067 : i32 to vector<1x256xi32>
    %div3A_1069 = arith.divsi %select_n3A_1066, %div3A_1068 : vector<1x256xi32>
    %sign3A_1070 = arith.constant 0 : i32
    %sign3A_1071 = vector.broadcast %sign3A_1070 : i32 to vector<1x256xi32>
    %sign3A_1072 = arith.cmpi sgt, %select_n3A_1066, %sign3A_1071 : vector<1x256xi32>
    %sign3A_1073 = arith.extui %sign3A_1072 : vector<1x256xi1> to vector<1x256xi32>
    %sign3A_1074 = arith.constant 0 : i32
    %sign3A_1075 = vector.broadcast %sign3A_1074 : i32 to vector<1x256xi32>
    %sign3A_1076 = arith.cmpi slt, %select_n3A_1066, %sign3A_1075 : vector<1x256xi32>
    %sign3A_1077 = arith.extui %sign3A_1076 : vector<1x256xi1> to vector<1x256xi32>
    %sign3A_1078 = arith.subi %sign3A_1073, %sign3A_1077 : vector<1x256xi32>
    %sign3A_1079 = arith.constant 0 : i32
    %sign3A_1080 = arith.cmpi sgt, %jit3A_1067, %sign3A_1079 : i32
    %sign3A_1081 = arith.extui %sign3A_1080 : i1 to i32
    %sign3A_1082 = arith.constant 0 : i32
    %sign3A_1083 = arith.cmpi slt, %jit3A_1067, %sign3A_1082 : i32
    %sign3A_1084 = arith.extui %sign3A_1083 : i1 to i32
    %sign3A_1085 = arith.subi %sign3A_1081, %sign3A_1084 : i32
    %ne3A_1086 = vector.broadcast %sign3A_1085 : i32 to vector<1x256xi32>
    %ne3A_1087 = arith.cmpi ne, %sign3A_1078, %ne3A_1086 : vector<1x256xi32>
    %rem3A_1088 = vector.broadcast %jit3A_1067 : i32 to vector<1x256xi32>
    %rem3A_1089 = arith.remsi %select_n3A_1066, %rem3A_1088 : vector<1x256xi32>
    %ne3A_1090 = arith.constant 0 : i32
    %ne3A_1091 = vector.broadcast %ne3A_1090 : i32 to vector<1x256xi32>
    %ne3A_1092 = arith.cmpi ne, %rem3A_1089, %ne3A_1091 : vector<1x256xi32>
    %and3A_1093 = arith.andi %ne3A_1087, %ne3A_1092 : vector<1x256xi1>
    %sub3A_1094 = arith.constant 1 : i32
    %sub3A_1095 = vector.broadcast %sub3A_1094 : i32 to vector<1x256xi32>
    %sub3A_1096 = arith.subi %div3A_1069, %sub3A_1095 : vector<1x256xi32>
    %select_n3A_1097 = arith.select %and3A_1093, %sub3A_1096, %div3A_1069 : vector<1x256xi1>, vector<1x256xi32>
    %mul3A_1098 = arith.constant 32 : i32
    %mul3A_1099 = vector.broadcast %mul3A_1098 : i32 to vector<1x256xi32>
    %mul3A_1100 = arith.muli %select_n3A_1097, %mul3A_1099 : vector<1x256xi32>
    %jit3A_1101 = arith.constant 4 : i32
    %eq3A_1102 = arith.constant 0 : i32
    %eq3A_1103 = arith.cmpi eq, %jit3A_1101, %eq3A_1102 : i32
    %jit3A_1104 = arith.constant 1 : i32
    %select_n3A_1105 = arith.select %eq3A_1103, %jit3A_1104, %jit3A_1101 : i32
    %rem3A_1106 = vector.broadcast %select_n3A_1105 : i32 to vector<1x256xi32>
    %rem3A_1107 = arith.remsi %iota3A_1044, %rem3A_1106 : vector<1x256xi32>
    %ne3A_1108 = arith.constant 0 : i32
    %ne3A_1109 = vector.broadcast %ne3A_1108 : i32 to vector<1x256xi32>
    %ne3A_1110 = arith.cmpi ne, %rem3A_1107, %ne3A_1109 : vector<1x256xi32>
    %lt3A_1111 = arith.constant 0 : i32
    %lt3A_1112 = vector.broadcast %lt3A_1111 : i32 to vector<1x256xi32>
    %lt3A_1113 = arith.cmpi slt, %rem3A_1107, %lt3A_1112 : vector<1x256xi32>
    %lt3A_1114 = arith.constant 0 : i32
    %lt3A_1115 = arith.cmpi slt, %select_n3A_1105, %lt3A_1114 : i32
    %ne3A_1116 = vector.broadcast %lt3A_1115 : i1 to vector<1x256xi1>
    %ne3A_1117 = vector.broadcast %ne3A_1116 : vector<1x256xi1> to vector<1x256xi1>
    %ne3A_1118 = arith.xori %lt3A_1113, %ne3A_1117 : vector<1x256xi1>
    %and3A_1119 = arith.andi %ne3A_1118, %ne3A_1110 : vector<1x256xi1>
    %add3A_1120 = vector.broadcast %select_n3A_1105 : i32 to vector<1x256xi32>
    %add3A_1121 = arith.addi %rem3A_1107, %add3A_1120 : vector<1x256xi32>
    %select_n3A_1122 = arith.select %and3A_1119, %add3A_1121, %rem3A_1107 : vector<1x256xi1>, vector<1x256xi32>
    %add3A_1123 = arith.addi %mul3A_1100, %select_n3A_1122 : vector<1x256xi32>
    %mul3A_1124 = arith.constant 8 : i32
    %mul3A_1125 = arith.muli %arg0, %mul3A_1124 : i32
    %add3A_1126 = arith.constant 4 : i32
    %add3A_1127 = arith.addi %mul3A_1125, %add3A_1126 : i32
    %jit3A_1128 = arith.constant 8 : i32
    %div3A_1129 = vector.broadcast %jit3A_1128 : i32 to vector<1x256xi32>
    %div3A_1130 = arith.divsi %convert_element_type3A_1043, %div3A_1129 : vector<1x256xi32>
    %sign3A_1131 = arith.constant 0 : i32
    %sign3A_1132 = vector.broadcast %sign3A_1131 : i32 to vector<1x256xi32>
    %sign3A_1133 = arith.cmpi sgt, %convert_element_type3A_1043, %sign3A_1132 : vector<1x256xi32>
    %sign3A_1134 = arith.extui %sign3A_1133 : vector<1x256xi1> to vector<1x256xi32>
    %sign3A_1135 = arith.constant 0 : i32
    %sign3A_1136 = vector.broadcast %sign3A_1135 : i32 to vector<1x256xi32>
    %sign3A_1137 = arith.cmpi slt, %convert_element_type3A_1043, %sign3A_1136 : vector<1x256xi32>
    %sign3A_1138 = arith.extui %sign3A_1137 : vector<1x256xi1> to vector<1x256xi32>
    %sign3A_1139 = arith.subi %sign3A_1134, %sign3A_1138 : vector<1x256xi32>
    %sign3A_1140 = arith.constant 0 : i32
    %sign3A_1141 = arith.cmpi sgt, %jit3A_1128, %sign3A_1140 : i32
    %sign3A_1142 = arith.extui %sign3A_1141 : i1 to i32
    %sign3A_1143 = arith.constant 0 : i32
    %sign3A_1144 = arith.cmpi slt, %jit3A_1128, %sign3A_1143 : i32
    %sign3A_1145 = arith.extui %sign3A_1144 : i1 to i32
    %sign3A_1146 = arith.subi %sign3A_1142, %sign3A_1145 : i32
    %ne3A_1147 = vector.broadcast %sign3A_1146 : i32 to vector<1x256xi32>
    %ne3A_1148 = arith.cmpi ne, %sign3A_1139, %ne3A_1147 : vector<1x256xi32>
    %rem3A_1149 = vector.broadcast %jit3A_1128 : i32 to vector<1x256xi32>
    %rem3A_1150 = arith.remsi %convert_element_type3A_1043, %rem3A_1149 : vector<1x256xi32>
    %ne3A_1151 = arith.constant 0 : i32
    %ne3A_1152 = vector.broadcast %ne3A_1151 : i32 to vector<1x256xi32>
    %ne3A_1153 = arith.cmpi ne, %rem3A_1150, %ne3A_1152 : vector<1x256xi32>
    %and3A_1154 = arith.andi %ne3A_1148, %ne3A_1153 : vector<1x256xi1>
    %sub3A_1155 = arith.constant 1 : i32
    %sub3A_1156 = vector.broadcast %sub3A_1155 : i32 to vector<1x256xi32>
    %sub3A_1157 = arith.subi %div3A_1130, %sub3A_1156 : vector<1x256xi32>
    %select_n3A_1158 = arith.select %and3A_1154, %sub3A_1157, %div3A_1130 : vector<1x256xi1>, vector<1x256xi32>
    %mul3A_1159 = arith.constant 128 : i32
    %mul3A_1160 = vector.broadcast %mul3A_1159 : i32 to vector<1x256xi32>
    %mul3A_1161 = arith.muli %select_n3A_1158, %mul3A_1160 : vector<1x256xi32>
    %jit3A_1162 = arith.constant 8 : i32
    %eq3A_1163 = arith.constant 0 : i32
    %eq3A_1164 = arith.cmpi eq, %jit3A_1162, %eq3A_1163 : i32
    %jit3A_1165 = arith.constant 1 : i32
    %select_n3A_1166 = arith.select %eq3A_1164, %jit3A_1165, %jit3A_1162 : i32
    %rem3A_1167 = vector.broadcast %select_n3A_1166 : i32 to vector<1x256xi32>
    %rem3A_1168 = arith.remsi %convert_element_type3A_1043, %rem3A_1167 : vector<1x256xi32>
    %ne3A_1169 = arith.constant 0 : i32
    %ne3A_1170 = vector.broadcast %ne3A_1169 : i32 to vector<1x256xi32>
    %ne3A_1171 = arith.cmpi ne, %rem3A_1168, %ne3A_1170 : vector<1x256xi32>
    %lt3A_1172 = arith.constant 0 : i32
    %lt3A_1173 = vector.broadcast %lt3A_1172 : i32 to vector<1x256xi32>
    %lt3A_1174 = arith.cmpi slt, %rem3A_1168, %lt3A_1173 : vector<1x256xi32>
    %lt3A_1175 = arith.constant 0 : i32
    %lt3A_1176 = arith.cmpi slt, %select_n3A_1166, %lt3A_1175 : i32
    %ne3A_1177 = vector.broadcast %lt3A_1176 : i1 to vector<1x256xi1>
    %ne3A_1178 = vector.broadcast %ne3A_1177 : vector<1x256xi1> to vector<1x256xi1>
    %ne3A_1179 = arith.xori %lt3A_1174, %ne3A_1178 : vector<1x256xi1>
    %and3A_1180 = arith.andi %ne3A_1179, %ne3A_1171 : vector<1x256xi1>
    %add3A_1181 = vector.broadcast %select_n3A_1166 : i32 to vector<1x256xi32>
    %add3A_1182 = arith.addi %rem3A_1168, %add3A_1181 : vector<1x256xi32>
    %select_n3A_1183 = arith.select %and3A_1180, %add3A_1182, %rem3A_1168 : vector<1x256xi1>, vector<1x256xi32>
    %mul3A_1184 = arith.constant 4 : i32
    %mul3A_1185 = vector.broadcast %mul3A_1184 : i32 to vector<1x256xi32>
    %mul3A_1186 = arith.muli %select_n3A_1183, %mul3A_1185 : vector<1x256xi32>
    %add3A_1187 = arith.addi %mul3A_1161, %mul3A_1186 : vector<1x256xi32>
    %add3A_1188 = arith.addi %add3A_1187, %add3A_1123 : vector<1x256xi32>
    %mul3A_1189 = arith.constant 1024 : i32
    %mul3A_1190 = arith.muli %add3A_1127, %mul3A_1189 : i32
    %add3A_1191 = vector.broadcast %mul3A_1190 : i32 to vector<1x256xi32>
    %add3A_1192 = arith.addi %add3A_1188, %add3A_1191 : vector<1x256xi32>
    %swap3A_1193 = arith.constant 4 : index
    %swap3A_1194 = arith.constant 0 : index
    %swap3A_1195 = vector.load %arg4[%swap3A_1193, %swap3A_1194] : memref<8x256xi32, #tpu.memory_space<vmem>>, vector<1x256xi32>
    tpu.vector_store %arg4[%swap3A_1193, %swap3A_1194], %add3A_1192 {strides = array<i32>} : memref<8x256xi32, #tpu.memory_space<vmem>>, vector<1x256xi32>,
    %get3A_1196 = arith.constant 5 : index
    %get3A_1197 = arith.constant 0 : index
    %get3A_1198 = arith.constant 0 : index
    %get3A_1199 = vector.load %arg1[%get3A_1196, %get3A_1197, %get3A_1198] : memref<8x64x384xf32, #tpu.memory_space<vmem>>, vector<1x64x384xf32>
    %get3A_1200 = vector.shape_cast %get3A_1199 : vector<1x64x384xf32> to vector<64x384xf32>
    %reduce_max3A_1201 = arith.constant dense<0xFF800000> : vector<384xf32>
    %reduce_max3A_1202 = vector.multi_reduction <maximumf>, %get3A_1200, %reduce_max3A_1201 [0] : vector<64x384xf32> to vector<384xf32>
    %broadcast_in_dim3A_1203 = vector.shape_cast %reduce_max3A_1202 : vector<384xf32> to vector<1x384xf32>
    %convert_element_type3A_1204 = arith.truncf %broadcast_in_dim3A_1203 : vector<1x384xf32> to vector<1x384xbf16>
    %convert_element_type3A_1205 = arith.extf %convert_element_type3A_1204 : vector<1x384xbf16> to vector<1x384xf32>
    %get3A_1206 = arith.constant 5 : index
    %get3A_1207 = arith.constant 0 : index
    %get3A_1208 = arith.constant 0 : index
    %get3A_1209 = vector.load %arg2[%get3A_1206, %get3A_1207, %get3A_1208] : memref<8x1024x384xf32, #tpu.memory_space<vmem>>, vector<1x1024x384xf32>
    %get3A_1210 = vector.shape_cast %get3A_1209 : vector<1x1024x384xf32> to vector<1024x384xf32>
    %convert_element_type3A_1211 = arith.truncf %get3A_1210 : vector<1024x384xf32> to vector<1024x384xbf16>
    %get3A_1212 = arith.constant 0 : index
    %get3A_1213 = arith.constant 0 : index
    %get3A_1214 = vector.load %arg3[%get3A_1212, %get3A_1213] : memref<64x1024xbf16, #tpu.memory_space<vmem>>, vector<64x1024xbf16>
    %dot_general3A_1215 = arith.constant dense<0.000000e+00> : vector<64x384xf32>
    %dot_general3A_1216 = tpu.matmul %get3A_1214, %convert_element_type3A_1211, %dot_general3A_1215 {dimension_numbers = #tpu.dot_dimension_numbers<[1], [0], [0], [1], [0, 0, 1, 1], [], []>, transpose_lhs_hint = false} : vector<64x1024xbf16>, vector<1024x384xbf16>, vector<64x384xf32> -> vector<64x384xf32>
    %mul3A_1217 = vector.broadcast %convert_element_type3A_1205 : vector<1x384xf32> to vector<64x384xf32>
    %mul3A_1218 = arith.mulf %dot_general3A_1216, %mul3A_1217 : vector<64x384xf32>
    %reduce_sum3A_1219 = arith.constant dense<0.000000e+00> : vector<64xf32>
    %reduce_sum3A_1220 = vector.multi_reduction <add>, %mul3A_1218, %reduce_sum3A_1219 [1] : vector<64x384xf32> to vector<64xf32>
    %broadcast_in_dim3A_1221 = vector.shape_cast %reduce_sum3A_1220 : vector<64xf32> to vector<64x1xf32>
    %transpose3A_1222 = tpu.transpose %broadcast_in_dim3A_1221, [1, 0] : vector<64x1xf32> -> vector<1x64xf32>
    %iota3A_1223 = tpu.iota {dimensions = array<i32: 0>} : vector<64x64xi32>
    %iota3A_1224 = tpu.iota {dimensions = array<i32: 1>} : vector<64x64xi32>
    %gt3A_1225 = vector.broadcast %transpose3A_1222 : vector<1x64xf32> to vector<64x64xf32>
    %gt3A_1226 = vector.broadcast %broadcast_in_dim3A_1221 : vector<64x1xf32> to vector<64x64xf32>
    %gt3A_1227 = arith.cmpf ogt, %gt3A_1225, %gt3A_1226 : vector<64x64xf32>
    %eq3A_1228 = vector.broadcast %transpose3A_1222 : vector<1x64xf32> to vector<64x64xf32>
    %eq3A_1229 = vector.broadcast %broadcast_in_dim3A_1221 : vector<64x1xf32> to vector<64x64xf32>
    %eq3A_1230 = arith.cmpf oeq, %eq3A_1228, %eq3A_1229 : vector<64x64xf32>
    %lt3A_1231 = arith.cmpi slt, %iota3A_1224, %iota3A_1223 : vector<64x64xi32>
    %and3A_1232 = arith.andi %eq3A_1230, %lt3A_1231 : vector<64x64xi1>
    %or3A_1233 = arith.ori %gt3A_1227, %and3A_1232 : vector<64x64xi1>
    %convert_element_type3A_1234 = arith.extui %or3A_1233 : vector<64x64xi1> to vector<64x64xi32>
    %reduce_sum3A_1235 = arith.constant dense<0> : vector<64xi32>
    %reduce_sum3A_1236 = vector.multi_reduction <add>, %convert_element_type3A_1234, %reduce_sum3A_1235 [1] : vector<64x64xi32> to vector<64xi32>
    %broadcast_in_dim3A_1237 = vector.shape_cast %reduce_sum3A_1236 : vector<64xi32> to vector<64x1xi32>
    %iota3A_1238 = tpu.iota {dimensions = array<i32: 1>} : vector<1x64xi32>
    %eq3A_1239 = vector.broadcast %broadcast_in_dim3A_1237 : vector<64x1xi32> to vector<64x64xi32>
    %eq3A_1240 = vector.broadcast %iota3A_1238 : vector<1x64xi32> to vector<64x64xi32>
    %eq3A_1241 = arith.cmpi eq, %eq3A_1239, %eq3A_1240 : vector<64x64xi32>
    %convert_element_type3A_1242 = arith.extui %eq3A_1241 : vector<64x64xi1> to vector<64x64xi32>
    %convert_element_type3A_1243 = arith.sitofp %convert_element_type3A_1242 : vector<64x64xi32> to vector<64x64xf32>
    %iota3A_1244 = tpu.iota {dimensions = array<i32: 0>} : vector<64x1xi32>
    %convert_element_type3A_1245 = arith.sitofp %iota3A_1244 : vector<64x1xi32> to vector<64x1xf32>
    %dot_general3A_1246 = arith.constant dense<0.000000e+00> : vector<1x64xf32>
    %dot_general3A_1247 = tpu.matmul %convert_element_type3A_1245, %convert_element_type3A_1243, %dot_general3A_1246 {dimension_numbers = #tpu.dot_dimension_numbers<[0], [0], [1], [1], [0, 1, 1, 1], [], []>, transpose_lhs_hint = false} : vector<64x1xf32>, vector<64x64xf32>, vector<1x64xf32> -> vector<1x64xf32>
    %slice3A_1248 = vector.extract_strided_slice %dot_general3A_1247 {offsets = [0, 0], sizes = [1, 16], strides = [1, 1]} : vector<1x64xf32> to vector<1x16xf32>
    %iota3A_1249 = tpu.iota {dimensions = array<i32: 1>} : vector<16x256xi32>
    %jit3A_1250 = arith.constant 16 : i32
    %div3A_1251 = vector.broadcast %jit3A_1250 : i32 to vector<16x256xi32>
    %div3A_1252 = arith.divsi %iota3A_1249, %div3A_1251 : vector<16x256xi32>
    %sign3A_1253 = arith.constant 0 : i32
    %sign3A_1254 = vector.broadcast %sign3A_1253 : i32 to vector<16x256xi32>
    %sign3A_1255 = arith.cmpi sgt, %iota3A_1249, %sign3A_1254 : vector<16x256xi32>
    %sign3A_1256 = arith.extui %sign3A_1255 : vector<16x256xi1> to vector<16x256xi32>
    %sign3A_1257 = arith.constant 0 : i32
    %sign3A_1258 = vector.broadcast %sign3A_1257 : i32 to vector<16x256xi32>
    %sign3A_1259 = arith.cmpi slt, %iota3A_1249, %sign3A_1258 : vector<16x256xi32>
    %sign3A_1260 = arith.extui %sign3A_1259 : vector<16x256xi1> to vector<16x256xi32>
    %sign3A_1261 = arith.subi %sign3A_1256, %sign3A_1260 : vector<16x256xi32>
    %sign3A_1262 = arith.constant 0 : i32
    %sign3A_1263 = arith.cmpi sgt, %jit3A_1250, %sign3A_1262 : i32
    %sign3A_1264 = arith.extui %sign3A_1263 : i1 to i32
    %sign3A_1265 = arith.constant 0 : i32
    %sign3A_1266 = arith.cmpi slt, %jit3A_1250, %sign3A_1265 : i32
    %sign3A_1267 = arith.extui %sign3A_1266 : i1 to i32
    %sign3A_1268 = arith.subi %sign3A_1264, %sign3A_1267 : i32
    %ne3A_1269 = vector.broadcast %sign3A_1268 : i32 to vector<16x256xi32>
    %ne3A_1270 = arith.cmpi ne, %sign3A_1261, %ne3A_1269 : vector<16x256xi32>
    %rem3A_1271 = vector.broadcast %jit3A_1250 : i32 to vector<16x256xi32>
    %rem3A_1272 = arith.remsi %iota3A_1249, %rem3A_1271 : vector<16x256xi32>
    %ne3A_1273 = arith.constant 0 : i32
    %ne3A_1274 = vector.broadcast %ne3A_1273 : i32 to vector<16x256xi32>
    %ne3A_1275 = arith.cmpi ne, %rem3A_1272, %ne3A_1274 : vector<16x256xi32>
    %and3A_1276 = arith.andi %ne3A_1270, %ne3A_1275 : vector<16x256xi1>
    %sub3A_1277 = arith.constant 1 : i32
    %sub3A_1278 = vector.broadcast %sub3A_1277 : i32 to vector<16x256xi32>
    %sub3A_1279 = arith.subi %div3A_1252, %sub3A_1278 : vector<16x256xi32>
    %select_n3A_1280 = arith.select %and3A_1276, %sub3A_1279, %div3A_1252 : vector<16x256xi1>, vector<16x256xi32>
    %iota3A_1281 = tpu.iota {dimensions = array<i32: 0>} : vector<16x256xi32>
    %eq3A_1282 = arith.cmpi eq, %select_n3A_1280, %iota3A_1281 : vector<16x256xi32>
    %convert_element_type3A_1283 = arith.extui %eq3A_1282 : vector<16x256xi1> to vector<16x256xi32>
    %convert_element_type3A_1284 = arith.sitofp %convert_element_type3A_1283 : vector<16x256xi32> to vector<16x256xf32>
    %dot_general3A_1285 = arith.constant dense<0.000000e+00> : vector<1x256xf32>
    %dot_general3A_1286 = tpu.matmul %slice3A_1248, %convert_element_type3A_1284, %dot_general3A_1285 {dimension_numbers = #tpu.dot_dimension_numbers<[1], [0], [0], [1], [0, 0, 1, 1], [], []>, transpose_lhs_hint = false} : vector<1x16xf32>, vector<16x256xf32>, vector<1x256xf32> -> vector<1x256xf32>
    %convert_element_type3A_1287 = arith.fptosi %dot_general3A_1286 : vector<1x256xf32> to vector<1x256xi32>
    %iota3A_1288 = tpu.iota {dimensions = array<i32: 1>} : vector<1x256xi32>
    %jit3A_1289 = arith.constant 16 : i32
    %eq3A_1290 = arith.constant 0 : i32
    %eq3A_1291 = arith.cmpi eq, %jit3A_1289, %eq3A_1290 : i32
    %jit3A_1292 = arith.constant 1 : i32
    %select_n3A_1293 = arith.select %eq3A_1291, %jit3A_1292, %jit3A_1289 : i32
    %rem3A_1294 = vector.broadcast %select_n3A_1293 : i32 to vector<1x256xi32>
    %rem3A_1295 = arith.remsi %iota3A_1288, %rem3A_1294 : vector<1x256xi32>
    %ne3A_1296 = arith.constant 0 : i32
    %ne3A_1297 = vector.broadcast %ne3A_1296 : i32 to vector<1x256xi32>
    %ne3A_1298 = arith.cmpi ne, %rem3A_1295, %ne3A_1297 : vector<1x256xi32>
    %lt3A_1299 = arith.constant 0 : i32
    %lt3A_1300 = vector.broadcast %lt3A_1299 : i32 to vector<1x256xi32>
    %lt3A_1301 = arith.cmpi slt, %rem3A_1295, %lt3A_1300 : vector<1x256xi32>
    %lt3A_1302 = arith.constant 0 : i32
    %lt3A_1303 = arith.cmpi slt, %select_n3A_1293, %lt3A_1302 : i32
    %ne3A_1304 = vector.broadcast %lt3A_1303 : i1 to vector<1x256xi1>
    %ne3A_1305 = vector.broadcast %ne3A_1304 : vector<1x256xi1> to vector<1x256xi1>
    %ne3A_1306 = arith.xori %lt3A_1301, %ne3A_1305 : vector<1x256xi1>
    %and3A_1307 = arith.andi %ne3A_1306, %ne3A_1298 : vector<1x256xi1>
    %add3A_1308 = vector.broadcast %select_n3A_1293 : i32 to vector<1x256xi32>
    %add3A_1309 = arith.addi %rem3A_1295, %add3A_1308 : vector<1x256xi32>
    %select_n3A_1310 = arith.select %and3A_1307, %add3A_1309, %rem3A_1295 : vector<1x256xi1>, vector<1x256xi32>
    %jit3A_1311 = arith.constant 4 : i32
    %div3A_1312 = vector.broadcast %jit3A_1311 : i32 to vector<1x256xi32>
    %div3A_1313 = arith.divsi %select_n3A_1310, %div3A_1312 : vector<1x256xi32>
    %sign3A_1314 = arith.constant 0 : i32
    %sign3A_1315 = vector.broadcast %sign3A_1314 : i32 to vector<1x256xi32>
    %sign3A_1316 = arith.cmpi sgt, %select_n3A_1310, %sign3A_1315 : vector<1x256xi32>
    %sign3A_1317 = arith.extui %sign3A_1316 : vector<1x256xi1> to vector<1x256xi32>
    %sign3A_1318 = arith.constant 0 : i32
    %sign3A_1319 = vector.broadcast %sign3A_1318 : i32 to vector<1x256xi32>
    %sign3A_1320 = arith.cmpi slt, %select_n3A_1310, %sign3A_1319 : vector<1x256xi32>
    %sign3A_1321 = arith.extui %sign3A_1320 : vector<1x256xi1> to vector<1x256xi32>
    %sign3A_1322 = arith.subi %sign3A_1317, %sign3A_1321 : vector<1x256xi32>
    %sign3A_1323 = arith.constant 0 : i32
    %sign3A_1324 = arith.cmpi sgt, %jit3A_1311, %sign3A_1323 : i32
    %sign3A_1325 = arith.extui %sign3A_1324 : i1 to i32
    %sign3A_1326 = arith.constant 0 : i32
    %sign3A_1327 = arith.cmpi slt, %jit3A_1311, %sign3A_1326 : i32
    %sign3A_1328 = arith.extui %sign3A_1327 : i1 to i32
    %sign3A_1329 = arith.subi %sign3A_1325, %sign3A_1328 : i32
    %ne3A_1330 = vector.broadcast %sign3A_1329 : i32 to vector<1x256xi32>
    %ne3A_1331 = arith.cmpi ne, %sign3A_1322, %ne3A_1330 : vector<1x256xi32>
    %rem3A_1332 = vector.broadcast %jit3A_1311 : i32 to vector<1x256xi32>
    %rem3A_1333 = arith.remsi %select_n3A_1310, %rem3A_1332 : vector<1x256xi32>
    %ne3A_1334 = arith.constant 0 : i32
    %ne3A_1335 = vector.broadcast %ne3A_1334 : i32 to vector<1x256xi32>
    %ne3A_1336 = arith.cmpi ne, %rem3A_1333, %ne3A_1335 : vector<1x256xi32>
    %and3A_1337 = arith.andi %ne3A_1331, %ne3A_1336 : vector<1x256xi1>
    %sub3A_1338 = arith.constant 1 : i32
    %sub3A_1339 = vector.broadcast %sub3A_1338 : i32 to vector<1x256xi32>
    %sub3A_1340 = arith.subi %div3A_1313, %sub3A_1339 : vector<1x256xi32>
    %select_n3A_1341 = arith.select %and3A_1337, %sub3A_1340, %div3A_1313 : vector<1x256xi1>, vector<1x256xi32>
    %mul3A_1342 = arith.constant 32 : i32
    %mul3A_1343 = vector.broadcast %mul3A_1342 : i32 to vector<1x256xi32>
    %mul3A_1344 = arith.muli %select_n3A_1341, %mul3A_1343 : vector<1x256xi32>
    %jit3A_1345 = arith.constant 4 : i32
    %eq3A_1346 = arith.constant 0 : i32
    %eq3A_1347 = arith.cmpi eq, %jit3A_1345, %eq3A_1346 : i32
    %jit3A_1348 = arith.constant 1 : i32
    %select_n3A_1349 = arith.select %eq3A_1347, %jit3A_1348, %jit3A_1345 : i32
    %rem3A_1350 = vector.broadcast %select_n3A_1349 : i32 to vector<1x256xi32>
    %rem3A_1351 = arith.remsi %iota3A_1288, %rem3A_1350 : vector<1x256xi32>
    %ne3A_1352 = arith.constant 0 : i32
    %ne3A_1353 = vector.broadcast %ne3A_1352 : i32 to vector<1x256xi32>
    %ne3A_1354 = arith.cmpi ne, %rem3A_1351, %ne3A_1353 : vector<1x256xi32>
    %lt3A_1355 = arith.constant 0 : i32
    %lt3A_1356 = vector.broadcast %lt3A_1355 : i32 to vector<1x256xi32>
    %lt3A_1357 = arith.cmpi slt, %rem3A_1351, %lt3A_1356 : vector<1x256xi32>
    %lt3A_1358 = arith.constant 0 : i32
    %lt3A_1359 = arith.cmpi slt, %select_n3A_1349, %lt3A_1358 : i32
    %ne3A_1360 = vector.broadcast %lt3A_1359 : i1 to vector<1x256xi1>
    %ne3A_1361 = vector.broadcast %ne3A_1360 : vector<1x256xi1> to vector<1x256xi1>
    %ne3A_1362 = arith.xori %lt3A_1357, %ne3A_1361 : vector<1x256xi1>
    %and3A_1363 = arith.andi %ne3A_1362, %ne3A_1354 : vector<1x256xi1>
    %add3A_1364 = vector.broadcast %select_n3A_1349 : i32 to vector<1x256xi32>
    %add3A_1365 = arith.addi %rem3A_1351, %add3A_1364 : vector<1x256xi32>
    %select_n3A_1366 = arith.select %and3A_1363, %add3A_1365, %rem3A_1351 : vector<1x256xi1>, vector<1x256xi32>
    %add3A_1367 = arith.addi %mul3A_1344, %select_n3A_1366 : vector<1x256xi32>
    %mul3A_1368 = arith.constant 8 : i32
    %mul3A_1369 = arith.muli %arg0, %mul3A_1368 : i32
    %add3A_1370 = arith.constant 5 : i32
    %add3A_1371 = arith.addi %mul3A_1369, %add3A_1370 : i32
    %jit3A_1372 = arith.constant 8 : i32
    %div3A_1373 = vector.broadcast %jit3A_1372 : i32 to vector<1x256xi32>
    %div3A_1374 = arith.divsi %convert_element_type3A_1287, %div3A_1373 : vector<1x256xi32>
    %sign3A_1375 = arith.constant 0 : i32
    %sign3A_1376 = vector.broadcast %sign3A_1375 : i32 to vector<1x256xi32>
    %sign3A_1377 = arith.cmpi sgt, %convert_element_type3A_1287, %sign3A_1376 : vector<1x256xi32>
    %sign3A_1378 = arith.extui %sign3A_1377 : vector<1x256xi1> to vector<1x256xi32>
    %sign3A_1379 = arith.constant 0 : i32
    %sign3A_1380 = vector.broadcast %sign3A_1379 : i32 to vector<1x256xi32>
    %sign3A_1381 = arith.cmpi slt, %convert_element_type3A_1287, %sign3A_1380 : vector<1x256xi32>
    %sign3A_1382 = arith.extui %sign3A_1381 : vector<1x256xi1> to vector<1x256xi32>
    %sign3A_1383 = arith.subi %sign3A_1378, %sign3A_1382 : vector<1x256xi32>
    %sign3A_1384 = arith.constant 0 : i32
    %sign3A_1385 = arith.cmpi sgt, %jit3A_1372, %sign3A_1384 : i32
    %sign3A_1386 = arith.extui %sign3A_1385 : i1 to i32
    %sign3A_1387 = arith.constant 0 : i32
    %sign3A_1388 = arith.cmpi slt, %jit3A_1372, %sign3A_1387 : i32
    %sign3A_1389 = arith.extui %sign3A_1388 : i1 to i32
    %sign3A_1390 = arith.subi %sign3A_1386, %sign3A_1389 : i32
    %ne3A_1391 = vector.broadcast %sign3A_1390 : i32 to vector<1x256xi32>
    %ne3A_1392 = arith.cmpi ne, %sign3A_1383, %ne3A_1391 : vector<1x256xi32>
    %rem3A_1393 = vector.broadcast %jit3A_1372 : i32 to vector<1x256xi32>
    %rem3A_1394 = arith.remsi %convert_element_type3A_1287, %rem3A_1393 : vector<1x256xi32>
    %ne3A_1395 = arith.constant 0 : i32
    %ne3A_1396 = vector.broadcast %ne3A_1395 : i32 to vector<1x256xi32>
    %ne3A_1397 = arith.cmpi ne, %rem3A_1394, %ne3A_1396 : vector<1x256xi32>
    %and3A_1398 = arith.andi %ne3A_1392, %ne3A_1397 : vector<1x256xi1>
    %sub3A_1399 = arith.constant 1 : i32
    %sub3A_1400 = vector.broadcast %sub3A_1399 : i32 to vector<1x256xi32>
    %sub3A_1401 = arith.subi %div3A_1374, %sub3A_1400 : vector<1x256xi32>
    %select_n3A_1402 = arith.select %and3A_1398, %sub3A_1401, %div3A_1374 : vector<1x256xi1>, vector<1x256xi32>
    %mul3A_1403 = arith.constant 128 : i32
    %mul3A_1404 = vector.broadcast %mul3A_1403 : i32 to vector<1x256xi32>
    %mul3A_1405 = arith.muli %select_n3A_1402, %mul3A_1404 : vector<1x256xi32>
    %jit3A_1406 = arith.constant 8 : i32
    %eq3A_1407 = arith.constant 0 : i32
    %eq3A_1408 = arith.cmpi eq, %jit3A_1406, %eq3A_1407 : i32
    %jit3A_1409 = arith.constant 1 : i32
    %select_n3A_1410 = arith.select %eq3A_1408, %jit3A_1409, %jit3A_1406 : i32
    %rem3A_1411 = vector.broadcast %select_n3A_1410 : i32 to vector<1x256xi32>
    %rem3A_1412 = arith.remsi %convert_element_type3A_1287, %rem3A_1411 : vector<1x256xi32>
    %ne3A_1413 = arith.constant 0 : i32
    %ne3A_1414 = vector.broadcast %ne3A_1413 : i32 to vector<1x256xi32>
    %ne3A_1415 = arith.cmpi ne, %rem3A_1412, %ne3A_1414 : vector<1x256xi32>
    %lt3A_1416 = arith.constant 0 : i32
    %lt3A_1417 = vector.broadcast %lt3A_1416 : i32 to vector<1x256xi32>
    %lt3A_1418 = arith.cmpi slt, %rem3A_1412, %lt3A_1417 : vector<1x256xi32>
    %lt3A_1419 = arith.constant 0 : i32
    %lt3A_1420 = arith.cmpi slt, %select_n3A_1410, %lt3A_1419 : i32
    %ne3A_1421 = vector.broadcast %lt3A_1420 : i1 to vector<1x256xi1>
    %ne3A_1422 = vector.broadcast %ne3A_1421 : vector<1x256xi1> to vector<1x256xi1>
    %ne3A_1423 = arith.xori %lt3A_1418, %ne3A_1422 : vector<1x256xi1>
    %and3A_1424 = arith.andi %ne3A_1423, %ne3A_1415 : vector<1x256xi1>
    %add3A_1425 = vector.broadcast %select_n3A_1410 : i32 to vector<1x256xi32>
    %add3A_1426 = arith.addi %rem3A_1412, %add3A_1425 : vector<1x256xi32>
    %select_n3A_1427 = arith.select %and3A_1424, %add3A_1426, %rem3A_1412 : vector<1x256xi1>, vector<1x256xi32>
    %mul3A_1428 = arith.constant 4 : i32
    %mul3A_1429 = vector.broadcast %mul3A_1428 : i32 to vector<1x256xi32>
    %mul3A_1430 = arith.muli %select_n3A_1427, %mul3A_1429 : vector<1x256xi32>
    %add3A_1431 = arith.addi %mul3A_1405, %mul3A_1430 : vector<1x256xi32>
    %add3A_1432 = arith.addi %add3A_1431, %add3A_1367 : vector<1x256xi32>
    %mul3A_1433 = arith.constant 1024 : i32
    %mul3A_1434 = arith.muli %add3A_1371, %mul3A_1433 : i32
    %add3A_1435 = vector.broadcast %mul3A_1434 : i32 to vector<1x256xi32>
    %add3A_1436 = arith.addi %add3A_1432, %add3A_1435 : vector<1x256xi32>
    %swap3A_1437 = arith.constant 5 : index
    %swap3A_1438 = arith.constant 0 : index
    %swap3A_1439 = vector.load %arg4[%swap3A_1437, %swap3A_1438] : memref<8x256xi32, #tpu.memory_space<vmem>>, vector<1x256xi32>
    tpu.vector_store %arg4[%swap3A_1437, %swap3A_1438], %add3A_1436 {strides = array<i32>} : memref<8x256xi32, #tpu.memory_space<vmem>>, vector<1x256xi32>,
    %get3A_1440 = arith.constant 6 : index
    %get3A_1441 = arith.constant 0 : index
    %get3A_1442 = arith.constant 0 : index
    %get3A_1443 = vector.load %arg1[%get3A_1440, %get3A_1441, %get3A_1442] : memref<8x64x384xf32, #tpu.memory_space<vmem>>, vector<1x64x384xf32>
    %get3A_1444 = vector.shape_cast %get3A_1443 : vector<1x64x384xf32> to vector<64x384xf32>
    %reduce_max3A_1445 = arith.constant dense<0xFF800000> : vector<384xf32>
    %reduce_max3A_1446 = vector.multi_reduction <maximumf>, %get3A_1444, %reduce_max3A_1445 [0] : vector<64x384xf32> to vector<384xf32>
    %broadcast_in_dim3A_1447 = vector.shape_cast %reduce_max3A_1446 : vector<384xf32> to vector<1x384xf32>
    %convert_element_type3A_1448 = arith.truncf %broadcast_in_dim3A_1447 : vector<1x384xf32> to vector<1x384xbf16>
    %convert_element_type3A_1449 = arith.extf %convert_element_type3A_1448 : vector<1x384xbf16> to vector<1x384xf32>
    %get3A_1450 = arith.constant 6 : index
    %get3A_1451 = arith.constant 0 : index
    %get3A_1452 = arith.constant 0 : index
    %get3A_1453 = vector.load %arg2[%get3A_1450, %get3A_1451, %get3A_1452] : memref<8x1024x384xf32, #tpu.memory_space<vmem>>, vector<1x1024x384xf32>
    %get3A_1454 = vector.shape_cast %get3A_1453 : vector<1x1024x384xf32> to vector<1024x384xf32>
    %convert_element_type3A_1455 = arith.truncf %get3A_1454 : vector<1024x384xf32> to vector<1024x384xbf16>
    %get3A_1456 = arith.constant 0 : index
    %get3A_1457 = arith.constant 0 : index
    %get3A_1458 = vector.load %arg3[%get3A_1456, %get3A_1457] : memref<64x1024xbf16, #tpu.memory_space<vmem>>, vector<64x1024xbf16>
    %dot_general3A_1459 = arith.constant dense<0.000000e+00> : vector<64x384xf32>
    %dot_general3A_1460 = tpu.matmul %get3A_1458, %convert_element_type3A_1455, %dot_general3A_1459 {dimension_numbers = #tpu.dot_dimension_numbers<[1], [0], [0], [1], [0, 0, 1, 1], [], []>, transpose_lhs_hint = false} : vector<64x1024xbf16>, vector<1024x384xbf16>, vector<64x384xf32> -> vector<64x384xf32>
    %mul3A_1461 = vector.broadcast %convert_element_type3A_1449 : vector<1x384xf32> to vector<64x384xf32>
    %mul3A_1462 = arith.mulf %dot_general3A_1460, %mul3A_1461 : vector<64x384xf32>
    %reduce_sum3A_1463 = arith.constant dense<0.000000e+00> : vector<64xf32>
    %reduce_sum3A_1464 = vector.multi_reduction <add>, %mul3A_1462, %reduce_sum3A_1463 [1] : vector<64x384xf32> to vector<64xf32>
    %broadcast_in_dim3A_1465 = vector.shape_cast %reduce_sum3A_1464 : vector<64xf32> to vector<64x1xf32>
    %transpose3A_1466 = tpu.transpose %broadcast_in_dim3A_1465, [1, 0] : vector<64x1xf32> -> vector<1x64xf32>
    %iota3A_1467 = tpu.iota {dimensions = array<i32: 0>} : vector<64x64xi32>
    %iota3A_1468 = tpu.iota {dimensions = array<i32: 1>} : vector<64x64xi32>
    %gt3A_1469 = vector.broadcast %transpose3A_1466 : vector<1x64xf32> to vector<64x64xf32>
    %gt3A_1470 = vector.broadcast %broadcast_in_dim3A_1465 : vector<64x1xf32> to vector<64x64xf32>
    %gt3A_1471 = arith.cmpf ogt, %gt3A_1469, %gt3A_1470 : vector<64x64xf32>
    %eq3A_1472 = vector.broadcast %transpose3A_1466 : vector<1x64xf32> to vector<64x64xf32>
    %eq3A_1473 = vector.broadcast %broadcast_in_dim3A_1465 : vector<64x1xf32> to vector<64x64xf32>
    %eq3A_1474 = arith.cmpf oeq, %eq3A_1472, %eq3A_1473 : vector<64x64xf32>
    %lt3A_1475 = arith.cmpi slt, %iota3A_1468, %iota3A_1467 : vector<64x64xi32>
    %and3A_1476 = arith.andi %eq3A_1474, %lt3A_1475 : vector<64x64xi1>
    %or3A_1477 = arith.ori %gt3A_1471, %and3A_1476 : vector<64x64xi1>
    %convert_element_type3A_1478 = arith.extui %or3A_1477 : vector<64x64xi1> to vector<64x64xi32>
    %reduce_sum3A_1479 = arith.constant dense<0> : vector<64xi32>
    %reduce_sum3A_1480 = vector.multi_reduction <add>, %convert_element_type3A_1478, %reduce_sum3A_1479 [1] : vector<64x64xi32> to vector<64xi32>
    %broadcast_in_dim3A_1481 = vector.shape_cast %reduce_sum3A_1480 : vector<64xi32> to vector<64x1xi32>
    %iota3A_1482 = tpu.iota {dimensions = array<i32: 1>} : vector<1x64xi32>
    %eq3A_1483 = vector.broadcast %broadcast_in_dim3A_1481 : vector<64x1xi32> to vector<64x64xi32>
    %eq3A_1484 = vector.broadcast %iota3A_1482 : vector<1x64xi32> to vector<64x64xi32>
    %eq3A_1485 = arith.cmpi eq, %eq3A_1483, %eq3A_1484 : vector<64x64xi32>
    %convert_element_type3A_1486 = arith.extui %eq3A_1485 : vector<64x64xi1> to vector<64x64xi32>
    %convert_element_type3A_1487 = arith.sitofp %convert_element_type3A_1486 : vector<64x64xi32> to vector<64x64xf32>
    %iota3A_1488 = tpu.iota {dimensions = array<i32: 0>} : vector<64x1xi32>
    %convert_element_type3A_1489 = arith.sitofp %iota3A_1488 : vector<64x1xi32> to vector<64x1xf32>
    %dot_general3A_1490 = arith.constant dense<0.000000e+00> : vector<1x64xf32>
    %dot_general3A_1491 = tpu.matmul %convert_element_type3A_1489, %convert_element_type3A_1487, %dot_general3A_1490 {dimension_numbers = #tpu.dot_dimension_numbers<[0], [0], [1], [1], [0, 1, 1, 1], [], []>, transpose_lhs_hint = false} : vector<64x1xf32>, vector<64x64xf32>, vector<1x64xf32> -> vector<1x64xf32>
    %slice3A_1492 = vector.extract_strided_slice %dot_general3A_1491 {offsets = [0, 0], sizes = [1, 16], strides = [1, 1]} : vector<1x64xf32> to vector<1x16xf32>
    %iota3A_1493 = tpu.iota {dimensions = array<i32: 1>} : vector<16x256xi32>
    %jit3A_1494 = arith.constant 16 : i32
    %div3A_1495 = vector.broadcast %jit3A_1494 : i32 to vector<16x256xi32>
    %div3A_1496 = arith.divsi %iota3A_1493, %div3A_1495 : vector<16x256xi32>
    %sign3A_1497 = arith.constant 0 : i32
    %sign3A_1498 = vector.broadcast %sign3A_1497 : i32 to vector<16x256xi32>
    %sign3A_1499 = arith.cmpi sgt, %iota3A_1493, %sign3A_1498 : vector<16x256xi32>
    %sign3A_1500 = arith.extui %sign3A_1499 : vector<16x256xi1> to vector<16x256xi32>
    %sign3A_1501 = arith.constant 0 : i32
    %sign3A_1502 = vector.broadcast %sign3A_1501 : i32 to vector<16x256xi32>
    %sign3A_1503 = arith.cmpi slt, %iota3A_1493, %sign3A_1502 : vector<16x256xi32>
    %sign3A_1504 = arith.extui %sign3A_1503 : vector<16x256xi1> to vector<16x256xi32>
    %sign3A_1505 = arith.subi %sign3A_1500, %sign3A_1504 : vector<16x256xi32>
    %sign3A_1506 = arith.constant 0 : i32
    %sign3A_1507 = arith.cmpi sgt, %jit3A_1494, %sign3A_1506 : i32
    %sign3A_1508 = arith.extui %sign3A_1507 : i1 to i32
    %sign3A_1509 = arith.constant 0 : i32
    %sign3A_1510 = arith.cmpi slt, %jit3A_1494, %sign3A_1509 : i32
    %sign3A_1511 = arith.extui %sign3A_1510 : i1 to i32
    %sign3A_1512 = arith.subi %sign3A_1508, %sign3A_1511 : i32
    %ne3A_1513 = vector.broadcast %sign3A_1512 : i32 to vector<16x256xi32>
    %ne3A_1514 = arith.cmpi ne, %sign3A_1505, %ne3A_1513 : vector<16x256xi32>
    %rem3A_1515 = vector.broadcast %jit3A_1494 : i32 to vector<16x256xi32>
    %rem3A_1516 = arith.remsi %iota3A_1493, %rem3A_1515 : vector<16x256xi32>
    %ne3A_1517 = arith.constant 0 : i32
    %ne3A_1518 = vector.broadcast %ne3A_1517 : i32 to vector<16x256xi32>
    %ne3A_1519 = arith.cmpi ne, %rem3A_1516, %ne3A_1518 : vector<16x256xi32>
    %and3A_1520 = arith.andi %ne3A_1514, %ne3A_1519 : vector<16x256xi1>
    %sub3A_1521 = arith.constant 1 : i32
    %sub3A_1522 = vector.broadcast %sub3A_1521 : i32 to vector<16x256xi32>
    %sub3A_1523 = arith.subi %div3A_1496, %sub3A_1522 : vector<16x256xi32>
    %select_n3A_1524 = arith.select %and3A_1520, %sub3A_1523, %div3A_1496 : vector<16x256xi1>, vector<16x256xi32>
    %iota3A_1525 = tpu.iota {dimensions = array<i32: 0>} : vector<16x256xi32>
    %eq3A_1526 = arith.cmpi eq, %select_n3A_1524, %iota3A_1525 : vector<16x256xi32>
    %convert_element_type3A_1527 = arith.extui %eq3A_1526 : vector<16x256xi1> to vector<16x256xi32>
    %convert_element_type3A_1528 = arith.sitofp %convert_element_type3A_1527 : vector<16x256xi32> to vector<16x256xf32>
    %dot_general3A_1529 = arith.constant dense<0.000000e+00> : vector<1x256xf32>
    %dot_general3A_1530 = tpu.matmul %slice3A_1492, %convert_element_type3A_1528, %dot_general3A_1529 {dimension_numbers = #tpu.dot_dimension_numbers<[1], [0], [0], [1], [0, 0, 1, 1], [], []>, transpose_lhs_hint = false} : vector<1x16xf32>, vector<16x256xf32>, vector<1x256xf32> -> vector<1x256xf32>
    %convert_element_type3A_1531 = arith.fptosi %dot_general3A_1530 : vector<1x256xf32> to vector<1x256xi32>
    %iota3A_1532 = tpu.iota {dimensions = array<i32: 1>} : vector<1x256xi32>
    %jit3A_1533 = arith.constant 16 : i32
    %eq3A_1534 = arith.constant 0 : i32
    %eq3A_1535 = arith.cmpi eq, %jit3A_1533, %eq3A_1534 : i32
    %jit3A_1536 = arith.constant 1 : i32
    %select_n3A_1537 = arith.select %eq3A_1535, %jit3A_1536, %jit3A_1533 : i32
    %rem3A_1538 = vector.broadcast %select_n3A_1537 : i32 to vector<1x256xi32>
    %rem3A_1539 = arith.remsi %iota3A_1532, %rem3A_1538 : vector<1x256xi32>
    %ne3A_1540 = arith.constant 0 : i32
    %ne3A_1541 = vector.broadcast %ne3A_1540 : i32 to vector<1x256xi32>
    %ne3A_1542 = arith.cmpi ne, %rem3A_1539, %ne3A_1541 : vector<1x256xi32>
    %lt3A_1543 = arith.constant 0 : i32
    %lt3A_1544 = vector.broadcast %lt3A_1543 : i32 to vector<1x256xi32>
    %lt3A_1545 = arith.cmpi slt, %rem3A_1539, %lt3A_1544 : vector<1x256xi32>
    %lt3A_1546 = arith.constant 0 : i32
    %lt3A_1547 = arith.cmpi slt, %select_n3A_1537, %lt3A_1546 : i32
    %ne3A_1548 = vector.broadcast %lt3A_1547 : i1 to vector<1x256xi1>
    %ne3A_1549 = vector.broadcast %ne3A_1548 : vector<1x256xi1> to vector<1x256xi1>
    %ne3A_1550 = arith.xori %lt3A_1545, %ne3A_1549 : vector<1x256xi1>
    %and3A_1551 = arith.andi %ne3A_1550, %ne3A_1542 : vector<1x256xi1>
    %add3A_1552 = vector.broadcast %select_n3A_1537 : i32 to vector<1x256xi32>
    %add3A_1553 = arith.addi %rem3A_1539, %add3A_1552 : vector<1x256xi32>
    %select_n3A_1554 = arith.select %and3A_1551, %add3A_1553, %rem3A_1539 : vector<1x256xi1>, vector<1x256xi32>
    %jit3A_1555 = arith.constant 4 : i32
    %div3A_1556 = vector.broadcast %jit3A_1555 : i32 to vector<1x256xi32>
    %div3A_1557 = arith.divsi %select_n3A_1554, %div3A_1556 : vector<1x256xi32>
    %sign3A_1558 = arith.constant 0 : i32
    %sign3A_1559 = vector.broadcast %sign3A_1558 : i32 to vector<1x256xi32>
    %sign3A_1560 = arith.cmpi sgt, %select_n3A_1554, %sign3A_1559 : vector<1x256xi32>
    %sign3A_1561 = arith.extui %sign3A_1560 : vector<1x256xi1> to vector<1x256xi32>
    %sign3A_1562 = arith.constant 0 : i32
    %sign3A_1563 = vector.broadcast %sign3A_1562 : i32 to vector<1x256xi32>
    %sign3A_1564 = arith.cmpi slt, %select_n3A_1554, %sign3A_1563 : vector<1x256xi32>
    %sign3A_1565 = arith.extui %sign3A_1564 : vector<1x256xi1> to vector<1x256xi32>
    %sign3A_1566 = arith.subi %sign3A_1561, %sign3A_1565 : vector<1x256xi32>
    %sign3A_1567 = arith.constant 0 : i32
    %sign3A_1568 = arith.cmpi sgt, %jit3A_1555, %sign3A_1567 : i32
    %sign3A_1569 = arith.extui %sign3A_1568 : i1 to i32
    %sign3A_1570 = arith.constant 0 : i32
    %sign3A_1571 = arith.cmpi slt, %jit3A_1555, %sign3A_1570 : i32
    %sign3A_1572 = arith.extui %sign3A_1571 : i1 to i32
    %sign3A_1573 = arith.subi %sign3A_1569, %sign3A_1572 : i32
    %ne3A_1574 = vector.broadcast %sign3A_1573 : i32 to vector<1x256xi32>
    %ne3A_1575 = arith.cmpi ne, %sign3A_1566, %ne3A_1574 : vector<1x256xi32>
    %rem3A_1576 = vector.broadcast %jit3A_1555 : i32 to vector<1x256xi32>
    %rem3A_1577 = arith.remsi %select_n3A_1554, %rem3A_1576 : vector<1x256xi32>
    %ne3A_1578 = arith.constant 0 : i32
    %ne3A_1579 = vector.broadcast %ne3A_1578 : i32 to vector<1x256xi32>
    %ne3A_1580 = arith.cmpi ne, %rem3A_1577, %ne3A_1579 : vector<1x256xi32>
    %and3A_1581 = arith.andi %ne3A_1575, %ne3A_1580 : vector<1x256xi1>
    %sub3A_1582 = arith.constant 1 : i32
    %sub3A_1583 = vector.broadcast %sub3A_1582 : i32 to vector<1x256xi32>
    %sub3A_1584 = arith.subi %div3A_1557, %sub3A_1583 : vector<1x256xi32>
    %select_n3A_1585 = arith.select %and3A_1581, %sub3A_1584, %div3A_1557 : vector<1x256xi1>, vector<1x256xi32>
    %mul3A_1586 = arith.constant 32 : i32
    %mul3A_1587 = vector.broadcast %mul3A_1586 : i32 to vector<1x256xi32>
    %mul3A_1588 = arith.muli %select_n3A_1585, %mul3A_1587 : vector<1x256xi32>
    %jit3A_1589 = arith.constant 4 : i32
    %eq3A_1590 = arith.constant 0 : i32
    %eq3A_1591 = arith.cmpi eq, %jit3A_1589, %eq3A_1590 : i32
    %jit3A_1592 = arith.constant 1 : i32
    %select_n3A_1593 = arith.select %eq3A_1591, %jit3A_1592, %jit3A_1589 : i32
    %rem3A_1594 = vector.broadcast %select_n3A_1593 : i32 to vector<1x256xi32>
    %rem3A_1595 = arith.remsi %iota3A_1532, %rem3A_1594 : vector<1x256xi32>
    %ne3A_1596 = arith.constant 0 : i32
    %ne3A_1597 = vector.broadcast %ne3A_1596 : i32 to vector<1x256xi32>
    %ne3A_1598 = arith.cmpi ne, %rem3A_1595, %ne3A_1597 : vector<1x256xi32>
    %lt3A_1599 = arith.constant 0 : i32
    %lt3A_1600 = vector.broadcast %lt3A_1599 : i32 to vector<1x256xi32>
    %lt3A_1601 = arith.cmpi slt, %rem3A_1595, %lt3A_1600 : vector<1x256xi32>
    %lt3A_1602 = arith.constant 0 : i32
    %lt3A_1603 = arith.cmpi slt, %select_n3A_1593, %lt3A_1602 : i32
    %ne3A_1604 = vector.broadcast %lt3A_1603 : i1 to vector<1x256xi1>
    %ne3A_1605 = vector.broadcast %ne3A_1604 : vector<1x256xi1> to vector<1x256xi1>
    %ne3A_1606 = arith.xori %lt3A_1601, %ne3A_1605 : vector<1x256xi1>
    %and3A_1607 = arith.andi %ne3A_1606, %ne3A_1598 : vector<1x256xi1>
    %add3A_1608 = vector.broadcast %select_n3A_1593 : i32 to vector<1x256xi32>
    %add3A_1609 = arith.addi %rem3A_1595, %add3A_1608 : vector<1x256xi32>
    %select_n3A_1610 = arith.select %and3A_1607, %add3A_1609, %rem3A_1595 : vector<1x256xi1>, vector<1x256xi32>
    %add3A_1611 = arith.addi %mul3A_1588, %select_n3A_1610 : vector<1x256xi32>
    %mul3A_1612 = arith.constant 8 : i32
    %mul3A_1613 = arith.muli %arg0, %mul3A_1612 : i32
    %add3A_1614 = arith.constant 6 : i32
    %add3A_1615 = arith.addi %mul3A_1613, %add3A_1614 : i32
    %jit3A_1616 = arith.constant 8 : i32
    %div3A_1617 = vector.broadcast %jit3A_1616 : i32 to vector<1x256xi32>
    %div3A_1618 = arith.divsi %convert_element_type3A_1531, %div3A_1617 : vector<1x256xi32>
    %sign3A_1619 = arith.constant 0 : i32
    %sign3A_1620 = vector.broadcast %sign3A_1619 : i32 to vector<1x256xi32>
    %sign3A_1621 = arith.cmpi sgt, %convert_element_type3A_1531, %sign3A_1620 : vector<1x256xi32>
    %sign3A_1622 = arith.extui %sign3A_1621 : vector<1x256xi1> to vector<1x256xi32>
    %sign3A_1623 = arith.constant 0 : i32
    %sign3A_1624 = vector.broadcast %sign3A_1623 : i32 to vector<1x256xi32>
    %sign3A_1625 = arith.cmpi slt, %convert_element_type3A_1531, %sign3A_1624 : vector<1x256xi32>
    %sign3A_1626 = arith.extui %sign3A_1625 : vector<1x256xi1> to vector<1x256xi32>
    %sign3A_1627 = arith.subi %sign3A_1622, %sign3A_1626 : vector<1x256xi32>
    %sign3A_1628 = arith.constant 0 : i32
    %sign3A_1629 = arith.cmpi sgt, %jit3A_1616, %sign3A_1628 : i32
    %sign3A_1630 = arith.extui %sign3A_1629 : i1 to i32
    %sign3A_1631 = arith.constant 0 : i32
    %sign3A_1632 = arith.cmpi slt, %jit3A_1616, %sign3A_1631 : i32
    %sign3A_1633 = arith.extui %sign3A_1632 : i1 to i32
    %sign3A_1634 = arith.subi %sign3A_1630, %sign3A_1633 : i32
    %ne3A_1635 = vector.broadcast %sign3A_1634 : i32 to vector<1x256xi32>
    %ne3A_1636 = arith.cmpi ne, %sign3A_1627, %ne3A_1635 : vector<1x256xi32>
    %rem3A_1637 = vector.broadcast %jit3A_1616 : i32 to vector<1x256xi32>
    %rem3A_1638 = arith.remsi %convert_element_type3A_1531, %rem3A_1637 : vector<1x256xi32>
    %ne3A_1639 = arith.constant 0 : i32
    %ne3A_1640 = vector.broadcast %ne3A_1639 : i32 to vector<1x256xi32>
    %ne3A_1641 = arith.cmpi ne, %rem3A_1638, %ne3A_1640 : vector<1x256xi32>
    %and3A_1642 = arith.andi %ne3A_1636, %ne3A_1641 : vector<1x256xi1>
    %sub3A_1643 = arith.constant 1 : i32
    %sub3A_1644 = vector.broadcast %sub3A_1643 : i32 to vector<1x256xi32>
    %sub3A_1645 = arith.subi %div3A_1618, %sub3A_1644 : vector<1x256xi32>
    %select_n3A_1646 = arith.select %and3A_1642, %sub3A_1645, %div3A_1618 : vector<1x256xi1>, vector<1x256xi32>
    %mul3A_1647 = arith.constant 128 : i32
    %mul3A_1648 = vector.broadcast %mul3A_1647 : i32 to vector<1x256xi32>
    %mul3A_1649 = arith.muli %select_n3A_1646, %mul3A_1648 : vector<1x256xi32>
    %jit3A_1650 = arith.constant 8 : i32
    %eq3A_1651 = arith.constant 0 : i32
    %eq3A_1652 = arith.cmpi eq, %jit3A_1650, %eq3A_1651 : i32
    %jit3A_1653 = arith.constant 1 : i32
    %select_n3A_1654 = arith.select %eq3A_1652, %jit3A_1653, %jit3A_1650 : i32
    %rem3A_1655 = vector.broadcast %select_n3A_1654 : i32 to vector<1x256xi32>
    %rem3A_1656 = arith.remsi %convert_element_type3A_1531, %rem3A_1655 : vector<1x256xi32>
    %ne3A_1657 = arith.constant 0 : i32
    %ne3A_1658 = vector.broadcast %ne3A_1657 : i32 to vector<1x256xi32>
    %ne3A_1659 = arith.cmpi ne, %rem3A_1656, %ne3A_1658 : vector<1x256xi32>
    %lt3A_1660 = arith.constant 0 : i32
    %lt3A_1661 = vector.broadcast %lt3A_1660 : i32 to vector<1x256xi32>
    %lt3A_1662 = arith.cmpi slt, %rem3A_1656, %lt3A_1661 : vector<1x256xi32>
    %lt3A_1663 = arith.constant 0 : i32
    %lt3A_1664 = arith.cmpi slt, %select_n3A_1654, %lt3A_1663 : i32
    %ne3A_1665 = vector.broadcast %lt3A_1664 : i1 to vector<1x256xi1>
    %ne3A_1666 = vector.broadcast %ne3A_1665 : vector<1x256xi1> to vector<1x256xi1>
    %ne3A_1667 = arith.xori %lt3A_1662, %ne3A_1666 : vector<1x256xi1>
    %and3A_1668 = arith.andi %ne3A_1667, %ne3A_1659 : vector<1x256xi1>
    %add3A_1669 = vector.broadcast %select_n3A_1654 : i32 to vector<1x256xi32>
    %add3A_1670 = arith.addi %rem3A_1656, %add3A_1669 : vector<1x256xi32>
    %select_n3A_1671 = arith.select %and3A_1668, %add3A_1670, %rem3A_1656 : vector<1x256xi1>, vector<1x256xi32>
    %mul3A_1672 = arith.constant 4 : i32
    %mul3A_1673 = vector.broadcast %mul3A_1672 : i32 to vector<1x256xi32>
    %mul3A_1674 = arith.muli %select_n3A_1671, %mul3A_1673 : vector<1x256xi32>
    %add3A_1675 = arith.addi %mul3A_1649, %mul3A_1674 : vector<1x256xi32>
    %add3A_1676 = arith.addi %add3A_1675, %add3A_1611 : vector<1x256xi32>
    %mul3A_1677 = arith.constant 1024 : i32
    %mul3A_1678 = arith.muli %add3A_1615, %mul3A_1677 : i32
    %add3A_1679 = vector.broadcast %mul3A_1678 : i32 to vector<1x256xi32>
    %add3A_1680 = arith.addi %add3A_1676, %add3A_1679 : vector<1x256xi32>
    %swap3A_1681 = arith.constant 6 : index
    %swap3A_1682 = arith.constant 0 : index
    %swap3A_1683 = vector.load %arg4[%swap3A_1681, %swap3A_1682] : memref<8x256xi32, #tpu.memory_space<vmem>>, vector<1x256xi32>
    tpu.vector_store %arg4[%swap3A_1681, %swap3A_1682], %add3A_1680 {strides = array<i32>} : memref<8x256xi32, #tpu.memory_space<vmem>>, vector<1x256xi32>,
    %get3A_1684 = arith.constant 7 : index
    %get3A_1685 = arith.constant 0 : index
    %get3A_1686 = arith.constant 0 : index
    %get3A_1687 = vector.load %arg1[%get3A_1684, %get3A_1685, %get3A_1686] : memref<8x64x384xf32, #tpu.memory_space<vmem>>, vector<1x64x384xf32>
    %get3A_1688 = vector.shape_cast %get3A_1687 : vector<1x64x384xf32> to vector<64x384xf32>
    %reduce_max3A_1689 = arith.constant dense<0xFF800000> : vector<384xf32>
    %reduce_max3A_1690 = vector.multi_reduction <maximumf>, %get3A_1688, %reduce_max3A_1689 [0] : vector<64x384xf32> to vector<384xf32>
    %broadcast_in_dim3A_1691 = vector.shape_cast %reduce_max3A_1690 : vector<384xf32> to vector<1x384xf32>
    %convert_element_type3A_1692 = arith.truncf %broadcast_in_dim3A_1691 : vector<1x384xf32> to vector<1x384xbf16>
    %convert_element_type3A_1693 = arith.extf %convert_element_type3A_1692 : vector<1x384xbf16> to vector<1x384xf32>
    %get3A_1694 = arith.constant 7 : index
    %get3A_1695 = arith.constant 0 : index
    %get3A_1696 = arith.constant 0 : index
    %get3A_1697 = vector.load %arg2[%get3A_1694, %get3A_1695, %get3A_1696] : memref<8x1024x384xf32, #tpu.memory_space<vmem>>, vector<1x1024x384xf32>
    %get3A_1698 = vector.shape_cast %get3A_1697 : vector<1x1024x384xf32> to vector<1024x384xf32>
    %convert_element_type3A_1699 = arith.truncf %get3A_1698 : vector<1024x384xf32> to vector<1024x384xbf16>
    %get3A_1700 = arith.constant 0 : index
    %get3A_1701 = arith.constant 0 : index
    %get3A_1702 = vector.load %arg3[%get3A_1700, %get3A_1701] : memref<64x1024xbf16, #tpu.memory_space<vmem>>, vector<64x1024xbf16>
    %dot_general3A_1703 = arith.constant dense<0.000000e+00> : vector<64x384xf32>
    %dot_general3A_1704 = tpu.matmul %get3A_1702, %convert_element_type3A_1699, %dot_general3A_1703 {dimension_numbers = #tpu.dot_dimension_numbers<[1], [0], [0], [1], [0, 0, 1, 1], [], []>, transpose_lhs_hint = false} : vector<64x1024xbf16>, vector<1024x384xbf16>, vector<64x384xf32> -> vector<64x384xf32>
    %mul3A_1705 = vector.broadcast %convert_element_type3A_1693 : vector<1x384xf32> to vector<64x384xf32>
    %mul3A_1706 = arith.mulf %dot_general3A_1704, %mul3A_1705 : vector<64x384xf32>
    %reduce_sum3A_1707 = arith.constant dense<0.000000e+00> : vector<64xf32>
    %reduce_sum3A_1708 = vector.multi_reduction <add>, %mul3A_1706, %reduce_sum3A_1707 [1] : vector<64x384xf32> to vector<64xf32>
    %broadcast_in_dim3A_1709 = vector.shape_cast %reduce_sum3A_1708 : vector<64xf32> to vector<64x1xf32>
    %transpose3A_1710 = tpu.transpose %broadcast_in_dim3A_1709, [1, 0] : vector<64x1xf32> -> vector<1x64xf32>
    %iota3A_1711 = tpu.iota {dimensions = array<i32: 0>} : vector<64x64xi32>
    %iota3A_1712 = tpu.iota {dimensions = array<i32: 1>} : vector<64x64xi32>
    %gt3A_1713 = vector.broadcast %transpose3A_1710 : vector<1x64xf32> to vector<64x64xf32>
    %gt3A_1714 = vector.broadcast %broadcast_in_dim3A_1709 : vector<64x1xf32> to vector<64x64xf32>
    %gt3A_1715 = arith.cmpf ogt, %gt3A_1713, %gt3A_1714 : vector<64x64xf32>
    %eq3A_1716 = vector.broadcast %transpose3A_1710 : vector<1x64xf32> to vector<64x64xf32>
    %eq3A_1717 = vector.broadcast %broadcast_in_dim3A_1709 : vector<64x1xf32> to vector<64x64xf32>
    %eq3A_1718 = arith.cmpf oeq, %eq3A_1716, %eq3A_1717 : vector<64x64xf32>
    %lt3A_1719 = arith.cmpi slt, %iota3A_1712, %iota3A_1711 : vector<64x64xi32>
    %and3A_1720 = arith.andi %eq3A_1718, %lt3A_1719 : vector<64x64xi1>
    %or3A_1721 = arith.ori %gt3A_1715, %and3A_1720 : vector<64x64xi1>
    %convert_element_type3A_1722 = arith.extui %or3A_1721 : vector<64x64xi1> to vector<64x64xi32>
    %reduce_sum3A_1723 = arith.constant dense<0> : vector<64xi32>
    %reduce_sum3A_1724 = vector.multi_reduction <add>, %convert_element_type3A_1722, %reduce_sum3A_1723 [1] : vector<64x64xi32> to vector<64xi32>
    %broadcast_in_dim3A_1725 = vector.shape_cast %reduce_sum3A_1724 : vector<64xi32> to vector<64x1xi32>
    %iota3A_1726 = tpu.iota {dimensions = array<i32: 1>} : vector<1x64xi32>
    %eq3A_1727 = vector.broadcast %broadcast_in_dim3A_1725 : vector<64x1xi32> to vector<64x64xi32>
    %eq3A_1728 = vector.broadcast %iota3A_1726 : vector<1x64xi32> to vector<64x64xi32>
    %eq3A_1729 = arith.cmpi eq, %eq3A_1727, %eq3A_1728 : vector<64x64xi32>
    %convert_element_type3A_1730 = arith.extui %eq3A_1729 : vector<64x64xi1> to vector<64x64xi32>
    %convert_element_type3A_1731 = arith.sitofp %convert_element_type3A_1730 : vector<64x64xi32> to vector<64x64xf32>
    %iota3A_1732 = tpu.iota {dimensions = array<i32: 0>} : vector<64x1xi32>
    %convert_element_type3A_1733 = arith.sitofp %iota3A_1732 : vector<64x1xi32> to vector<64x1xf32>
    %dot_general3A_1734 = arith.constant dense<0.000000e+00> : vector<1x64xf32>
    %dot_general3A_1735 = tpu.matmul %convert_element_type3A_1733, %convert_element_type3A_1731, %dot_general3A_1734 {dimension_numbers = #tpu.dot_dimension_numbers<[0], [0], [1], [1], [0, 1, 1, 1], [], []>, transpose_lhs_hint = false} : vector<64x1xf32>, vector<64x64xf32>, vector<1x64xf32> -> vector<1x64xf32>
    %slice3A_1736 = vector.extract_strided_slice %dot_general3A_1735 {offsets = [0, 0], sizes = [1, 16], strides = [1, 1]} : vector<1x64xf32> to vector<1x16xf32>
    %iota3A_1737 = tpu.iota {dimensions = array<i32: 1>} : vector<16x256xi32>
    %jit3A_1738 = arith.constant 16 : i32
    %div3A_1739 = vector.broadcast %jit3A_1738 : i32 to vector<16x256xi32>
    %div3A_1740 = arith.divsi %iota3A_1737, %div3A_1739 : vector<16x256xi32>
    %sign3A_1741 = arith.constant 0 : i32
    %sign3A_1742 = vector.broadcast %sign3A_1741 : i32 to vector<16x256xi32>
    %sign3A_1743 = arith.cmpi sgt, %iota3A_1737, %sign3A_1742 : vector<16x256xi32>
    %sign3A_1744 = arith.extui %sign3A_1743 : vector<16x256xi1> to vector<16x256xi32>
    %sign3A_1745 = arith.constant 0 : i32
    %sign3A_1746 = vector.broadcast %sign3A_1745 : i32 to vector<16x256xi32>
    %sign3A_1747 = arith.cmpi slt, %iota3A_1737, %sign3A_1746 : vector<16x256xi32>
    %sign3A_1748 = arith.extui %sign3A_1747 : vector<16x256xi1> to vector<16x256xi32>
    %sign3A_1749 = arith.subi %sign3A_1744, %sign3A_1748 : vector<16x256xi32>
    %sign3A_1750 = arith.constant 0 : i32
    %sign3A_1751 = arith.cmpi sgt, %jit3A_1738, %sign3A_1750 : i32
    %sign3A_1752 = arith.extui %sign3A_1751 : i1 to i32
    %sign3A_1753 = arith.constant 0 : i32
    %sign3A_1754 = arith.cmpi slt, %jit3A_1738, %sign3A_1753 : i32
    %sign3A_1755 = arith.extui %sign3A_1754 : i1 to i32
    %sign3A_1756 = arith.subi %sign3A_1752, %sign3A_1755 : i32
    %ne3A_1757 = vector.broadcast %sign3A_1756 : i32 to vector<16x256xi32>
    %ne3A_1758 = arith.cmpi ne, %sign3A_1749, %ne3A_1757 : vector<16x256xi32>
    %rem3A_1759 = vector.broadcast %jit3A_1738 : i32 to vector<16x256xi32>
    %rem3A_1760 = arith.remsi %iota3A_1737, %rem3A_1759 : vector<16x256xi32>
    %ne3A_1761 = arith.constant 0 : i32
    %ne3A_1762 = vector.broadcast %ne3A_1761 : i32 to vector<16x256xi32>
    %ne3A_1763 = arith.cmpi ne, %rem3A_1760, %ne3A_1762 : vector<16x256xi32>
    %and3A_1764 = arith.andi %ne3A_1758, %ne3A_1763 : vector<16x256xi1>
    %sub3A_1765 = arith.constant 1 : i32
    %sub3A_1766 = vector.broadcast %sub3A_1765 : i32 to vector<16x256xi32>
    %sub3A_1767 = arith.subi %div3A_1740, %sub3A_1766 : vector<16x256xi32>
    %select_n3A_1768 = arith.select %and3A_1764, %sub3A_1767, %div3A_1740 : vector<16x256xi1>, vector<16x256xi32>
    %iota3A_1769 = tpu.iota {dimensions = array<i32: 0>} : vector<16x256xi32>
    %eq3A_1770 = arith.cmpi eq, %select_n3A_1768, %iota3A_1769 : vector<16x256xi32>
    %convert_element_type3A_1771 = arith.extui %eq3A_1770 : vector<16x256xi1> to vector<16x256xi32>
    %convert_element_type3A_1772 = arith.sitofp %convert_element_type3A_1771 : vector<16x256xi32> to vector<16x256xf32>
    %dot_general3A_1773 = arith.constant dense<0.000000e+00> : vector<1x256xf32>
    %dot_general3A_1774 = tpu.matmul %slice3A_1736, %convert_element_type3A_1772, %dot_general3A_1773 {dimension_numbers = #tpu.dot_dimension_numbers<[1], [0], [0], [1], [0, 0, 1, 1], [], []>, transpose_lhs_hint = false} : vector<1x16xf32>, vector<16x256xf32>, vector<1x256xf32> -> vector<1x256xf32>
    %convert_element_type3A_1775 = arith.fptosi %dot_general3A_1774 : vector<1x256xf32> to vector<1x256xi32>
    %iota3A_1776 = tpu.iota {dimensions = array<i32: 1>} : vector<1x256xi32>
    %jit3A_1777 = arith.constant 16 : i32
    %eq3A_1778 = arith.constant 0 : i32
    %eq3A_1779 = arith.cmpi eq, %jit3A_1777, %eq3A_1778 : i32
    %jit3A_1780 = arith.constant 1 : i32
    %select_n3A_1781 = arith.select %eq3A_1779, %jit3A_1780, %jit3A_1777 : i32
    %rem3A_1782 = vector.broadcast %select_n3A_1781 : i32 to vector<1x256xi32>
    %rem3A_1783 = arith.remsi %iota3A_1776, %rem3A_1782 : vector<1x256xi32>
    %ne3A_1784 = arith.constant 0 : i32
    %ne3A_1785 = vector.broadcast %ne3A_1784 : i32 to vector<1x256xi32>
    %ne3A_1786 = arith.cmpi ne, %rem3A_1783, %ne3A_1785 : vector<1x256xi32>
    %lt3A_1787 = arith.constant 0 : i32
    %lt3A_1788 = vector.broadcast %lt3A_1787 : i32 to vector<1x256xi32>
    %lt3A_1789 = arith.cmpi slt, %rem3A_1783, %lt3A_1788 : vector<1x256xi32>
    %lt3A_1790 = arith.constant 0 : i32
    %lt3A_1791 = arith.cmpi slt, %select_n3A_1781, %lt3A_1790 : i32
    %ne3A_1792 = vector.broadcast %lt3A_1791 : i1 to vector<1x256xi1>
    %ne3A_1793 = vector.broadcast %ne3A_1792 : vector<1x256xi1> to vector<1x256xi1>
    %ne3A_1794 = arith.xori %lt3A_1789, %ne3A_1793 : vector<1x256xi1>
    %and3A_1795 = arith.andi %ne3A_1794, %ne3A_1786 : vector<1x256xi1>
    %add3A_1796 = vector.broadcast %select_n3A_1781 : i32 to vector<1x256xi32>
    %add3A_1797 = arith.addi %rem3A_1783, %add3A_1796 : vector<1x256xi32>
    %select_n3A_1798 = arith.select %and3A_1795, %add3A_1797, %rem3A_1783 : vector<1x256xi1>, vector<1x256xi32>
    %jit3A_1799 = arith.constant 4 : i32
    %div3A_1800 = vector.broadcast %jit3A_1799 : i32 to vector<1x256xi32>
    %div3A_1801 = arith.divsi %select_n3A_1798, %div3A_1800 : vector<1x256xi32>
    %sign3A_1802 = arith.constant 0 : i32
    %sign3A_1803 = vector.broadcast %sign3A_1802 : i32 to vector<1x256xi32>
    %sign3A_1804 = arith.cmpi sgt, %select_n3A_1798, %sign3A_1803 : vector<1x256xi32>
    %sign3A_1805 = arith.extui %sign3A_1804 : vector<1x256xi1> to vector<1x256xi32>
    %sign3A_1806 = arith.constant 0 : i32
    %sign3A_1807 = vector.broadcast %sign3A_1806 : i32 to vector<1x256xi32>
    %sign3A_1808 = arith.cmpi slt, %select_n3A_1798, %sign3A_1807 : vector<1x256xi32>
    %sign3A_1809 = arith.extui %sign3A_1808 : vector<1x256xi1> to vector<1x256xi32>
    %sign3A_1810 = arith.subi %sign3A_1805, %sign3A_1809 : vector<1x256xi32>
    %sign3A_1811 = arith.constant 0 : i32
    %sign3A_1812 = arith.cmpi sgt, %jit3A_1799, %sign3A_1811 : i32
    %sign3A_1813 = arith.extui %sign3A_1812 : i1 to i32
    %sign3A_1814 = arith.constant 0 : i32
    %sign3A_1815 = arith.cmpi slt, %jit3A_1799, %sign3A_1814 : i32
    %sign3A_1816 = arith.extui %sign3A_1815 : i1 to i32
    %sign3A_1817 = arith.subi %sign3A_1813, %sign3A_1816 : i32
    %ne3A_1818 = vector.broadcast %sign3A_1817 : i32 to vector<1x256xi32>
    %ne3A_1819 = arith.cmpi ne, %sign3A_1810, %ne3A_1818 : vector<1x256xi32>
    %rem3A_1820 = vector.broadcast %jit3A_1799 : i32 to vector<1x256xi32>
    %rem3A_1821 = arith.remsi %select_n3A_1798, %rem3A_1820 : vector<1x256xi32>
    %ne3A_1822 = arith.constant 0 : i32
    %ne3A_1823 = vector.broadcast %ne3A_1822 : i32 to vector<1x256xi32>
    %ne3A_1824 = arith.cmpi ne, %rem3A_1821, %ne3A_1823 : vector<1x256xi32>
    %and3A_1825 = arith.andi %ne3A_1819, %ne3A_1824 : vector<1x256xi1>
    %sub3A_1826 = arith.constant 1 : i32
    %sub3A_1827 = vector.broadcast %sub3A_1826 : i32 to vector<1x256xi32>
    %sub3A_1828 = arith.subi %div3A_1801, %sub3A_1827 : vector<1x256xi32>
    %select_n3A_1829 = arith.select %and3A_1825, %sub3A_1828, %div3A_1801 : vector<1x256xi1>, vector<1x256xi32>
    %mul3A_1830 = arith.constant 32 : i32
    %mul3A_1831 = vector.broadcast %mul3A_1830 : i32 to vector<1x256xi32>
    %mul3A_1832 = arith.muli %select_n3A_1829, %mul3A_1831 : vector<1x256xi32>
    %jit3A_1833 = arith.constant 4 : i32
    %eq3A_1834 = arith.constant 0 : i32
    %eq3A_1835 = arith.cmpi eq, %jit3A_1833, %eq3A_1834 : i32
    %jit3A_1836 = arith.constant 1 : i32
    %select_n3A_1837 = arith.select %eq3A_1835, %jit3A_1836, %jit3A_1833 : i32
    %rem3A_1838 = vector.broadcast %select_n3A_1837 : i32 to vector<1x256xi32>
    %rem3A_1839 = arith.remsi %iota3A_1776, %rem3A_1838 : vector<1x256xi32>
    %ne3A_1840 = arith.constant 0 : i32
    %ne3A_1841 = vector.broadcast %ne3A_1840 : i32 to vector<1x256xi32>
    %ne3A_1842 = arith.cmpi ne, %rem3A_1839, %ne3A_1841 : vector<1x256xi32>
    %lt3A_1843 = arith.constant 0 : i32
    %lt3A_1844 = vector.broadcast %lt3A_1843 : i32 to vector<1x256xi32>
    %lt3A_1845 = arith.cmpi slt, %rem3A_1839, %lt3A_1844 : vector<1x256xi32>
    %lt3A_1846 = arith.constant 0 : i32
    %lt3A_1847 = arith.cmpi slt, %select_n3A_1837, %lt3A_1846 : i32
    %ne3A_1848 = vector.broadcast %lt3A_1847 : i1 to vector<1x256xi1>
    %ne3A_1849 = vector.broadcast %ne3A_1848 : vector<1x256xi1> to vector<1x256xi1>
    %ne3A_1850 = arith.xori %lt3A_1845, %ne3A_1849 : vector<1x256xi1>
    %and3A_1851 = arith.andi %ne3A_1850, %ne3A_1842 : vector<1x256xi1>
    %add3A_1852 = vector.broadcast %select_n3A_1837 : i32 to vector<1x256xi32>
    %add3A_1853 = arith.addi %rem3A_1839, %add3A_1852 : vector<1x256xi32>
    %select_n3A_1854 = arith.select %and3A_1851, %add3A_1853, %rem3A_1839 : vector<1x256xi1>, vector<1x256xi32>
    %add3A_1855 = arith.addi %mul3A_1832, %select_n3A_1854 : vector<1x256xi32>
    %mul3A_1856 = arith.constant 8 : i32
    %mul3A_1857 = arith.muli %arg0, %mul3A_1856 : i32
    %add3A_1858 = arith.constant 7 : i32
    %add3A_1859 = arith.addi %mul3A_1857, %add3A_1858 : i32
    %jit3A_1860 = arith.constant 8 : i32
    %div3A_1861 = vector.broadcast %jit3A_1860 : i32 to vector<1x256xi32>
    %div3A_1862 = arith.divsi %convert_element_type3A_1775, %div3A_1861 : vector<1x256xi32>
    %sign3A_1863 = arith.constant 0 : i32
    %sign3A_1864 = vector.broadcast %sign3A_1863 : i32 to vector<1x256xi32>
    %sign3A_1865 = arith.cmpi sgt, %convert_element_type3A_1775, %sign3A_1864 : vector<1x256xi32>
    %sign3A_1866 = arith.extui %sign3A_1865 : vector<1x256xi1> to vector<1x256xi32>
    %sign3A_1867 = arith.constant 0 : i32
    %sign3A_1868 = vector.broadcast %sign3A_1867 : i32 to vector<1x256xi32>
    %sign3A_1869 = arith.cmpi slt, %convert_element_type3A_1775, %sign3A_1868 : vector<1x256xi32>
    %sign3A_1870 = arith.extui %sign3A_1869 : vector<1x256xi1> to vector<1x256xi32>
    %sign3A_1871 = arith.subi %sign3A_1866, %sign3A_1870 : vector<1x256xi32>
    %sign3A_1872 = arith.constant 0 : i32
    %sign3A_1873 = arith.cmpi sgt, %jit3A_1860, %sign3A_1872 : i32
    %sign3A_1874 = arith.extui %sign3A_1873 : i1 to i32
    %sign3A_1875 = arith.constant 0 : i32
    %sign3A_1876 = arith.cmpi slt, %jit3A_1860, %sign3A_1875 : i32
    %sign3A_1877 = arith.extui %sign3A_1876 : i1 to i32
    %sign3A_1878 = arith.subi %sign3A_1874, %sign3A_1877 : i32
    %ne3A_1879 = vector.broadcast %sign3A_1878 : i32 to vector<1x256xi32>
    %ne3A_1880 = arith.cmpi ne, %sign3A_1871, %ne3A_1879 : vector<1x256xi32>
    %rem3A_1881 = vector.broadcast %jit3A_1860 : i32 to vector<1x256xi32>
    %rem3A_1882 = arith.remsi %convert_element_type3A_1775, %rem3A_1881 : vector<1x256xi32>
    %ne3A_1883 = arith.constant 0 : i32
    %ne3A_1884 = vector.broadcast %ne3A_1883 : i32 to vector<1x256xi32>
    %ne3A_1885 = arith.cmpi ne, %rem3A_1882, %ne3A_1884 : vector<1x256xi32>
    %and3A_1886 = arith.andi %ne3A_1880, %ne3A_1885 : vector<1x256xi1>
    %sub3A_1887 = arith.constant 1 : i32
    %sub3A_1888 = vector.broadcast %sub3A_1887 : i32 to vector<1x256xi32>
    %sub3A_1889 = arith.subi %div3A_1862, %sub3A_1888 : vector<1x256xi32>
    %select_n3A_1890 = arith.select %and3A_1886, %sub3A_1889, %div3A_1862 : vector<1x256xi1>, vector<1x256xi32>
    %mul3A_1891 = arith.constant 128 : i32
    %mul3A_1892 = vector.broadcast %mul3A_1891 : i32 to vector<1x256xi32>
    %mul3A_1893 = arith.muli %select_n3A_1890, %mul3A_1892 : vector<1x256xi32>
    %jit3A_1894 = arith.constant 8 : i32
    %eq3A_1895 = arith.constant 0 : i32
    %eq3A_1896 = arith.cmpi eq, %jit3A_1894, %eq3A_1895 : i32
    %jit3A_1897 = arith.constant 1 : i32
    %select_n3A_1898 = arith.select %eq3A_1896, %jit3A_1897, %jit3A_1894 : i32
    %rem3A_1899 = vector.broadcast %select_n3A_1898 : i32 to vector<1x256xi32>
    %rem3A_1900 = arith.remsi %convert_element_type3A_1775, %rem3A_1899 : vector<1x256xi32>
    %ne3A_1901 = arith.constant 0 : i32
    %ne3A_1902 = vector.broadcast %ne3A_1901 : i32 to vector<1x256xi32>
    %ne3A_1903 = arith.cmpi ne, %rem3A_1900, %ne3A_1902 : vector<1x256xi32>
    %lt3A_1904 = arith.constant 0 : i32
    %lt3A_1905 = vector.broadcast %lt3A_1904 : i32 to vector<1x256xi32>
    %lt3A_1906 = arith.cmpi slt, %rem3A_1900, %lt3A_1905 : vector<1x256xi32>
    %lt3A_1907 = arith.constant 0 : i32
    %lt3A_1908 = arith.cmpi slt, %select_n3A_1898, %lt3A_1907 : i32
    %ne3A_1909 = vector.broadcast %lt3A_1908 : i1 to vector<1x256xi1>
    %ne3A_1910 = vector.broadcast %ne3A_1909 : vector<1x256xi1> to vector<1x256xi1>
    %ne3A_1911 = arith.xori %lt3A_1906, %ne3A_1910 : vector<1x256xi1>
    %and3A_1912 = arith.andi %ne3A_1911, %ne3A_1903 : vector<1x256xi1>
    %add3A_1913 = vector.broadcast %select_n3A_1898 : i32 to vector<1x256xi32>
    %add3A_1914 = arith.addi %rem3A_1900, %add3A_1913 : vector<1x256xi32>
    %select_n3A_1915 = arith.select %and3A_1912, %add3A_1914, %rem3A_1900 : vector<1x256xi1>, vector<1x256xi32>
    %mul3A_1916 = arith.constant 4 : i32
    %mul3A_1917 = vector.broadcast %mul3A_1916 : i32 to vector<1x256xi32>
    %mul3A_1918 = arith.muli %select_n3A_1915, %mul3A_1917 : vector<1x256xi32>
    %add3A_1919 = arith.addi %mul3A_1893, %mul3A_1918 : vector<1x256xi32>
    %add3A_1920 = arith.addi %add3A_1919, %add3A_1855 : vector<1x256xi32>
    %mul3A_1921 = arith.constant 1024 : i32
    %mul3A_1922 = arith.muli %add3A_1859, %mul3A_1921 : i32
    %add3A_1923 = vector.broadcast %mul3A_1922 : i32 to vector<1x256xi32>
    %add3A_1924 = arith.addi %add3A_1920, %add3A_1923 : vector<1x256xi32>
    %swap3A_1925 = arith.constant 7 : index
    %swap3A_1926 = arith.constant 0 : index
    %swap3A_1927 = vector.load %arg4[%swap3A_1925, %swap3A_1926] : memref<8x256xi32, #tpu.memory_space<vmem>>, vector<1x256xi32>
    tpu.vector_store %arg4[%swap3A_1925, %swap3A_1926], %add3A_1924 {strides = array<i32>} : memref<8x256xi32, #tpu.memory_space<vmem>>, vector<1x256xi32>,
    return
  }
  func.func @transform_0(%arg0: i32) -> (i32, i32, i32) {
    %c0_i32 = arith.constant 0 : i32
    %c0_i32_0 = arith.constant 0 : i32
    %c0_i32_1 = arith.constant 0 : i32
    return %arg0, %c0_i32, %c0_i32_0 : i32, i32, i32
  }
  func.func @transform_1(%arg0: i32) -> (i32, i32, i32) {
    %c0_i32 = arith.constant 0 : i32
    %c0_i32_0 = arith.constant 0 : i32
    %c0_i32_1 = arith.constant 0 : i32
    return %arg0, %c0_i32, %c0_i32_0 : i32, i32, i32
  }
  func.func @transform_2(%arg0: i32) -> (i32, i32) {
    %c0_i32 = arith.constant 0 : i32
    %c0_i32_0 = arith.constant 0 : i32
    %c0_i32_1 = arith.constant 0 : i32
    return %c0_i32, %c0_i32_0 : i32, i32
  }
  func.func @transform_3(%arg0: i32) -> (i32, i32) {
    %c0_i32 = arith.constant 0 : i32
    %c0_i32_0 = arith.constant 0 : i32
    return %arg0, %c0_i32 : i32, i32
  }
}

module attributes {stable_mosaic.version = 14 : i64} {
  func.func @_proj_body(%arg0: i32, %arg1: memref<8x256x384xf32, #tpu.memory_space<vmem>>, %arg2: memref<384x96xbf16, #tpu.memory_space<vmem>>, %arg3: memref<1x96xf32, #tpu.memory_space<vmem>>, %arg4: memref<96x384xbf16, #tpu.memory_space<vmem>>, %arg5: memref<1x384xf32, #tpu.memory_space<vmem>>, %arg6: memref<8x256x384xf32, #tpu.memory_space<vmem>>) attributes {dimension_semantics = [#tpu.dimension_semantics<arbitrary>], iteration_bounds = array<i64: 8>, scalar_prefetch = 0 : i64, scratch_operands = 0 : i64, tpu.core_type = #tpu.core_type<tc>, window_params = [{transform_indices = @transform_0, window_bounds = array<i64: 8, 256, 384>}, {pipeline_mode = #tpu.pipeline_mode<synchronous>, transform_indices = @transform_1, window_bounds = array<i64: 384, 96>}, {pipeline_mode = #tpu.pipeline_mode<synchronous>, transform_indices = @transform_2, window_bounds = array<i64: 1, 96>}, {pipeline_mode = #tpu.pipeline_mode<synchronous>, transform_indices = @transform_3, window_bounds = array<i64: 96, 384>}, {pipeline_mode = #tpu.pipeline_mode<synchronous>, transform_indices = @transform_4, window_bounds = array<i64: 1, 384>}, {transform_indices = @transform_5, window_bounds = array<i64: 8, 256, 384>}]} {
    %get3A = arith.constant 0 : index
    %get3A_0 = arith.constant 0 : index
    %get3A_1 = arith.constant 0 : index
    %get3A_2 = vector.load %arg1[%get3A, %get3A_0, %get3A_1] : memref<8x256x384xf32, #tpu.memory_space<vmem>>, vector<1x256x384xf32>
    %get3A_3 = vector.shape_cast %get3A_2 : vector<1x256x384xf32> to vector<256x384xf32>
    %convert_element_type3A = arith.truncf %get3A_3 : vector<256x384xf32> to vector<256x384xbf16>
    %get3A_4 = arith.constant 0 : index
    %get3A_5 = arith.constant 0 : index
    %get3A_6 = vector.load %arg2[%get3A_4, %get3A_5] : memref<384x96xbf16, #tpu.memory_space<vmem>>, vector<384x96xbf16>
    %dot_general3A = arith.constant dense<0.000000e+00> : vector<256x96xf32>
    %dot_general3A_7 = tpu.matmul %convert_element_type3A, %get3A_6, %dot_general3A {dimension_numbers = #tpu.dot_dimension_numbers<[1], [0], [0], [1], [0, 0, 1, 1], [], []>, transpose_lhs_hint = false} : vector<256x384xbf16>, vector<384x96xbf16>, vector<256x96xf32> -> vector<256x96xf32>
    %get3A_8 = arith.constant 0 : index
    %get3A_9 = arith.constant 0 : index
    %get3A_10 = vector.load %arg3[%get3A_8, %get3A_9] : memref<1x96xf32, #tpu.memory_space<vmem>>, vector<1x96xf32>
    %add3A = vector.broadcast %get3A_10 : vector<1x96xf32> to vector<256x96xf32>
    %add3A_11 = arith.addf %dot_general3A_7, %add3A : vector<256x96xf32>
    %broadcast_in_dim3A = arith.constant 0.000000e+00 : f32
    %broadcast_in_dim3A_12 = vector.broadcast %broadcast_in_dim3A : f32 to vector<1x96xf32>
    %broadcast_in_dim3A_13 = arith.constant 0.000000e+00 : f32
    %broadcast_in_dim3A_14 = vector.broadcast %broadcast_in_dim3A_13 : f32 to vector<4x96xf32>
    %slice3A = vector.extract_strided_slice %add3A_11 {offsets = [1, 0], sizes = [255, 96], strides = [1, 1]} : vector<256x96xf32> to vector<255x96xf32>
    %concatenate3A = tpu.concatenate %slice3A, %broadcast_in_dim3A_12 in 0 : vector<255x96xf32>, vector<1x96xf32> -> vector<256x96xf32>
    %slice3A_15 = vector.extract_strided_slice %add3A_11 {offsets = [0, 0], sizes = [255, 96], strides = [1, 1]} : vector<256x96xf32> to vector<255x96xf32>
    %concatenate3A_16 = tpu.concatenate %broadcast_in_dim3A_12, %slice3A_15 in 0 : vector<1x96xf32>, vector<255x96xf32> -> vector<256x96xf32>
    %slice3A_17 = vector.extract_strided_slice %add3A_11 {offsets = [4, 0], sizes = [252, 96], strides = [1, 1]} : vector<256x96xf32> to vector<252x96xf32>
    %concatenate3A_18 = tpu.concatenate %slice3A_17, %broadcast_in_dim3A_14 in 0 : vector<252x96xf32>, vector<4x96xf32> -> vector<256x96xf32>
    %slice3A_19 = vector.extract_strided_slice %add3A_11 {offsets = [0, 0], sizes = [252, 96], strides = [1, 1]} : vector<256x96xf32> to vector<252x96xf32>
    %concatenate3A_20 = tpu.concatenate %broadcast_in_dim3A_14, %slice3A_19 in 0 : vector<4x96xf32>, vector<252x96xf32> -> vector<256x96xf32>
    %iota3A = tpu.iota {dimensions = array<i32: 0>} : vector<256x1xi32>
    %jit3A = arith.constant 4 : i32
    %eq3A = arith.constant 0 : i32
    %eq3A_21 = arith.cmpi eq, %jit3A, %eq3A : i32
    %jit3A_22 = arith.constant 1 : i32
    %select_n3A = arith.select %eq3A_21, %jit3A_22, %jit3A : i32
    %rem3A = vector.broadcast %select_n3A : i32 to vector<256x1xi32>
    %rem3A_23 = arith.remsi %iota3A, %rem3A : vector<256x1xi32>
    %ne3A = arith.constant 0 : i32
    %ne3A_24 = vector.broadcast %ne3A : i32 to vector<256x1xi32>
    %ne3A_25 = arith.cmpi ne, %rem3A_23, %ne3A_24 : vector<256x1xi32>
    %lt3A = arith.constant 0 : i32
    %lt3A_26 = vector.broadcast %lt3A : i32 to vector<256x1xi32>
    %lt3A_27 = arith.cmpi slt, %rem3A_23, %lt3A_26 : vector<256x1xi32>
    %lt3A_28 = arith.constant 0 : i32
    %lt3A_29 = arith.cmpi slt, %select_n3A, %lt3A_28 : i32
    %ne3A_30 = vector.broadcast %lt3A_29 : i1 to vector<256x1xi1>
    %ne3A_31 = vector.broadcast %ne3A_30 : vector<256x1xi1> to vector<256x1xi1>
    %ne3A_32 = arith.xori %lt3A_27, %ne3A_31 : vector<256x1xi1>
    %and3A = arith.andi %ne3A_32, %ne3A_25 : vector<256x1xi1>
    %add3A_33 = vector.broadcast %select_n3A : i32 to vector<256x1xi32>
    %add3A_34 = arith.addi %rem3A_23, %add3A_33 : vector<256x1xi32>
    %select_n3A_35 = arith.select %and3A, %add3A_34, %rem3A_23 : vector<256x1xi1>, vector<256x1xi32>
    %jit3A_36 = arith.constant 16 : i32
    %eq3A_37 = arith.constant 0 : i32
    %eq3A_38 = arith.cmpi eq, %jit3A_36, %eq3A_37 : i32
    %jit3A_39 = arith.constant 1 : i32
    %select_n3A_40 = arith.select %eq3A_38, %jit3A_39, %jit3A_36 : i32
    %rem3A_41 = vector.broadcast %select_n3A_40 : i32 to vector<256x1xi32>
    %rem3A_42 = arith.remsi %iota3A, %rem3A_41 : vector<256x1xi32>
    %ne3A_43 = arith.constant 0 : i32
    %ne3A_44 = vector.broadcast %ne3A_43 : i32 to vector<256x1xi32>
    %ne3A_45 = arith.cmpi ne, %rem3A_42, %ne3A_44 : vector<256x1xi32>
    %lt3A_46 = arith.constant 0 : i32
    %lt3A_47 = vector.broadcast %lt3A_46 : i32 to vector<256x1xi32>
    %lt3A_48 = arith.cmpi slt, %rem3A_42, %lt3A_47 : vector<256x1xi32>
    %lt3A_49 = arith.constant 0 : i32
    %lt3A_50 = arith.cmpi slt, %select_n3A_40, %lt3A_49 : i32
    %ne3A_51 = vector.broadcast %lt3A_50 : i1 to vector<256x1xi1>
    %ne3A_52 = vector.broadcast %ne3A_51 : vector<256x1xi1> to vector<256x1xi1>
    %ne3A_53 = arith.xori %lt3A_48, %ne3A_52 : vector<256x1xi1>
    %and3A_54 = arith.andi %ne3A_53, %ne3A_45 : vector<256x1xi1>
    %add3A_55 = vector.broadcast %select_n3A_40 : i32 to vector<256x1xi32>
    %add3A_56 = arith.addi %rem3A_42, %add3A_55 : vector<256x1xi32>
    %select_n3A_57 = arith.select %and3A_54, %add3A_56, %rem3A_42 : vector<256x1xi1>, vector<256x1xi32>
    %jit3A_58 = arith.constant 4 : i32
    %div3A = vector.broadcast %jit3A_58 : i32 to vector<256x1xi32>
    %div3A_59 = arith.divsi %select_n3A_57, %div3A : vector<256x1xi32>
    %sign3A = arith.constant 0 : i32
    %sign3A_60 = vector.broadcast %sign3A : i32 to vector<256x1xi32>
    %sign3A_61 = arith.cmpi sgt, %select_n3A_57, %sign3A_60 : vector<256x1xi32>
    %sign3A_62 = arith.extui %sign3A_61 : vector<256x1xi1> to vector<256x1xi32>
    %sign3A_63 = arith.constant 0 : i32
    %sign3A_64 = vector.broadcast %sign3A_63 : i32 to vector<256x1xi32>
    %sign3A_65 = arith.cmpi slt, %select_n3A_57, %sign3A_64 : vector<256x1xi32>
    %sign3A_66 = arith.extui %sign3A_65 : vector<256x1xi1> to vector<256x1xi32>
    %sign3A_67 = arith.subi %sign3A_62, %sign3A_66 : vector<256x1xi32>
    %sign3A_68 = arith.constant 0 : i32
    %sign3A_69 = arith.cmpi sgt, %jit3A_58, %sign3A_68 : i32
    %sign3A_70 = arith.extui %sign3A_69 : i1 to i32
    %sign3A_71 = arith.constant 0 : i32
    %sign3A_72 = arith.cmpi slt, %jit3A_58, %sign3A_71 : i32
    %sign3A_73 = arith.extui %sign3A_72 : i1 to i32
    %sign3A_74 = arith.subi %sign3A_70, %sign3A_73 : i32
    %ne3A_75 = vector.broadcast %sign3A_74 : i32 to vector<256x1xi32>
    %ne3A_76 = arith.cmpi ne, %sign3A_67, %ne3A_75 : vector<256x1xi32>
    %rem3A_77 = vector.broadcast %jit3A_58 : i32 to vector<256x1xi32>
    %rem3A_78 = arith.remsi %select_n3A_57, %rem3A_77 : vector<256x1xi32>
    %ne3A_79 = arith.constant 0 : i32
    %ne3A_80 = vector.broadcast %ne3A_79 : i32 to vector<256x1xi32>
    %ne3A_81 = arith.cmpi ne, %rem3A_78, %ne3A_80 : vector<256x1xi32>
    %and3A_82 = arith.andi %ne3A_76, %ne3A_81 : vector<256x1xi1>
    %sub3A = arith.constant 1 : i32
    %sub3A_83 = vector.broadcast %sub3A : i32 to vector<256x1xi32>
    %sub3A_84 = arith.subi %div3A_59, %sub3A_83 : vector<256x1xi32>
    %select_n3A_85 = arith.select %and3A_82, %sub3A_84, %div3A_59 : vector<256x1xi1>, vector<256x1xi32>
    %lt3A_86 = arith.constant 3 : i32
    %lt3A_87 = vector.broadcast %lt3A_86 : i32 to vector<256x1xi32>
    %lt3A_88 = arith.cmpi slt, %select_n3A_35, %lt3A_87 : vector<256x1xi32>
    %jit3A_89 = arith.constant 0.000000e+00 : f32
    %broadcast_in_dim3A_90 = vector.shape_cast %lt3A_88 : vector<256x1xi1> to vector<256x1xi1>
    %broadcast_in_dim3A_91 = vector.broadcast %broadcast_in_dim3A_90 : vector<256x1xi1> to vector<256x96xi1>
    %broadcast_in_dim3A_92 = vector.broadcast %jit3A_89 : f32 to vector<256x96xf32>
    %select_n3A_93 = arith.select %broadcast_in_dim3A_91, %concatenate3A, %broadcast_in_dim3A_92 : vector<256x96xi1>, vector<256x96xf32>
    %gt3A = arith.constant 0 : i32
    %gt3A_94 = vector.broadcast %gt3A : i32 to vector<256x1xi32>
    %gt3A_95 = arith.cmpi sgt, %select_n3A_35, %gt3A_94 : vector<256x1xi32>
    %jit3A_96 = arith.constant 0.000000e+00 : f32
    %broadcast_in_dim3A_97 = vector.shape_cast %gt3A_95 : vector<256x1xi1> to vector<256x1xi1>
    %broadcast_in_dim3A_98 = vector.broadcast %broadcast_in_dim3A_97 : vector<256x1xi1> to vector<256x96xi1>
    %broadcast_in_dim3A_99 = vector.broadcast %jit3A_96 : f32 to vector<256x96xf32>
    %select_n3A_100 = arith.select %broadcast_in_dim3A_98, %concatenate3A_16, %broadcast_in_dim3A_99 : vector<256x96xi1>, vector<256x96xf32>
    %lt3A_101 = arith.constant 3 : i32
    %lt3A_102 = vector.broadcast %lt3A_101 : i32 to vector<256x1xi32>
    %lt3A_103 = arith.cmpi slt, %select_n3A_85, %lt3A_102 : vector<256x1xi32>
    %jit3A_104 = arith.constant 0.000000e+00 : f32
    %broadcast_in_dim3A_105 = vector.shape_cast %lt3A_103 : vector<256x1xi1> to vector<256x1xi1>
    %broadcast_in_dim3A_106 = vector.broadcast %broadcast_in_dim3A_105 : vector<256x1xi1> to vector<256x96xi1>
    %broadcast_in_dim3A_107 = vector.broadcast %jit3A_104 : f32 to vector<256x96xf32>
    %select_n3A_108 = arith.select %broadcast_in_dim3A_106, %concatenate3A_18, %broadcast_in_dim3A_107 : vector<256x96xi1>, vector<256x96xf32>
    %gt3A_109 = arith.constant 0 : i32
    %gt3A_110 = vector.broadcast %gt3A_109 : i32 to vector<256x1xi32>
    %gt3A_111 = arith.cmpi sgt, %select_n3A_85, %gt3A_110 : vector<256x1xi32>
    %jit3A_112 = arith.constant 0.000000e+00 : f32
    %broadcast_in_dim3A_113 = vector.shape_cast %gt3A_111 : vector<256x1xi1> to vector<256x1xi1>
    %broadcast_in_dim3A_114 = vector.broadcast %broadcast_in_dim3A_113 : vector<256x1xi1> to vector<256x96xi1>
    %broadcast_in_dim3A_115 = vector.broadcast %jit3A_112 : f32 to vector<256x96xf32>
    %select_n3A_116 = arith.select %broadcast_in_dim3A_114, %concatenate3A_20, %broadcast_in_dim3A_115 : vector<256x96xi1>, vector<256x96xf32>
    %iota3A_117 = tpu.iota {dimensions = array<i32: 1>} : vector<256x96xi32>
    %lt3A_118 = arith.constant 24 : i32
    %lt3A_119 = vector.broadcast %lt3A_118 : i32 to vector<256x96xi32>
    %lt3A_120 = arith.cmpi slt, %iota3A_117, %lt3A_119 : vector<256x96xi32>
    %lt3A_121 = arith.constant 48 : i32
    %lt3A_122 = vector.broadcast %lt3A_121 : i32 to vector<256x96xi32>
    %lt3A_123 = arith.cmpi slt, %iota3A_117, %lt3A_122 : vector<256x96xi32>
    %lt3A_124 = arith.constant 72 : i32
    %lt3A_125 = vector.broadcast %lt3A_124 : i32 to vector<256x96xi32>
    %lt3A_126 = arith.cmpi slt, %iota3A_117, %lt3A_125 : vector<256x96xi32>
    %select_n3A_127 = arith.select %lt3A_126, %select_n3A_108, %select_n3A_116 : vector<256x96xi1>, vector<256x96xf32>
    %select_n3A_128 = arith.select %lt3A_123, %select_n3A_100, %select_n3A_127 : vector<256x96xi1>, vector<256x96xf32>
    %select_n3A_129 = arith.select %lt3A_120, %select_n3A_93, %select_n3A_128 : vector<256x96xi1>, vector<256x96xf32>
    %convert_element_type3A_130 = arith.truncf %select_n3A_129 : vector<256x96xf32> to vector<256x96xbf16>
    %get3A_131 = arith.constant 0 : index
    %get3A_132 = arith.constant 0 : index
    %get3A_133 = vector.load %arg4[%get3A_131, %get3A_132] : memref<96x384xbf16, #tpu.memory_space<vmem>>, vector<96x384xbf16>
    %dot_general3A_134 = arith.constant dense<0.000000e+00> : vector<256x384xf32>
    %dot_general3A_135 = tpu.matmul %convert_element_type3A_130, %get3A_133, %dot_general3A_134 {dimension_numbers = #tpu.dot_dimension_numbers<[1], [0], [0], [1], [0, 0, 1, 1], [], []>, transpose_lhs_hint = false} : vector<256x96xbf16>, vector<96x384xbf16>, vector<256x384xf32> -> vector<256x384xf32>
    %add3A_136 = arith.addf %get3A_3, %dot_general3A_135 : vector<256x384xf32>
    %get3A_137 = arith.constant 0 : index
    %get3A_138 = arith.constant 0 : index
    %get3A_139 = vector.load %arg5[%get3A_137, %get3A_138] : memref<1x384xf32, #tpu.memory_space<vmem>>, vector<1x384xf32>
    %add3A_140 = vector.broadcast %get3A_139 : vector<1x384xf32> to vector<256x384xf32>
    %add3A_141 = arith.addf %add3A_136, %add3A_140 : vector<256x384xf32>
    %swap3A = arith.constant 0 : index
    %swap3A_142 = arith.constant 0 : index
    %swap3A_143 = arith.constant 0 : index
    %swap3A_144 = vector.load %arg6[%swap3A, %swap3A_142, %swap3A_143] : memref<8x256x384xf32, #tpu.memory_space<vmem>>, vector<1x256x384xf32>
    %swap3A_145 = vector.shape_cast %swap3A_144 : vector<1x256x384xf32> to vector<256x384xf32>
    %swap3A_146 = vector.shape_cast %add3A_141 : vector<256x384xf32> to vector<1x256x384xf32>
    tpu.vector_store %arg6[%swap3A, %swap3A_142, %swap3A_143], %swap3A_146 {strides = array<i32>} : memref<8x256x384xf32, #tpu.memory_space<vmem>>, vector<1x256x384xf32>,
    %get3A_147 = arith.constant 1 : index
    %get3A_148 = arith.constant 0 : index
    %get3A_149 = arith.constant 0 : index
    %get3A_150 = vector.load %arg1[%get3A_147, %get3A_148, %get3A_149] : memref<8x256x384xf32, #tpu.memory_space<vmem>>, vector<1x256x384xf32>
    %get3A_151 = vector.shape_cast %get3A_150 : vector<1x256x384xf32> to vector<256x384xf32>
    %convert_element_type3A_152 = arith.truncf %get3A_151 : vector<256x384xf32> to vector<256x384xbf16>
    %get3A_153 = arith.constant 0 : index
    %get3A_154 = arith.constant 0 : index
    %get3A_155 = vector.load %arg2[%get3A_153, %get3A_154] : memref<384x96xbf16, #tpu.memory_space<vmem>>, vector<384x96xbf16>
    %dot_general3A_156 = arith.constant dense<0.000000e+00> : vector<256x96xf32>
    %dot_general3A_157 = tpu.matmul %convert_element_type3A_152, %get3A_155, %dot_general3A_156 {dimension_numbers = #tpu.dot_dimension_numbers<[1], [0], [0], [1], [0, 0, 1, 1], [], []>, transpose_lhs_hint = false} : vector<256x384xbf16>, vector<384x96xbf16>, vector<256x96xf32> -> vector<256x96xf32>
    %get3A_158 = arith.constant 0 : index
    %get3A_159 = arith.constant 0 : index
    %get3A_160 = vector.load %arg3[%get3A_158, %get3A_159] : memref<1x96xf32, #tpu.memory_space<vmem>>, vector<1x96xf32>
    %add3A_161 = vector.broadcast %get3A_160 : vector<1x96xf32> to vector<256x96xf32>
    %add3A_162 = arith.addf %dot_general3A_157, %add3A_161 : vector<256x96xf32>
    %broadcast_in_dim3A_163 = arith.constant 0.000000e+00 : f32
    %broadcast_in_dim3A_164 = vector.broadcast %broadcast_in_dim3A_163 : f32 to vector<1x96xf32>
    %broadcast_in_dim3A_165 = arith.constant 0.000000e+00 : f32
    %broadcast_in_dim3A_166 = vector.broadcast %broadcast_in_dim3A_165 : f32 to vector<4x96xf32>
    %slice3A_167 = vector.extract_strided_slice %add3A_162 {offsets = [1, 0], sizes = [255, 96], strides = [1, 1]} : vector<256x96xf32> to vector<255x96xf32>
    %concatenate3A_168 = tpu.concatenate %slice3A_167, %broadcast_in_dim3A_164 in 0 : vector<255x96xf32>, vector<1x96xf32> -> vector<256x96xf32>
    %slice3A_169 = vector.extract_strided_slice %add3A_162 {offsets = [0, 0], sizes = [255, 96], strides = [1, 1]} : vector<256x96xf32> to vector<255x96xf32>
    %concatenate3A_170 = tpu.concatenate %broadcast_in_dim3A_164, %slice3A_169 in 0 : vector<1x96xf32>, vector<255x96xf32> -> vector<256x96xf32>
    %slice3A_171 = vector.extract_strided_slice %add3A_162 {offsets = [4, 0], sizes = [252, 96], strides = [1, 1]} : vector<256x96xf32> to vector<252x96xf32>
    %concatenate3A_172 = tpu.concatenate %slice3A_171, %broadcast_in_dim3A_166 in 0 : vector<252x96xf32>, vector<4x96xf32> -> vector<256x96xf32>
    %slice3A_173 = vector.extract_strided_slice %add3A_162 {offsets = [0, 0], sizes = [252, 96], strides = [1, 1]} : vector<256x96xf32> to vector<252x96xf32>
    %concatenate3A_174 = tpu.concatenate %broadcast_in_dim3A_166, %slice3A_173 in 0 : vector<4x96xf32>, vector<252x96xf32> -> vector<256x96xf32>
    %iota3A_175 = tpu.iota {dimensions = array<i32: 0>} : vector<256x1xi32>
    %jit3A_176 = arith.constant 4 : i32
    %eq3A_177 = arith.constant 0 : i32
    %eq3A_178 = arith.cmpi eq, %jit3A_176, %eq3A_177 : i32
    %jit3A_179 = arith.constant 1 : i32
    %select_n3A_180 = arith.select %eq3A_178, %jit3A_179, %jit3A_176 : i32
    %rem3A_181 = vector.broadcast %select_n3A_180 : i32 to vector<256x1xi32>
    %rem3A_182 = arith.remsi %iota3A_175, %rem3A_181 : vector<256x1xi32>
    %ne3A_183 = arith.constant 0 : i32
    %ne3A_184 = vector.broadcast %ne3A_183 : i32 to vector<256x1xi32>
    %ne3A_185 = arith.cmpi ne, %rem3A_182, %ne3A_184 : vector<256x1xi32>
    %lt3A_186 = arith.constant 0 : i32
    %lt3A_187 = vector.broadcast %lt3A_186 : i32 to vector<256x1xi32>
    %lt3A_188 = arith.cmpi slt, %rem3A_182, %lt3A_187 : vector<256x1xi32>
    %lt3A_189 = arith.constant 0 : i32
    %lt3A_190 = arith.cmpi slt, %select_n3A_180, %lt3A_189 : i32
    %ne3A_191 = vector.broadcast %lt3A_190 : i1 to vector<256x1xi1>
    %ne3A_192 = vector.broadcast %ne3A_191 : vector<256x1xi1> to vector<256x1xi1>
    %ne3A_193 = arith.xori %lt3A_188, %ne3A_192 : vector<256x1xi1>
    %and3A_194 = arith.andi %ne3A_193, %ne3A_185 : vector<256x1xi1>
    %add3A_195 = vector.broadcast %select_n3A_180 : i32 to vector<256x1xi32>
    %add3A_196 = arith.addi %rem3A_182, %add3A_195 : vector<256x1xi32>
    %select_n3A_197 = arith.select %and3A_194, %add3A_196, %rem3A_182 : vector<256x1xi1>, vector<256x1xi32>
    %jit3A_198 = arith.constant 16 : i32
    %eq3A_199 = arith.constant 0 : i32
    %eq3A_200 = arith.cmpi eq, %jit3A_198, %eq3A_199 : i32
    %jit3A_201 = arith.constant 1 : i32
    %select_n3A_202 = arith.select %eq3A_200, %jit3A_201, %jit3A_198 : i32
    %rem3A_203 = vector.broadcast %select_n3A_202 : i32 to vector<256x1xi32>
    %rem3A_204 = arith.remsi %iota3A_175, %rem3A_203 : vector<256x1xi32>
    %ne3A_205 = arith.constant 0 : i32
    %ne3A_206 = vector.broadcast %ne3A_205 : i32 to vector<256x1xi32>
    %ne3A_207 = arith.cmpi ne, %rem3A_204, %ne3A_206 : vector<256x1xi32>
    %lt3A_208 = arith.constant 0 : i32
    %lt3A_209 = vector.broadcast %lt3A_208 : i32 to vector<256x1xi32>
    %lt3A_210 = arith.cmpi slt, %rem3A_204, %lt3A_209 : vector<256x1xi32>
    %lt3A_211 = arith.constant 0 : i32
    %lt3A_212 = arith.cmpi slt, %select_n3A_202, %lt3A_211 : i32
    %ne3A_213 = vector.broadcast %lt3A_212 : i1 to vector<256x1xi1>
    %ne3A_214 = vector.broadcast %ne3A_213 : vector<256x1xi1> to vector<256x1xi1>
    %ne3A_215 = arith.xori %lt3A_210, %ne3A_214 : vector<256x1xi1>
    %and3A_216 = arith.andi %ne3A_215, %ne3A_207 : vector<256x1xi1>
    %add3A_217 = vector.broadcast %select_n3A_202 : i32 to vector<256x1xi32>
    %add3A_218 = arith.addi %rem3A_204, %add3A_217 : vector<256x1xi32>
    %select_n3A_219 = arith.select %and3A_216, %add3A_218, %rem3A_204 : vector<256x1xi1>, vector<256x1xi32>
    %jit3A_220 = arith.constant 4 : i32
    %div3A_221 = vector.broadcast %jit3A_220 : i32 to vector<256x1xi32>
    %div3A_222 = arith.divsi %select_n3A_219, %div3A_221 : vector<256x1xi32>
    %sign3A_223 = arith.constant 0 : i32
    %sign3A_224 = vector.broadcast %sign3A_223 : i32 to vector<256x1xi32>
    %sign3A_225 = arith.cmpi sgt, %select_n3A_219, %sign3A_224 : vector<256x1xi32>
    %sign3A_226 = arith.extui %sign3A_225 : vector<256x1xi1> to vector<256x1xi32>
    %sign3A_227 = arith.constant 0 : i32
    %sign3A_228 = vector.broadcast %sign3A_227 : i32 to vector<256x1xi32>
    %sign3A_229 = arith.cmpi slt, %select_n3A_219, %sign3A_228 : vector<256x1xi32>
    %sign3A_230 = arith.extui %sign3A_229 : vector<256x1xi1> to vector<256x1xi32>
    %sign3A_231 = arith.subi %sign3A_226, %sign3A_230 : vector<256x1xi32>
    %sign3A_232 = arith.constant 0 : i32
    %sign3A_233 = arith.cmpi sgt, %jit3A_220, %sign3A_232 : i32
    %sign3A_234 = arith.extui %sign3A_233 : i1 to i32
    %sign3A_235 = arith.constant 0 : i32
    %sign3A_236 = arith.cmpi slt, %jit3A_220, %sign3A_235 : i32
    %sign3A_237 = arith.extui %sign3A_236 : i1 to i32
    %sign3A_238 = arith.subi %sign3A_234, %sign3A_237 : i32
    %ne3A_239 = vector.broadcast %sign3A_238 : i32 to vector<256x1xi32>
    %ne3A_240 = arith.cmpi ne, %sign3A_231, %ne3A_239 : vector<256x1xi32>
    %rem3A_241 = vector.broadcast %jit3A_220 : i32 to vector<256x1xi32>
    %rem3A_242 = arith.remsi %select_n3A_219, %rem3A_241 : vector<256x1xi32>
    %ne3A_243 = arith.constant 0 : i32
    %ne3A_244 = vector.broadcast %ne3A_243 : i32 to vector<256x1xi32>
    %ne3A_245 = arith.cmpi ne, %rem3A_242, %ne3A_244 : vector<256x1xi32>
    %and3A_246 = arith.andi %ne3A_240, %ne3A_245 : vector<256x1xi1>
    %sub3A_247 = arith.constant 1 : i32
    %sub3A_248 = vector.broadcast %sub3A_247 : i32 to vector<256x1xi32>
    %sub3A_249 = arith.subi %div3A_222, %sub3A_248 : vector<256x1xi32>
    %select_n3A_250 = arith.select %and3A_246, %sub3A_249, %div3A_222 : vector<256x1xi1>, vector<256x1xi32>
    %lt3A_251 = arith.constant 3 : i32
    %lt3A_252 = vector.broadcast %lt3A_251 : i32 to vector<256x1xi32>
    %lt3A_253 = arith.cmpi slt, %select_n3A_197, %lt3A_252 : vector<256x1xi32>
    %jit3A_254 = arith.constant 0.000000e+00 : f32
    %broadcast_in_dim3A_255 = vector.shape_cast %lt3A_253 : vector<256x1xi1> to vector<256x1xi1>
    %broadcast_in_dim3A_256 = vector.broadcast %broadcast_in_dim3A_255 : vector<256x1xi1> to vector<256x96xi1>
    %broadcast_in_dim3A_257 = vector.broadcast %jit3A_254 : f32 to vector<256x96xf32>
    %select_n3A_258 = arith.select %broadcast_in_dim3A_256, %concatenate3A_168, %broadcast_in_dim3A_257 : vector<256x96xi1>, vector<256x96xf32>
    %gt3A_259 = arith.constant 0 : i32
    %gt3A_260 = vector.broadcast %gt3A_259 : i32 to vector<256x1xi32>
    %gt3A_261 = arith.cmpi sgt, %select_n3A_197, %gt3A_260 : vector<256x1xi32>
    %jit3A_262 = arith.constant 0.000000e+00 : f32
    %broadcast_in_dim3A_263 = vector.shape_cast %gt3A_261 : vector<256x1xi1> to vector<256x1xi1>
    %broadcast_in_dim3A_264 = vector.broadcast %broadcast_in_dim3A_263 : vector<256x1xi1> to vector<256x96xi1>
    %broadcast_in_dim3A_265 = vector.broadcast %jit3A_262 : f32 to vector<256x96xf32>
    %select_n3A_266 = arith.select %broadcast_in_dim3A_264, %concatenate3A_170, %broadcast_in_dim3A_265 : vector<256x96xi1>, vector<256x96xf32>
    %lt3A_267 = arith.constant 3 : i32
    %lt3A_268 = vector.broadcast %lt3A_267 : i32 to vector<256x1xi32>
    %lt3A_269 = arith.cmpi slt, %select_n3A_250, %lt3A_268 : vector<256x1xi32>
    %jit3A_270 = arith.constant 0.000000e+00 : f32
    %broadcast_in_dim3A_271 = vector.shape_cast %lt3A_269 : vector<256x1xi1> to vector<256x1xi1>
    %broadcast_in_dim3A_272 = vector.broadcast %broadcast_in_dim3A_271 : vector<256x1xi1> to vector<256x96xi1>
    %broadcast_in_dim3A_273 = vector.broadcast %jit3A_270 : f32 to vector<256x96xf32>
    %select_n3A_274 = arith.select %broadcast_in_dim3A_272, %concatenate3A_172, %broadcast_in_dim3A_273 : vector<256x96xi1>, vector<256x96xf32>
    %gt3A_275 = arith.constant 0 : i32
    %gt3A_276 = vector.broadcast %gt3A_275 : i32 to vector<256x1xi32>
    %gt3A_277 = arith.cmpi sgt, %select_n3A_250, %gt3A_276 : vector<256x1xi32>
    %jit3A_278 = arith.constant 0.000000e+00 : f32
    %broadcast_in_dim3A_279 = vector.shape_cast %gt3A_277 : vector<256x1xi1> to vector<256x1xi1>
    %broadcast_in_dim3A_280 = vector.broadcast %broadcast_in_dim3A_279 : vector<256x1xi1> to vector<256x96xi1>
    %broadcast_in_dim3A_281 = vector.broadcast %jit3A_278 : f32 to vector<256x96xf32>
    %select_n3A_282 = arith.select %broadcast_in_dim3A_280, %concatenate3A_174, %broadcast_in_dim3A_281 : vector<256x96xi1>, vector<256x96xf32>
    %iota3A_283 = tpu.iota {dimensions = array<i32: 1>} : vector<256x96xi32>
    %lt3A_284 = arith.constant 24 : i32
    %lt3A_285 = vector.broadcast %lt3A_284 : i32 to vector<256x96xi32>
    %lt3A_286 = arith.cmpi slt, %iota3A_283, %lt3A_285 : vector<256x96xi32>
    %lt3A_287 = arith.constant 48 : i32
    %lt3A_288 = vector.broadcast %lt3A_287 : i32 to vector<256x96xi32>
    %lt3A_289 = arith.cmpi slt, %iota3A_283, %lt3A_288 : vector<256x96xi32>
    %lt3A_290 = arith.constant 72 : i32
    %lt3A_291 = vector.broadcast %lt3A_290 : i32 to vector<256x96xi32>
    %lt3A_292 = arith.cmpi slt, %iota3A_283, %lt3A_291 : vector<256x96xi32>
    %select_n3A_293 = arith.select %lt3A_292, %select_n3A_274, %select_n3A_282 : vector<256x96xi1>, vector<256x96xf32>
    %select_n3A_294 = arith.select %lt3A_289, %select_n3A_266, %select_n3A_293 : vector<256x96xi1>, vector<256x96xf32>
    %select_n3A_295 = arith.select %lt3A_286, %select_n3A_258, %select_n3A_294 : vector<256x96xi1>, vector<256x96xf32>
    %convert_element_type3A_296 = arith.truncf %select_n3A_295 : vector<256x96xf32> to vector<256x96xbf16>
    %get3A_297 = arith.constant 0 : index
    %get3A_298 = arith.constant 0 : index
    %get3A_299 = vector.load %arg4[%get3A_297, %get3A_298] : memref<96x384xbf16, #tpu.memory_space<vmem>>, vector<96x384xbf16>
    %dot_general3A_300 = arith.constant dense<0.000000e+00> : vector<256x384xf32>
    %dot_general3A_301 = tpu.matmul %convert_element_type3A_296, %get3A_299, %dot_general3A_300 {dimension_numbers = #tpu.dot_dimension_numbers<[1], [0], [0], [1], [0, 0, 1, 1], [], []>, transpose_lhs_hint = false} : vector<256x96xbf16>, vector<96x384xbf16>, vector<256x384xf32> -> vector<256x384xf32>
    %add3A_302 = arith.addf %get3A_151, %dot_general3A_301 : vector<256x384xf32>
    %get3A_303 = arith.constant 0 : index
    %get3A_304 = arith.constant 0 : index
    %get3A_305 = vector.load %arg5[%get3A_303, %get3A_304] : memref<1x384xf32, #tpu.memory_space<vmem>>, vector<1x384xf32>
    %add3A_306 = vector.broadcast %get3A_305 : vector<1x384xf32> to vector<256x384xf32>
    %add3A_307 = arith.addf %add3A_302, %add3A_306 : vector<256x384xf32>
    %swap3A_308 = arith.constant 1 : index
    %swap3A_309 = arith.constant 0 : index
    %swap3A_310 = arith.constant 0 : index
    %swap3A_311 = vector.load %arg6[%swap3A_308, %swap3A_309, %swap3A_310] : memref<8x256x384xf32, #tpu.memory_space<vmem>>, vector<1x256x384xf32>
    %swap3A_312 = vector.shape_cast %swap3A_311 : vector<1x256x384xf32> to vector<256x384xf32>
    %swap3A_313 = vector.shape_cast %add3A_307 : vector<256x384xf32> to vector<1x256x384xf32>
    tpu.vector_store %arg6[%swap3A_308, %swap3A_309, %swap3A_310], %swap3A_313 {strides = array<i32>} : memref<8x256x384xf32, #tpu.memory_space<vmem>>, vector<1x256x384xf32>,
    %get3A_314 = arith.constant 2 : index
    %get3A_315 = arith.constant 0 : index
    %get3A_316 = arith.constant 0 : index
    %get3A_317 = vector.load %arg1[%get3A_314, %get3A_315, %get3A_316] : memref<8x256x384xf32, #tpu.memory_space<vmem>>, vector<1x256x384xf32>
    %get3A_318 = vector.shape_cast %get3A_317 : vector<1x256x384xf32> to vector<256x384xf32>
    %convert_element_type3A_319 = arith.truncf %get3A_318 : vector<256x384xf32> to vector<256x384xbf16>
    %get3A_320 = arith.constant 0 : index
    %get3A_321 = arith.constant 0 : index
    %get3A_322 = vector.load %arg2[%get3A_320, %get3A_321] : memref<384x96xbf16, #tpu.memory_space<vmem>>, vector<384x96xbf16>
    %dot_general3A_323 = arith.constant dense<0.000000e+00> : vector<256x96xf32>
    %dot_general3A_324 = tpu.matmul %convert_element_type3A_319, %get3A_322, %dot_general3A_323 {dimension_numbers = #tpu.dot_dimension_numbers<[1], [0], [0], [1], [0, 0, 1, 1], [], []>, transpose_lhs_hint = false} : vector<256x384xbf16>, vector<384x96xbf16>, vector<256x96xf32> -> vector<256x96xf32>
    %get3A_325 = arith.constant 0 : index
    %get3A_326 = arith.constant 0 : index
    %get3A_327 = vector.load %arg3[%get3A_325, %get3A_326] : memref<1x96xf32, #tpu.memory_space<vmem>>, vector<1x96xf32>
    %add3A_328 = vector.broadcast %get3A_327 : vector<1x96xf32> to vector<256x96xf32>
    %add3A_329 = arith.addf %dot_general3A_324, %add3A_328 : vector<256x96xf32>
    %broadcast_in_dim3A_330 = arith.constant 0.000000e+00 : f32
    %broadcast_in_dim3A_331 = vector.broadcast %broadcast_in_dim3A_330 : f32 to vector<1x96xf32>
    %broadcast_in_dim3A_332 = arith.constant 0.000000e+00 : f32
    %broadcast_in_dim3A_333 = vector.broadcast %broadcast_in_dim3A_332 : f32 to vector<4x96xf32>
    %slice3A_334 = vector.extract_strided_slice %add3A_329 {offsets = [1, 0], sizes = [255, 96], strides = [1, 1]} : vector<256x96xf32> to vector<255x96xf32>
    %concatenate3A_335 = tpu.concatenate %slice3A_334, %broadcast_in_dim3A_331 in 0 : vector<255x96xf32>, vector<1x96xf32> -> vector<256x96xf32>
    %slice3A_336 = vector.extract_strided_slice %add3A_329 {offsets = [0, 0], sizes = [255, 96], strides = [1, 1]} : vector<256x96xf32> to vector<255x96xf32>
    %concatenate3A_337 = tpu.concatenate %broadcast_in_dim3A_331, %slice3A_336 in 0 : vector<1x96xf32>, vector<255x96xf32> -> vector<256x96xf32>
    %slice3A_338 = vector.extract_strided_slice %add3A_329 {offsets = [4, 0], sizes = [252, 96], strides = [1, 1]} : vector<256x96xf32> to vector<252x96xf32>
    %concatenate3A_339 = tpu.concatenate %slice3A_338, %broadcast_in_dim3A_333 in 0 : vector<252x96xf32>, vector<4x96xf32> -> vector<256x96xf32>
    %slice3A_340 = vector.extract_strided_slice %add3A_329 {offsets = [0, 0], sizes = [252, 96], strides = [1, 1]} : vector<256x96xf32> to vector<252x96xf32>
    %concatenate3A_341 = tpu.concatenate %broadcast_in_dim3A_333, %slice3A_340 in 0 : vector<4x96xf32>, vector<252x96xf32> -> vector<256x96xf32>
    %iota3A_342 = tpu.iota {dimensions = array<i32: 0>} : vector<256x1xi32>
    %jit3A_343 = arith.constant 4 : i32
    %eq3A_344 = arith.constant 0 : i32
    %eq3A_345 = arith.cmpi eq, %jit3A_343, %eq3A_344 : i32
    %jit3A_346 = arith.constant 1 : i32
    %select_n3A_347 = arith.select %eq3A_345, %jit3A_346, %jit3A_343 : i32
    %rem3A_348 = vector.broadcast %select_n3A_347 : i32 to vector<256x1xi32>
    %rem3A_349 = arith.remsi %iota3A_342, %rem3A_348 : vector<256x1xi32>
    %ne3A_350 = arith.constant 0 : i32
    %ne3A_351 = vector.broadcast %ne3A_350 : i32 to vector<256x1xi32>
    %ne3A_352 = arith.cmpi ne, %rem3A_349, %ne3A_351 : vector<256x1xi32>
    %lt3A_353 = arith.constant 0 : i32
    %lt3A_354 = vector.broadcast %lt3A_353 : i32 to vector<256x1xi32>
    %lt3A_355 = arith.cmpi slt, %rem3A_349, %lt3A_354 : vector<256x1xi32>
    %lt3A_356 = arith.constant 0 : i32
    %lt3A_357 = arith.cmpi slt, %select_n3A_347, %lt3A_356 : i32
    %ne3A_358 = vector.broadcast %lt3A_357 : i1 to vector<256x1xi1>
    %ne3A_359 = vector.broadcast %ne3A_358 : vector<256x1xi1> to vector<256x1xi1>
    %ne3A_360 = arith.xori %lt3A_355, %ne3A_359 : vector<256x1xi1>
    %and3A_361 = arith.andi %ne3A_360, %ne3A_352 : vector<256x1xi1>
    %add3A_362 = vector.broadcast %select_n3A_347 : i32 to vector<256x1xi32>
    %add3A_363 = arith.addi %rem3A_349, %add3A_362 : vector<256x1xi32>
    %select_n3A_364 = arith.select %and3A_361, %add3A_363, %rem3A_349 : vector<256x1xi1>, vector<256x1xi32>
    %jit3A_365 = arith.constant 16 : i32
    %eq3A_366 = arith.constant 0 : i32
    %eq3A_367 = arith.cmpi eq, %jit3A_365, %eq3A_366 : i32
    %jit3A_368 = arith.constant 1 : i32
    %select_n3A_369 = arith.select %eq3A_367, %jit3A_368, %jit3A_365 : i32
    %rem3A_370 = vector.broadcast %select_n3A_369 : i32 to vector<256x1xi32>
    %rem3A_371 = arith.remsi %iota3A_342, %rem3A_370 : vector<256x1xi32>
    %ne3A_372 = arith.constant 0 : i32
    %ne3A_373 = vector.broadcast %ne3A_372 : i32 to vector<256x1xi32>
    %ne3A_374 = arith.cmpi ne, %rem3A_371, %ne3A_373 : vector<256x1xi32>
    %lt3A_375 = arith.constant 0 : i32
    %lt3A_376 = vector.broadcast %lt3A_375 : i32 to vector<256x1xi32>
    %lt3A_377 = arith.cmpi slt, %rem3A_371, %lt3A_376 : vector<256x1xi32>
    %lt3A_378 = arith.constant 0 : i32
    %lt3A_379 = arith.cmpi slt, %select_n3A_369, %lt3A_378 : i32
    %ne3A_380 = vector.broadcast %lt3A_379 : i1 to vector<256x1xi1>
    %ne3A_381 = vector.broadcast %ne3A_380 : vector<256x1xi1> to vector<256x1xi1>
    %ne3A_382 = arith.xori %lt3A_377, %ne3A_381 : vector<256x1xi1>
    %and3A_383 = arith.andi %ne3A_382, %ne3A_374 : vector<256x1xi1>
    %add3A_384 = vector.broadcast %select_n3A_369 : i32 to vector<256x1xi32>
    %add3A_385 = arith.addi %rem3A_371, %add3A_384 : vector<256x1xi32>
    %select_n3A_386 = arith.select %and3A_383, %add3A_385, %rem3A_371 : vector<256x1xi1>, vector<256x1xi32>
    %jit3A_387 = arith.constant 4 : i32
    %div3A_388 = vector.broadcast %jit3A_387 : i32 to vector<256x1xi32>
    %div3A_389 = arith.divsi %select_n3A_386, %div3A_388 : vector<256x1xi32>
    %sign3A_390 = arith.constant 0 : i32
    %sign3A_391 = vector.broadcast %sign3A_390 : i32 to vector<256x1xi32>
    %sign3A_392 = arith.cmpi sgt, %select_n3A_386, %sign3A_391 : vector<256x1xi32>
    %sign3A_393 = arith.extui %sign3A_392 : vector<256x1xi1> to vector<256x1xi32>
    %sign3A_394 = arith.constant 0 : i32
    %sign3A_395 = vector.broadcast %sign3A_394 : i32 to vector<256x1xi32>
    %sign3A_396 = arith.cmpi slt, %select_n3A_386, %sign3A_395 : vector<256x1xi32>
    %sign3A_397 = arith.extui %sign3A_396 : vector<256x1xi1> to vector<256x1xi32>
    %sign3A_398 = arith.subi %sign3A_393, %sign3A_397 : vector<256x1xi32>
    %sign3A_399 = arith.constant 0 : i32
    %sign3A_400 = arith.cmpi sgt, %jit3A_387, %sign3A_399 : i32
    %sign3A_401 = arith.extui %sign3A_400 : i1 to i32
    %sign3A_402 = arith.constant 0 : i32
    %sign3A_403 = arith.cmpi slt, %jit3A_387, %sign3A_402 : i32
    %sign3A_404 = arith.extui %sign3A_403 : i1 to i32
    %sign3A_405 = arith.subi %sign3A_401, %sign3A_404 : i32
    %ne3A_406 = vector.broadcast %sign3A_405 : i32 to vector<256x1xi32>
    %ne3A_407 = arith.cmpi ne, %sign3A_398, %ne3A_406 : vector<256x1xi32>
    %rem3A_408 = vector.broadcast %jit3A_387 : i32 to vector<256x1xi32>
    %rem3A_409 = arith.remsi %select_n3A_386, %rem3A_408 : vector<256x1xi32>
    %ne3A_410 = arith.constant 0 : i32
    %ne3A_411 = vector.broadcast %ne3A_410 : i32 to vector<256x1xi32>
    %ne3A_412 = arith.cmpi ne, %rem3A_409, %ne3A_411 : vector<256x1xi32>
    %and3A_413 = arith.andi %ne3A_407, %ne3A_412 : vector<256x1xi1>
    %sub3A_414 = arith.constant 1 : i32
    %sub3A_415 = vector.broadcast %sub3A_414 : i32 to vector<256x1xi32>
    %sub3A_416 = arith.subi %div3A_389, %sub3A_415 : vector<256x1xi32>
    %select_n3A_417 = arith.select %and3A_413, %sub3A_416, %div3A_389 : vector<256x1xi1>, vector<256x1xi32>
    %lt3A_418 = arith.constant 3 : i32
    %lt3A_419 = vector.broadcast %lt3A_418 : i32 to vector<256x1xi32>
    %lt3A_420 = arith.cmpi slt, %select_n3A_364, %lt3A_419 : vector<256x1xi32>
    %jit3A_421 = arith.constant 0.000000e+00 : f32
    %broadcast_in_dim3A_422 = vector.shape_cast %lt3A_420 : vector<256x1xi1> to vector<256x1xi1>
    %broadcast_in_dim3A_423 = vector.broadcast %broadcast_in_dim3A_422 : vector<256x1xi1> to vector<256x96xi1>
    %broadcast_in_dim3A_424 = vector.broadcast %jit3A_421 : f32 to vector<256x96xf32>
    %select_n3A_425 = arith.select %broadcast_in_dim3A_423, %concatenate3A_335, %broadcast_in_dim3A_424 : vector<256x96xi1>, vector<256x96xf32>
    %gt3A_426 = arith.constant 0 : i32
    %gt3A_427 = vector.broadcast %gt3A_426 : i32 to vector<256x1xi32>
    %gt3A_428 = arith.cmpi sgt, %select_n3A_364, %gt3A_427 : vector<256x1xi32>
    %jit3A_429 = arith.constant 0.000000e+00 : f32
    %broadcast_in_dim3A_430 = vector.shape_cast %gt3A_428 : vector<256x1xi1> to vector<256x1xi1>
    %broadcast_in_dim3A_431 = vector.broadcast %broadcast_in_dim3A_430 : vector<256x1xi1> to vector<256x96xi1>
    %broadcast_in_dim3A_432 = vector.broadcast %jit3A_429 : f32 to vector<256x96xf32>
    %select_n3A_433 = arith.select %broadcast_in_dim3A_431, %concatenate3A_337, %broadcast_in_dim3A_432 : vector<256x96xi1>, vector<256x96xf32>
    %lt3A_434 = arith.constant 3 : i32
    %lt3A_435 = vector.broadcast %lt3A_434 : i32 to vector<256x1xi32>
    %lt3A_436 = arith.cmpi slt, %select_n3A_417, %lt3A_435 : vector<256x1xi32>
    %jit3A_437 = arith.constant 0.000000e+00 : f32
    %broadcast_in_dim3A_438 = vector.shape_cast %lt3A_436 : vector<256x1xi1> to vector<256x1xi1>
    %broadcast_in_dim3A_439 = vector.broadcast %broadcast_in_dim3A_438 : vector<256x1xi1> to vector<256x96xi1>
    %broadcast_in_dim3A_440 = vector.broadcast %jit3A_437 : f32 to vector<256x96xf32>
    %select_n3A_441 = arith.select %broadcast_in_dim3A_439, %concatenate3A_339, %broadcast_in_dim3A_440 : vector<256x96xi1>, vector<256x96xf32>
    %gt3A_442 = arith.constant 0 : i32
    %gt3A_443 = vector.broadcast %gt3A_442 : i32 to vector<256x1xi32>
    %gt3A_444 = arith.cmpi sgt, %select_n3A_417, %gt3A_443 : vector<256x1xi32>
    %jit3A_445 = arith.constant 0.000000e+00 : f32
    %broadcast_in_dim3A_446 = vector.shape_cast %gt3A_444 : vector<256x1xi1> to vector<256x1xi1>
    %broadcast_in_dim3A_447 = vector.broadcast %broadcast_in_dim3A_446 : vector<256x1xi1> to vector<256x96xi1>
    %broadcast_in_dim3A_448 = vector.broadcast %jit3A_445 : f32 to vector<256x96xf32>
    %select_n3A_449 = arith.select %broadcast_in_dim3A_447, %concatenate3A_341, %broadcast_in_dim3A_448 : vector<256x96xi1>, vector<256x96xf32>
    %iota3A_450 = tpu.iota {dimensions = array<i32: 1>} : vector<256x96xi32>
    %lt3A_451 = arith.constant 24 : i32
    %lt3A_452 = vector.broadcast %lt3A_451 : i32 to vector<256x96xi32>
    %lt3A_453 = arith.cmpi slt, %iota3A_450, %lt3A_452 : vector<256x96xi32>
    %lt3A_454 = arith.constant 48 : i32
    %lt3A_455 = vector.broadcast %lt3A_454 : i32 to vector<256x96xi32>
    %lt3A_456 = arith.cmpi slt, %iota3A_450, %lt3A_455 : vector<256x96xi32>
    %lt3A_457 = arith.constant 72 : i32
    %lt3A_458 = vector.broadcast %lt3A_457 : i32 to vector<256x96xi32>
    %lt3A_459 = arith.cmpi slt, %iota3A_450, %lt3A_458 : vector<256x96xi32>
    %select_n3A_460 = arith.select %lt3A_459, %select_n3A_441, %select_n3A_449 : vector<256x96xi1>, vector<256x96xf32>
    %select_n3A_461 = arith.select %lt3A_456, %select_n3A_433, %select_n3A_460 : vector<256x96xi1>, vector<256x96xf32>
    %select_n3A_462 = arith.select %lt3A_453, %select_n3A_425, %select_n3A_461 : vector<256x96xi1>, vector<256x96xf32>
    %convert_element_type3A_463 = arith.truncf %select_n3A_462 : vector<256x96xf32> to vector<256x96xbf16>
    %get3A_464 = arith.constant 0 : index
    %get3A_465 = arith.constant 0 : index
    %get3A_466 = vector.load %arg4[%get3A_464, %get3A_465] : memref<96x384xbf16, #tpu.memory_space<vmem>>, vector<96x384xbf16>
    %dot_general3A_467 = arith.constant dense<0.000000e+00> : vector<256x384xf32>
    %dot_general3A_468 = tpu.matmul %convert_element_type3A_463, %get3A_466, %dot_general3A_467 {dimension_numbers = #tpu.dot_dimension_numbers<[1], [0], [0], [1], [0, 0, 1, 1], [], []>, transpose_lhs_hint = false} : vector<256x96xbf16>, vector<96x384xbf16>, vector<256x384xf32> -> vector<256x384xf32>
    %add3A_469 = arith.addf %get3A_318, %dot_general3A_468 : vector<256x384xf32>
    %get3A_470 = arith.constant 0 : index
    %get3A_471 = arith.constant 0 : index
    %get3A_472 = vector.load %arg5[%get3A_470, %get3A_471] : memref<1x384xf32, #tpu.memory_space<vmem>>, vector<1x384xf32>
    %add3A_473 = vector.broadcast %get3A_472 : vector<1x384xf32> to vector<256x384xf32>
    %add3A_474 = arith.addf %add3A_469, %add3A_473 : vector<256x384xf32>
    %swap3A_475 = arith.constant 2 : index
    %swap3A_476 = arith.constant 0 : index
    %swap3A_477 = arith.constant 0 : index
    %swap3A_478 = vector.load %arg6[%swap3A_475, %swap3A_476, %swap3A_477] : memref<8x256x384xf32, #tpu.memory_space<vmem>>, vector<1x256x384xf32>
    %swap3A_479 = vector.shape_cast %swap3A_478 : vector<1x256x384xf32> to vector<256x384xf32>
    %swap3A_480 = vector.shape_cast %add3A_474 : vector<256x384xf32> to vector<1x256x384xf32>
    tpu.vector_store %arg6[%swap3A_475, %swap3A_476, %swap3A_477], %swap3A_480 {strides = array<i32>} : memref<8x256x384xf32, #tpu.memory_space<vmem>>, vector<1x256x384xf32>,
    %get3A_481 = arith.constant 3 : index
    %get3A_482 = arith.constant 0 : index
    %get3A_483 = arith.constant 0 : index
    %get3A_484 = vector.load %arg1[%get3A_481, %get3A_482, %get3A_483] : memref<8x256x384xf32, #tpu.memory_space<vmem>>, vector<1x256x384xf32>
    %get3A_485 = vector.shape_cast %get3A_484 : vector<1x256x384xf32> to vector<256x384xf32>
    %convert_element_type3A_486 = arith.truncf %get3A_485 : vector<256x384xf32> to vector<256x384xbf16>
    %get3A_487 = arith.constant 0 : index
    %get3A_488 = arith.constant 0 : index
    %get3A_489 = vector.load %arg2[%get3A_487, %get3A_488] : memref<384x96xbf16, #tpu.memory_space<vmem>>, vector<384x96xbf16>
    %dot_general3A_490 = arith.constant dense<0.000000e+00> : vector<256x96xf32>
    %dot_general3A_491 = tpu.matmul %convert_element_type3A_486, %get3A_489, %dot_general3A_490 {dimension_numbers = #tpu.dot_dimension_numbers<[1], [0], [0], [1], [0, 0, 1, 1], [], []>, transpose_lhs_hint = false} : vector<256x384xbf16>, vector<384x96xbf16>, vector<256x96xf32> -> vector<256x96xf32>
    %get3A_492 = arith.constant 0 : index
    %get3A_493 = arith.constant 0 : index
    %get3A_494 = vector.load %arg3[%get3A_492, %get3A_493] : memref<1x96xf32, #tpu.memory_space<vmem>>, vector<1x96xf32>
    %add3A_495 = vector.broadcast %get3A_494 : vector<1x96xf32> to vector<256x96xf32>
    %add3A_496 = arith.addf %dot_general3A_491, %add3A_495 : vector<256x96xf32>
    %broadcast_in_dim3A_497 = arith.constant 0.000000e+00 : f32
    %broadcast_in_dim3A_498 = vector.broadcast %broadcast_in_dim3A_497 : f32 to vector<1x96xf32>
    %broadcast_in_dim3A_499 = arith.constant 0.000000e+00 : f32
    %broadcast_in_dim3A_500 = vector.broadcast %broadcast_in_dim3A_499 : f32 to vector<4x96xf32>
    %slice3A_501 = vector.extract_strided_slice %add3A_496 {offsets = [1, 0], sizes = [255, 96], strides = [1, 1]} : vector<256x96xf32> to vector<255x96xf32>
    %concatenate3A_502 = tpu.concatenate %slice3A_501, %broadcast_in_dim3A_498 in 0 : vector<255x96xf32>, vector<1x96xf32> -> vector<256x96xf32>
    %slice3A_503 = vector.extract_strided_slice %add3A_496 {offsets = [0, 0], sizes = [255, 96], strides = [1, 1]} : vector<256x96xf32> to vector<255x96xf32>
    %concatenate3A_504 = tpu.concatenate %broadcast_in_dim3A_498, %slice3A_503 in 0 : vector<1x96xf32>, vector<255x96xf32> -> vector<256x96xf32>
    %slice3A_505 = vector.extract_strided_slice %add3A_496 {offsets = [4, 0], sizes = [252, 96], strides = [1, 1]} : vector<256x96xf32> to vector<252x96xf32>
    %concatenate3A_506 = tpu.concatenate %slice3A_505, %broadcast_in_dim3A_500 in 0 : vector<252x96xf32>, vector<4x96xf32> -> vector<256x96xf32>
    %slice3A_507 = vector.extract_strided_slice %add3A_496 {offsets = [0, 0], sizes = [252, 96], strides = [1, 1]} : vector<256x96xf32> to vector<252x96xf32>
    %concatenate3A_508 = tpu.concatenate %broadcast_in_dim3A_500, %slice3A_507 in 0 : vector<4x96xf32>, vector<252x96xf32> -> vector<256x96xf32>
    %iota3A_509 = tpu.iota {dimensions = array<i32: 0>} : vector<256x1xi32>
    %jit3A_510 = arith.constant 4 : i32
    %eq3A_511 = arith.constant 0 : i32
    %eq3A_512 = arith.cmpi eq, %jit3A_510, %eq3A_511 : i32
    %jit3A_513 = arith.constant 1 : i32
    %select_n3A_514 = arith.select %eq3A_512, %jit3A_513, %jit3A_510 : i32
    %rem3A_515 = vector.broadcast %select_n3A_514 : i32 to vector<256x1xi32>
    %rem3A_516 = arith.remsi %iota3A_509, %rem3A_515 : vector<256x1xi32>
    %ne3A_517 = arith.constant 0 : i32
    %ne3A_518 = vector.broadcast %ne3A_517 : i32 to vector<256x1xi32>
    %ne3A_519 = arith.cmpi ne, %rem3A_516, %ne3A_518 : vector<256x1xi32>
    %lt3A_520 = arith.constant 0 : i32
    %lt3A_521 = vector.broadcast %lt3A_520 : i32 to vector<256x1xi32>
    %lt3A_522 = arith.cmpi slt, %rem3A_516, %lt3A_521 : vector<256x1xi32>
    %lt3A_523 = arith.constant 0 : i32
    %lt3A_524 = arith.cmpi slt, %select_n3A_514, %lt3A_523 : i32
    %ne3A_525 = vector.broadcast %lt3A_524 : i1 to vector<256x1xi1>
    %ne3A_526 = vector.broadcast %ne3A_525 : vector<256x1xi1> to vector<256x1xi1>
    %ne3A_527 = arith.xori %lt3A_522, %ne3A_526 : vector<256x1xi1>
    %and3A_528 = arith.andi %ne3A_527, %ne3A_519 : vector<256x1xi1>
    %add3A_529 = vector.broadcast %select_n3A_514 : i32 to vector<256x1xi32>
    %add3A_530 = arith.addi %rem3A_516, %add3A_529 : vector<256x1xi32>
    %select_n3A_531 = arith.select %and3A_528, %add3A_530, %rem3A_516 : vector<256x1xi1>, vector<256x1xi32>
    %jit3A_532 = arith.constant 16 : i32
    %eq3A_533 = arith.constant 0 : i32
    %eq3A_534 = arith.cmpi eq, %jit3A_532, %eq3A_533 : i32
    %jit3A_535 = arith.constant 1 : i32
    %select_n3A_536 = arith.select %eq3A_534, %jit3A_535, %jit3A_532 : i32
    %rem3A_537 = vector.broadcast %select_n3A_536 : i32 to vector<256x1xi32>
    %rem3A_538 = arith.remsi %iota3A_509, %rem3A_537 : vector<256x1xi32>
    %ne3A_539 = arith.constant 0 : i32
    %ne3A_540 = vector.broadcast %ne3A_539 : i32 to vector<256x1xi32>
    %ne3A_541 = arith.cmpi ne, %rem3A_538, %ne3A_540 : vector<256x1xi32>
    %lt3A_542 = arith.constant 0 : i32
    %lt3A_543 = vector.broadcast %lt3A_542 : i32 to vector<256x1xi32>
    %lt3A_544 = arith.cmpi slt, %rem3A_538, %lt3A_543 : vector<256x1xi32>
    %lt3A_545 = arith.constant 0 : i32
    %lt3A_546 = arith.cmpi slt, %select_n3A_536, %lt3A_545 : i32
    %ne3A_547 = vector.broadcast %lt3A_546 : i1 to vector<256x1xi1>
    %ne3A_548 = vector.broadcast %ne3A_547 : vector<256x1xi1> to vector<256x1xi1>
    %ne3A_549 = arith.xori %lt3A_544, %ne3A_548 : vector<256x1xi1>
    %and3A_550 = arith.andi %ne3A_549, %ne3A_541 : vector<256x1xi1>
    %add3A_551 = vector.broadcast %select_n3A_536 : i32 to vector<256x1xi32>
    %add3A_552 = arith.addi %rem3A_538, %add3A_551 : vector<256x1xi32>
    %select_n3A_553 = arith.select %and3A_550, %add3A_552, %rem3A_538 : vector<256x1xi1>, vector<256x1xi32>
    %jit3A_554 = arith.constant 4 : i32
    %div3A_555 = vector.broadcast %jit3A_554 : i32 to vector<256x1xi32>
    %div3A_556 = arith.divsi %select_n3A_553, %div3A_555 : vector<256x1xi32>
    %sign3A_557 = arith.constant 0 : i32
    %sign3A_558 = vector.broadcast %sign3A_557 : i32 to vector<256x1xi32>
    %sign3A_559 = arith.cmpi sgt, %select_n3A_553, %sign3A_558 : vector<256x1xi32>
    %sign3A_560 = arith.extui %sign3A_559 : vector<256x1xi1> to vector<256x1xi32>
    %sign3A_561 = arith.constant 0 : i32
    %sign3A_562 = vector.broadcast %sign3A_561 : i32 to vector<256x1xi32>
    %sign3A_563 = arith.cmpi slt, %select_n3A_553, %sign3A_562 : vector<256x1xi32>
    %sign3A_564 = arith.extui %sign3A_563 : vector<256x1xi1> to vector<256x1xi32>
    %sign3A_565 = arith.subi %sign3A_560, %sign3A_564 : vector<256x1xi32>
    %sign3A_566 = arith.constant 0 : i32
    %sign3A_567 = arith.cmpi sgt, %jit3A_554, %sign3A_566 : i32
    %sign3A_568 = arith.extui %sign3A_567 : i1 to i32
    %sign3A_569 = arith.constant 0 : i32
    %sign3A_570 = arith.cmpi slt, %jit3A_554, %sign3A_569 : i32
    %sign3A_571 = arith.extui %sign3A_570 : i1 to i32
    %sign3A_572 = arith.subi %sign3A_568, %sign3A_571 : i32
    %ne3A_573 = vector.broadcast %sign3A_572 : i32 to vector<256x1xi32>
    %ne3A_574 = arith.cmpi ne, %sign3A_565, %ne3A_573 : vector<256x1xi32>
    %rem3A_575 = vector.broadcast %jit3A_554 : i32 to vector<256x1xi32>
    %rem3A_576 = arith.remsi %select_n3A_553, %rem3A_575 : vector<256x1xi32>
    %ne3A_577 = arith.constant 0 : i32
    %ne3A_578 = vector.broadcast %ne3A_577 : i32 to vector<256x1xi32>
    %ne3A_579 = arith.cmpi ne, %rem3A_576, %ne3A_578 : vector<256x1xi32>
    %and3A_580 = arith.andi %ne3A_574, %ne3A_579 : vector<256x1xi1>
    %sub3A_581 = arith.constant 1 : i32
    %sub3A_582 = vector.broadcast %sub3A_581 : i32 to vector<256x1xi32>
    %sub3A_583 = arith.subi %div3A_556, %sub3A_582 : vector<256x1xi32>
    %select_n3A_584 = arith.select %and3A_580, %sub3A_583, %div3A_556 : vector<256x1xi1>, vector<256x1xi32>
    %lt3A_585 = arith.constant 3 : i32
    %lt3A_586 = vector.broadcast %lt3A_585 : i32 to vector<256x1xi32>
    %lt3A_587 = arith.cmpi slt, %select_n3A_531, %lt3A_586 : vector<256x1xi32>
    %jit3A_588 = arith.constant 0.000000e+00 : f32
    %broadcast_in_dim3A_589 = vector.shape_cast %lt3A_587 : vector<256x1xi1> to vector<256x1xi1>
    %broadcast_in_dim3A_590 = vector.broadcast %broadcast_in_dim3A_589 : vector<256x1xi1> to vector<256x96xi1>
    %broadcast_in_dim3A_591 = vector.broadcast %jit3A_588 : f32 to vector<256x96xf32>
    %select_n3A_592 = arith.select %broadcast_in_dim3A_590, %concatenate3A_502, %broadcast_in_dim3A_591 : vector<256x96xi1>, vector<256x96xf32>
    %gt3A_593 = arith.constant 0 : i32
    %gt3A_594 = vector.broadcast %gt3A_593 : i32 to vector<256x1xi32>
    %gt3A_595 = arith.cmpi sgt, %select_n3A_531, %gt3A_594 : vector<256x1xi32>
    %jit3A_596 = arith.constant 0.000000e+00 : f32
    %broadcast_in_dim3A_597 = vector.shape_cast %gt3A_595 : vector<256x1xi1> to vector<256x1xi1>
    %broadcast_in_dim3A_598 = vector.broadcast %broadcast_in_dim3A_597 : vector<256x1xi1> to vector<256x96xi1>
    %broadcast_in_dim3A_599 = vector.broadcast %jit3A_596 : f32 to vector<256x96xf32>
    %select_n3A_600 = arith.select %broadcast_in_dim3A_598, %concatenate3A_504, %broadcast_in_dim3A_599 : vector<256x96xi1>, vector<256x96xf32>
    %lt3A_601 = arith.constant 3 : i32
    %lt3A_602 = vector.broadcast %lt3A_601 : i32 to vector<256x1xi32>
    %lt3A_603 = arith.cmpi slt, %select_n3A_584, %lt3A_602 : vector<256x1xi32>
    %jit3A_604 = arith.constant 0.000000e+00 : f32
    %broadcast_in_dim3A_605 = vector.shape_cast %lt3A_603 : vector<256x1xi1> to vector<256x1xi1>
    %broadcast_in_dim3A_606 = vector.broadcast %broadcast_in_dim3A_605 : vector<256x1xi1> to vector<256x96xi1>
    %broadcast_in_dim3A_607 = vector.broadcast %jit3A_604 : f32 to vector<256x96xf32>
    %select_n3A_608 = arith.select %broadcast_in_dim3A_606, %concatenate3A_506, %broadcast_in_dim3A_607 : vector<256x96xi1>, vector<256x96xf32>
    %gt3A_609 = arith.constant 0 : i32
    %gt3A_610 = vector.broadcast %gt3A_609 : i32 to vector<256x1xi32>
    %gt3A_611 = arith.cmpi sgt, %select_n3A_584, %gt3A_610 : vector<256x1xi32>
    %jit3A_612 = arith.constant 0.000000e+00 : f32
    %broadcast_in_dim3A_613 = vector.shape_cast %gt3A_611 : vector<256x1xi1> to vector<256x1xi1>
    %broadcast_in_dim3A_614 = vector.broadcast %broadcast_in_dim3A_613 : vector<256x1xi1> to vector<256x96xi1>
    %broadcast_in_dim3A_615 = vector.broadcast %jit3A_612 : f32 to vector<256x96xf32>
    %select_n3A_616 = arith.select %broadcast_in_dim3A_614, %concatenate3A_508, %broadcast_in_dim3A_615 : vector<256x96xi1>, vector<256x96xf32>
    %iota3A_617 = tpu.iota {dimensions = array<i32: 1>} : vector<256x96xi32>
    %lt3A_618 = arith.constant 24 : i32
    %lt3A_619 = vector.broadcast %lt3A_618 : i32 to vector<256x96xi32>
    %lt3A_620 = arith.cmpi slt, %iota3A_617, %lt3A_619 : vector<256x96xi32>
    %lt3A_621 = arith.constant 48 : i32
    %lt3A_622 = vector.broadcast %lt3A_621 : i32 to vector<256x96xi32>
    %lt3A_623 = arith.cmpi slt, %iota3A_617, %lt3A_622 : vector<256x96xi32>
    %lt3A_624 = arith.constant 72 : i32
    %lt3A_625 = vector.broadcast %lt3A_624 : i32 to vector<256x96xi32>
    %lt3A_626 = arith.cmpi slt, %iota3A_617, %lt3A_625 : vector<256x96xi32>
    %select_n3A_627 = arith.select %lt3A_626, %select_n3A_608, %select_n3A_616 : vector<256x96xi1>, vector<256x96xf32>
    %select_n3A_628 = arith.select %lt3A_623, %select_n3A_600, %select_n3A_627 : vector<256x96xi1>, vector<256x96xf32>
    %select_n3A_629 = arith.select %lt3A_620, %select_n3A_592, %select_n3A_628 : vector<256x96xi1>, vector<256x96xf32>
    %convert_element_type3A_630 = arith.truncf %select_n3A_629 : vector<256x96xf32> to vector<256x96xbf16>
    %get3A_631 = arith.constant 0 : index
    %get3A_632 = arith.constant 0 : index
    %get3A_633 = vector.load %arg4[%get3A_631, %get3A_632] : memref<96x384xbf16, #tpu.memory_space<vmem>>, vector<96x384xbf16>
    %dot_general3A_634 = arith.constant dense<0.000000e+00> : vector<256x384xf32>
    %dot_general3A_635 = tpu.matmul %convert_element_type3A_630, %get3A_633, %dot_general3A_634 {dimension_numbers = #tpu.dot_dimension_numbers<[1], [0], [0], [1], [0, 0, 1, 1], [], []>, transpose_lhs_hint = false} : vector<256x96xbf16>, vector<96x384xbf16>, vector<256x384xf32> -> vector<256x384xf32>
    %add3A_636 = arith.addf %get3A_485, %dot_general3A_635 : vector<256x384xf32>
    %get3A_637 = arith.constant 0 : index
    %get3A_638 = arith.constant 0 : index
    %get3A_639 = vector.load %arg5[%get3A_637, %get3A_638] : memref<1x384xf32, #tpu.memory_space<vmem>>, vector<1x384xf32>
    %add3A_640 = vector.broadcast %get3A_639 : vector<1x384xf32> to vector<256x384xf32>
    %add3A_641 = arith.addf %add3A_636, %add3A_640 : vector<256x384xf32>
    %swap3A_642 = arith.constant 3 : index
    %swap3A_643 = arith.constant 0 : index
    %swap3A_644 = arith.constant 0 : index
    %swap3A_645 = vector.load %arg6[%swap3A_642, %swap3A_643, %swap3A_644] : memref<8x256x384xf32, #tpu.memory_space<vmem>>, vector<1x256x384xf32>
    %swap3A_646 = vector.shape_cast %swap3A_645 : vector<1x256x384xf32> to vector<256x384xf32>
    %swap3A_647 = vector.shape_cast %add3A_641 : vector<256x384xf32> to vector<1x256x384xf32>
    tpu.vector_store %arg6[%swap3A_642, %swap3A_643, %swap3A_644], %swap3A_647 {strides = array<i32>} : memref<8x256x384xf32, #tpu.memory_space<vmem>>, vector<1x256x384xf32>,
    %get3A_648 = arith.constant 4 : index
    %get3A_649 = arith.constant 0 : index
    %get3A_650 = arith.constant 0 : index
    %get3A_651 = vector.load %arg1[%get3A_648, %get3A_649, %get3A_650] : memref<8x256x384xf32, #tpu.memory_space<vmem>>, vector<1x256x384xf32>
    %get3A_652 = vector.shape_cast %get3A_651 : vector<1x256x384xf32> to vector<256x384xf32>
    %convert_element_type3A_653 = arith.truncf %get3A_652 : vector<256x384xf32> to vector<256x384xbf16>
    %get3A_654 = arith.constant 0 : index
    %get3A_655 = arith.constant 0 : index
    %get3A_656 = vector.load %arg2[%get3A_654, %get3A_655] : memref<384x96xbf16, #tpu.memory_space<vmem>>, vector<384x96xbf16>
    %dot_general3A_657 = arith.constant dense<0.000000e+00> : vector<256x96xf32>
    %dot_general3A_658 = tpu.matmul %convert_element_type3A_653, %get3A_656, %dot_general3A_657 {dimension_numbers = #tpu.dot_dimension_numbers<[1], [0], [0], [1], [0, 0, 1, 1], [], []>, transpose_lhs_hint = false} : vector<256x384xbf16>, vector<384x96xbf16>, vector<256x96xf32> -> vector<256x96xf32>
    %get3A_659 = arith.constant 0 : index
    %get3A_660 = arith.constant 0 : index
    %get3A_661 = vector.load %arg3[%get3A_659, %get3A_660] : memref<1x96xf32, #tpu.memory_space<vmem>>, vector<1x96xf32>
    %add3A_662 = vector.broadcast %get3A_661 : vector<1x96xf32> to vector<256x96xf32>
    %add3A_663 = arith.addf %dot_general3A_658, %add3A_662 : vector<256x96xf32>
    %broadcast_in_dim3A_664 = arith.constant 0.000000e+00 : f32
    %broadcast_in_dim3A_665 = vector.broadcast %broadcast_in_dim3A_664 : f32 to vector<1x96xf32>
    %broadcast_in_dim3A_666 = arith.constant 0.000000e+00 : f32
    %broadcast_in_dim3A_667 = vector.broadcast %broadcast_in_dim3A_666 : f32 to vector<4x96xf32>
    %slice3A_668 = vector.extract_strided_slice %add3A_663 {offsets = [1, 0], sizes = [255, 96], strides = [1, 1]} : vector<256x96xf32> to vector<255x96xf32>
    %concatenate3A_669 = tpu.concatenate %slice3A_668, %broadcast_in_dim3A_665 in 0 : vector<255x96xf32>, vector<1x96xf32> -> vector<256x96xf32>
    %slice3A_670 = vector.extract_strided_slice %add3A_663 {offsets = [0, 0], sizes = [255, 96], strides = [1, 1]} : vector<256x96xf32> to vector<255x96xf32>
    %concatenate3A_671 = tpu.concatenate %broadcast_in_dim3A_665, %slice3A_670 in 0 : vector<1x96xf32>, vector<255x96xf32> -> vector<256x96xf32>
    %slice3A_672 = vector.extract_strided_slice %add3A_663 {offsets = [4, 0], sizes = [252, 96], strides = [1, 1]} : vector<256x96xf32> to vector<252x96xf32>
    %concatenate3A_673 = tpu.concatenate %slice3A_672, %broadcast_in_dim3A_667 in 0 : vector<252x96xf32>, vector<4x96xf32> -> vector<256x96xf32>
    %slice3A_674 = vector.extract_strided_slice %add3A_663 {offsets = [0, 0], sizes = [252, 96], strides = [1, 1]} : vector<256x96xf32> to vector<252x96xf32>
    %concatenate3A_675 = tpu.concatenate %broadcast_in_dim3A_667, %slice3A_674 in 0 : vector<4x96xf32>, vector<252x96xf32> -> vector<256x96xf32>
    %iota3A_676 = tpu.iota {dimensions = array<i32: 0>} : vector<256x1xi32>
    %jit3A_677 = arith.constant 4 : i32
    %eq3A_678 = arith.constant 0 : i32
    %eq3A_679 = arith.cmpi eq, %jit3A_677, %eq3A_678 : i32
    %jit3A_680 = arith.constant 1 : i32
    %select_n3A_681 = arith.select %eq3A_679, %jit3A_680, %jit3A_677 : i32
    %rem3A_682 = vector.broadcast %select_n3A_681 : i32 to vector<256x1xi32>
    %rem3A_683 = arith.remsi %iota3A_676, %rem3A_682 : vector<256x1xi32>
    %ne3A_684 = arith.constant 0 : i32
    %ne3A_685 = vector.broadcast %ne3A_684 : i32 to vector<256x1xi32>
    %ne3A_686 = arith.cmpi ne, %rem3A_683, %ne3A_685 : vector<256x1xi32>
    %lt3A_687 = arith.constant 0 : i32
    %lt3A_688 = vector.broadcast %lt3A_687 : i32 to vector<256x1xi32>
    %lt3A_689 = arith.cmpi slt, %rem3A_683, %lt3A_688 : vector<256x1xi32>
    %lt3A_690 = arith.constant 0 : i32
    %lt3A_691 = arith.cmpi slt, %select_n3A_681, %lt3A_690 : i32
    %ne3A_692 = vector.broadcast %lt3A_691 : i1 to vector<256x1xi1>
    %ne3A_693 = vector.broadcast %ne3A_692 : vector<256x1xi1> to vector<256x1xi1>
    %ne3A_694 = arith.xori %lt3A_689, %ne3A_693 : vector<256x1xi1>
    %and3A_695 = arith.andi %ne3A_694, %ne3A_686 : vector<256x1xi1>
    %add3A_696 = vector.broadcast %select_n3A_681 : i32 to vector<256x1xi32>
    %add3A_697 = arith.addi %rem3A_683, %add3A_696 : vector<256x1xi32>
    %select_n3A_698 = arith.select %and3A_695, %add3A_697, %rem3A_683 : vector<256x1xi1>, vector<256x1xi32>
    %jit3A_699 = arith.constant 16 : i32
    %eq3A_700 = arith.constant 0 : i32
    %eq3A_701 = arith.cmpi eq, %jit3A_699, %eq3A_700 : i32
    %jit3A_702 = arith.constant 1 : i32
    %select_n3A_703 = arith.select %eq3A_701, %jit3A_702, %jit3A_699 : i32
    %rem3A_704 = vector.broadcast %select_n3A_703 : i32 to vector<256x1xi32>
    %rem3A_705 = arith.remsi %iota3A_676, %rem3A_704 : vector<256x1xi32>
    %ne3A_706 = arith.constant 0 : i32
    %ne3A_707 = vector.broadcast %ne3A_706 : i32 to vector<256x1xi32>
    %ne3A_708 = arith.cmpi ne, %rem3A_705, %ne3A_707 : vector<256x1xi32>
    %lt3A_709 = arith.constant 0 : i32
    %lt3A_710 = vector.broadcast %lt3A_709 : i32 to vector<256x1xi32>
    %lt3A_711 = arith.cmpi slt, %rem3A_705, %lt3A_710 : vector<256x1xi32>
    %lt3A_712 = arith.constant 0 : i32
    %lt3A_713 = arith.cmpi slt, %select_n3A_703, %lt3A_712 : i32
    %ne3A_714 = vector.broadcast %lt3A_713 : i1 to vector<256x1xi1>
    %ne3A_715 = vector.broadcast %ne3A_714 : vector<256x1xi1> to vector<256x1xi1>
    %ne3A_716 = arith.xori %lt3A_711, %ne3A_715 : vector<256x1xi1>
    %and3A_717 = arith.andi %ne3A_716, %ne3A_708 : vector<256x1xi1>
    %add3A_718 = vector.broadcast %select_n3A_703 : i32 to vector<256x1xi32>
    %add3A_719 = arith.addi %rem3A_705, %add3A_718 : vector<256x1xi32>
    %select_n3A_720 = arith.select %and3A_717, %add3A_719, %rem3A_705 : vector<256x1xi1>, vector<256x1xi32>
    %jit3A_721 = arith.constant 4 : i32
    %div3A_722 = vector.broadcast %jit3A_721 : i32 to vector<256x1xi32>
    %div3A_723 = arith.divsi %select_n3A_720, %div3A_722 : vector<256x1xi32>
    %sign3A_724 = arith.constant 0 : i32
    %sign3A_725 = vector.broadcast %sign3A_724 : i32 to vector<256x1xi32>
    %sign3A_726 = arith.cmpi sgt, %select_n3A_720, %sign3A_725 : vector<256x1xi32>
    %sign3A_727 = arith.extui %sign3A_726 : vector<256x1xi1> to vector<256x1xi32>
    %sign3A_728 = arith.constant 0 : i32
    %sign3A_729 = vector.broadcast %sign3A_728 : i32 to vector<256x1xi32>
    %sign3A_730 = arith.cmpi slt, %select_n3A_720, %sign3A_729 : vector<256x1xi32>
    %sign3A_731 = arith.extui %sign3A_730 : vector<256x1xi1> to vector<256x1xi32>
    %sign3A_732 = arith.subi %sign3A_727, %sign3A_731 : vector<256x1xi32>
    %sign3A_733 = arith.constant 0 : i32
    %sign3A_734 = arith.cmpi sgt, %jit3A_721, %sign3A_733 : i32
    %sign3A_735 = arith.extui %sign3A_734 : i1 to i32
    %sign3A_736 = arith.constant 0 : i32
    %sign3A_737 = arith.cmpi slt, %jit3A_721, %sign3A_736 : i32
    %sign3A_738 = arith.extui %sign3A_737 : i1 to i32
    %sign3A_739 = arith.subi %sign3A_735, %sign3A_738 : i32
    %ne3A_740 = vector.broadcast %sign3A_739 : i32 to vector<256x1xi32>
    %ne3A_741 = arith.cmpi ne, %sign3A_732, %ne3A_740 : vector<256x1xi32>
    %rem3A_742 = vector.broadcast %jit3A_721 : i32 to vector<256x1xi32>
    %rem3A_743 = arith.remsi %select_n3A_720, %rem3A_742 : vector<256x1xi32>
    %ne3A_744 = arith.constant 0 : i32
    %ne3A_745 = vector.broadcast %ne3A_744 : i32 to vector<256x1xi32>
    %ne3A_746 = arith.cmpi ne, %rem3A_743, %ne3A_745 : vector<256x1xi32>
    %and3A_747 = arith.andi %ne3A_741, %ne3A_746 : vector<256x1xi1>
    %sub3A_748 = arith.constant 1 : i32
    %sub3A_749 = vector.broadcast %sub3A_748 : i32 to vector<256x1xi32>
    %sub3A_750 = arith.subi %div3A_723, %sub3A_749 : vector<256x1xi32>
    %select_n3A_751 = arith.select %and3A_747, %sub3A_750, %div3A_723 : vector<256x1xi1>, vector<256x1xi32>
    %lt3A_752 = arith.constant 3 : i32
    %lt3A_753 = vector.broadcast %lt3A_752 : i32 to vector<256x1xi32>
    %lt3A_754 = arith.cmpi slt, %select_n3A_698, %lt3A_753 : vector<256x1xi32>
    %jit3A_755 = arith.constant 0.000000e+00 : f32
    %broadcast_in_dim3A_756 = vector.shape_cast %lt3A_754 : vector<256x1xi1> to vector<256x1xi1>
    %broadcast_in_dim3A_757 = vector.broadcast %broadcast_in_dim3A_756 : vector<256x1xi1> to vector<256x96xi1>
    %broadcast_in_dim3A_758 = vector.broadcast %jit3A_755 : f32 to vector<256x96xf32>
    %select_n3A_759 = arith.select %broadcast_in_dim3A_757, %concatenate3A_669, %broadcast_in_dim3A_758 : vector<256x96xi1>, vector<256x96xf32>
    %gt3A_760 = arith.constant 0 : i32
    %gt3A_761 = vector.broadcast %gt3A_760 : i32 to vector<256x1xi32>
    %gt3A_762 = arith.cmpi sgt, %select_n3A_698, %gt3A_761 : vector<256x1xi32>
    %jit3A_763 = arith.constant 0.000000e+00 : f32
    %broadcast_in_dim3A_764 = vector.shape_cast %gt3A_762 : vector<256x1xi1> to vector<256x1xi1>
    %broadcast_in_dim3A_765 = vector.broadcast %broadcast_in_dim3A_764 : vector<256x1xi1> to vector<256x96xi1>
    %broadcast_in_dim3A_766 = vector.broadcast %jit3A_763 : f32 to vector<256x96xf32>
    %select_n3A_767 = arith.select %broadcast_in_dim3A_765, %concatenate3A_671, %broadcast_in_dim3A_766 : vector<256x96xi1>, vector<256x96xf32>
    %lt3A_768 = arith.constant 3 : i32
    %lt3A_769 = vector.broadcast %lt3A_768 : i32 to vector<256x1xi32>
    %lt3A_770 = arith.cmpi slt, %select_n3A_751, %lt3A_769 : vector<256x1xi32>
    %jit3A_771 = arith.constant 0.000000e+00 : f32
    %broadcast_in_dim3A_772 = vector.shape_cast %lt3A_770 : vector<256x1xi1> to vector<256x1xi1>
    %broadcast_in_dim3A_773 = vector.broadcast %broadcast_in_dim3A_772 : vector<256x1xi1> to vector<256x96xi1>
    %broadcast_in_dim3A_774 = vector.broadcast %jit3A_771 : f32 to vector<256x96xf32>
    %select_n3A_775 = arith.select %broadcast_in_dim3A_773, %concatenate3A_673, %broadcast_in_dim3A_774 : vector<256x96xi1>, vector<256x96xf32>
    %gt3A_776 = arith.constant 0 : i32
    %gt3A_777 = vector.broadcast %gt3A_776 : i32 to vector<256x1xi32>
    %gt3A_778 = arith.cmpi sgt, %select_n3A_751, %gt3A_777 : vector<256x1xi32>
    %jit3A_779 = arith.constant 0.000000e+00 : f32
    %broadcast_in_dim3A_780 = vector.shape_cast %gt3A_778 : vector<256x1xi1> to vector<256x1xi1>
    %broadcast_in_dim3A_781 = vector.broadcast %broadcast_in_dim3A_780 : vector<256x1xi1> to vector<256x96xi1>
    %broadcast_in_dim3A_782 = vector.broadcast %jit3A_779 : f32 to vector<256x96xf32>
    %select_n3A_783 = arith.select %broadcast_in_dim3A_781, %concatenate3A_675, %broadcast_in_dim3A_782 : vector<256x96xi1>, vector<256x96xf32>
    %iota3A_784 = tpu.iota {dimensions = array<i32: 1>} : vector<256x96xi32>
    %lt3A_785 = arith.constant 24 : i32
    %lt3A_786 = vector.broadcast %lt3A_785 : i32 to vector<256x96xi32>
    %lt3A_787 = arith.cmpi slt, %iota3A_784, %lt3A_786 : vector<256x96xi32>
    %lt3A_788 = arith.constant 48 : i32
    %lt3A_789 = vector.broadcast %lt3A_788 : i32 to vector<256x96xi32>
    %lt3A_790 = arith.cmpi slt, %iota3A_784, %lt3A_789 : vector<256x96xi32>
    %lt3A_791 = arith.constant 72 : i32
    %lt3A_792 = vector.broadcast %lt3A_791 : i32 to vector<256x96xi32>
    %lt3A_793 = arith.cmpi slt, %iota3A_784, %lt3A_792 : vector<256x96xi32>
    %select_n3A_794 = arith.select %lt3A_793, %select_n3A_775, %select_n3A_783 : vector<256x96xi1>, vector<256x96xf32>
    %select_n3A_795 = arith.select %lt3A_790, %select_n3A_767, %select_n3A_794 : vector<256x96xi1>, vector<256x96xf32>
    %select_n3A_796 = arith.select %lt3A_787, %select_n3A_759, %select_n3A_795 : vector<256x96xi1>, vector<256x96xf32>
    %convert_element_type3A_797 = arith.truncf %select_n3A_796 : vector<256x96xf32> to vector<256x96xbf16>
    %get3A_798 = arith.constant 0 : index
    %get3A_799 = arith.constant 0 : index
    %get3A_800 = vector.load %arg4[%get3A_798, %get3A_799] : memref<96x384xbf16, #tpu.memory_space<vmem>>, vector<96x384xbf16>
    %dot_general3A_801 = arith.constant dense<0.000000e+00> : vector<256x384xf32>
    %dot_general3A_802 = tpu.matmul %convert_element_type3A_797, %get3A_800, %dot_general3A_801 {dimension_numbers = #tpu.dot_dimension_numbers<[1], [0], [0], [1], [0, 0, 1, 1], [], []>, transpose_lhs_hint = false} : vector<256x96xbf16>, vector<96x384xbf16>, vector<256x384xf32> -> vector<256x384xf32>
    %add3A_803 = arith.addf %get3A_652, %dot_general3A_802 : vector<256x384xf32>
    %get3A_804 = arith.constant 0 : index
    %get3A_805 = arith.constant 0 : index
    %get3A_806 = vector.load %arg5[%get3A_804, %get3A_805] : memref<1x384xf32, #tpu.memory_space<vmem>>, vector<1x384xf32>
    %add3A_807 = vector.broadcast %get3A_806 : vector<1x384xf32> to vector<256x384xf32>
    %add3A_808 = arith.addf %add3A_803, %add3A_807 : vector<256x384xf32>
    %swap3A_809 = arith.constant 4 : index
    %swap3A_810 = arith.constant 0 : index
    %swap3A_811 = arith.constant 0 : index
    %swap3A_812 = vector.load %arg6[%swap3A_809, %swap3A_810, %swap3A_811] : memref<8x256x384xf32, #tpu.memory_space<vmem>>, vector<1x256x384xf32>
    %swap3A_813 = vector.shape_cast %swap3A_812 : vector<1x256x384xf32> to vector<256x384xf32>
    %swap3A_814 = vector.shape_cast %add3A_808 : vector<256x384xf32> to vector<1x256x384xf32>
    tpu.vector_store %arg6[%swap3A_809, %swap3A_810, %swap3A_811], %swap3A_814 {strides = array<i32>} : memref<8x256x384xf32, #tpu.memory_space<vmem>>, vector<1x256x384xf32>,
    %get3A_815 = arith.constant 5 : index
    %get3A_816 = arith.constant 0 : index
    %get3A_817 = arith.constant 0 : index
    %get3A_818 = vector.load %arg1[%get3A_815, %get3A_816, %get3A_817] : memref<8x256x384xf32, #tpu.memory_space<vmem>>, vector<1x256x384xf32>
    %get3A_819 = vector.shape_cast %get3A_818 : vector<1x256x384xf32> to vector<256x384xf32>
    %convert_element_type3A_820 = arith.truncf %get3A_819 : vector<256x384xf32> to vector<256x384xbf16>
    %get3A_821 = arith.constant 0 : index
    %get3A_822 = arith.constant 0 : index
    %get3A_823 = vector.load %arg2[%get3A_821, %get3A_822] : memref<384x96xbf16, #tpu.memory_space<vmem>>, vector<384x96xbf16>
    %dot_general3A_824 = arith.constant dense<0.000000e+00> : vector<256x96xf32>
    %dot_general3A_825 = tpu.matmul %convert_element_type3A_820, %get3A_823, %dot_general3A_824 {dimension_numbers = #tpu.dot_dimension_numbers<[1], [0], [0], [1], [0, 0, 1, 1], [], []>, transpose_lhs_hint = false} : vector<256x384xbf16>, vector<384x96xbf16>, vector<256x96xf32> -> vector<256x96xf32>
    %get3A_826 = arith.constant 0 : index
    %get3A_827 = arith.constant 0 : index
    %get3A_828 = vector.load %arg3[%get3A_826, %get3A_827] : memref<1x96xf32, #tpu.memory_space<vmem>>, vector<1x96xf32>
    %add3A_829 = vector.broadcast %get3A_828 : vector<1x96xf32> to vector<256x96xf32>
    %add3A_830 = arith.addf %dot_general3A_825, %add3A_829 : vector<256x96xf32>
    %broadcast_in_dim3A_831 = arith.constant 0.000000e+00 : f32
    %broadcast_in_dim3A_832 = vector.broadcast %broadcast_in_dim3A_831 : f32 to vector<1x96xf32>
    %broadcast_in_dim3A_833 = arith.constant 0.000000e+00 : f32
    %broadcast_in_dim3A_834 = vector.broadcast %broadcast_in_dim3A_833 : f32 to vector<4x96xf32>
    %slice3A_835 = vector.extract_strided_slice %add3A_830 {offsets = [1, 0], sizes = [255, 96], strides = [1, 1]} : vector<256x96xf32> to vector<255x96xf32>
    %concatenate3A_836 = tpu.concatenate %slice3A_835, %broadcast_in_dim3A_832 in 0 : vector<255x96xf32>, vector<1x96xf32> -> vector<256x96xf32>
    %slice3A_837 = vector.extract_strided_slice %add3A_830 {offsets = [0, 0], sizes = [255, 96], strides = [1, 1]} : vector<256x96xf32> to vector<255x96xf32>
    %concatenate3A_838 = tpu.concatenate %broadcast_in_dim3A_832, %slice3A_837 in 0 : vector<1x96xf32>, vector<255x96xf32> -> vector<256x96xf32>
    %slice3A_839 = vector.extract_strided_slice %add3A_830 {offsets = [4, 0], sizes = [252, 96], strides = [1, 1]} : vector<256x96xf32> to vector<252x96xf32>
    %concatenate3A_840 = tpu.concatenate %slice3A_839, %broadcast_in_dim3A_834 in 0 : vector<252x96xf32>, vector<4x96xf32> -> vector<256x96xf32>
    %slice3A_841 = vector.extract_strided_slice %add3A_830 {offsets = [0, 0], sizes = [252, 96], strides = [1, 1]} : vector<256x96xf32> to vector<252x96xf32>
    %concatenate3A_842 = tpu.concatenate %broadcast_in_dim3A_834, %slice3A_841 in 0 : vector<4x96xf32>, vector<252x96xf32> -> vector<256x96xf32>
    %iota3A_843 = tpu.iota {dimensions = array<i32: 0>} : vector<256x1xi32>
    %jit3A_844 = arith.constant 4 : i32
    %eq3A_845 = arith.constant 0 : i32
    %eq3A_846 = arith.cmpi eq, %jit3A_844, %eq3A_845 : i32
    %jit3A_847 = arith.constant 1 : i32
    %select_n3A_848 = arith.select %eq3A_846, %jit3A_847, %jit3A_844 : i32
    %rem3A_849 = vector.broadcast %select_n3A_848 : i32 to vector<256x1xi32>
    %rem3A_850 = arith.remsi %iota3A_843, %rem3A_849 : vector<256x1xi32>
    %ne3A_851 = arith.constant 0 : i32
    %ne3A_852 = vector.broadcast %ne3A_851 : i32 to vector<256x1xi32>
    %ne3A_853 = arith.cmpi ne, %rem3A_850, %ne3A_852 : vector<256x1xi32>
    %lt3A_854 = arith.constant 0 : i32
    %lt3A_855 = vector.broadcast %lt3A_854 : i32 to vector<256x1xi32>
    %lt3A_856 = arith.cmpi slt, %rem3A_850, %lt3A_855 : vector<256x1xi32>
    %lt3A_857 = arith.constant 0 : i32
    %lt3A_858 = arith.cmpi slt, %select_n3A_848, %lt3A_857 : i32
    %ne3A_859 = vector.broadcast %lt3A_858 : i1 to vector<256x1xi1>
    %ne3A_860 = vector.broadcast %ne3A_859 : vector<256x1xi1> to vector<256x1xi1>
    %ne3A_861 = arith.xori %lt3A_856, %ne3A_860 : vector<256x1xi1>
    %and3A_862 = arith.andi %ne3A_861, %ne3A_853 : vector<256x1xi1>
    %add3A_863 = vector.broadcast %select_n3A_848 : i32 to vector<256x1xi32>
    %add3A_864 = arith.addi %rem3A_850, %add3A_863 : vector<256x1xi32>
    %select_n3A_865 = arith.select %and3A_862, %add3A_864, %rem3A_850 : vector<256x1xi1>, vector<256x1xi32>
    %jit3A_866 = arith.constant 16 : i32
    %eq3A_867 = arith.constant 0 : i32
    %eq3A_868 = arith.cmpi eq, %jit3A_866, %eq3A_867 : i32
    %jit3A_869 = arith.constant 1 : i32
    %select_n3A_870 = arith.select %eq3A_868, %jit3A_869, %jit3A_866 : i32
    %rem3A_871 = vector.broadcast %select_n3A_870 : i32 to vector<256x1xi32>
    %rem3A_872 = arith.remsi %iota3A_843, %rem3A_871 : vector<256x1xi32>
    %ne3A_873 = arith.constant 0 : i32
    %ne3A_874 = vector.broadcast %ne3A_873 : i32 to vector<256x1xi32>
    %ne3A_875 = arith.cmpi ne, %rem3A_872, %ne3A_874 : vector<256x1xi32>
    %lt3A_876 = arith.constant 0 : i32
    %lt3A_877 = vector.broadcast %lt3A_876 : i32 to vector<256x1xi32>
    %lt3A_878 = arith.cmpi slt, %rem3A_872, %lt3A_877 : vector<256x1xi32>
    %lt3A_879 = arith.constant 0 : i32
    %lt3A_880 = arith.cmpi slt, %select_n3A_870, %lt3A_879 : i32
    %ne3A_881 = vector.broadcast %lt3A_880 : i1 to vector<256x1xi1>
    %ne3A_882 = vector.broadcast %ne3A_881 : vector<256x1xi1> to vector<256x1xi1>
    %ne3A_883 = arith.xori %lt3A_878, %ne3A_882 : vector<256x1xi1>
    %and3A_884 = arith.andi %ne3A_883, %ne3A_875 : vector<256x1xi1>
    %add3A_885 = vector.broadcast %select_n3A_870 : i32 to vector<256x1xi32>
    %add3A_886 = arith.addi %rem3A_872, %add3A_885 : vector<256x1xi32>
    %select_n3A_887 = arith.select %and3A_884, %add3A_886, %rem3A_872 : vector<256x1xi1>, vector<256x1xi32>
    %jit3A_888 = arith.constant 4 : i32
    %div3A_889 = vector.broadcast %jit3A_888 : i32 to vector<256x1xi32>
    %div3A_890 = arith.divsi %select_n3A_887, %div3A_889 : vector<256x1xi32>
    %sign3A_891 = arith.constant 0 : i32
    %sign3A_892 = vector.broadcast %sign3A_891 : i32 to vector<256x1xi32>
    %sign3A_893 = arith.cmpi sgt, %select_n3A_887, %sign3A_892 : vector<256x1xi32>
    %sign3A_894 = arith.extui %sign3A_893 : vector<256x1xi1> to vector<256x1xi32>
    %sign3A_895 = arith.constant 0 : i32
    %sign3A_896 = vector.broadcast %sign3A_895 : i32 to vector<256x1xi32>
    %sign3A_897 = arith.cmpi slt, %select_n3A_887, %sign3A_896 : vector<256x1xi32>
    %sign3A_898 = arith.extui %sign3A_897 : vector<256x1xi1> to vector<256x1xi32>
    %sign3A_899 = arith.subi %sign3A_894, %sign3A_898 : vector<256x1xi32>
    %sign3A_900 = arith.constant 0 : i32
    %sign3A_901 = arith.cmpi sgt, %jit3A_888, %sign3A_900 : i32
    %sign3A_902 = arith.extui %sign3A_901 : i1 to i32
    %sign3A_903 = arith.constant 0 : i32
    %sign3A_904 = arith.cmpi slt, %jit3A_888, %sign3A_903 : i32
    %sign3A_905 = arith.extui %sign3A_904 : i1 to i32
    %sign3A_906 = arith.subi %sign3A_902, %sign3A_905 : i32
    %ne3A_907 = vector.broadcast %sign3A_906 : i32 to vector<256x1xi32>
    %ne3A_908 = arith.cmpi ne, %sign3A_899, %ne3A_907 : vector<256x1xi32>
    %rem3A_909 = vector.broadcast %jit3A_888 : i32 to vector<256x1xi32>
    %rem3A_910 = arith.remsi %select_n3A_887, %rem3A_909 : vector<256x1xi32>
    %ne3A_911 = arith.constant 0 : i32
    %ne3A_912 = vector.broadcast %ne3A_911 : i32 to vector<256x1xi32>
    %ne3A_913 = arith.cmpi ne, %rem3A_910, %ne3A_912 : vector<256x1xi32>
    %and3A_914 = arith.andi %ne3A_908, %ne3A_913 : vector<256x1xi1>
    %sub3A_915 = arith.constant 1 : i32
    %sub3A_916 = vector.broadcast %sub3A_915 : i32 to vector<256x1xi32>
    %sub3A_917 = arith.subi %div3A_890, %sub3A_916 : vector<256x1xi32>
    %select_n3A_918 = arith.select %and3A_914, %sub3A_917, %div3A_890 : vector<256x1xi1>, vector<256x1xi32>
    %lt3A_919 = arith.constant 3 : i32
    %lt3A_920 = vector.broadcast %lt3A_919 : i32 to vector<256x1xi32>
    %lt3A_921 = arith.cmpi slt, %select_n3A_865, %lt3A_920 : vector<256x1xi32>
    %jit3A_922 = arith.constant 0.000000e+00 : f32
    %broadcast_in_dim3A_923 = vector.shape_cast %lt3A_921 : vector<256x1xi1> to vector<256x1xi1>
    %broadcast_in_dim3A_924 = vector.broadcast %broadcast_in_dim3A_923 : vector<256x1xi1> to vector<256x96xi1>
    %broadcast_in_dim3A_925 = vector.broadcast %jit3A_922 : f32 to vector<256x96xf32>
    %select_n3A_926 = arith.select %broadcast_in_dim3A_924, %concatenate3A_836, %broadcast_in_dim3A_925 : vector<256x96xi1>, vector<256x96xf32>
    %gt3A_927 = arith.constant 0 : i32
    %gt3A_928 = vector.broadcast %gt3A_927 : i32 to vector<256x1xi32>
    %gt3A_929 = arith.cmpi sgt, %select_n3A_865, %gt3A_928 : vector<256x1xi32>
    %jit3A_930 = arith.constant 0.000000e+00 : f32
    %broadcast_in_dim3A_931 = vector.shape_cast %gt3A_929 : vector<256x1xi1> to vector<256x1xi1>
    %broadcast_in_dim3A_932 = vector.broadcast %broadcast_in_dim3A_931 : vector<256x1xi1> to vector<256x96xi1>
    %broadcast_in_dim3A_933 = vector.broadcast %jit3A_930 : f32 to vector<256x96xf32>
    %select_n3A_934 = arith.select %broadcast_in_dim3A_932, %concatenate3A_838, %broadcast_in_dim3A_933 : vector<256x96xi1>, vector<256x96xf32>
    %lt3A_935 = arith.constant 3 : i32
    %lt3A_936 = vector.broadcast %lt3A_935 : i32 to vector<256x1xi32>
    %lt3A_937 = arith.cmpi slt, %select_n3A_918, %lt3A_936 : vector<256x1xi32>
    %jit3A_938 = arith.constant 0.000000e+00 : f32
    %broadcast_in_dim3A_939 = vector.shape_cast %lt3A_937 : vector<256x1xi1> to vector<256x1xi1>
    %broadcast_in_dim3A_940 = vector.broadcast %broadcast_in_dim3A_939 : vector<256x1xi1> to vector<256x96xi1>
    %broadcast_in_dim3A_941 = vector.broadcast %jit3A_938 : f32 to vector<256x96xf32>
    %select_n3A_942 = arith.select %broadcast_in_dim3A_940, %concatenate3A_840, %broadcast_in_dim3A_941 : vector<256x96xi1>, vector<256x96xf32>
    %gt3A_943 = arith.constant 0 : i32
    %gt3A_944 = vector.broadcast %gt3A_943 : i32 to vector<256x1xi32>
    %gt3A_945 = arith.cmpi sgt, %select_n3A_918, %gt3A_944 : vector<256x1xi32>
    %jit3A_946 = arith.constant 0.000000e+00 : f32
    %broadcast_in_dim3A_947 = vector.shape_cast %gt3A_945 : vector<256x1xi1> to vector<256x1xi1>
    %broadcast_in_dim3A_948 = vector.broadcast %broadcast_in_dim3A_947 : vector<256x1xi1> to vector<256x96xi1>
    %broadcast_in_dim3A_949 = vector.broadcast %jit3A_946 : f32 to vector<256x96xf32>
    %select_n3A_950 = arith.select %broadcast_in_dim3A_948, %concatenate3A_842, %broadcast_in_dim3A_949 : vector<256x96xi1>, vector<256x96xf32>
    %iota3A_951 = tpu.iota {dimensions = array<i32: 1>} : vector<256x96xi32>
    %lt3A_952 = arith.constant 24 : i32
    %lt3A_953 = vector.broadcast %lt3A_952 : i32 to vector<256x96xi32>
    %lt3A_954 = arith.cmpi slt, %iota3A_951, %lt3A_953 : vector<256x96xi32>
    %lt3A_955 = arith.constant 48 : i32
    %lt3A_956 = vector.broadcast %lt3A_955 : i32 to vector<256x96xi32>
    %lt3A_957 = arith.cmpi slt, %iota3A_951, %lt3A_956 : vector<256x96xi32>
    %lt3A_958 = arith.constant 72 : i32
    %lt3A_959 = vector.broadcast %lt3A_958 : i32 to vector<256x96xi32>
    %lt3A_960 = arith.cmpi slt, %iota3A_951, %lt3A_959 : vector<256x96xi32>
    %select_n3A_961 = arith.select %lt3A_960, %select_n3A_942, %select_n3A_950 : vector<256x96xi1>, vector<256x96xf32>
    %select_n3A_962 = arith.select %lt3A_957, %select_n3A_934, %select_n3A_961 : vector<256x96xi1>, vector<256x96xf32>
    %select_n3A_963 = arith.select %lt3A_954, %select_n3A_926, %select_n3A_962 : vector<256x96xi1>, vector<256x96xf32>
    %convert_element_type3A_964 = arith.truncf %select_n3A_963 : vector<256x96xf32> to vector<256x96xbf16>
    %get3A_965 = arith.constant 0 : index
    %get3A_966 = arith.constant 0 : index
    %get3A_967 = vector.load %arg4[%get3A_965, %get3A_966] : memref<96x384xbf16, #tpu.memory_space<vmem>>, vector<96x384xbf16>
    %dot_general3A_968 = arith.constant dense<0.000000e+00> : vector<256x384xf32>
    %dot_general3A_969 = tpu.matmul %convert_element_type3A_964, %get3A_967, %dot_general3A_968 {dimension_numbers = #tpu.dot_dimension_numbers<[1], [0], [0], [1], [0, 0, 1, 1], [], []>, transpose_lhs_hint = false} : vector<256x96xbf16>, vector<96x384xbf16>, vector<256x384xf32> -> vector<256x384xf32>
    %add3A_970 = arith.addf %get3A_819, %dot_general3A_969 : vector<256x384xf32>
    %get3A_971 = arith.constant 0 : index
    %get3A_972 = arith.constant 0 : index
    %get3A_973 = vector.load %arg5[%get3A_971, %get3A_972] : memref<1x384xf32, #tpu.memory_space<vmem>>, vector<1x384xf32>
    %add3A_974 = vector.broadcast %get3A_973 : vector<1x384xf32> to vector<256x384xf32>
    %add3A_975 = arith.addf %add3A_970, %add3A_974 : vector<256x384xf32>
    %swap3A_976 = arith.constant 5 : index
    %swap3A_977 = arith.constant 0 : index
    %swap3A_978 = arith.constant 0 : index
    %swap3A_979 = vector.load %arg6[%swap3A_976, %swap3A_977, %swap3A_978] : memref<8x256x384xf32, #tpu.memory_space<vmem>>, vector<1x256x384xf32>
    %swap3A_980 = vector.shape_cast %swap3A_979 : vector<1x256x384xf32> to vector<256x384xf32>
    %swap3A_981 = vector.shape_cast %add3A_975 : vector<256x384xf32> to vector<1x256x384xf32>
    tpu.vector_store %arg6[%swap3A_976, %swap3A_977, %swap3A_978], %swap3A_981 {strides = array<i32>} : memref<8x256x384xf32, #tpu.memory_space<vmem>>, vector<1x256x384xf32>,
    %get3A_982 = arith.constant 6 : index
    %get3A_983 = arith.constant 0 : index
    %get3A_984 = arith.constant 0 : index
    %get3A_985 = vector.load %arg1[%get3A_982, %get3A_983, %get3A_984] : memref<8x256x384xf32, #tpu.memory_space<vmem>>, vector<1x256x384xf32>
    %get3A_986 = vector.shape_cast %get3A_985 : vector<1x256x384xf32> to vector<256x384xf32>
    %convert_element_type3A_987 = arith.truncf %get3A_986 : vector<256x384xf32> to vector<256x384xbf16>
    %get3A_988 = arith.constant 0 : index
    %get3A_989 = arith.constant 0 : index
    %get3A_990 = vector.load %arg2[%get3A_988, %get3A_989] : memref<384x96xbf16, #tpu.memory_space<vmem>>, vector<384x96xbf16>
    %dot_general3A_991 = arith.constant dense<0.000000e+00> : vector<256x96xf32>
    %dot_general3A_992 = tpu.matmul %convert_element_type3A_987, %get3A_990, %dot_general3A_991 {dimension_numbers = #tpu.dot_dimension_numbers<[1], [0], [0], [1], [0, 0, 1, 1], [], []>, transpose_lhs_hint = false} : vector<256x384xbf16>, vector<384x96xbf16>, vector<256x96xf32> -> vector<256x96xf32>
    %get3A_993 = arith.constant 0 : index
    %get3A_994 = arith.constant 0 : index
    %get3A_995 = vector.load %arg3[%get3A_993, %get3A_994] : memref<1x96xf32, #tpu.memory_space<vmem>>, vector<1x96xf32>
    %add3A_996 = vector.broadcast %get3A_995 : vector<1x96xf32> to vector<256x96xf32>
    %add3A_997 = arith.addf %dot_general3A_992, %add3A_996 : vector<256x96xf32>
    %broadcast_in_dim3A_998 = arith.constant 0.000000e+00 : f32
    %broadcast_in_dim3A_999 = vector.broadcast %broadcast_in_dim3A_998 : f32 to vector<1x96xf32>
    %broadcast_in_dim3A_1000 = arith.constant 0.000000e+00 : f32
    %broadcast_in_dim3A_1001 = vector.broadcast %broadcast_in_dim3A_1000 : f32 to vector<4x96xf32>
    %slice3A_1002 = vector.extract_strided_slice %add3A_997 {offsets = [1, 0], sizes = [255, 96], strides = [1, 1]} : vector<256x96xf32> to vector<255x96xf32>
    %concatenate3A_1003 = tpu.concatenate %slice3A_1002, %broadcast_in_dim3A_999 in 0 : vector<255x96xf32>, vector<1x96xf32> -> vector<256x96xf32>
    %slice3A_1004 = vector.extract_strided_slice %add3A_997 {offsets = [0, 0], sizes = [255, 96], strides = [1, 1]} : vector<256x96xf32> to vector<255x96xf32>
    %concatenate3A_1005 = tpu.concatenate %broadcast_in_dim3A_999, %slice3A_1004 in 0 : vector<1x96xf32>, vector<255x96xf32> -> vector<256x96xf32>
    %slice3A_1006 = vector.extract_strided_slice %add3A_997 {offsets = [4, 0], sizes = [252, 96], strides = [1, 1]} : vector<256x96xf32> to vector<252x96xf32>
    %concatenate3A_1007 = tpu.concatenate %slice3A_1006, %broadcast_in_dim3A_1001 in 0 : vector<252x96xf32>, vector<4x96xf32> -> vector<256x96xf32>
    %slice3A_1008 = vector.extract_strided_slice %add3A_997 {offsets = [0, 0], sizes = [252, 96], strides = [1, 1]} : vector<256x96xf32> to vector<252x96xf32>
    %concatenate3A_1009 = tpu.concatenate %broadcast_in_dim3A_1001, %slice3A_1008 in 0 : vector<4x96xf32>, vector<252x96xf32> -> vector<256x96xf32>
    %iota3A_1010 = tpu.iota {dimensions = array<i32: 0>} : vector<256x1xi32>
    %jit3A_1011 = arith.constant 4 : i32
    %eq3A_1012 = arith.constant 0 : i32
    %eq3A_1013 = arith.cmpi eq, %jit3A_1011, %eq3A_1012 : i32
    %jit3A_1014 = arith.constant 1 : i32
    %select_n3A_1015 = arith.select %eq3A_1013, %jit3A_1014, %jit3A_1011 : i32
    %rem3A_1016 = vector.broadcast %select_n3A_1015 : i32 to vector<256x1xi32>
    %rem3A_1017 = arith.remsi %iota3A_1010, %rem3A_1016 : vector<256x1xi32>
    %ne3A_1018 = arith.constant 0 : i32
    %ne3A_1019 = vector.broadcast %ne3A_1018 : i32 to vector<256x1xi32>
    %ne3A_1020 = arith.cmpi ne, %rem3A_1017, %ne3A_1019 : vector<256x1xi32>
    %lt3A_1021 = arith.constant 0 : i32
    %lt3A_1022 = vector.broadcast %lt3A_1021 : i32 to vector<256x1xi32>
    %lt3A_1023 = arith.cmpi slt, %rem3A_1017, %lt3A_1022 : vector<256x1xi32>
    %lt3A_1024 = arith.constant 0 : i32
    %lt3A_1025 = arith.cmpi slt, %select_n3A_1015, %lt3A_1024 : i32
    %ne3A_1026 = vector.broadcast %lt3A_1025 : i1 to vector<256x1xi1>
    %ne3A_1027 = vector.broadcast %ne3A_1026 : vector<256x1xi1> to vector<256x1xi1>
    %ne3A_1028 = arith.xori %lt3A_1023, %ne3A_1027 : vector<256x1xi1>
    %and3A_1029 = arith.andi %ne3A_1028, %ne3A_1020 : vector<256x1xi1>
    %add3A_1030 = vector.broadcast %select_n3A_1015 : i32 to vector<256x1xi32>
    %add3A_1031 = arith.addi %rem3A_1017, %add3A_1030 : vector<256x1xi32>
    %select_n3A_1032 = arith.select %and3A_1029, %add3A_1031, %rem3A_1017 : vector<256x1xi1>, vector<256x1xi32>
    %jit3A_1033 = arith.constant 16 : i32
    %eq3A_1034 = arith.constant 0 : i32
    %eq3A_1035 = arith.cmpi eq, %jit3A_1033, %eq3A_1034 : i32
    %jit3A_1036 = arith.constant 1 : i32
    %select_n3A_1037 = arith.select %eq3A_1035, %jit3A_1036, %jit3A_1033 : i32
    %rem3A_1038 = vector.broadcast %select_n3A_1037 : i32 to vector<256x1xi32>
    %rem3A_1039 = arith.remsi %iota3A_1010, %rem3A_1038 : vector<256x1xi32>
    %ne3A_1040 = arith.constant 0 : i32
    %ne3A_1041 = vector.broadcast %ne3A_1040 : i32 to vector<256x1xi32>
    %ne3A_1042 = arith.cmpi ne, %rem3A_1039, %ne3A_1041 : vector<256x1xi32>
    %lt3A_1043 = arith.constant 0 : i32
    %lt3A_1044 = vector.broadcast %lt3A_1043 : i32 to vector<256x1xi32>
    %lt3A_1045 = arith.cmpi slt, %rem3A_1039, %lt3A_1044 : vector<256x1xi32>
    %lt3A_1046 = arith.constant 0 : i32
    %lt3A_1047 = arith.cmpi slt, %select_n3A_1037, %lt3A_1046 : i32
    %ne3A_1048 = vector.broadcast %lt3A_1047 : i1 to vector<256x1xi1>
    %ne3A_1049 = vector.broadcast %ne3A_1048 : vector<256x1xi1> to vector<256x1xi1>
    %ne3A_1050 = arith.xori %lt3A_1045, %ne3A_1049 : vector<256x1xi1>
    %and3A_1051 = arith.andi %ne3A_1050, %ne3A_1042 : vector<256x1xi1>
    %add3A_1052 = vector.broadcast %select_n3A_1037 : i32 to vector<256x1xi32>
    %add3A_1053 = arith.addi %rem3A_1039, %add3A_1052 : vector<256x1xi32>
    %select_n3A_1054 = arith.select %and3A_1051, %add3A_1053, %rem3A_1039 : vector<256x1xi1>, vector<256x1xi32>
    %jit3A_1055 = arith.constant 4 : i32
    %div3A_1056 = vector.broadcast %jit3A_1055 : i32 to vector<256x1xi32>
    %div3A_1057 = arith.divsi %select_n3A_1054, %div3A_1056 : vector<256x1xi32>
    %sign3A_1058 = arith.constant 0 : i32
    %sign3A_1059 = vector.broadcast %sign3A_1058 : i32 to vector<256x1xi32>
    %sign3A_1060 = arith.cmpi sgt, %select_n3A_1054, %sign3A_1059 : vector<256x1xi32>
    %sign3A_1061 = arith.extui %sign3A_1060 : vector<256x1xi1> to vector<256x1xi32>
    %sign3A_1062 = arith.constant 0 : i32
    %sign3A_1063 = vector.broadcast %sign3A_1062 : i32 to vector<256x1xi32>
    %sign3A_1064 = arith.cmpi slt, %select_n3A_1054, %sign3A_1063 : vector<256x1xi32>
    %sign3A_1065 = arith.extui %sign3A_1064 : vector<256x1xi1> to vector<256x1xi32>
    %sign3A_1066 = arith.subi %sign3A_1061, %sign3A_1065 : vector<256x1xi32>
    %sign3A_1067 = arith.constant 0 : i32
    %sign3A_1068 = arith.cmpi sgt, %jit3A_1055, %sign3A_1067 : i32
    %sign3A_1069 = arith.extui %sign3A_1068 : i1 to i32
    %sign3A_1070 = arith.constant 0 : i32
    %sign3A_1071 = arith.cmpi slt, %jit3A_1055, %sign3A_1070 : i32
    %sign3A_1072 = arith.extui %sign3A_1071 : i1 to i32
    %sign3A_1073 = arith.subi %sign3A_1069, %sign3A_1072 : i32
    %ne3A_1074 = vector.broadcast %sign3A_1073 : i32 to vector<256x1xi32>
    %ne3A_1075 = arith.cmpi ne, %sign3A_1066, %ne3A_1074 : vector<256x1xi32>
    %rem3A_1076 = vector.broadcast %jit3A_1055 : i32 to vector<256x1xi32>
    %rem3A_1077 = arith.remsi %select_n3A_1054, %rem3A_1076 : vector<256x1xi32>
    %ne3A_1078 = arith.constant 0 : i32
    %ne3A_1079 = vector.broadcast %ne3A_1078 : i32 to vector<256x1xi32>
    %ne3A_1080 = arith.cmpi ne, %rem3A_1077, %ne3A_1079 : vector<256x1xi32>
    %and3A_1081 = arith.andi %ne3A_1075, %ne3A_1080 : vector<256x1xi1>
    %sub3A_1082 = arith.constant 1 : i32
    %sub3A_1083 = vector.broadcast %sub3A_1082 : i32 to vector<256x1xi32>
    %sub3A_1084 = arith.subi %div3A_1057, %sub3A_1083 : vector<256x1xi32>
    %select_n3A_1085 = arith.select %and3A_1081, %sub3A_1084, %div3A_1057 : vector<256x1xi1>, vector<256x1xi32>
    %lt3A_1086 = arith.constant 3 : i32
    %lt3A_1087 = vector.broadcast %lt3A_1086 : i32 to vector<256x1xi32>
    %lt3A_1088 = arith.cmpi slt, %select_n3A_1032, %lt3A_1087 : vector<256x1xi32>
    %jit3A_1089 = arith.constant 0.000000e+00 : f32
    %broadcast_in_dim3A_1090 = vector.shape_cast %lt3A_1088 : vector<256x1xi1> to vector<256x1xi1>
    %broadcast_in_dim3A_1091 = vector.broadcast %broadcast_in_dim3A_1090 : vector<256x1xi1> to vector<256x96xi1>
    %broadcast_in_dim3A_1092 = vector.broadcast %jit3A_1089 : f32 to vector<256x96xf32>
    %select_n3A_1093 = arith.select %broadcast_in_dim3A_1091, %concatenate3A_1003, %broadcast_in_dim3A_1092 : vector<256x96xi1>, vector<256x96xf32>
    %gt3A_1094 = arith.constant 0 : i32
    %gt3A_1095 = vector.broadcast %gt3A_1094 : i32 to vector<256x1xi32>
    %gt3A_1096 = arith.cmpi sgt, %select_n3A_1032, %gt3A_1095 : vector<256x1xi32>
    %jit3A_1097 = arith.constant 0.000000e+00 : f32
    %broadcast_in_dim3A_1098 = vector.shape_cast %gt3A_1096 : vector<256x1xi1> to vector<256x1xi1>
    %broadcast_in_dim3A_1099 = vector.broadcast %broadcast_in_dim3A_1098 : vector<256x1xi1> to vector<256x96xi1>
    %broadcast_in_dim3A_1100 = vector.broadcast %jit3A_1097 : f32 to vector<256x96xf32>
    %select_n3A_1101 = arith.select %broadcast_in_dim3A_1099, %concatenate3A_1005, %broadcast_in_dim3A_1100 : vector<256x96xi1>, vector<256x96xf32>
    %lt3A_1102 = arith.constant 3 : i32
    %lt3A_1103 = vector.broadcast %lt3A_1102 : i32 to vector<256x1xi32>
    %lt3A_1104 = arith.cmpi slt, %select_n3A_1085, %lt3A_1103 : vector<256x1xi32>
    %jit3A_1105 = arith.constant 0.000000e+00 : f32
    %broadcast_in_dim3A_1106 = vector.shape_cast %lt3A_1104 : vector<256x1xi1> to vector<256x1xi1>
    %broadcast_in_dim3A_1107 = vector.broadcast %broadcast_in_dim3A_1106 : vector<256x1xi1> to vector<256x96xi1>
    %broadcast_in_dim3A_1108 = vector.broadcast %jit3A_1105 : f32 to vector<256x96xf32>
    %select_n3A_1109 = arith.select %broadcast_in_dim3A_1107, %concatenate3A_1007, %broadcast_in_dim3A_1108 : vector<256x96xi1>, vector<256x96xf32>
    %gt3A_1110 = arith.constant 0 : i32
    %gt3A_1111 = vector.broadcast %gt3A_1110 : i32 to vector<256x1xi32>
    %gt3A_1112 = arith.cmpi sgt, %select_n3A_1085, %gt3A_1111 : vector<256x1xi32>
    %jit3A_1113 = arith.constant 0.000000e+00 : f32
    %broadcast_in_dim3A_1114 = vector.shape_cast %gt3A_1112 : vector<256x1xi1> to vector<256x1xi1>
    %broadcast_in_dim3A_1115 = vector.broadcast %broadcast_in_dim3A_1114 : vector<256x1xi1> to vector<256x96xi1>
    %broadcast_in_dim3A_1116 = vector.broadcast %jit3A_1113 : f32 to vector<256x96xf32>
    %select_n3A_1117 = arith.select %broadcast_in_dim3A_1115, %concatenate3A_1009, %broadcast_in_dim3A_1116 : vector<256x96xi1>, vector<256x96xf32>
    %iota3A_1118 = tpu.iota {dimensions = array<i32: 1>} : vector<256x96xi32>
    %lt3A_1119 = arith.constant 24 : i32
    %lt3A_1120 = vector.broadcast %lt3A_1119 : i32 to vector<256x96xi32>
    %lt3A_1121 = arith.cmpi slt, %iota3A_1118, %lt3A_1120 : vector<256x96xi32>
    %lt3A_1122 = arith.constant 48 : i32
    %lt3A_1123 = vector.broadcast %lt3A_1122 : i32 to vector<256x96xi32>
    %lt3A_1124 = arith.cmpi slt, %iota3A_1118, %lt3A_1123 : vector<256x96xi32>
    %lt3A_1125 = arith.constant 72 : i32
    %lt3A_1126 = vector.broadcast %lt3A_1125 : i32 to vector<256x96xi32>
    %lt3A_1127 = arith.cmpi slt, %iota3A_1118, %lt3A_1126 : vector<256x96xi32>
    %select_n3A_1128 = arith.select %lt3A_1127, %select_n3A_1109, %select_n3A_1117 : vector<256x96xi1>, vector<256x96xf32>
    %select_n3A_1129 = arith.select %lt3A_1124, %select_n3A_1101, %select_n3A_1128 : vector<256x96xi1>, vector<256x96xf32>
    %select_n3A_1130 = arith.select %lt3A_1121, %select_n3A_1093, %select_n3A_1129 : vector<256x96xi1>, vector<256x96xf32>
    %convert_element_type3A_1131 = arith.truncf %select_n3A_1130 : vector<256x96xf32> to vector<256x96xbf16>
    %get3A_1132 = arith.constant 0 : index
    %get3A_1133 = arith.constant 0 : index
    %get3A_1134 = vector.load %arg4[%get3A_1132, %get3A_1133] : memref<96x384xbf16, #tpu.memory_space<vmem>>, vector<96x384xbf16>
    %dot_general3A_1135 = arith.constant dense<0.000000e+00> : vector<256x384xf32>
    %dot_general3A_1136 = tpu.matmul %convert_element_type3A_1131, %get3A_1134, %dot_general3A_1135 {dimension_numbers = #tpu.dot_dimension_numbers<[1], [0], [0], [1], [0, 0, 1, 1], [], []>, transpose_lhs_hint = false} : vector<256x96xbf16>, vector<96x384xbf16>, vector<256x384xf32> -> vector<256x384xf32>
    %add3A_1137 = arith.addf %get3A_986, %dot_general3A_1136 : vector<256x384xf32>
    %get3A_1138 = arith.constant 0 : index
    %get3A_1139 = arith.constant 0 : index
    %get3A_1140 = vector.load %arg5[%get3A_1138, %get3A_1139] : memref<1x384xf32, #tpu.memory_space<vmem>>, vector<1x384xf32>
    %add3A_1141 = vector.broadcast %get3A_1140 : vector<1x384xf32> to vector<256x384xf32>
    %add3A_1142 = arith.addf %add3A_1137, %add3A_1141 : vector<256x384xf32>
    %swap3A_1143 = arith.constant 6 : index
    %swap3A_1144 = arith.constant 0 : index
    %swap3A_1145 = arith.constant 0 : index
    %swap3A_1146 = vector.load %arg6[%swap3A_1143, %swap3A_1144, %swap3A_1145] : memref<8x256x384xf32, #tpu.memory_space<vmem>>, vector<1x256x384xf32>
    %swap3A_1147 = vector.shape_cast %swap3A_1146 : vector<1x256x384xf32> to vector<256x384xf32>
    %swap3A_1148 = vector.shape_cast %add3A_1142 : vector<256x384xf32> to vector<1x256x384xf32>
    tpu.vector_store %arg6[%swap3A_1143, %swap3A_1144, %swap3A_1145], %swap3A_1148 {strides = array<i32>} : memref<8x256x384xf32, #tpu.memory_space<vmem>>, vector<1x256x384xf32>,
    %get3A_1149 = arith.constant 7 : index
    %get3A_1150 = arith.constant 0 : index
    %get3A_1151 = arith.constant 0 : index
    %get3A_1152 = vector.load %arg1[%get3A_1149, %get3A_1150, %get3A_1151] : memref<8x256x384xf32, #tpu.memory_space<vmem>>, vector<1x256x384xf32>
    %get3A_1153 = vector.shape_cast %get3A_1152 : vector<1x256x384xf32> to vector<256x384xf32>
    %convert_element_type3A_1154 = arith.truncf %get3A_1153 : vector<256x384xf32> to vector<256x384xbf16>
    %get3A_1155 = arith.constant 0 : index
    %get3A_1156 = arith.constant 0 : index
    %get3A_1157 = vector.load %arg2[%get3A_1155, %get3A_1156] : memref<384x96xbf16, #tpu.memory_space<vmem>>, vector<384x96xbf16>
    %dot_general3A_1158 = arith.constant dense<0.000000e+00> : vector<256x96xf32>
    %dot_general3A_1159 = tpu.matmul %convert_element_type3A_1154, %get3A_1157, %dot_general3A_1158 {dimension_numbers = #tpu.dot_dimension_numbers<[1], [0], [0], [1], [0, 0, 1, 1], [], []>, transpose_lhs_hint = false} : vector<256x384xbf16>, vector<384x96xbf16>, vector<256x96xf32> -> vector<256x96xf32>
    %get3A_1160 = arith.constant 0 : index
    %get3A_1161 = arith.constant 0 : index
    %get3A_1162 = vector.load %arg3[%get3A_1160, %get3A_1161] : memref<1x96xf32, #tpu.memory_space<vmem>>, vector<1x96xf32>
    %add3A_1163 = vector.broadcast %get3A_1162 : vector<1x96xf32> to vector<256x96xf32>
    %add3A_1164 = arith.addf %dot_general3A_1159, %add3A_1163 : vector<256x96xf32>
    %broadcast_in_dim3A_1165 = arith.constant 0.000000e+00 : f32
    %broadcast_in_dim3A_1166 = vector.broadcast %broadcast_in_dim3A_1165 : f32 to vector<1x96xf32>
    %broadcast_in_dim3A_1167 = arith.constant 0.000000e+00 : f32
    %broadcast_in_dim3A_1168 = vector.broadcast %broadcast_in_dim3A_1167 : f32 to vector<4x96xf32>
    %slice3A_1169 = vector.extract_strided_slice %add3A_1164 {offsets = [1, 0], sizes = [255, 96], strides = [1, 1]} : vector<256x96xf32> to vector<255x96xf32>
    %concatenate3A_1170 = tpu.concatenate %slice3A_1169, %broadcast_in_dim3A_1166 in 0 : vector<255x96xf32>, vector<1x96xf32> -> vector<256x96xf32>
    %slice3A_1171 = vector.extract_strided_slice %add3A_1164 {offsets = [0, 0], sizes = [255, 96], strides = [1, 1]} : vector<256x96xf32> to vector<255x96xf32>
    %concatenate3A_1172 = tpu.concatenate %broadcast_in_dim3A_1166, %slice3A_1171 in 0 : vector<1x96xf32>, vector<255x96xf32> -> vector<256x96xf32>
    %slice3A_1173 = vector.extract_strided_slice %add3A_1164 {offsets = [4, 0], sizes = [252, 96], strides = [1, 1]} : vector<256x96xf32> to vector<252x96xf32>
    %concatenate3A_1174 = tpu.concatenate %slice3A_1173, %broadcast_in_dim3A_1168 in 0 : vector<252x96xf32>, vector<4x96xf32> -> vector<256x96xf32>
    %slice3A_1175 = vector.extract_strided_slice %add3A_1164 {offsets = [0, 0], sizes = [252, 96], strides = [1, 1]} : vector<256x96xf32> to vector<252x96xf32>
    %concatenate3A_1176 = tpu.concatenate %broadcast_in_dim3A_1168, %slice3A_1175 in 0 : vector<4x96xf32>, vector<252x96xf32> -> vector<256x96xf32>
    %iota3A_1177 = tpu.iota {dimensions = array<i32: 0>} : vector<256x1xi32>
    %jit3A_1178 = arith.constant 4 : i32
    %eq3A_1179 = arith.constant 0 : i32
    %eq3A_1180 = arith.cmpi eq, %jit3A_1178, %eq3A_1179 : i32
    %jit3A_1181 = arith.constant 1 : i32
    %select_n3A_1182 = arith.select %eq3A_1180, %jit3A_1181, %jit3A_1178 : i32
    %rem3A_1183 = vector.broadcast %select_n3A_1182 : i32 to vector<256x1xi32>
    %rem3A_1184 = arith.remsi %iota3A_1177, %rem3A_1183 : vector<256x1xi32>
    %ne3A_1185 = arith.constant 0 : i32
    %ne3A_1186 = vector.broadcast %ne3A_1185 : i32 to vector<256x1xi32>
    %ne3A_1187 = arith.cmpi ne, %rem3A_1184, %ne3A_1186 : vector<256x1xi32>
    %lt3A_1188 = arith.constant 0 : i32
    %lt3A_1189 = vector.broadcast %lt3A_1188 : i32 to vector<256x1xi32>
    %lt3A_1190 = arith.cmpi slt, %rem3A_1184, %lt3A_1189 : vector<256x1xi32>
    %lt3A_1191 = arith.constant 0 : i32
    %lt3A_1192 = arith.cmpi slt, %select_n3A_1182, %lt3A_1191 : i32
    %ne3A_1193 = vector.broadcast %lt3A_1192 : i1 to vector<256x1xi1>
    %ne3A_1194 = vector.broadcast %ne3A_1193 : vector<256x1xi1> to vector<256x1xi1>
    %ne3A_1195 = arith.xori %lt3A_1190, %ne3A_1194 : vector<256x1xi1>
    %and3A_1196 = arith.andi %ne3A_1195, %ne3A_1187 : vector<256x1xi1>
    %add3A_1197 = vector.broadcast %select_n3A_1182 : i32 to vector<256x1xi32>
    %add3A_1198 = arith.addi %rem3A_1184, %add3A_1197 : vector<256x1xi32>
    %select_n3A_1199 = arith.select %and3A_1196, %add3A_1198, %rem3A_1184 : vector<256x1xi1>, vector<256x1xi32>
    %jit3A_1200 = arith.constant 16 : i32
    %eq3A_1201 = arith.constant 0 : i32
    %eq3A_1202 = arith.cmpi eq, %jit3A_1200, %eq3A_1201 : i32
    %jit3A_1203 = arith.constant 1 : i32
    %select_n3A_1204 = arith.select %eq3A_1202, %jit3A_1203, %jit3A_1200 : i32
    %rem3A_1205 = vector.broadcast %select_n3A_1204 : i32 to vector<256x1xi32>
    %rem3A_1206 = arith.remsi %iota3A_1177, %rem3A_1205 : vector<256x1xi32>
    %ne3A_1207 = arith.constant 0 : i32
    %ne3A_1208 = vector.broadcast %ne3A_1207 : i32 to vector<256x1xi32>
    %ne3A_1209 = arith.cmpi ne, %rem3A_1206, %ne3A_1208 : vector<256x1xi32>
    %lt3A_1210 = arith.constant 0 : i32
    %lt3A_1211 = vector.broadcast %lt3A_1210 : i32 to vector<256x1xi32>
    %lt3A_1212 = arith.cmpi slt, %rem3A_1206, %lt3A_1211 : vector<256x1xi32>
    %lt3A_1213 = arith.constant 0 : i32
    %lt3A_1214 = arith.cmpi slt, %select_n3A_1204, %lt3A_1213 : i32
    %ne3A_1215 = vector.broadcast %lt3A_1214 : i1 to vector<256x1xi1>
    %ne3A_1216 = vector.broadcast %ne3A_1215 : vector<256x1xi1> to vector<256x1xi1>
    %ne3A_1217 = arith.xori %lt3A_1212, %ne3A_1216 : vector<256x1xi1>
    %and3A_1218 = arith.andi %ne3A_1217, %ne3A_1209 : vector<256x1xi1>
    %add3A_1219 = vector.broadcast %select_n3A_1204 : i32 to vector<256x1xi32>
    %add3A_1220 = arith.addi %rem3A_1206, %add3A_1219 : vector<256x1xi32>
    %select_n3A_1221 = arith.select %and3A_1218, %add3A_1220, %rem3A_1206 : vector<256x1xi1>, vector<256x1xi32>
    %jit3A_1222 = arith.constant 4 : i32
    %div3A_1223 = vector.broadcast %jit3A_1222 : i32 to vector<256x1xi32>
    %div3A_1224 = arith.divsi %select_n3A_1221, %div3A_1223 : vector<256x1xi32>
    %sign3A_1225 = arith.constant 0 : i32
    %sign3A_1226 = vector.broadcast %sign3A_1225 : i32 to vector<256x1xi32>
    %sign3A_1227 = arith.cmpi sgt, %select_n3A_1221, %sign3A_1226 : vector<256x1xi32>
    %sign3A_1228 = arith.extui %sign3A_1227 : vector<256x1xi1> to vector<256x1xi32>
    %sign3A_1229 = arith.constant 0 : i32
    %sign3A_1230 = vector.broadcast %sign3A_1229 : i32 to vector<256x1xi32>
    %sign3A_1231 = arith.cmpi slt, %select_n3A_1221, %sign3A_1230 : vector<256x1xi32>
    %sign3A_1232 = arith.extui %sign3A_1231 : vector<256x1xi1> to vector<256x1xi32>
    %sign3A_1233 = arith.subi %sign3A_1228, %sign3A_1232 : vector<256x1xi32>
    %sign3A_1234 = arith.constant 0 : i32
    %sign3A_1235 = arith.cmpi sgt, %jit3A_1222, %sign3A_1234 : i32
    %sign3A_1236 = arith.extui %sign3A_1235 : i1 to i32
    %sign3A_1237 = arith.constant 0 : i32
    %sign3A_1238 = arith.cmpi slt, %jit3A_1222, %sign3A_1237 : i32
    %sign3A_1239 = arith.extui %sign3A_1238 : i1 to i32
    %sign3A_1240 = arith.subi %sign3A_1236, %sign3A_1239 : i32
    %ne3A_1241 = vector.broadcast %sign3A_1240 : i32 to vector<256x1xi32>
    %ne3A_1242 = arith.cmpi ne, %sign3A_1233, %ne3A_1241 : vector<256x1xi32>
    %rem3A_1243 = vector.broadcast %jit3A_1222 : i32 to vector<256x1xi32>
    %rem3A_1244 = arith.remsi %select_n3A_1221, %rem3A_1243 : vector<256x1xi32>
    %ne3A_1245 = arith.constant 0 : i32
    %ne3A_1246 = vector.broadcast %ne3A_1245 : i32 to vector<256x1xi32>
    %ne3A_1247 = arith.cmpi ne, %rem3A_1244, %ne3A_1246 : vector<256x1xi32>
    %and3A_1248 = arith.andi %ne3A_1242, %ne3A_1247 : vector<256x1xi1>
    %sub3A_1249 = arith.constant 1 : i32
    %sub3A_1250 = vector.broadcast %sub3A_1249 : i32 to vector<256x1xi32>
    %sub3A_1251 = arith.subi %div3A_1224, %sub3A_1250 : vector<256x1xi32>
    %select_n3A_1252 = arith.select %and3A_1248, %sub3A_1251, %div3A_1224 : vector<256x1xi1>, vector<256x1xi32>
    %lt3A_1253 = arith.constant 3 : i32
    %lt3A_1254 = vector.broadcast %lt3A_1253 : i32 to vector<256x1xi32>
    %lt3A_1255 = arith.cmpi slt, %select_n3A_1199, %lt3A_1254 : vector<256x1xi32>
    %jit3A_1256 = arith.constant 0.000000e+00 : f32
    %broadcast_in_dim3A_1257 = vector.shape_cast %lt3A_1255 : vector<256x1xi1> to vector<256x1xi1>
    %broadcast_in_dim3A_1258 = vector.broadcast %broadcast_in_dim3A_1257 : vector<256x1xi1> to vector<256x96xi1>
    %broadcast_in_dim3A_1259 = vector.broadcast %jit3A_1256 : f32 to vector<256x96xf32>
    %select_n3A_1260 = arith.select %broadcast_in_dim3A_1258, %concatenate3A_1170, %broadcast_in_dim3A_1259 : vector<256x96xi1>, vector<256x96xf32>
    %gt3A_1261 = arith.constant 0 : i32
    %gt3A_1262 = vector.broadcast %gt3A_1261 : i32 to vector<256x1xi32>
    %gt3A_1263 = arith.cmpi sgt, %select_n3A_1199, %gt3A_1262 : vector<256x1xi32>
    %jit3A_1264 = arith.constant 0.000000e+00 : f32
    %broadcast_in_dim3A_1265 = vector.shape_cast %gt3A_1263 : vector<256x1xi1> to vector<256x1xi1>
    %broadcast_in_dim3A_1266 = vector.broadcast %broadcast_in_dim3A_1265 : vector<256x1xi1> to vector<256x96xi1>
    %broadcast_in_dim3A_1267 = vector.broadcast %jit3A_1264 : f32 to vector<256x96xf32>
    %select_n3A_1268 = arith.select %broadcast_in_dim3A_1266, %concatenate3A_1172, %broadcast_in_dim3A_1267 : vector<256x96xi1>, vector<256x96xf32>
    %lt3A_1269 = arith.constant 3 : i32
    %lt3A_1270 = vector.broadcast %lt3A_1269 : i32 to vector<256x1xi32>
    %lt3A_1271 = arith.cmpi slt, %select_n3A_1252, %lt3A_1270 : vector<256x1xi32>
    %jit3A_1272 = arith.constant 0.000000e+00 : f32
    %broadcast_in_dim3A_1273 = vector.shape_cast %lt3A_1271 : vector<256x1xi1> to vector<256x1xi1>
    %broadcast_in_dim3A_1274 = vector.broadcast %broadcast_in_dim3A_1273 : vector<256x1xi1> to vector<256x96xi1>
    %broadcast_in_dim3A_1275 = vector.broadcast %jit3A_1272 : f32 to vector<256x96xf32>
    %select_n3A_1276 = arith.select %broadcast_in_dim3A_1274, %concatenate3A_1174, %broadcast_in_dim3A_1275 : vector<256x96xi1>, vector<256x96xf32>
    %gt3A_1277 = arith.constant 0 : i32
    %gt3A_1278 = vector.broadcast %gt3A_1277 : i32 to vector<256x1xi32>
    %gt3A_1279 = arith.cmpi sgt, %select_n3A_1252, %gt3A_1278 : vector<256x1xi32>
    %jit3A_1280 = arith.constant 0.000000e+00 : f32
    %broadcast_in_dim3A_1281 = vector.shape_cast %gt3A_1279 : vector<256x1xi1> to vector<256x1xi1>
    %broadcast_in_dim3A_1282 = vector.broadcast %broadcast_in_dim3A_1281 : vector<256x1xi1> to vector<256x96xi1>
    %broadcast_in_dim3A_1283 = vector.broadcast %jit3A_1280 : f32 to vector<256x96xf32>
    %select_n3A_1284 = arith.select %broadcast_in_dim3A_1282, %concatenate3A_1176, %broadcast_in_dim3A_1283 : vector<256x96xi1>, vector<256x96xf32>
    %iota3A_1285 = tpu.iota {dimensions = array<i32: 1>} : vector<256x96xi32>
    %lt3A_1286 = arith.constant 24 : i32
    %lt3A_1287 = vector.broadcast %lt3A_1286 : i32 to vector<256x96xi32>
    %lt3A_1288 = arith.cmpi slt, %iota3A_1285, %lt3A_1287 : vector<256x96xi32>
    %lt3A_1289 = arith.constant 48 : i32
    %lt3A_1290 = vector.broadcast %lt3A_1289 : i32 to vector<256x96xi32>
    %lt3A_1291 = arith.cmpi slt, %iota3A_1285, %lt3A_1290 : vector<256x96xi32>
    %lt3A_1292 = arith.constant 72 : i32
    %lt3A_1293 = vector.broadcast %lt3A_1292 : i32 to vector<256x96xi32>
    %lt3A_1294 = arith.cmpi slt, %iota3A_1285, %lt3A_1293 : vector<256x96xi32>
    %select_n3A_1295 = arith.select %lt3A_1294, %select_n3A_1276, %select_n3A_1284 : vector<256x96xi1>, vector<256x96xf32>
    %select_n3A_1296 = arith.select %lt3A_1291, %select_n3A_1268, %select_n3A_1295 : vector<256x96xi1>, vector<256x96xf32>
    %select_n3A_1297 = arith.select %lt3A_1288, %select_n3A_1260, %select_n3A_1296 : vector<256x96xi1>, vector<256x96xf32>
    %convert_element_type3A_1298 = arith.truncf %select_n3A_1297 : vector<256x96xf32> to vector<256x96xbf16>
    %get3A_1299 = arith.constant 0 : index
    %get3A_1300 = arith.constant 0 : index
    %get3A_1301 = vector.load %arg4[%get3A_1299, %get3A_1300] : memref<96x384xbf16, #tpu.memory_space<vmem>>, vector<96x384xbf16>
    %dot_general3A_1302 = arith.constant dense<0.000000e+00> : vector<256x384xf32>
    %dot_general3A_1303 = tpu.matmul %convert_element_type3A_1298, %get3A_1301, %dot_general3A_1302 {dimension_numbers = #tpu.dot_dimension_numbers<[1], [0], [0], [1], [0, 0, 1, 1], [], []>, transpose_lhs_hint = false} : vector<256x96xbf16>, vector<96x384xbf16>, vector<256x384xf32> -> vector<256x384xf32>
    %add3A_1304 = arith.addf %get3A_1153, %dot_general3A_1303 : vector<256x384xf32>
    %get3A_1305 = arith.constant 0 : index
    %get3A_1306 = arith.constant 0 : index
    %get3A_1307 = vector.load %arg5[%get3A_1305, %get3A_1306] : memref<1x384xf32, #tpu.memory_space<vmem>>, vector<1x384xf32>
    %add3A_1308 = vector.broadcast %get3A_1307 : vector<1x384xf32> to vector<256x384xf32>
    %add3A_1309 = arith.addf %add3A_1304, %add3A_1308 : vector<256x384xf32>
    %swap3A_1310 = arith.constant 7 : index
    %swap3A_1311 = arith.constant 0 : index
    %swap3A_1312 = arith.constant 0 : index
    %swap3A_1313 = vector.load %arg6[%swap3A_1310, %swap3A_1311, %swap3A_1312] : memref<8x256x384xf32, #tpu.memory_space<vmem>>, vector<1x256x384xf32>
    %swap3A_1314 = vector.shape_cast %swap3A_1313 : vector<1x256x384xf32> to vector<256x384xf32>
    %swap3A_1315 = vector.shape_cast %add3A_1309 : vector<256x384xf32> to vector<1x256x384xf32>
    tpu.vector_store %arg6[%swap3A_1310, %swap3A_1311, %swap3A_1312], %swap3A_1315 {strides = array<i32>} : memref<8x256x384xf32, #tpu.memory_space<vmem>>, vector<1x256x384xf32>,
    return
  }
  func.func @transform_0(%arg0: i32) -> (i32, i32, i32) {
    %c0_i32 = arith.constant 0 : i32
    %c0_i32_0 = arith.constant 0 : i32
    %c0_i32_1 = arith.constant 0 : i32
    return %arg0, %c0_i32, %c0_i32_0 : i32, i32, i32
  }
  func.func @transform_1(%arg0: i32) -> (i32, i32) {
    %c0_i32 = arith.constant 0 : i32
    %c0_i32_0 = arith.constant 0 : i32
    %c0_i32_1 = arith.constant 0 : i32
    return %c0_i32, %c0_i32_0 : i32, i32
  }
  func.func @transform_2(%arg0: i32) -> (i32, i32) {
    %c0_i32 = arith.constant 0 : i32
    %c0_i32_0 = arith.constant 0 : i32
    %c0_i32_1 = arith.constant 0 : i32
    return %c0_i32, %c0_i32_0 : i32, i32
  }
  func.func @transform_3(%arg0: i32) -> (i32, i32) {
    %c0_i32 = arith.constant 0 : i32
    %c0_i32_0 = arith.constant 0 : i32
    %c0_i32_1 = arith.constant 0 : i32
    return %c0_i32, %c0_i32_0 : i32, i32
  }
  func.func @transform_4(%arg0: i32) -> (i32, i32) {
    %c0_i32 = arith.constant 0 : i32
    %c0_i32_0 = arith.constant 0 : i32
    %c0_i32_1 = arith.constant 0 : i32
    return %c0_i32, %c0_i32_0 : i32, i32
  }
  func.func @transform_5(%arg0: i32) -> (i32, i32, i32) {
    %c0_i32 = arith.constant 0 : i32
    %c0_i32_0 = arith.constant 0 : i32
    %c0_i32_1 = arith.constant 0 : i32
    return %arg0, %c0_i32, %c0_i32_0 : i32, i32, i32
  }
}

</mosaic_0001>

<sc_bundles>
// kernel: kernel.5.cloned.1.call-start
scs
__scs_entry_jumppad:
0x0: {  	(pc) =	sbr.rel $0x88, $3  }
0x1: {  	(tag) =	ssettag $0x0;
	lr =	simm.s32 $0x1  }
0x2: {  	[smem:$0x3F9B] =	sst lr;
	_ =	strace $0xD0000000  }
0x3: {  	_ = 	snop  }
0x4: {  	_ = 	snop  }
0x5: {  	_ = 	snop  }
0x6: {  	_ = 	snop  }
0x7: {  	_ = 	snop  }
__scs_overlays_trampoline_lowered:
0x8: {  	[smem:$0x3FAA] =	sst s0  }
0x9: {  	[smem:$0x3FAB] =	sst s1  }
0xa: {  	[smem:$0x3FAC] =	sst s2  }
0xb: {  	[smem:$0x3FAD] =	sst s3  }
0xc: {  	[smem:$0x3FAE] =	sst s4  }
0xd: {  	[smem:$0x3FAF] =	sst s5  }
0xe: {  	[smem:$0x3FB0] =	sst s6  }
0xf: {  	[smem:$0x3FB1] =	sst s7  }
0x10: {  	[smem:$0x3FB2] =	sst s8  }
0x11: {  	[smem:$0x3FB3] =	sst s9;
	s0 =	simm.s32 @!p0 $0x0  }
0x12: {  	s1 =	sld [smem:$0x3F99];
	s0 =	simm.s32 @p0 $0x1  }
0x13: {  	[smem:$0x3FB4] =	sst s0;
	s0 =	simm.s32 @!p1 $0x0  }
0x14: {  	s2 =	sld [smem:$0x3F98];
	s0 =	simm.s32 @p1 $0x1  }
0x15: {  	[smem:$0x3FB5] =	sst s0;
	s0 =	simm.s32 @!p2 $0x0  }
0x16: {  	s3 =	sld [smem:$0x3FDB];
	s0 =	simm.s32 @p2 $0x1  }
0x17: {  	s4 =	simm.s32 $0x1BF5;
	[smem:$0x3FB7] =	sst s0  }
0x18: {  	s0 =	sld [smem:$0x3F9A];
	_ =	swait.ge [sflag:s4], $0x0  }
0x19: {  	s7 =	sld [smem:$0x3F9B]  }
0x1a: {  	s8 =	sadd.s32 $0xFFFFE003, lr  }
0x1b: {  	s9 =	sadd.s32 $0xFFFFFEF7, lr;
	s5 =	simm.s32 $0xFFFFFFFF;
	p2 =	slt.u32 s8, $0xFFFFF086  }
0x1c: {  	p1 =	slt.u32 s9, $0xF7A;
	s5 =	simm.s32 @!p2 $0x0  }
0x1d: {  	s5 =	simm.s32 @p1 $0x1;
	p0 =	seq.s32 s7, s2  }
0x1e: {  	s7 =	smul.u32 @!p0 $0xF7A, s2;
	p2 =	seq.s32 @!p0 s5, $0x0  }
0x1f: {  	s9 =	smul.u32 $0xF7A, s1;
	s8 =	simm.s32 @!p0 $0x1BF5;
	p2 =	por !p2, p0  }
0x20: {  	[sflag:s8] =	ssyncset.s32 @!p0 $0xFFFFF086;
	s6 =	sadd.s32 @!p0 s3, s7;
	s7 =	simm.s32 @!p0 $0x108  }
0x21: {  	s3 =	sadd.s32 s3, s9;
	s6 =	sadd.s32 @!p0 $0x88, s6;
	s7 =	simm.s32 @p2 $0x1082  }
0x22: {  	[simem:s7], [sflag:s8] =	dma.local @!p0 [hbm:s6], $0xF7A  }
0x23: {  	s9 =	sor.u32 $0xD0000000, s2;
	s6 =	simm.s32 $0x108;
	_ =	swait.ge @!p0 [sflag:s8], $0x0  }
0x24: {  	s3 =	sadd.s32 $0x88, s3;
	s6 =	simm.s32 @!p1 $0x1082;
	[sflag:s4] =	ssyncset.s32 $0xFFFFF086  }
0x25: {  	[simem:s6], [sflag:s4] =	dma.local [hbm:s3], $0xF7A  }
0x26: {  	[smem:$0x3F9B] =	sst s1;
	(tag) =	ssettag s2;
	_ =	strace s9  }
0x27: {  	s1 =	sld [smem:$0x3FAB]  }
0x28: {  	s2 =	sld [smem:$0x3FAC]  }
0x29: {  	s4 =	sld [smem:$0x3FAE]  }
0x2a: {  	p0 =	seq.s32 s5, $0x0;
	s5 =	sld [smem:$0x3FAF]  }
0x2b: {  	s6 =	sld [smem:$0x3FB0]  }
0x2c: {  	s7 =	sld [smem:$0x3FB1]  }
0x2d: {  	s3 =	simm.s32 $0x108;
	s8 =	sld [smem:$0x3FB2]  }
0x2e: {  	s3 =	simm.s32 @!p0 $0x1082;
	s9 =	sld [smem:$0x3FB3]  }
0x2f: {  	lr =	sadd.s32 s0, s3;
	s0 =	sld [smem:$0x3FAA]  }
0x30: {  	s3 =	sld [smem:$0x3FAD]  }
0x31: {  	[smem:$0x3FB6] =	sst s10  }
0x32: {  	s10 =	sld [smem:$0x3FB4];
	_ =	sdelay $0x3  }
0x33: {  	p0 =	seq.s32 s10, $0x1;
	s10 =	sld [smem:$0x3FB6];
	_ =	sdelay $0x3  }
0x34: {  	[smem:$0x3FB6] =	sst s10  }
0x35: {  	s10 =	sld [smem:$0x3FB5];
	_ =	sdelay $0x3  }
0x36: {  	p1 =	seq.s32 s10, $0x1;
	s10 =	sld [smem:$0x3FB6];
	_ =	sdelay $0x3  }
0x37: {  	[smem:$0x3FB6] =	sst s10  }
0x38: {  	s10 =	sld [smem:$0x3FB7]  }
0x39: {  	_ = 	snop;
	(pc) =	sbr.ind lr, $3  }
0x3a: {  	_ = 	snop  }
0x3b: {  	_ = 	snop  }
0x3c: {  	p2 =	seq.s32 s10, $0x1;
	s10 =	sld [smem:$0x3FB6]  }
0x3d: {  	_ =	shalt  }
0x3e: {  	_ =	shalt  }
0x3f: {  	_ =	shalt  }
0x40: {  	_ =	shalt  }
0x41: {  	_ =	shalt  }
0x42: {  	_ =	shalt  }
0x43: {  	_ =	shalt  }
0x44: {  	_ =	shalt  }
0x45: {  	_ =	shalt  }
0x46: {  	_ =	shalt  }
0x47: {  	_ =	shalt  }
0x48: {  	_ =	shalt  }
0x49: {  	_ =	shalt  }
0x4a: {  	_ =	shalt  }
0x4b: {  	_ =	shalt  }
0x4c: {  	_ =	shalt  }
0x4d: {  	_ =	shalt  }
0x4e: {  	_ =	shalt  }
0x4f: {  	_ =	shalt  }
0x50: {  	_ =	shalt  }
0x51: {  	_ =	shalt  }
0x52: {  	_ =	shalt  }
0x53: {  	_ =	shalt  }
0x54: {  	_ =	shalt  }
0x55: {  	_ =	shalt  }
0x56: {  	_ =	shalt  }
0x57: {  	_ =	shalt  }
0x58: {  	_ =	shalt  }
0x59: {  	_ =	shalt  }
0x5a: {  	_ =	shalt  }
0x5b: {  	_ =	shalt  }
0x5c: {  	_ =	shalt  }
0x5d: {  	_ =	shalt  }
0x5e: {  	_ =	shalt  }
0x5f: {  	_ =	shalt  }
0x60: {  	_ =	shalt  }
0x61: {  	_ =	shalt  }
0x62: {  	_ =	shalt  }
0x63: {  	_ =	shalt  }
0x64: {  	_ =	shalt  }
0x65: {  	_ =	shalt  }
0x66: {  	_ =	shalt  }
0x67: {  	_ =	shalt  }
0x68: {  	_ =	shalt  }
0x69: {  	_ =	shalt  }
0x6a: {  	_ =	shalt  }
0x6b: {  	_ =	shalt  }
0x6c: {  	_ =	shalt  }
0x6d: {  	_ =	shalt  }
0x6e: {  	_ =	shalt  }
0x6f: {  	_ =	shalt  }
0x70: {  	_ =	shalt  }
0x71: {  	_ =	shalt  }
0x72: {  	_ =	shalt  }
0x73: {  	_ =	shalt  }
0x74: {  	_ =	shalt  }
0x75: {  	_ =	shalt  }
0x76: {  	_ =	shalt  }
0x77: {  	_ =	shalt  }
0x78: {  	_ =	shalt  }
0x79: {  	_ =	shalt  }
0x7a: {  	_ =	shalt  }
0x7b: {  	_ =	shalt  }
0x7c: {  	_ =	shalt  }
0x7d: {  	_ =	shalt  }
0x7e: {  	_ =	shalt  }
0x7f: {  	_ =	shalt  }
0x80: {  	_ =	shalt  }
0x81: {  	_ =	shalt  }
0x82: {  	_ =	shalt  }
0x83: {  	_ =	shalt  }
0x84: {  	_ =	shalt  }
0x85: {  	_ =	shalt  }
0x86: {  	_ =	shalt  }
0x87: {  	_ =	shalt  }
.Lfunc_end0:
.L_simem_size_0:
called_computation_lowered:
.L_overlay_start_0:
0x88: {  	s2 =	sld [smem:$0x3FD9]  }
0x89: {  	s3 =	sld [smem:$0x3FFE];
	_ =	sdelay $0x1  }
0x8a: {  	s1 =	srdreg.scid  }
0x8b: {  	s0 =	sand.u32 $0x1, s1  }
0x8c: {  	s17 =	sshll.u32 s0, $0xA;
	s2 =	sadd.s32 s3, s2  }
0x8d: {  	s2 =	sadd.s32 s2, s17  }
0x8e: {  	[smem:$0x3FC2] =	sst s2  }
0x8f: {  	_ = 	snop  }
0x90: {  	s2 =	sld [smem:$0x3FC8]  }
0x91: {  	s18 =	sld [smem:$0x3FD0];
	(tm) =	ssettm $0x1  }
0x92: {  	s4 =	sld [smem:$0x3FFB];
	_ =	sdelay $0x3  }
0x93: {  	_ =	strace s4  }
0x94: {  	s4 =	sld [smem:$0x3FFC];
	_ =	sdelay $0x3  }
0x95: {  	_ =	strace s4  }
0x96: {  	s4 =	sld [smem:$0x3FFD];
	_ =	sdelay $0x3  }
0x97: {  	_ =	strace s4  }
0x98: {  	_ =	strace $0x8FFFFFFF  }
0x99: {  	s19 =	sld [smem:$0x3FDB];
	_ =	sdelay $0x1  }
0x9a: {  	s5 =	simm.s32 $_scs_section_size  }
0x9b: {  	s6 =	simm.s32 $_size__tile_overlayer_lowered;
	s7 =	simm.s32 $_tile_overlayer_lowered  }
0x9c: {  	s22 =	simm.s32 $0x1BFF;
	s21 =	sshll.u32 s7, $0x1;
	s4 =	sadd.s32 s5, s19  }
0x9d: {  	s8 =	simm.s32 $0x0;
	s20 =	sshll.u32 s6, $0x1;
	s6 =	sadd.s32 s21, s4  }
0x9e: {  	[timem:s8], [sflag:s22] =	dma.local [hbm:s6], s20  }
0x9f: {  	_ =	swait.ge [sflag:s22], s20  }
0xa0: {  	s5 =	ssub.s32 $0x0, s20;
	[sflag:s22] =	ssyncset.done $0x0  }
0xa1: {  	[sflag:s22] =	ssyncadd.s32 s5;
	_ =	sdelay $0x1  }
0xa2: {  	s23 =	simm.s32 $0x1B8B  }
0xa3: {  	_ =	swait.ge [sflag:s23], $0x1  }
0xa4: {  	[sflag:s23] =	ssyncset.done $0x0  }
0xa5: {  	s25 =	simm.s32 $0x1B8E;
	s24 =	sld [smem:$0x3FFE];
	[sflag:s23] =	ssyncadd.s32 $0xFFFFFFFF  }
0xa6: {  	s26 =	simm.s32 $execute0_lowered;
	[smem:$0x3FD2] =	sst s25  }
0xa7: {  	s6 =	sshll.u32 s26, $0x1;
	_ =	strace $0x80000046;
	[dreg:$0x1] =	wrdreg $0xFFFFFFFF  }
0xa8: {  	s28 =	simm.s32 $_size_execute0_lowered;
	s4 =	sadd.s32 s4, s6;
	[dreg:$0x0] =	wrdreg $0x0  }
0xa9: {  	s6 =	sshll.u32 s28, $0x1;
	[dreg:$0x2] =	wrdreg s4  }
0xaa: {  	[dreg:$0x3] =	wrdreg s6  }
0xab: {  	[dreg:$0x4] =	wrdreg $0xC0  }
0xac: {  	_ =	task [dreg:s8], $0x5FFFF  }
0xad: {  	[dreg:$0x1] =	wrdreg $0xFFFFFFFF  }
0xae: {  	[dreg:$0x0] =	wrdreg $0x60  }
0xaf: {  	[dreg:$0x2] =	wrdreg s2  }
0xb0: {  	[dreg:$0x3] =	wrdreg s18  }
0xb1: {  	[dreg:$0x4] =	wrdreg s24  }
0xb2: {  	[dreg:$0x5] =	wrdreg $0x9  }
0xb3: {  	_ =	task.clear_ibuf [dreg:s8], $0x6FFFF;
	_ =	strace $0x90000046  }
0xb4: {  	s29 =	simm.s32 $0x9;
	_ =	strace $0x80000048  }
0xb5: {  	_ =	swait.ge [sflag:s29], $0x1  }
0xb6: {  	[sflag:s29] =	ssyncadd.s32 $0xFFFFFFFF  }
0xb7: {  	_ =	strace $0x90000048  }
0xb8: {  	_ =	sfence  }
0xb9: {  	s30 =	sld [smem:$0x0];
	_ =	sdelay $0x2  }
0xba: {  	s31 =	sshll.u32 s1, $0xD;
	s1 =	sshrl.u32 s1, $0x2  }
0xbb: {  	s3 =	sand.u32 $0x4000, s31;
	s1 =	sadd.s32 s1, s30  }
0xbc: {  	s0 =	sor.u32 s3, s0;
	s1 =	sshll.u32 s1, $0x11  }
0xbd: {  	s0 =	sor.u32 s1, s0  }
0xbe: {  	s0 =	sadd.s32 $0x8F2B, s0  }
0xbf: {  	[sflag:s0] =	ssyncadd.remote.s32 $0x1  }
0xc0: {  	_ =	sfence.sel $0xFFFF  }
0xc1: {  	[dreg:$0x0] =	wrdreg $0xFFFFFFFF;
	(pc) =	sbr.abs _section_cstart, $3  }
0xc2: {  	[dreg:$0x1] =	wrdreg $0xFFFFFFFF  }
0xc3: {  	_ =	task.clear_ibuf [dreg:s8], $0x2FFFF;
	_ =	strace $0x9FFFFFFF  }
0xc4: {  	(tm) =	ssettm $0x7FFFFFFF  }
0xc5: {  	_ =	shalt  }
tec
execute0_lowered:
.L_overlay_start_1:
0x0: {  	(tag) =	ssettag $0x1  }
0x1: {  	s1 =	rddreg [dreg:$0x0]  }
0x2: {  	s0 =	rddreg [dreg:$0x1]  }
0x3: {  	s2 =	rddreg [dreg:$0x2]  }
0x4: {  	s3 =	srdreg.scid;
	s5 =	stileid.u32;
	s21 =	simm.s32 $0x1  }
0x5: {  	s23 =	simm.s32 $0x900;
	s28 =	simm.s32 $0x2100;
	s29 =	simm.s32 $0x2500  }
0x6: {  	s30 =	simm.s32 $0x2D00;
	s31 =	simm.s32 $0x3100;
	s9 =	simm.s32 $0x4900  }
0x7: {  	s10 =	simm.s32 $0x5100;
	s11 =	simm.s32 $0x5500;
	s12 =	simm.s32 $0x5D00  }
0x8: {  	s13 =	simm.s32 $0x6100;
	s14 =	simm.s32 $0x6900;
	s15 =	simm.s32 $0x6D00  }
0x9: {  	s16 =	simm.s32 $0x7500;
	s17 =	simm.s32 $0x7900;
	s18 =	simm.s32 $0x8100  }
0xa: {  	s19 =	simm.s32 $0x8500;
	s20 =	simm.s32 $0x8D00;
	s4 =	sand.u32 $0x1, s3  }
0xb: {  	s3 =	simm.s32 $0x0;
	s5 =	sshll.u32 s5, $0x7;
	s2 =	sadd.s32 $0x1A00, s2  }
0xc: {  	s6 =	sshll.u32 s4, $0x6;
	[smem:$0x7FF] =	sst s3;
	s4 =	ssub.s32 $0x2, s4  }
0xd: {  	s5 =	sor.u32 s6, s5;
	_ =	strace $0x80000047;
	s8 =	sshrl.u32 s4, $0x1  }
0xe: {  	s6 =	smul.u32 $0x180, s5;
	s7 =	sadd.s32 s0, s5;
	s5 =	sor.u32 $0x20, s5  }
0xf: {  	s25 =	ssub.s32 s4, s8;
	s4 =	sadd.s32 $0x100, s1;
	s8 =	simm.s32 $0x4500  }
0x10: {  	[dreg:$0x4] =	wrdreg s7;
	s24 =	smul.u32 $0x180, s5;
	s0 =	sadd.s32 s0, s5  }
0x11: {  	s5 =	smax.u32 s25, $0x1;
	s6 =	sadd.s32 s2, s6;
	[dreg:$0x6] =	wrdreg s0  }
0x12: {  	v2 =	vlaneseq.u32;
	s25 =	simm.s32 $0x1500;
	s7 =	simm.s32 $0x9100;
	[dreg:$0x5] =	wrdreg s6  }
0x13: {  	vm0 =	vmmov $0xffff;
	vm1 =	vmmov $0xff;
	v1 =	vshrl.u32 v2, $0x3;
	s26 =	sadd.s32 s2, s24;
	s6 =	simm.s32 $0x2;
	s24 =	simm.s32 $0xD00  }
0x14: {  	v0 =	vand.u32 $0x7, v2;
	v2 =	vor.u32 $0x8, v2;
	v1 =	vmul.u32 $0x8, v1;
	s2 =	simm.s32 $0x3D00;
	[dreg:$0x7] =	wrdreg s26;
	s26 =	simm.s32 $0x1900  }
.LBB2_1:
0x15: {  	s22 =	rddreg [dreg:$0x4]  }
0x16: {  	[tilespmem:s3], [sflag:$0x2] =	stream.linear.gather [hbm4b:s22+s3], $0x100, $0x38;
	[tilespmem:$0x18100] =	vst v63  }
0x17: {  	_ =	swait.ge [sflag:s6], $0x100  }
0x18: {  	[sflag:s6] =	ssyncset.done $0x0  }
0x19: {  	[sflag:s6] =	ssyncadd.s32 $0xFFFFFF00  }
0x1a: {  	v3 =	vld [tilespmem:$0x0];
	_ =	sdelay $0x4  }
0x1b: {  	v4 =	vshrl.u32 v3, $0x3  }
0x1c: {  	v4 =	vmul.u32 $0x18, v4  }
0x1d: {  	v3 =	vand.u32 $0x7, v3  }
0x1e: {  	v3 =	vor.u32 v3, v4  }
0x1f: {  	v4 =	vperm.xlane v3, v0;
	_ =	sdelay $0x1  }
0x20: {  	v4 =	vadd.s32 v1, v4;
	_ =	sdelay $0x1  }
0x21: {  	v3 =	vperm.xlane v3, v2;
	_ =	sdelay $0x1  }
0x22: {  	s0 =	simm.s32 $0x100;
	v3 =	vadd.s32 v1, v3  }
0x23: {  	[tilespmem:s0], [sflag:$0x1] =	stream.indirect_vreg.gather [hbm4b:s1+s3], $0x80, v4, vm0, $0xb8;
	[tilespmem:$0x18100] =	vst v63  }
0x24: {  	_ = 	snop  }
0x25: {  	[tilespmem:s23], [sflag:$0x1] =	stream.indirect_vreg.gather [hbm4b:s4+s3], $0x80, v4, vm1, $0xb8;
	[tilespmem:$0x18100] =	vst v63  }
0x26: {  	_ = 	snop  }
0x27: {  	[tilespmem:s24], [sflag:$0x1] =	stream.indirect_vreg.gather [hbm4b:s1+s3], $0x80, v3, vm0, $0xb8;
	[tilespmem:$0x18100] =	vst v63  }
0x28: {  	_ = 	snop  }
0x29: {  	[tilespmem:s25], [sflag:$0x1] =	stream.indirect_vreg.gather [hbm4b:s4+s3], $0x80, v3, vm1, $0xb8;
	[tilespmem:$0x18100] =	vst v63  }
0x2a: {  	v3 =	vld [tilespmem:$0x10];
	_ =	sdelay $0x4  }
0x2b: {  	v33 =	vshrl.u32 v3, $0x3  }
0x2c: {  	v4 =	vmul.u32 $0x18, v33  }
0x2d: {  	v3 =	vand.u32 $0x7, v3  }
0x2e: {  	v3 =	vor.u32 v3, v4  }
0x2f: {  	v4 =	vperm.xlane v3, v0;
	_ =	sdelay $0x1  }
0x30: {  	v4 =	vadd.s32 v1, v4;
	_ =	sdelay $0x1  }
0x31: {  	v3 =	vperm.xlane v3, v2;
	_ =	sdelay $0x1  }
0x32: {  	v3 =	vadd.s32 v1, v3  }
0x33: {  	[tilespmem:s26], [sflag:$0x1] =	stream.indirect_vreg.gather [hbm4b:s1+s3], $0x80, v4, vm0, $0xb8;
	[tilespmem:$0x18100] =	vst v63  }
0x34: {  	_ = 	snop  }
0x35: {  	[tilespmem:s28], [sflag:$0x1] =	stream.indirect_vreg.gather [hbm4b:s4+s3], $0x80, v4, vm1, $0xb8;
	[tilespmem:$0x18100] =	vst v63  }
0x36: {  	_ = 	snop  }
0x37: {  	[tilespmem:s29], [sflag:$0x1] =	stream.indirect_vreg.gather [hbm4b:s1+s3], $0x80, v3, vm0, $0xb8;
	[tilespmem:$0x18100] =	vst v63  }
0x38: {  	_ = 	snop  }
0x39: {  	[tilespmem:s30], [sflag:$0x1] =	stream.indirect_vreg.gather [hbm4b:s4+s3], $0x80, v3, vm1, $0xb8;
	[tilespmem:$0x18100] =	vst v63  }
0x3a: {  	v3 =	vld [tilespmem:$0x20];
	_ =	sdelay $0x4  }
0x3b: {  	v34 =	vshrl.u32 v3, $0x3  }
0x3c: {  	v4 =	vmul.u32 $0x18, v34  }
0x3d: {  	v3 =	vand.u32 $0x7, v3  }
0x3e: {  	v3 =	vor.u32 v3, v4  }
0x3f: {  	v4 =	vperm.xlane v3, v0;
	_ =	sdelay $0x1  }
0x40: {  	v4 =	vadd.s32 v1, v4;
	_ =	sdelay $0x1  }
0x41: {  	v3 =	vperm.xlane v3, v2;
	_ =	sdelay $0x1  }
0x42: {  	v3 =	vadd.s32 v1, v3  }
0x43: {  	[tilespmem:s31], [sflag:$0x1] =	stream.indirect_vreg.gather [hbm4b:s1+s3], $0x80, v4, vm0, $0xb8;
	[tilespmem:$0x18100] =	vst v63  }
0x44: {  	s22 =	simm.s32 $0x3900  }
0x45: {  	[tilespmem:s22], [sflag:$0x1] =	stream.indirect_vreg.gather [hbm4b:s4+s3], $0x80, v4, vm1, $0xb8;
	[tilespmem:$0x18100] =	vst v63  }
0x46: {  	_ = 	snop  }
0x47: {  	[tilespmem:s2], [sflag:$0x1] =	stream.indirect_vreg.gather [hbm4b:s1+s3], $0x80, v3, vm0, $0xb8;
	[tilespmem:$0x18100] =	vst v63  }
0x48: {  	_ = 	snop  }
0x49: {  	[tilespmem:s8], [sflag:$0x1] =	stream.indirect_vreg.gather [hbm4b:s4+s3], $0x80, v3, vm1, $0xb8;
	[tilespmem:$0x18100] =	vst v63  }
0x4a: {  	v3 =	vld [tilespmem:$0x30];
	_ =	sdelay $0x4  }
0x4b: {  	v35 =	vshrl.u32 v3, $0x3  }
0x4c: {  	v4 =	vmul.u32 $0x18, v35  }
0x4d: {  	v3 =	vand.u32 $0x7, v3  }
0x4e: {  	v3 =	vor.u32 v3, v4  }
0x4f: {  	v4 =	vperm.xlane v3, v0;
	_ =	sdelay $0x1  }
0x50: {  	v4 =	vadd.s32 v1, v4;
	_ =	sdelay $0x1  }
0x51: {  	v3 =	vperm.xlane v3, v2;
	_ =	sdelay $0x1  }
0x52: {  	v3 =	vadd.s32 v1, v3  }
0x53: {  	[tilespmem:s9], [sflag:$0x1] =	stream.indirect_vreg.gather [hbm4b:s1+s3], $0x80, v4, vm0, $0xb8;
	[tilespmem:$0x18100] =	vst v63  }
0x54: {  	_ = 	snop  }
0x55: {  	[tilespmem:s10], [sflag:$0x1] =	stream.indirect_vreg.gather [hbm4b:s4+s3], $0x80, v4, vm1, $0xb8;
	[tilespmem:$0x18100] =	vst v63  }
0x56: {  	_ = 	snop  }
0x57: {  	[tilespmem:s11], [sflag:$0x1] =	stream.indirect_vreg.gather [hbm4b:s1+s3], $0x80, v3, vm0, $0xb8;
	[tilespmem:$0x18100] =	vst v63  }
0x58: {  	_ = 	snop  }
0x59: {  	[tilespmem:s12], [sflag:$0x1] =	stream.indirect_vreg.gather [hbm4b:s4+s3], $0x80, v3, vm1, $0xb8;
	[tilespmem:$0x18100] =	vst v63  }
0x5a: {  	v3 =	vld [tilespmem:$0x40];
	_ =	sdelay $0x4  }
0x5b: {  	v36 =	vshrl.u32 v3, $0x3  }
0x5c: {  	v4 =	vmul.u32 $0x18, v36  }
0x5d: {  	v3 =	vand.u32 $0x7, v3  }
0x5e: {  	v3 =	vor.u32 v3, v4  }
0x5f: {  	v4 =	vperm.xlane v3, v0;
	_ =	sdelay $0x1  }
0x60: {  	v4 =	vadd.s32 v1, v4;
	_ =	sdelay $0x1  }
0x61: {  	v3 =	vperm.xlane v3, v2;
	_ =	sdelay $0x1  }
0x62: {  	v3 =	vadd.s32 v1, v3  }
0x63: {  	[tilespmem:s13], [sflag:$0x1] =	stream.indirect_vreg.gather [hbm4b:s1+s3], $0x80, v4, vm0, $0xb8;
	[tilespmem:$0x18100] =	vst v63  }
0x64: {  	_ = 	snop  }
0x65: {  	[tilespmem:s14], [sflag:$0x1] =	stream.indirect_vreg.gather [hbm4b:s4+s3], $0x80, v4, vm1, $0xb8;
	[tilespmem:$0x18100] =	vst v63  }
0x66: {  	_ = 	snop  }
0x67: {  	[tilespmem:s15], [sflag:$0x1] =	stream.indirect_vreg.gather [hbm4b:s1+s3], $0x80, v3, vm0, $0xb8;
	[tilespmem:$0x18100] =	vst v63  }
0x68: {  	_ = 	snop  }
0x69: {  	[tilespmem:s16], [sflag:$0x1] =	stream.indirect_vreg.gather [hbm4b:s4+s3], $0x80, v3, vm1, $0xb8;
	[tilespmem:$0x18100] =	vst v63  }
0x6a: {  	v3 =	vld [tilespmem:$0x50];
	_ =	sdelay $0x4  }
0x6b: {  	v37 =	vshrl.u32 v3, $0x3  }
0x6c: {  	v4 =	vmul.u32 $0x18, v37  }
0x6d: {  	v3 =	vand.u32 $0x7, v3  }
0x6e: {  	v3 =	vor.u32 v3, v4  }
0x6f: {  	v4 =	vperm.xlane v3, v0;
	_ =	sdelay $0x1  }
0x70: {  	v4 =	vadd.s32 v1, v4;
	_ =	sdelay $0x1  }
0x71: {  	v3 =	vperm.xlane v3, v2;
	_ =	sdelay $0x1  }
0x72: {  	v3 =	vadd.s32 v1, v3  }
0x73: {  	[tilespmem:s17], [sflag:$0x1] =	stream.indirect_vreg.gather [hbm4b:s1+s3], $0x80, v4, vm0, $0xb8;
	[tilespmem:$0x18100] =	vst v63  }
0x74: {  	_ = 	snop  }
0x75: {  	[tilespmem:s18], [sflag:$0x1] =	stream.indirect_vreg.gather [hbm4b:s4+s3], $0x80, v4, vm1, $0xb8;
	[tilespmem:$0x18100] =	vst v63  }
0x76: {  	_ = 	snop  }
0x77: {  	[tilespmem:s19], [sflag:$0x1] =	stream.indirect_vreg.gather [hbm4b:s1+s3], $0x80, v3, vm0, $0xb8;
	[tilespmem:$0x18100] =	vst v63  }
0x78: {  	_ = 	snop  }
0x79: {  	[tilespmem:s20], [sflag:$0x1] =	stream.indirect_vreg.gather [hbm4b:s4+s3], $0x80, v3, vm1, $0xb8;
	[tilespmem:$0x18100] =	vst v63  }
0x7a: {  	v3 =	vld [tilespmem:$0x60];
	_ =	sdelay $0x4  }
0x7b: {  	v38 =	vshrl.u32 v3, $0x3  }
0x7c: {  	v4 =	vmul.u32 $0x18, v38  }
0x7d: {  	v3 =	vand.u32 $0x7, v3  }
0x7e: {  	v3 =	vor.u32 v3, v4  }
0x7f: {  	v4 =	vperm.xlane v3, v0;
	_ =	sdelay $0x1  }
0x80: {  	v4 =	vadd.s32 v1, v4;
	_ =	sdelay $0x1  }
0x81: {  	v3 =	vperm.xlane v3, v2;
	_ =	sdelay $0x1  }
0x82: {  	v3 =	vadd.s32 v1, v3  }
0x83: {  	[tilespmem:s7], [sflag:$0x1] =	stream.indirect_vreg.gather [hbm4b:s1+s3], $0x80, v4, vm0, $0xb8;
	[tilespmem:$0x18100] =	vst v63  }
0x84: {  	s22 =	simm.s32 $0x9900  }
0x85: {  	[tilespmem:s22], [sflag:$0x1] =	stream.indirect_vreg.gather [hbm4b:s4+s3], $0x80, v4, vm1, $0xb8;
	[tilespmem:$0x18100] =	vst v63  }
0x86: {  	s22 =	simm.s32 $0x9D00  }
0x87: {  	[tilespmem:s22], [sflag:$0x1] =	stream.indirect_vreg.gather [hbm4b:s1+s3], $0x80, v3, vm0, $0xb8;
	[tilespmem:$0x18100] =	vst v63  }
0x88: {  	s22 =	simm.s32 $0xA500  }
0x89: {  	[tilespmem:s22], [sflag:$0x1] =	stream.indirect_vreg.gather [hbm4b:s4+s3], $0x80, v3, vm1, $0xb8;
	[tilespmem:$0x18100] =	vst v63  }
0x8a: {  	v3 =	vld [tilespmem:$0x70];
	_ =	sdelay $0x4  }
0x8b: {  	v39 =	vshrl.u32 v3, $0x3  }
0x8c: {  	v4 =	vmul.u32 $0x18, v39  }
0x8d: {  	v3 =	vand.u32 $0x7, v3  }
0x8e: {  	v3 =	vor.u32 v3, v4  }
0x8f: {  	v4 =	vperm.xlane v3, v0;
	_ =	sdelay $0x1  }
0x90: {  	v4 =	vadd.s32 v1, v4;
	_ =	sdelay $0x1  }
0x91: {  	v3 =	vperm.xlane v3, v2;
	_ =	sdelay $0x1  }
0x92: {  	s22 =	simm.s32 $0xA900;
	v3 =	vadd.s32 v1, v3  }
0x93: {  	[tilespmem:s22], [sflag:$0x1] =	stream.indirect_vreg.gather [hbm4b:s1+s3], $0x80, v4, vm0, $0xb8;
	[tilespmem:$0x18100] =	vst v63  }
0x94: {  	s22 =	simm.s32 $0xB100  }
0x95: {  	[tilespmem:s22], [sflag:$0x1] =	stream.indirect_vreg.gather [hbm4b:s4+s3], $0x80, v4, vm1, $0xb8;
	[tilespmem:$0x18100] =	vst v63  }
0x96: {  	s22 =	simm.s32 $0xB500  }
0x97: {  	[tilespmem:s22], [sflag:$0x1] =	stream.indirect_vreg.gather [hbm4b:s1+s3], $0x80, v3, vm0, $0xb8;
	[tilespmem:$0x18100] =	vst v63  }
0x98: {  	s22 =	simm.s32 $0xBD00  }
0x99: {  	[tilespmem:s22], [sflag:$0x1] =	stream.indirect_vreg.gather [hbm4b:s4+s3], $0x80, v3, vm1, $0xb8;
	[tilespmem:$0x18100] =	vst v63  }
0x9a: {  	v3 =	vld [tilespmem:$0x80];
	_ =	sdelay $0x4  }
0x9b: {  	v40 =	vshrl.u32 v3, $0x3  }
0x9c: {  	v4 =	vmul.u32 $0x18, v40  }
0x9d: {  	v3 =	vand.u32 $0x7, v3  }
0x9e: {  	v3 =	vor.u32 v3, v4  }
0x9f: {  	v4 =	vperm.xlane v3, v0;
	_ =	sdelay $0x1  }
0xa0: {  	v4 =	vadd.s32 v1, v4;
	_ =	sdelay $0x1  }
0xa1: {  	v3 =	vperm.xlane v3, v2;
	_ =	sdelay $0x1  }
0xa2: {  	s22 =	simm.s32 $0xC100;
	v3 =	vadd.s32 v1, v3  }
0xa3: {  	[tilespmem:s22], [sflag:$0x1] =	stream.indirect_vreg.gather [hbm4b:s1+s3], $0x80, v4, vm0, $0xb8;
	[tilespmem:$0x18100] =	vst v63  }
0xa4: {  	s22 =	simm.s32 $0xC900  }
0xa5: {  	[tilespmem:s22], [sflag:$0x1] =	stream.indirect_vreg.gather [hbm4b:s4+s3], $0x80, v4, vm1, $0xb8;
	[tilespmem:$0x18100] =	vst v63  }
0xa6: {  	s22 =	simm.s32 $0xCD00  }
0xa7: {  	[tilespmem:s22], [sflag:$0x1] =	stream.indirect_vreg.gather [hbm4b:s1+s3], $0x80, v3, vm0, $0xb8;
	[tilespmem:$0x18100] =	vst v63  }
0xa8: {  	s22 =	simm.s32 $0xD500  }
0xa9: {  	[tilespmem:s22], [sflag:$0x1] =	stream.indirect_vreg.gather [hbm4b:s4+s3], $0x80, v3, vm1, $0xb8;
	[tilespmem:$0x18100] =	vst v63  }
0xaa: {  	v3 =	vld [tilespmem:$0x90];
	_ =	sdelay $0x4  }
0xab: {  	v41 =	vshrl.u32 v3, $0x3  }
0xac: {  	v4 =	vmul.u32 $0x18, v41  }
0xad: {  	v3 =	vand.u32 $0x7, v3  }
0xae: {  	v3 =	vor.u32 v3, v4  }
0xaf: {  	v4 =	vperm.xlane v3, v0;
	_ =	sdelay $0x1  }
0xb0: {  	v4 =	vadd.s32 v1, v4;
	_ =	sdelay $0x1  }
0xb1: {  	v3 =	vperm.xlane v3, v2;
	_ =	sdelay $0x1  }
0xb2: {  	s22 =	simm.s32 $0xD900;
	v3 =	vadd.s32 v1, v3  }
0xb3: {  	[tilespmem:s22], [sflag:$0x1] =	stream.indirect_vreg.gather [hbm4b:s1+s3], $0x80, v4, vm0, $0xb8;
	[tilespmem:$0x18100] =	vst v63  }
0xb4: {  	s22 =	simm.s32 $0xE100  }
0xb5: {  	[tilespmem:s22], [sflag:$0x1] =	stream.indirect_vreg.gather [hbm4b:s4+s3], $0x80, v4, vm1, $0xb8;
	[tilespmem:$0x18100] =	vst v63  }
0xb6: {  	s22 =	simm.s32 $0xE500  }
0xb7: {  	[tilespmem:s22], [sflag:$0x1] =	stream.indirect_vreg.gather [hbm4b:s1+s3], $0x80, v3, vm0, $0xb8;
	[tilespmem:$0x18100] =	vst v63  }
0xb8: {  	s22 =	simm.s32 $0xED00  }
0xb9: {  	[tilespmem:s22], [sflag:$0x1] =	stream.indirect_vreg.gather [hbm4b:s4+s3], $0x80, v3, vm1, $0xb8;
	[tilespmem:$0x18100] =	vst v63  }
0xba: {  	v3 =	vld [tilespmem:$0xA0];
	_ =	sdelay $0x4  }
0xbb: {  	v42 =	vshrl.u32 v3, $0x3  }
0xbc: {  	v4 =	vmul.u32 $0x18, v42  }
0xbd: {  	v3 =	vand.u32 $0x7, v3  }
0xbe: {  	v3 =	vor.u32 v3, v4  }
0xbf: {  	v4 =	vperm.xlane v3, v0;
	_ =	sdelay $0x1  }
0xc0: {  	v4 =	vadd.s32 v1, v4;
	_ =	sdelay $0x1  }
0xc1: {  	v3 =	vperm.xlane v3, v2;
	_ =	sdelay $0x1  }
0xc2: {  	s22 =	simm.s32 $0xF100;
	v3 =	vadd.s32 v1, v3  }
0xc3: {  	[tilespmem:s22], [sflag:$0x1] =	stream.indirect_vreg.gather [hbm4b:s1+s3], $0x80, v4, vm0, $0xb8;
	[tilespmem:$0x18100] =	vst v63  }
0xc4: {  	s22 =	simm.s32 $0xF900  }
0xc5: {  	[tilespmem:s22], [sflag:$0x1] =	stream.indirect_vreg.gather [hbm4b:s4+s3], $0x80, v4, vm1, $0xb8;
	[tilespmem:$0x18100] =	vst v63  }
0xc6: {  	s22 =	simm.s32 $0xFD00  }
0xc7: {  	[tilespmem:s22], [sflag:$0x1] =	stream.indirect_vreg.gather [hbm4b:s1+s3], $0x80, v3, vm0, $0xb8;
	[tilespmem:$0x18100] =	vst v63  }
0xc8: {  	s22 =	simm.s32 $0x10500  }
0xc9: {  	[tilespmem:s22], [sflag:$0x1] =	stream.indirect_vreg.gather [hbm4b:s4+s3], $0x80, v3, vm1, $0xb8;
	[tilespmem:$0x18100] =	vst v63  }
0xca: {  	v3 =	vld [tilespmem:$0xB0];
	_ =	sdelay $0x4  }
0xcb: {  	v43 =	vshrl.u32 v3, $0x3  }
0xcc: {  	v4 =	vmul.u32 $0x18, v43  }
0xcd: {  	v3 =	vand.u32 $0x7, v3  }
0xce: {  	v3 =	vor.u32 v3, v4  }
0xcf: {  	v4 =	vperm.xlane v3, v0;
	_ =	sdelay $0x1  }
0xd0: {  	v4 =	vadd.s32 v1, v4;
	_ =	sdelay $0x1  }
0xd1: {  	v3 =	vperm.xlane v3, v2;
	_ =	sdelay $0x1  }
0xd2: {  	s22 =	simm.s32 $0x10900;
	v3 =	vadd.s32 v1, v3  }
0xd3: {  	[tilespmem:s22], [sflag:$0x1] =	stream.indirect_vreg.gather [hbm4b:s1+s3], $0x80, v4, vm0, $0xb8;
	[tilespmem:$0x18100] =	vst v63  }
0xd4: {  	s22 =	simm.s32 $0x11100  }
0xd5: {  	[tilespmem:s22], [sflag:$0x1] =	stream.indirect_vreg.gather [hbm4b:s4+s3], $0x80, v4, vm1, $0xb8;
	[tilespmem:$0x18100] =	vst v63  }
0xd6: {  	s22 =	simm.s32 $0x11500  }
0xd7: {  	[tilespmem:s22], [sflag:$0x1] =	stream.indirect_vreg.gather [hbm4b:s1+s3], $0x80, v3, vm0, $0xb8;
	[tilespmem:$0x18100] =	vst v63  }
0xd8: {  	s22 =	simm.s32 $0x11D00  }
0xd9: {  	[tilespmem:s22], [sflag:$0x1] =	stream.indirect_vreg.gather [hbm4b:s4+s3], $0x80, v3, vm1, $0xb8;
	[tilespmem:$0x18100] =	vst v63  }
0xda: {  	v3 =	vld [tilespmem:$0xC0];
	_ =	sdelay $0x4  }
0xdb: {  	v44 =	vshrl.u32 v3, $0x3  }
0xdc: {  	v4 =	vmul.u32 $0x18, v44  }
0xdd: {  	v3 =	vand.u32 $0x7, v3  }
0xde: {  	v3 =	vor.u32 v3, v4  }
0xdf: {  	v4 =	vperm.xlane v3, v0;
	_ =	sdelay $0x1  }
0xe0: {  	v4 =	vadd.s32 v1, v4;
	_ =	sdelay $0x1  }
0xe1: {  	v3 =	vperm.xlane v3, v2;
	_ =	sdelay $0x1  }
0xe2: {  	s22 =	simm.s32 $0x12100;
	v3 =	vadd.s32 v1, v3  }
0xe3: {  	[tilespmem:s22], [sflag:$0x1] =	stream.indirect_vreg.gather [hbm4b:s1+s3], $0x80, v4, vm0, $0xb8;
	[tilespmem:$0x18100] =	vst v63  }
0xe4: {  	s22 =	simm.s32 $0x12900  }
0xe5: {  	[tilespmem:s22], [sflag:$0x1] =	stream.indirect_vreg.gather [hbm4b:s4+s3], $0x80, v4, vm1, $0xb8;
	[tilespmem:$0x18100] =	vst v63  }
0xe6: {  	s22 =	simm.s32 $0x12D00  }
0xe7: {  	[tilespmem:s22], [sflag:$0x1] =	stream.indirect_vreg.gather [hbm4b:s1+s3], $0x80, v3, vm0, $0xb8;
	[tilespmem:$0x18100] =	vst v63  }
0xe8: {  	s22 =	simm.s32 $0x13500  }
0xe9: {  	[tilespmem:s22], [sflag:$0x1] =	stream.indirect_vreg.gather [hbm4b:s4+s3], $0x80, v3, vm1, $0xb8;
	[tilespmem:$0x18100] =	vst v63  }
0xea: {  	v3 =	vld [tilespmem:$0xD0];
	_ =	sdelay $0x4  }
0xeb: {  	v45 =	vshrl.u32 v3, $0x3  }
0xec: {  	v4 =	vmul.u32 $0x18, v45  }
0xed: {  	v3 =	vand.u32 $0x7, v3  }
0xee: {  	v3 =	vor.u32 v3, v4  }
0xef: {  	v4 =	vperm.xlane v3, v0;
	_ =	sdelay $0x1  }
0xf0: {  	v4 =	vadd.s32 v1, v4;
	_ =	sdelay $0x1  }
0xf1: {  	v3 =	vperm.xlane v3, v2;
	_ =	sdelay $0x1  }
0xf2: {  	s22 =	simm.s32 $0x13900;
	v3 =	vadd.s32 v1, v3  }
0xf3: {  	[tilespmem:s22], [sflag:$0x1] =	stream.indirect_vreg.gather [hbm4b:s1+s3], $0x80, v4, vm0, $0xb8;
	[tilespmem:$0x18100] =	vst v63  }
0xf4: {  	s22 =	simm.s32 $0x14100  }
0xf5: {  	[tilespmem:s22], [sflag:$0x1] =	stream.indirect_vreg.gather [hbm4b:s4+s3], $0x80, v4, vm1, $0xb8;
	[tilespmem:$0x18100] =	vst v63  }
0xf6: {  	s22 =	simm.s32 $0x14500  }
0xf7: {  	[tilespmem:s22], [sflag:$0x1] =	stream.indirect_vreg.gather [hbm4b:s1+s3], $0x80, v3, vm0, $0xb8;
	[tilespmem:$0x18100] =	vst v63  }
0xf8: {  	s22 =	simm.s32 $0x14D00  }
0xf9: {  	[tilespmem:s22], [sflag:$0x1] =	stream.indirect_vreg.gather [hbm4b:s4+s3], $0x80, v3, vm1, $0xb8;
	[tilespmem:$0x18100] =	vst v63  }
0xfa: {  	v3 =	vld [tilespmem:$0xE0];
	_ =	sdelay $0x4  }
0xfb: {  	v46 =	vshrl.u32 v3, $0x3  }
0xfc: {  	v4 =	vmul.u32 $0x18, v46  }
0xfd: {  	v3 =	vand.u32 $0x7, v3  }
0xfe: {  	v3 =	vor.u32 v3, v4  }
0xff: {  	v4 =	vperm.xlane v3, v0;
	_ =	sdelay $0x1  }
0x100: {  	v4 =	vadd.s32 v1, v4;
	_ =	sdelay $0x1  }
0x101: {  	v3 =	vperm.xlane v3, v2;
	_ =	sdelay $0x1  }
0x102: {  	s22 =	simm.s32 $0x15100;
	v3 =	vadd.s32 v1, v3  }
0x103: {  	[tilespmem:s22], [sflag:$0x1] =	stream.indirect_vreg.gather [hbm4b:s1+s3], $0x80, v4, vm0, $0xb8;
	[tilespmem:$0x18100] =	vst v63  }
0x104: {  	s22 =	simm.s32 $0x15900  }
0x105: {  	[tilespmem:s22], [sflag:$0x1] =	stream.indirect_vreg.gather [hbm4b:s4+s3], $0x80, v4, vm1, $0xb8;
	[tilespmem:$0x18100] =	vst v63  }
0x106: {  	s22 =	simm.s32 $0x15D00  }
0x107: {  	[tilespmem:s22], [sflag:$0x1] =	stream.indirect_vreg.gather [hbm4b:s1+s3], $0x80, v3, vm0, $0xb8;
	[tilespmem:$0x18100] =	vst v63  }
0x108: {  	s22 =	simm.s32 $0x16500  }
0x109: {  	[tilespmem:s22], [sflag:$0x1] =	stream.indirect_vreg.gather [hbm4b:s4+s3], $0x80, v3, vm1, $0xb8;
	[tilespmem:$0x18100] =	vst v63  }
0x10a: {  	v3 =	vld [tilespmem:$0xF0];
	_ =	sdelay $0x4  }
0x10b: {  	v47 =	vshrl.u32 v3, $0x3  }
0x10c: {  	v4 =	vmul.u32 $0x18, v47  }
0x10d: {  	v3 =	vand.u32 $0x7, v3  }
0x10e: {  	v3 =	vor.u32 v3, v4  }
0x10f: {  	v4 =	vperm.xlane v3, v0;
	_ =	sdelay $0x1  }
0x110: {  	v4 =	vadd.s32 v1, v4;
	_ =	sdelay $0x1  }
0x111: {  	v3 =	vperm.xlane v3, v2;
	_ =	sdelay $0x1  }
0x112: {  	s22 =	simm.s32 $0x16900;
	v3 =	vadd.s32 v1, v3  }
0x113: {  	[tilespmem:s22], [sflag:$0x1] =	stream.indirect_vreg.gather [hbm4b:s1+s3], $0x80, v4, vm0, $0xb8;
	[tilespmem:$0x18100] =	vst v63  }
0x114: {  	s22 =	simm.s32 $0x17100  }
0x115: {  	[tilespmem:s22], [sflag:$0x1] =	stream.indirect_vreg.gather [hbm4b:s4+s3], $0x80, v4, vm1, $0xb8;
	[tilespmem:$0x18100] =	vst v63  }
0x116: {  	s22 =	simm.s32 $0x17500  }
0x117: {  	[tilespmem:s22], [sflag:$0x1] =	stream.indirect_vreg.gather [hbm4b:s1+s3], $0x80, v3, vm0, $0xb8;
	[tilespmem:$0x18100] =	vst v63  }
0x118: {  	s22 =	simm.s32 $0x17D00  }
0x119: {  	[tilespmem:s22], [sflag:$0x1] =	stream.indirect_vreg.gather [hbm4b:s4+s3], $0x80, v3, vm1, $0xb8;
	[tilespmem:$0x18100] =	vst v63  }
0x11a: {  	_ =	swait.ge [sflag:s21], $0x18000  }
0x11b: {  	[sflag:s21] =	ssyncset.done $0x0  }
0x11c: {  	s0 =	simm.s32 $0x100;
	s22 =	rddreg [dreg:$0x5];
	[sflag:s21] =	ssyncadd.s32 $0xFFFE8000  }
0x11d: {  	[hbm4b:s22+s3] =	stream.linear.scatter [tilespmem:s0], [sflag:$0x2], $0x18000, $0x38;
	[tilespmem:$0x18100] =	vst v63  }
0x11e: {  	_ =	swait.ge [sflag:s6], $0x18000  }
0x11f: {  	[sflag:s6] =	ssyncset.done $0x0  }
0x120: {  	s22 =	rddreg [dreg:$0x6];
	[sflag:s6] =	ssyncadd.s32 $0xFFFE8000  }
0x121: {  	[tilespmem:s3], [sflag:$0x2] =	stream.linear.gather [hbm4b:s22+s3], $0x100, $0x38;
	[tilespmem:$0x18100] =	vst v63  }
0x122: {  	_ =	swait.ge [sflag:s6], $0x100  }
0x123: {  	[sflag:s6] =	ssyncset.done $0x0  }
0x124: {  	[sflag:s6] =	ssyncadd.s32 $0xFFFFFF00  }
0x125: {  	v3 =	vld [tilespmem:$0x0];
	_ =	sdelay $0x4  }
0x126: {  	v48 =	vshrl.u32 v3, $0x3  }
0x127: {  	v4 =	vmul.u32 $0x18, v48  }
0x128: {  	v3 =	vand.u32 $0x7, v3  }
0x129: {  	v3 =	vor.u32 v3, v4  }
0x12a: {  	v4 =	vperm.xlane v3, v0;
	_ =	sdelay $0x1  }
0x12b: {  	v4 =	vadd.s32 v1, v4;
	_ =	sdelay $0x1  }
0x12c: {  	v3 =	vperm.xlane v3, v2;
	_ =	sdelay $0x1  }
0x12d: {  	v3 =	vadd.s32 v1, v3  }
0x12e: {  	[tilespmem:s0], [sflag:$0x1] =	stream.indirect_vreg.gather [hbm4b:s1+s3], $0x80, v4, vm0, $0xb8;
	[tilespmem:$0x18100] =	vst v63  }
0x12f: {  	_ = 	snop  }
0x130: {  	[tilespmem:s23], [sflag:$0x1] =	stream.indirect_vreg.gather [hbm4b:s4+s3], $0x80, v4, vm1, $0xb8;
	[tilespmem:$0x18100] =	vst v63  }
0x131: {  	_ = 	snop  }
0x132: {  	[tilespmem:s24], [sflag:$0x1] =	stream.indirect_vreg.gather [hbm4b:s1+s3], $0x80, v3, vm0, $0xb8;
	[tilespmem:$0x18100] =	vst v63  }
0x133: {  	_ = 	snop  }
0x134: {  	[tilespmem:s25], [sflag:$0x1] =	stream.indirect_vreg.gather [hbm4b:s4+s3], $0x80, v3, vm1, $0xb8;
	[tilespmem:$0x18100] =	vst v63  }
0x135: {  	v3 =	vld [tilespmem:$0x10];
	_ =	sdelay $0x4  }
0x136: {  	v49 =	vshrl.u32 v3, $0x3  }
0x137: {  	v4 =	vmul.u32 $0x18, v49  }
0x138: {  	v3 =	vand.u32 $0x7, v3  }
0x139: {  	v3 =	vor.u32 v3, v4  }
0x13a: {  	v4 =	vperm.xlane v3, v0;
	_ =	sdelay $0x1  }
0x13b: {  	v4 =	vadd.s32 v1, v4;
	_ =	sdelay $0x1  }
0x13c: {  	v3 =	vperm.xlane v3, v2;
	_ =	sdelay $0x1  }
0x13d: {  	v3 =	vadd.s32 v1, v3  }
0x13e: {  	[tilespmem:s26], [sflag:$0x1] =	stream.indirect_vreg.gather [hbm4b:s1+s3], $0x80, v4, vm0, $0xb8;
	[tilespmem:$0x18100] =	vst v63  }
0x13f: {  	_ = 	snop  }
0x140: {  	[tilespmem:s28], [sflag:$0x1] =	stream.indirect_vreg.gather [hbm4b:s4+s3], $0x80, v4, vm1, $0xb8;
	[tilespmem:$0x18100] =	vst v63  }
0x141: {  	_ = 	snop  }
0x142: {  	[tilespmem:s29], [sflag:$0x1] =	stream.indirect_vreg.gather [hbm4b:s1+s3], $0x80, v3, vm0, $0xb8;
	[tilespmem:$0x18100] =	vst v63  }
0x143: {  	_ = 	snop  }
0x144: {  	[tilespmem:s30], [sflag:$0x1] =	stream.indirect_vreg.gather [hbm4b:s4+s3], $0x80, v3, vm1, $0xb8;
	[tilespmem:$0x18100] =	vst v63  }
0x145: {  	v3 =	vld [tilespmem:$0x20];
	_ =	sdelay $0x4  }
0x146: {  	v50 =	vshrl.u32 v3, $0x3  }
0x147: {  	v4 =	vmul.u32 $0x18, v50  }
0x148: {  	v3 =	vand.u32 $0x7, v3  }
0x149: {  	v3 =	vor.u32 v3, v4  }
0x14a: {  	v4 =	vperm.xlane v3, v0;
	_ =	sdelay $0x1  }
0x14b: {  	v4 =	vadd.s32 v1, v4;
	_ =	sdelay $0x1  }
0x14c: {  	v3 =	vperm.xlane v3, v2;
	_ =	sdelay $0x1  }
0x14d: {  	v3 =	vadd.s32 v1, v3  }
0x14e: {  	[tilespmem:s31], [sflag:$0x1] =	stream.indirect_vreg.gather [hbm4b:s1+s3], $0x80, v4, vm0, $0xb8;
	[tilespmem:$0x18100] =	vst v63  }
0x14f: {  	s22 =	simm.s32 $0x3900  }
0x150: {  	[tilespmem:s22], [sflag:$0x1] =	stream.indirect_vreg.gather [hbm4b:s4+s3], $0x80, v4, vm1, $0xb8;
	[tilespmem:$0x18100] =	vst v63  }
0x151: {  	_ = 	snop  }
0x152: {  	[tilespmem:s2], [sflag:$0x1] =	stream.indirect_vreg.gather [hbm4b:s1+s3], $0x80, v3, vm0, $0xb8;
	[tilespmem:$0x18100] =	vst v63  }
0x153: {  	_ = 	snop  }
0x154: {  	[tilespmem:s8], [sflag:$0x1] =	stream.indirect_vreg.gather [hbm4b:s4+s3], $0x80, v3, vm1, $0xb8;
	[tilespmem:$0x18100] =	vst v63  }
0x155: {  	v3 =	vld [tilespmem:$0x30];
	_ =	sdelay $0x4  }
0x156: {  	v51 =	vshrl.u32 v3, $0x3  }
0x157: {  	v4 =	vmul.u32 $0x18, v51  }
0x158: {  	v3 =	vand.u32 $0x7, v3  }
0x159: {  	v3 =	vor.u32 v3, v4  }
0x15a: {  	v4 =	vperm.xlane v3, v0;
	_ =	sdelay $0x1  }
0x15b: {  	v4 =	vadd.s32 v1, v4;
	_ =	sdelay $0x1  }
0x15c: {  	v3 =	vperm.xlane v3, v2;
	_ =	sdelay $0x1  }
0x15d: {  	v3 =	vadd.s32 v1, v3  }
0x15e: {  	[tilespmem:s9], [sflag:$0x1] =	stream.indirect_vreg.gather [hbm4b:s1+s3], $0x80, v4, vm0, $0xb8;
	[tilespmem:$0x18100] =	vst v63  }
0x15f: {  	_ = 	snop  }
0x160: {  	[tilespmem:s10], [sflag:$0x1] =	stream.indirect_vreg.gather [hbm4b:s4+s3], $0x80, v4, vm1, $0xb8;
	[tilespmem:$0x18100] =	vst v63  }
0x161: {  	_ = 	snop  }
0x162: {  	[tilespmem:s11], [sflag:$0x1] =	stream.indirect_vreg.gather [hbm4b:s1+s3], $0x80, v3, vm0, $0xb8;
	[tilespmem:$0x18100] =	vst v63  }
0x163: {  	_ = 	snop  }
0x164: {  	[tilespmem:s12], [sflag:$0x1] =	stream.indirect_vreg.gather [hbm4b:s4+s3], $0x80, v3, vm1, $0xb8;
	[tilespmem:$0x18100] =	vst v63  }
0x165: {  	v3 =	vld [tilespmem:$0x40];
	_ =	sdelay $0x4  }
0x166: {  	v52 =	vshrl.u32 v3, $0x3  }
0x167: {  	v4 =	vmul.u32 $0x18, v52  }
0x168: {  	v3 =	vand.u32 $0x7, v3  }
0x169: {  	v3 =	vor.u32 v3, v4  }
0x16a: {  	v4 =	vperm.xlane v3, v0;
	_ =	sdelay $0x1  }
0x16b: {  	v4 =	vadd.s32 v1, v4;
	_ =	sdelay $0x1  }
0x16c: {  	v3 =	vperm.xlane v3, v2;
	_ =	sdelay $0x1  }
0x16d: {  	v3 =	vadd.s32 v1, v3  }
0x16e: {  	[tilespmem:s13], [sflag:$0x1] =	stream.indirect_vreg.gather [hbm4b:s1+s3], $0x80, v4, vm0, $0xb8;
	[tilespmem:$0x18100] =	vst v63  }
0x16f: {  	_ = 	snop  }
0x170: {  	[tilespmem:s14], [sflag:$0x1] =	stream.indirect_vreg.gather [hbm4b:s4+s3], $0x80, v4, vm1, $0xb8;
	[tilespmem:$0x18100] =	vst v63  }
0x171: {  	_ = 	snop  }
0x172: {  	[tilespmem:s15], [sflag:$0x1] =	stream.indirect_vreg.gather [hbm4b:s1+s3], $0x80, v3, vm0, $0xb8;
	[tilespmem:$0x18100] =	vst v63  }
0x173: {  	_ = 	snop  }
0x174: {  	[tilespmem:s16], [sflag:$0x1] =	stream.indirect_vreg.gather [hbm4b:s4+s3], $0x80, v3, vm1, $0xb8;
	[tilespmem:$0x18100] =	vst v63  }
0x175: {  	v3 =	vld [tilespmem:$0x50];
	_ =	sdelay $0x4  }
0x176: {  	v53 =	vshrl.u32 v3, $0x3  }
0x177: {  	v4 =	vmul.u32 $0x18, v53  }
0x178: {  	v3 =	vand.u32 $0x7, v3  }
0x179: {  	v3 =	vor.u32 v3, v4  }
0x17a: {  	v4 =	vperm.xlane v3, v0;
	_ =	sdelay $0x1  }
0x17b: {  	v4 =	vadd.s32 v1, v4;
	_ =	sdelay $0x1  }
0x17c: {  	v3 =	vperm.xlane v3, v2;
	_ =	sdelay $0x1  }
0x17d: {  	v3 =	vadd.s32 v1, v3  }
0x17e: {  	[tilespmem:s17], [sflag:$0x1] =	stream.indirect_vreg.gather [hbm4b:s1+s3], $0x80, v4, vm0, $0xb8;
	[tilespmem:$0x18100] =	vst v63  }
0x17f: {  	_ = 	snop  }
0x180: {  	[tilespmem:s18], [sflag:$0x1] =	stream.indirect_vreg.gather [hbm4b:s4+s3], $0x80, v4, vm1, $0xb8;
	[tilespmem:$0x18100] =	vst v63  }
0x181: {  	_ = 	snop  }
0x182: {  	[tilespmem:s19], [sflag:$0x1] =	stream.indirect_vreg.gather [hbm4b:s1+s3], $0x80, v3, vm0, $0xb8;
	[tilespmem:$0x18100] =	vst v63  }
0x183: {  	_ = 	snop  }
0x184: {  	[tilespmem:s20], [sflag:$0x1] =	stream.indirect_vreg.gather [hbm4b:s4+s3], $0x80, v3, vm1, $0xb8;
	[tilespmem:$0x18100] =	vst v63  }
0x185: {  	v3 =	vld [tilespmem:$0x60];
	_ =	sdelay $0x4  }
0x186: {  	v54 =	vshrl.u32 v3, $0x3  }
0x187: {  	v4 =	vmul.u32 $0x18, v54  }
0x188: {  	v3 =	vand.u32 $0x7, v3  }
0x189: {  	v3 =	vor.u32 v3, v4  }
0x18a: {  	v4 =	vperm.xlane v3, v0;
	_ =	sdelay $0x1  }
0x18b: {  	v4 =	vadd.s32 v1, v4;
	_ =	sdelay $0x1  }
0x18c: {  	v3 =	vperm.xlane v3, v2;
	_ =	sdelay $0x1  }
0x18d: {  	v3 =	vadd.s32 v1, v3  }
0x18e: {  	[tilespmem:s7], [sflag:$0x1] =	stream.indirect_vreg.gather [hbm4b:s1+s3], $0x80, v4, vm0, $0xb8;
	[tilespmem:$0x18100] =	vst v63  }
0x18f: {  	s22 =	simm.s32 $0x9900  }
0x190: {  	[tilespmem:s22], [sflag:$0x1] =	stream.indirect_vreg.gather [hbm4b:s4+s3], $0x80, v4, vm1, $0xb8;
	[tilespmem:$0x18100] =	vst v63  }
0x191: {  	s22 =	simm.s32 $0x9D00  }
0x192: {  	[tilespmem:s22], [sflag:$0x1] =	stream.indirect_vreg.gather [hbm4b:s1+s3], $0x80, v3, vm0, $0xb8;
	[tilespmem:$0x18100] =	vst v63  }
0x193: {  	s22 =	simm.s32 $0xA500  }
0x194: {  	[tilespmem:s22], [sflag:$0x1] =	stream.indirect_vreg.gather [hbm4b:s4+s3], $0x80, v3, vm1, $0xb8;
	[tilespmem:$0x18100] =	vst v63  }
0x195: {  	v3 =	vld [tilespmem:$0x70];
	_ =	sdelay $0x4  }
0x196: {  	v55 =	vshrl.u32 v3, $0x3  }
0x197: {  	v4 =	vmul.u32 $0x18, v55  }
0x198: {  	v3 =	vand.u32 $0x7, v3  }
0x199: {  	v3 =	vor.u32 v3, v4  }
0x19a: {  	v4 =	vperm.xlane v3, v0;
	_ =	sdelay $0x1  }
0x19b: {  	v4 =	vadd.s32 v1, v4;
	_ =	sdelay $0x1  }
0x19c: {  	v3 =	vperm.xlane v3, v2;
	_ =	sdelay $0x1  }
0x19d: {  	s22 =	simm.s32 $0xA900;
	v3 =	vadd.s32 v1, v3  }
0x19e: {  	[tilespmem:s22], [sflag:$0x1] =	stream.indirect_vreg.gather [hbm4b:s1+s3], $0x80, v4, vm0, $0xb8;
	[tilespmem:$0x18100] =	vst v63  }
0x19f: {  	s22 =	simm.s32 $0xB100  }
0x1a0: {  	[tilespmem:s22], [sflag:$0x1] =	stream.indirect_vreg.gather [hbm4b:s4+s3], $0x80, v4, vm1, $0xb8;
	[tilespmem:$0x18100] =	vst v63  }
0x1a1: {  	s22 =	simm.s32 $0xB500  }
0x1a2: {  	[tilespmem:s22], [sflag:$0x1] =	stream.indirect_vreg.gather [hbm4b:s1+s3], $0x80, v3, vm0, $0xb8;
	[tilespmem:$0x18100] =	vst v63  }
0x1a3: {  	s22 =	simm.s32 $0xBD00  }
0x1a4: {  	[tilespmem:s22], [sflag:$0x1] =	stream.indirect_vreg.gather [hbm4b:s4+s3], $0x80, v3, vm1, $0xb8;
	[tilespmem:$0x18100] =	vst v63  }
0x1a5: {  	v3 =	vld [tilespmem:$0x80];
	_ =	sdelay $0x4  }
0x1a6: {  	v56 =	vshrl.u32 v3, $0x3  }
0x1a7: {  	v4 =	vmul.u32 $0x18, v56  }
0x1a8: {  	v3 =	vand.u32 $0x7, v3  }
0x1a9: {  	v3 =	vor.u32 v3, v4  }
0x1aa: {  	v4 =	vperm.xlane v3, v0;
	_ =	sdelay $0x1  }
0x1ab: {  	v4 =	vadd.s32 v1, v4;
	_ =	sdelay $0x1  }
0x1ac: {  	v3 =	vperm.xlane v3, v2;
	_ =	sdelay $0x1  }
0x1ad: {  	s22 =	simm.s32 $0xC100;
	v3 =	vadd.s32 v1, v3  }
0x1ae: {  	[tilespmem:s22], [sflag:$0x1] =	stream.indirect_vreg.gather [hbm4b:s1+s3], $0x80, v4, vm0, $0xb8;
	[tilespmem:$0x18100] =	vst v63  }
0x1af: {  	s22 =	simm.s32 $0xC900  }
0x1b0: {  	[tilespmem:s22], [sflag:$0x1] =	stream.indirect_vreg.gather [hbm4b:s4+s3], $0x80, v4, vm1, $0xb8;
	[tilespmem:$0x18100] =	vst v63  }
0x1b1: {  	s22 =	simm.s32 $0xCD00  }
0x1b2: {  	[tilespmem:s22], [sflag:$0x1] =	stream.indirect_vreg.gather [hbm4b:s1+s3], $0x80, v3, vm0, $0xb8;
	[tilespmem:$0x18100] =	vst v63  }
0x1b3: {  	s22 =	simm.s32 $0xD500  }
0x1b4: {  	[tilespmem:s22], [sflag:$0x1] =	stream.indirect_vreg.gather [hbm4b:s4+s3], $0x80, v3, vm1, $0xb8;
	[tilespmem:$0x18100] =	vst v63  }
0x1b5: {  	v3 =	vld [tilespmem:$0x90];
	_ =	sdelay $0x4  }
0x1b6: {  	v57 =	vshrl.u32 v3, $0x3  }
0x1b7: {  	v4 =	vmul.u32 $0x18, v57  }
0x1b8: {  	v3 =	vand.u32 $0x7, v3  }
0x1b9: {  	v3 =	vor.u32 v3, v4  }
0x1ba: {  	v4 =	vperm.xlane v3, v0;
	_ =	sdelay $0x1  }
0x1bb: {  	v4 =	vadd.s32 v1, v4;
	_ =	sdelay $0x1  }
0x1bc: {  	v3 =	vperm.xlane v3, v2;
	_ =	sdelay $0x1  }
0x1bd: {  	s22 =	simm.s32 $0xD900;
	v3 =	vadd.s32 v1, v3  }
0x1be: {  	[tilespmem:s22], [sflag:$0x1] =	stream.indirect_vreg.gather [hbm4b:s1+s3], $0x80, v4, vm0, $0xb8;
	[tilespmem:$0x18100] =	vst v63  }
0x1bf: {  	s22 =	simm.s32 $0xE100  }
0x1c0: {  	[tilespmem:s22], [sflag:$0x1] =	stream.indirect_vreg.gather [hbm4b:s4+s3], $0x80, v4, vm1, $0xb8;
	[tilespmem:$0x18100] =	vst v63  }
0x1c1: {  	s22 =	simm.s32 $0xE500  }
0x1c2: {  	[tilespmem:s22], [sflag:$0x1] =	stream.indirect_vreg.gather [hbm4b:s1+s3], $0x80, v3, vm0, $0xb8;
	[tilespmem:$0x18100] =	vst v63  }
0x1c3: {  	s22 =	simm.s32 $0xED00  }
0x1c4: {  	[tilespmem:s22], [sflag:$0x1] =	stream.indirect_vreg.gather [hbm4b:s4+s3], $0x80, v3, vm1, $0xb8;
	[tilespmem:$0x18100] =	vst v63  }
0x1c5: {  	v3 =	vld [tilespmem:$0xA0];
	_ =	sdelay $0x4  }
0x1c6: {  	v58 =	vshrl.u32 v3, $0x3  }
0x1c7: {  	v4 =	vmul.u32 $0x18, v58  }
0x1c8: {  	v3 =	vand.u32 $0x7, v3  }
0x1c9: {  	v3 =	vor.u32 v3, v4  }
0x1ca: {  	v4 =	vperm.xlane v3, v0;
	_ =	sdelay $0x1  }
0x1cb: {  	v4 =	vadd.s32 v1, v4;
	_ =	sdelay $0x1  }
0x1cc: {  	v3 =	vperm.xlane v3, v2;
	_ =	sdelay $0x1  }
0x1cd: {  	s22 =	simm.s32 $0xF100;
	v3 =	vadd.s32 v1, v3  }
0x1ce: {  	[tilespmem:s22], [sflag:$0x1] =	stream.indirect_vreg.gather [hbm4b:s1+s3], $0x80, v4, vm0, $0xb8;
	[tilespmem:$0x18100] =	vst v63  }
0x1cf: {  	s22 =	simm.s32 $0xF900  }
0x1d0: {  	[tilespmem:s22], [sflag:$0x1] =	stream.indirect_vreg.gather [hbm4b:s4+s3], $0x80, v4, vm1, $0xb8;
	[tilespmem:$0x18100] =	vst v63  }
0x1d1: {  	s22 =	simm.s32 $0xFD00  }
0x1d2: {  	[tilespmem:s22], [sflag:$0x1] =	stream.indirect_vreg.gather [hbm4b:s1+s3], $0x80, v3, vm0, $0xb8;
	[tilespmem:$0x18100] =	vst v63  }
0x1d3: {  	s22 =	simm.s32 $0x10500  }
0x1d4: {  	[tilespmem:s22], [sflag:$0x1] =	stream.indirect_vreg.gather [hbm4b:s4+s3], $0x80, v3, vm1, $0xb8;
	[tilespmem:$0x18100] =	vst v63  }
0x1d5: {  	v3 =	vld [tilespmem:$0xB0];
	_ =	sdelay $0x4  }
0x1d6: {  	v59 =	vshrl.u32 v3, $0x3  }
0x1d7: {  	v4 =	vmul.u32 $0x18, v59  }
0x1d8: {  	v3 =	vand.u32 $0x7, v3  }
0x1d9: {  	v3 =	vor.u32 v3, v4  }
0x1da: {  	v4 =	vperm.xlane v3, v0;
	_ =	sdelay $0x1  }
0x1db: {  	v4 =	vadd.s32 v1, v4;
	_ =	sdelay $0x1  }
0x1dc: {  	v3 =	vperm.xlane v3, v2;
	_ =	sdelay $0x1  }
0x1dd: {  	s22 =	simm.s32 $0x10900;
	v3 =	vadd.s32 v1, v3  }
0x1de: {  	[tilespmem:s22], [sflag:$0x1] =	stream.indirect_vreg.gather [hbm4b:s1+s3], $0x80, v4, vm0, $0xb8;
	[tilespmem:$0x18100] =	vst v63  }
0x1df: {  	s22 =	simm.s32 $0x11100  }
0x1e0: {  	[tilespmem:s22], [sflag:$0x1] =	stream.indirect_vreg.gather [hbm4b:s4+s3], $0x80, v4, vm1, $0xb8;
	[tilespmem:$0x18100] =	vst v63  }
0x1e1: {  	s22 =	simm.s32 $0x11500  }
0x1e2: {  	[tilespmem:s22], [sflag:$0x1] =	stream.indirect_vreg.gather [hbm4b:s1+s3], $0x80, v3, vm0, $0xb8;
	[tilespmem:$0x18100] =	vst v63  }
0x1e3: {  	s22 =	simm.s32 $0x11D00  }
0x1e4: {  	[tilespmem:s22], [sflag:$0x1] =	stream.indirect_vreg.gather [hbm4b:s4+s3], $0x80, v3, vm1, $0xb8;
	[tilespmem:$0x18100] =	vst v63  }
0x1e5: {  	v3 =	vld [tilespmem:$0xC0];
	_ =	sdelay $0x4  }
0x1e6: {  	v60 =	vshrl.u32 v3, $0x3  }
0x1e7: {  	v4 =	vmul.u32 $0x18, v60  }
0x1e8: {  	v3 =	vand.u32 $0x7, v3  }
0x1e9: {  	v3 =	vor.u32 v3, v4  }
0x1ea: {  	v4 =	vperm.xlane v3, v0;
	_ =	sdelay $0x1  }
0x1eb: {  	v4 =	vadd.s32 v1, v4;
	_ =	sdelay $0x1  }
0x1ec: {  	v3 =	vperm.xlane v3, v2;
	_ =	sdelay $0x1  }
0x1ed: {  	s22 =	simm.s32 $0x12100;
	v3 =	vadd.s32 v1, v3  }
0x1ee: {  	[tilespmem:s22], [sflag:$0x1] =	stream.indirect_vreg.gather [hbm4b:s1+s3], $0x80, v4, vm0, $0xb8;
	[tilespmem:$0x18100] =	vst v63  }
0x1ef: {  	s22 =	simm.s32 $0x12900  }
0x1f0: {  	[tilespmem:s22], [sflag:$0x1] =	stream.indirect_vreg.gather [hbm4b:s4+s3], $0x80, v4, vm1, $0xb8;
	[tilespmem:$0x18100] =	vst v63  }
0x1f1: {  	s22 =	simm.s32 $0x12D00  }
0x1f2: {  	[tilespmem:s22], [sflag:$0x1] =	stream.indirect_vreg.gather [hbm4b:s1+s3], $0x80, v3, vm0, $0xb8;
	[tilespmem:$0x18100] =	vst v63  }
0x1f3: {  	s22 =	simm.s32 $0x13500  }
0x1f4: {  	[tilespmem:s22], [sflag:$0x1] =	stream.indirect_vreg.gather [hbm4b:s4+s3], $0x80, v3, vm1, $0xb8;
	[tilespmem:$0x18100] =	vst v63  }
0x1f5: {  	v3 =	vld [tilespmem:$0xD0];
	_ =	sdelay $0x4  }
0x1f6: {  	v61 =	vshrl.u32 v3, $0x3  }
0x1f7: {  	v4 =	vmul.u32 $0x18, v61  }
0x1f8: {  	v3 =	vand.u32 $0x7, v3  }
0x1f9: {  	v3 =	vor.u32 v3, v4  }
0x1fa: {  	v4 =	vperm.xlane v3, v0;
	_ =	sdelay $0x1  }
0x1fb: {  	v4 =	vadd.s32 v1, v4;
	_ =	sdelay $0x1  }
0x1fc: {  	v3 =	vperm.xlane v3, v2;
	_ =	sdelay $0x1  }
0x1fd: {  	s22 =	simm.s32 $0x13900;
	v3 =	vadd.s32 v1, v3  }
0x1fe: {  	[tilespmem:s22], [sflag:$0x1] =	stream.indirect_vreg.gather [hbm4b:s1+s3], $0x80, v4, vm0, $0xb8;
	[tilespmem:$0x18100] =	vst v63  }
0x1ff: {  	s22 =	simm.s32 $0x14100  }
0x200: {  	[tilespmem:s22], [sflag:$0x1] =	stream.indirect_vreg.gather [hbm4b:s4+s3], $0x80, v4, vm1, $0xb8;
	[tilespmem:$0x18100] =	vst v63  }
0x201: {  	s22 =	simm.s32 $0x14500  }
0x202: {  	[tilespmem:s22], [sflag:$0x1] =	stream.indirect_vreg.gather [hbm4b:s1+s3], $0x80, v3, vm0, $0xb8;
	[tilespmem:$0x18100] =	vst v63  }
0x203: {  	s22 =	simm.s32 $0x14D00  }
0x204: {  	[tilespmem:s22], [sflag:$0x1] =	stream.indirect_vreg.gather [hbm4b:s4+s3], $0x80, v3, vm1, $0xb8;
	[tilespmem:$0x18100] =	vst v63  }
0x205: {  	v3 =	vld [tilespmem:$0xE0];
	_ =	sdelay $0x4  }
0x206: {  	v62 =	vshrl.u32 v3, $0x3  }
0x207: {  	v4 =	vmul.u32 $0x18, v62  }
0x208: {  	v3 =	vand.u32 $0x7, v3  }
0x209: {  	v3 =	vor.u32 v3, v4  }
0x20a: {  	v4 =	vperm.xlane v3, v0;
	_ =	sdelay $0x1  }
0x20b: {  	v4 =	vadd.s32 v1, v4;
	_ =	sdelay $0x1  }
0x20c: {  	v3 =	vperm.xlane v3, v2;
	_ =	sdelay $0x1  }
0x20d: {  	s22 =	simm.s32 $0x15100;
	v3 =	vadd.s32 v1, v3  }
0x20e: {  	[tilespmem:s22], [sflag:$0x1] =	stream.indirect_vreg.gather [hbm4b:s1+s3], $0x80, v4, vm0, $0xb8;
	[tilespmem:$0x18100] =	vst v63  }
0x20f: {  	s22 =	simm.s32 $0x15900  }
0x210: {  	[tilespmem:s22], [sflag:$0x1] =	stream.indirect_vreg.gather [hbm4b:s4+s3], $0x80, v4, vm1, $0xb8;
	[tilespmem:$0x18100] =	vst v63  }
0x211: {  	s22 =	simm.s32 $0x15D00  }
0x212: {  	[tilespmem:s22], [sflag:$0x1] =	stream.indirect_vreg.gather [hbm4b:s1+s3], $0x80, v3, vm0, $0xb8;
	[tilespmem:$0x18100] =	vst v63  }
0x213: {  	s22 =	simm.s32 $0x16500  }
0x214: {  	[tilespmem:s22], [sflag:$0x1] =	stream.indirect_vreg.gather [hbm4b:s4+s3], $0x80, v3, vm1, $0xb8;
	[tilespmem:$0x18100] =	vst v63  }
0x215: {  	v3 =	vld [tilespmem:$0xF0];
	_ =	sdelay $0x4  }
0x216: {  	v63 =	vshrl.u32 v3, $0x3  }
0x217: {  	v4 =	vmul.u32 $0x18, v63  }
0x218: {  	v3 =	vand.u32 $0x7, v3  }
0x219: {  	v3 =	vor.u32 v3, v4  }
0x21a: {  	v4 =	vperm.xlane v3, v0;
	_ =	sdelay $0x1  }
0x21b: {  	v4 =	vadd.s32 v1, v4;
	_ =	sdelay $0x1  }
0x21c: {  	v3 =	vperm.xlane v3, v2;
	_ =	sdelay $0x1  }
0x21d: {  	s22 =	simm.s32 $0x16900;
	v3 =	vadd.s32 v1, v3  }
0x21e: {  	[tilespmem:s22], [sflag:$0x1] =	stream.indirect_vreg.gather [hbm4b:s1+s3], $0x80, v4, vm0, $0xb8;
	[tilespmem:$0x18100] =	vst v63  }
0x21f: {  	s22 =	simm.s32 $0x17100  }
0x220: {  	[tilespmem:s22], [sflag:$0x1] =	stream.indirect_vreg.gather [hbm4b:s4+s3], $0x80, v4, vm1, $0xb8;
	[tilespmem:$0x18100] =	vst v63  }
0x221: {  	s22 =	simm.s32 $0x17500  }
0x222: {  	[tilespmem:s22], [sflag:$0x1] =	stream.indirect_vreg.gather [hbm4b:s1+s3], $0x80, v3, vm0, $0xb8;
	[tilespmem:$0x18100] =	vst v63  }
0x223: {  	s22 =	simm.s32 $0x17D00  }
0x224: {  	[tilespmem:s22], [sflag:$0x1] =	stream.indirect_vreg.gather [hbm4b:s4+s3], $0x80, v3, vm1, $0xb8;
	[tilespmem:$0x18100] =	vst v63  }
0x225: {  	_ =	swait.ge [sflag:s21], $0x18000  }
0x226: {  	p0 =	sne.s32 s5, $0x1;
	s0 =	simm.s32 $0x100;
	[sflag:s21] =	ssyncset.done $0x0  }
.Ltmp0:
0x227: {  	s22 =	rddreg [dreg:$0x7];
	[sflag:s21] =	ssyncadd.s32 $0xFFFE8000;
	(pc) =	sbr.rel @p0 .LBB2_1-.Ltmp0, $4  }
0x228: {  	[hbm4b:s22+s3] =	stream.linear.scatter [tilespmem:s0], [sflag:$0x2], $0x18000, $0x38;
	[tilespmem:$0x18100] =	vst v63  }
0x229: {  	_ =	swait.ge [sflag:s6], $0x18000  }
0x22a: {  	[sflag:s6] =	ssyncset.done $0x0  }
0x22b: {  	s5 =	sadd.s32 $0xFFFFFFFF, s5;
	[sflag:s6] =	ssyncadd.s32 $0xFFFE8000  }
0x22c: {  	_ =	sfence.sel $0x180000  }
0x22d: {  	[bflag:$0x0] =	sbarrier.arrive $0xFFFF  }
0x22e: {  	_ =	strace $0x90000047  }
0x22f: {  	s0 =	stileid.u32;
	[bflag:$0x2] =	sbarrier.arrive $0xFFFF  }
0x230: {  	p0 =	sne.s32 s0, $0x0;
	s0 =	rddreg [dreg:$0x3]  }
0x231: {  	s0 =	sadd.s32 @!p0 $0x100000, s0  }
0x232: {  	[sflag:s0] =	ssyncadd.tile.s32 @!p0 $0x1;
	_ =	shalt  }
.Lfunc_end2:
_tile_overlayer_lowered:
.L_overlay_start_2:
0x233: {  	(tag) =	ssettag $0x2  }
0x234: {  	s0 =	rddreg [dreg:$0x0];
	s2 =	stileid.u32  }
0x235: {  	s1 =	rddreg [dreg:$0x1];
	p0 =	sne.s32 s2, $0x0  }
0x236: {  	s3 =	rddreg [dreg:$0x2];
	[bflag:$0x3] =	sbarrier.arrive $0xFFFF;
	s2 =	simm.s32 @!p0 $0x1C02  }
0x237: {  	[timem:s3], [sflag:s2] =	dma.local @!p0 [hbm:s0], s1  }
0x238: {  	s0 =	simm.s32 @!p0 $0x2  }
0x239: {  	_ =	swait.ge @!p0 [sflag:s0], s1  }
0x23a: {  	s1 =	ssub.s32 @!p0 $0x0, s1;
	[sflag:s0] =	ssyncset.done @!p0 $0x0  }
0x23b: {  	[sflag:s0] =	ssyncadd.s32 @!p0 s1  }
0x23c: {  	[bflag:$0x3] =	sbarrier.arrive $0xFFFF  }
0x23d: {  	_ =	shalt  }

</sc_bundles>
